<compile_context>
chip_gen: v7x
topology: tpu7x:2x2x1
jax: 0.10.2.dev20260603
libtpu: 0.0.44.dev20260713+nightly
codegen_flags: <defaults>
</compile_context>

<pallas_src>
import functools

import jax
import jax.numpy as jnp
from jax import lax
from jax.experimental import pallas as pl
from jax.experimental.pallas import tpu as pltpu
from jax.experimental.pallas import tpu_sc as plsc

_N = 10000
_E = 320000
_IN_F = 128
_HID = 16
_OUT_F = 64
_GAMMA = 1.0

_NC = 2
_NS = 16
_NW = _NC * _NS
_EPW = _E // _NW
_K = 80
_NCHUNK = _EPW // _K
_NBUF = 4
_Q = 5
_NSTEP = _NCHUNK // _Q
_SLAB = _N // _NS
_ZSLAB = 640
_NPAD = _NS * _ZSLAB

_RB = 400
_GRID = _N // _RB

_DEGW = 16


def _degree_partials(dst3):
    mesh = plsc.VectorSubcoreMesh(core_axis_name="c", subcore_axis_name="s")

    @functools.partial(
        pl.kernel,
        mesh=mesh,
        out_type=jax.ShapeDtypeStruct((_NC, _NPAD, _DEGW), jnp.float32),
        scratch_types=[
            pltpu.VMEM((_NSTEP, _Q * _K), jnp.int32),
            pltpu.VMEM((_Q * _K, _DEGW), jnp.float32),
            pltpu.VMEM((_K, _DEGW), jnp.float32),
            pltpu.VMEM_SHARED((_NPAD, _DEGW), jnp.float32),
            pltpu.SemaphoreType.DMA,
            pltpu.SemaphoreType.DMA,
        ],
        compiler_params=pltpu.CompilerParams(use_tc_tiling_on_sc=False),
    )
    def deg_kernel(dst_hbm, out, dst_v, ones_v, zero_v, acc, isem, ssem):
        cid = lax.axis_index("c")
        sid = lax.axis_index("s")
        wid = cid * _NS + sid

        idx_load = pltpu.async_copy(dst_hbm.at[wid], dst_v, isem)

        ones_row = jnp.full((16,), 1.0, jnp.float32)
        zero_row = jnp.zeros((16,), jnp.float32)

        def fill(i, _):
            for q in range(_Q):
                ones_v[q * _K + i, :] = ones_row
            zero_v[i, :] = zero_row
            return 0

        lax.fori_loop(0, _K, fill, 0)

        zbase = sid * _ZSLAB
        for j in range(_ZSLAB // _K):
            pltpu.sync_copy(zero_v, acc.at[pl.ds(zbase + j * _K, _K)])
        idx_load.wait()
        plsc.subcore_barrier()

        def fire(i, _):
            pltpu.async_copy(ones_v, acc.at[dst_v.at[i]], ssem, add=True)
            return 0

        lax.fori_loop(0, _NSTEP, fire, 0)

        def drain(i, _):
            pltpu.make_async_copy(ones_v, acc.at[dst_v.at[0]], ssem).wait()
            return 0

        lax.fori_loop(0, _NSTEP, drain, 0)
        plsc.subcore_barrier()

        rbase = sid * _ZSLAB
        pltpu.sync_copy(acc.at[pl.ds(rbase, _ZSLAB)],
                        out.at[cid, pl.ds(rbase, _ZSLAB)])

    return deg_kernel(dst3)


def _segment_sum_partials(table, src4, dst4, feat):
    _NB = 3
    mesh = plsc.VectorSubcoreMesh(core_axis_name="c", subcore_axis_name="s")

    @functools.partial(
        pl.kernel,
        mesh=mesh,
        out_type=jax.ShapeDtypeStruct((_NC, _NPAD, feat), jnp.float32),
        scratch_types=[
            pltpu.VMEM((_NSTEP, _Q * _K), jnp.int32),
            pltpu.VMEM((_NSTEP, _Q * _K), jnp.int32),
            pltpu.VMEM((_NB, _Q * _K, feat), jnp.float32),
            pltpu.VMEM((_K, feat), jnp.float32),
            pltpu.SemaphoreType.DMA,
            pltpu.SemaphoreType.DMA((_NB,)),
            pltpu.SemaphoreType.DMA((_NB,)),
            pltpu.VMEM_SHARED((_NPAD, feat), jnp.float32),
        ],
        compiler_params=pltpu.CompilerParams(use_tc_tiling_on_sc=False),
    )
    def seg_kernel(tab, src_hbm, dst_hbm, out, src_v, dst_v, rows, zero_v,
                   isem, gsem, ssem, acc):
        cid = lax.axis_index("c")
        sid = lax.axis_index("s")
        wid = cid * _NS + sid

        il0 = pltpu.async_copy(src_hbm.at[wid], src_v, isem)
        il1 = pltpu.async_copy(dst_hbm.at[wid], dst_v, isem)

        zero_row = jnp.zeros((16,), jnp.float32)

        def fill(i, _):
            for j in range(feat // 16):
                zero_v[i, pl.ds(j * 16, 16)] = zero_row
            return 0

        lax.fori_loop(0, _K, fill, 0)

        zbase = sid * _ZSLAB
        for j in range(_ZSLAB // _K):
            pltpu.sync_copy(zero_v, acc.at[pl.ds(zbase + j * _K, _K)])
        il0.wait()
        il1.wait()
        plsc.subcore_barrier()

        def gather(t, b):
            pltpu.async_copy(tab.at[src_v.at[t]], rows.at[b], gsem.at[b])

        def gwait(b):
            pltpu.make_async_copy(tab.at[src_v.at[0]], rows.at[b],
                                  gsem.at[b]).wait()

        def scatter(t, b):
            pltpu.async_copy(rows.at[b], acc.at[dst_v.at[t]], ssem.at[b],
                             add=True)

        def swait(b):
            pltpu.make_async_copy(rows.at[b], acc.at[dst_v.at[0]],
                                  ssem.at[b]).wait()

        gather(0, 0)
        gather(1, 1)
        gwait(0)
        scatter(0, 0)
        gather(2, 2)
        gwait(1)
        scatter(1, 1)
        swait(0)
        gather(3, 0)

        def step(t, _):
            b = lax.rem(t, _NB)
            b2 = lax.rem(t + 2, _NB)
            gwait(b)
            scatter(t, b)
            swait(b2)
            gather(t + 2, b2)
            return 0

        lax.fori_loop(2, _NSTEP - 2, step, 0)
        for t in range(_NSTEP - 2, _NSTEP):
            b = t % _NB
            gwait(b)
            scatter(t, b)
        for b in range(_NB):
            swait(b)
        plsc.subcore_barrier()

        rbase = sid * _ZSLAB
        pltpu.sync_copy(acc.at[pl.ds(rbase, _ZSLAB)],
                        out.at[cid, pl.ds(rbase, _ZSLAB)])

    return seg_kernel(table, src4, dst4)


def _segment_sum_partials_big(table, src3, dst3, feat):
    _NB = 3
    _ND = 8
    mesh = plsc.VectorSubcoreMesh(core_axis_name="c", subcore_axis_name="s")

    @functools.partial(
        pl.kernel,
        mesh=mesh,
        out_type=jax.ShapeDtypeStruct((_NC, _NPAD, feat), jnp.float32),
        scratch_types=[
            pltpu.VMEM((_NCHUNK, _K), jnp.int32),
            pltpu.VMEM((_ND, _K), jnp.int32),
            pltpu.VMEM((_NB, _K, feat), jnp.float32),
            pltpu.SemaphoreType.DMA,
            pltpu.SemaphoreType.DMA((_ND,)),
            pltpu.SemaphoreType.DMA((_NB,)),
            pltpu.SemaphoreType.DMA((_NB,)),
            pltpu.VMEM_SHARED((_NPAD, feat), jnp.float32),
        ],
        compiler_params=pltpu.CompilerParams(use_tc_tiling_on_sc=False),
    )
    def seg_kernel(tab, src_hbm, dst_hbm, out, src_v, dring, rows, isem,
                   dsem, gsem, ssem, acc):
        cid = lax.axis_index("c")
        sid = lax.axis_index("s")
        wid = cid * _NS + sid

        def dload(c):
            s = lax.rem(c, _ND) if not isinstance(c, int) else c % _ND
            pltpu.async_copy(dst_hbm.at[wid, c], dring.at[s], dsem.at[s])

        def iwait(c):
            s = lax.rem(c, _ND) if not isinstance(c, int) else c % _ND
            pltpu.make_async_copy(dst_hbm.at[wid, 0], dring.at[s],
                                  dsem.at[s]).wait()

        il0 = pltpu.async_copy(src_hbm.at[wid], src_v, isem)
        for c in range(_ND - 2):
            dload(c)

        zero_row = jnp.zeros((16,), jnp.float32)

        def fill(i, _):
            for j in range(feat // 16):
                rows[0, i, pl.ds(j * 16, 16)] = zero_row
            return 0

        lax.fori_loop(0, _K, fill, 0)

        zbase = sid * _ZSLAB
        for j in range(_ZSLAB // _K):
            pltpu.sync_copy(rows.at[0], acc.at[pl.ds(zbase + j * _K, _K)])
        il0.wait()
        plsc.subcore_barrier()

        def gather(c, b):
            pltpu.async_copy(tab.at[src_v.at[c]], rows.at[b], gsem.at[b])

        def gwait(b):
            pltpu.make_async_copy(tab.at[src_v.at[0]], rows.at[b],
                                  gsem.at[b]).wait()

        def scatter(c, b):
            s = lax.rem(c, _ND) if not isinstance(c, int) else c % _ND
            pltpu.async_copy(rows.at[b], acc.at[dring.at[s]], ssem.at[b],
                             add=True)

        def swait(b):
            pltpu.make_async_copy(rows.at[b], acc.at[pl.ds(0, _K)],
                                  ssem.at[b]).wait()

        gather(0, 0)
        gather(1, 1)
        gwait(0)
        iwait(0)
        scatter(0, 0)
        gather(2, 2)
        dload(_ND - 2)
        gwait(1)
        iwait(1)
        scatter(1, 1)
        swait(0)
        gather(3, 0)
        dload(_ND - 1)

        def step(c, _):
            b = lax.rem(c, _NB)
            b2 = lax.rem(c + 2, _NB)
            gwait(b)
            iwait(c)
            scatter(c, b)
            swait(b2)
            gather(c + 2, b2)

            @pl.when(c + _ND - 2 < _NCHUNK)
            def _():
                dload(c + _ND - 2)

            return 0

        lax.fori_loop(2, _NCHUNK - 2, step, 0)
        for c in range(_NCHUNK - 2, _NCHUNK):
            b = c % _NB
            gwait(b)
            iwait(c)
            scatter(c, b)
        for b in range(_NB):
            swait(b)
        plsc.subcore_barrier()

        rbase = sid * _ZSLAB
        pltpu.sync_copy(acc.at[pl.ds(rbase, _ZSLAB)],
                        out.at[cid, pl.ds(rbase, _ZSLAB)])

    return seg_kernel(table, src3, dst3)


def _norms(d_ref):
    deg = jnp.maximum(d_ref[0][:, 0:1] + d_ref[1][:, 0:1], 1.0)
    n1 = lax.rsqrt(deg)
    n2 = 1.0 / deg
    return n1, n2


def _dense1_body(x_ref, w_ref, b_ref, d_ref, o_ref):
    n1, n2 = _norms(d_ref)
    h = jnp.dot(x_ref[...], w_ref[...], preferred_element_type=jnp.float32)
    h = jnp.maximum(h + b_ref[...], 0.0)
    hm = h[:, :_HID]
    hv = h[:, _HID:]
    att = jnp.exp(-_GAMMA * hv)
    o_ref[...] = jnp.concatenate([hm * att * n1, hv * att * att * n2], axis=1)


def _dense2_body(s_ref, wm_ref, wv_ref, bm_ref, bv_ref, d_ref, o_ref):
    n1, n2 = _norms(d_ref)
    s = s_ref[0] + s_ref[1]
    mean_in = s[:, :_HID] * n1
    var_in = s[:, _HID:] * n2
    hm = jnp.dot(mean_in, wm_ref[...],
                 preferred_element_type=jnp.float32) + bm_ref[...]
    hv = jnp.dot(var_in, wv_ref[...],
                 preferred_element_type=jnp.float32) + bv_ref[...]
    hv = jnp.maximum(hv, 0.0)
    att = jnp.exp(-_GAMMA * hv)
    o_ref[...] = jnp.concatenate([hm * att * n1, hv * att * att * n2], axis=1)


def _final_body(s_ref, d_ref, e_ref, o_ref):
    n1, n2 = _norms(d_ref)
    s = s_ref[0] + s_ref[1]
    mean = s[:, :_OUT_F] * n1
    var = s[:, _OUT_F:] * n2
    o_ref[...] = e_ref[...] * jnp.sqrt(var + 1e-8) + mean


def _dense1(x, w1, b1, degp):
    return pl.pallas_call(
        _dense1_body,
        grid=(_GRID,),
        in_specs=[
            pl.BlockSpec((_RB, _IN_F), lambda i: (i, 0)),
            pl.BlockSpec((_IN_F, 2 * _HID), lambda i: (0, 0)),
            pl.BlockSpec((1, 2 * _HID), lambda i: (0, 0)),
            pl.BlockSpec((2, _RB, _DEGW), lambda i: (0, i, 0)),
        ],
        out_specs=pl.BlockSpec((_RB, 2 * _HID), lambda i: (i, 0)),
        out_shape=jax.ShapeDtypeStruct((_N, 2 * _HID), jnp.float32),
    )(x, w1, b1, degp)


def _dense2(s1, wm2, wv2, bm2, bv2, degp):
    return pl.pallas_call(
        _dense2_body,
        grid=(_GRID,),
        in_specs=[
            pl.BlockSpec((2, _RB, 2 * _HID), lambda i: (0, i, 0)),
            pl.BlockSpec((_HID, _OUT_F), lambda i: (0, 0)),
            pl.BlockSpec((_HID, _OUT_F), lambda i: (0, 0)),
            pl.BlockSpec((1, _OUT_F), lambda i: (0, 0)),
            pl.BlockSpec((1, _OUT_F), lambda i: (0, 0)),
            pl.BlockSpec((2, _RB, _DEGW), lambda i: (0, i, 0)),
        ],
        out_specs=pl.BlockSpec((_RB, 2 * _OUT_F), lambda i: (i, 0)),
        out_shape=jax.ShapeDtypeStruct((_N, 2 * _OUT_F), jnp.float32),
    )(s1, wm2, wv2, bm2, bv2, degp)


def _final(s2, degp, eps):
    return pl.pallas_call(
        _final_body,
        grid=(_GRID,),
        in_specs=[
            pl.BlockSpec((2, _RB, 2 * _OUT_F), lambda i: (0, i, 0)),
            pl.BlockSpec((2, _RB, _DEGW), lambda i: (0, i, 0)),
            pl.BlockSpec((_RB, _OUT_F), lambda i: (i, 0)),
        ],
        out_specs=pl.BlockSpec((_RB, _OUT_F), lambda i: (i, 0)),
        out_shape=jax.ShapeDtypeStruct((_N, _OUT_F), jnp.float32),
    )(s2, degp, eps)




def kernel(x, edge_index, w_mean1, b_mean1, w_var1, b_var1,
           w_mean2, b_mean2, w_var2, b_var2):
    w1 = jnp.concatenate([w_mean1, w_var1], axis=1)
    b1 = jnp.concatenate([b_mean1, b_var1]).reshape(1, 2 * _HID)
    bm2 = b_mean2.reshape(1, _OUT_F)
    bv2 = b_var2.reshape(1, _OUT_F)

    src3 = edge_index[0].reshape(_NW, _NCHUNK, _K)
    dst3 = edge_index[1].reshape(_NW, _NCHUNK, _K)
    src4 = edge_index[0].reshape(_NW, _NSTEP, _Q * _K)
    dst4 = edge_index[1].reshape(_NW, _NSTEP, _Q * _K)
    degp = _degree_partials(dst4)
    t1 = _dense1(x, w1, b1, degp)
    s1 = _segment_sum_partials(t1, src4, dst4, 2 * _HID)
    t2 = _dense2(s1, w_mean2, w_var2, bm2, bv2, degp)
    s2 = _segment_sum_partials_big(t2, src3, dst3, 2 * _OUT_F)
    eps = jax.random.normal(jax.random.key(42), (_N, _OUT_F), jnp.float32)
    return _final(s2, degp, eps)

# --- scband reference (transcript-rebuilt; emitter-appended) ---
"""Pipeline reference for scband-robust-gcn-4492535791992 (READ-ONLY COPY).

The authoritative reference and input builder live on the scoring server;
editing this copy changes nothing except your own understanding.
"""

import jax, jax.numpy as jnp
import numpy as np

N = 10000
E = 320000
IN_F = 128
HID = 16
OUT_F = 64
GAMMA = 1.0


def setup_inputs(seed: int = 0) -> dict:
    key = jax.random.key(seed)
    ks = jax.random.split(key, 8)
    x = jax.random.normal(ks[0], (N, IN_F), dtype=jnp.float32)
    edge_index = jax.random.randint(ks[1], (2, E), 0, N, dtype=jnp.int32)

    def lin(k, fan_in, fan_out):
        lim = 1.0 / np.sqrt(fan_in)
        return jax.random.uniform(k, (fan_in, fan_out), minval=-lim, maxval=lim, dtype=jnp.float32)

    w_mean1 = lin(ks[2], IN_F, HID)
    b_mean1 = jnp.zeros((HID,), jnp.float32)
    w_var1 = lin(ks[3], IN_F, HID)
    b_var1 = jnp.zeros((HID,), jnp.float32)
    w_mean2 = lin(ks[4], HID, OUT_F)
    b_mean2 = jnp.zeros((OUT_F,), jnp.float32)
    w_var2 = lin(ks[5], HID, OUT_F)
    b_var2 = jnp.zeros((OUT_F,), jnp.float32)
    return {"x": x, "edge_index": edge_index,
            "w_mean1": w_mean1, "b_mean1": b_mean1, "w_var1": w_var1, "b_var1": b_var1,
            "w_mean2": w_mean2, "b_mean2": b_mean2, "w_var2": w_var2, "b_var2": b_var2}


def _robust_conv(edge_index, mean_in, var_in, w_mean, b_mean, w_var, b_var, gamma, use_act):
    # linear transforms for mean and variance channels
    mean = mean_in @ w_mean + b_mean
    var = var_in @ w_var + b_var
    if use_act:
        mean = jax.nn.relu(mean)
    # variance must stay non-negative (RGCN paper uses relu on var in every layer)
    var = jax.nn.relu(var)
    # variance-based attention
    attention = jnp.exp(-gamma * var)
    mean = mean * attention
    var = var * attention * attention
    src = edge_index[0]
    dst = edge_index[1]
    # in-degrees, clamped at 1
    deg = jnp.zeros((N,), jnp.float32).at[dst].add(1.0)
    deg = jnp.maximum(deg, 1.0)
    norm1 = deg ** -0.5          # D^{-1/2} for mean
    norm2 = norm1 * norm1        # D^{-1}   for var
    mean = mean * norm1[:, None]
    var = var * norm2[:, None]
    # message passing: gather from src, scatter-add to dst
    mean = jax.ops.segment_sum(mean[src], dst, num_segments=N)
    var = jax.ops.segment_sum(var[src], dst, num_segments=N)
    mean = mean * norm1[:, None]
    var = var * norm2[:, None]
    return mean, var


def reference(x, edge_index, w_mean1, b_mean1, w_var1, b_var1, w_mean2, b_mean2, w_var2, b_var2):
    # dropout is identity in eval/reference mode
    mean, var = _robust_conv(edge_index, x, x, w_mean1, b_mean1, w_var1, b_var1, GAMMA, True)
    mean, var = _robust_conv(edge_index, mean, var, w_mean2, b_mean2, w_var2, b_var2, GAMMA, False)
    std = jnp.sqrt(var + 1e-8)
    eps = jax.random.normal(jax.random.key(42), std.shape, dtype=std.dtype)
    z = eps * std + mean
    return z

if __name__ == "__main__":
    import jax
    _d = setup_inputs()
    print(jax.jit(kernel)(*tuple(_d.values())))

</pallas_src>

<mosaic_0001>
#map = affine_map<(d0, d1) -> (0, 0, 0)>
module attributes {stable_mosaic.version = 14 : i64} {
  func.func @deg_kernel(%arg0: i32, %arg1: i32, %arg2: memref<32x25x400xi32, #tpu.memory_space<hbm>>, %arg3: memref<2x10240x16xf32, #tpu.memory_space<hbm>>, %arg4: memref<25x400xi32, #tpu.memory_space<vmem>>, %arg5: memref<400x16xf32, #tpu.memory_space<vmem>>, %arg6: memref<80x16xf32, #tpu.memory_space<vmem>>, %arg7: memref<10240x16xf32, #tpu.memory_space<vmem_shared>>, %arg8: memref<!tpu.dma_semaphore, #tpu.memory_space<semaphore_mem>>, %arg9: memref<!tpu.dma_semaphore, #tpu.memory_space<semaphore_mem>>) attributes {dimension_semantics = [#tpu.dimension_semantics<core_parallel>, #tpu.dimension_semantics<subcore_parallel>], iteration_bounds = array<i64: 2, 16>, scalar_prefetch = 0 : i64, scratch_operands = 6 : i64, tpu.core_type = #tpu.core_type<sc_vector_subcore>, window_params = [{transform_indices = #map}, {transform_indices = #map}]} {
    %mul3A = arith.constant 16 : i32
    %mul3A_0 = arith.muli %arg0, %mul3A : i32
    %add3A = arith.addi %mul3A_0, %arg1 : i32
    %dma_start3A = arith.constant 0 : i32
    %dma_start3A_1 = arith.constant 0 : i32
    %dma_start3A_2 = tpu.memref_slice %arg2[%add3A, %dma_start3A, %dma_start3A_1] : memref<32x25x400xi32, #tpu.memory_space<hbm>> -> memref<1x25x400xi32, #tpu.memory_space<hbm>>
    %dma_start3A_3 = tpu.memref_squeeze %dma_start3A_2 : memref<1x25x400xi32, #tpu.memory_space<hbm>> -> memref<25x400xi32, #tpu.memory_space<hbm>>
    %dma_start3A_4 = arith.constant 0 : i32
    %dma_start3A_5 = arith.constant 0 : i32
    %dma_start3A_6 = tpu.memref_slice %arg2[%add3A, %dma_start3A_4, %dma_start3A_5] : memref<32x25x400xi32, #tpu.memory_space<hbm>> -> memref<1x25x400xi32, #tpu.memory_space<hbm>>
    %dma_start3A_7 = tpu.memref_squeeze %dma_start3A_6 : memref<1x25x400xi32, #tpu.memory_space<hbm>> -> memref<25x400xi32, #tpu.memory_space<hbm>>
    tpu.enqueue_dma source(%dma_start3A_7 : memref<25x400xi32, #tpu.memory_space<hbm>>) target(%arg4 : memref<25x400xi32, #tpu.memory_space<vmem>>) target_semaphore(%arg8 : memref<!tpu.dma_semaphore, #tpu.memory_space<semaphore_mem>>)
    %broadcast_in_dim3A = arith.constant 1.000000e+00 : f32
    %broadcast_in_dim3A_8 = vector.broadcast %broadcast_in_dim3A : f32 to vector<16xf32>
    %broadcast_in_dim3A_9 = arith.constant 0.000000e+00 : f32
    %broadcast_in_dim3A_10 = vector.broadcast %broadcast_in_dim3A_9 : f32 to vector<16xf32>
    %scan3A = arith.constant 0 : i32
    %scan3A_11 = arith.constant 0 : i32
    %scan3A_12 = arith.constant 80 : i32
    %scan3A_13 = arith.addi %scan3A_11, %scan3A_12 : i32
    %scan3A_14 = arith.constant 1 : i32
    %scan3A_15 = scf.for %scan3A_59 = %scan3A_11 to %scan3A_13 step %scan3A_14 iter_args(%scan3A_60 = %scan3A) -> (i32)  : i32 {
      %add3A_61 = arith.constant 0 : i32
      %add3A_62 = arith.addi %add3A_61, %scan3A_59 : i32
      %swap3A = arith.index_cast %add3A_62 : i32 to index
      %swap3A_63 = arith.constant 0 : index
      %swap3A_64 = tpu.vector_load %arg5[%swap3A, %swap3A_63] {strides = array<i32>} : memref<400x16xf32, #tpu.memory_space<vmem>>, vector<1x16xf32>,
      %swap3A_65 = vector.shape_cast %swap3A_64 : vector<1x16xf32> to vector<16xf32>
      %swap3A_66 = vector.shape_cast %broadcast_in_dim3A_8 : vector<16xf32> to vector<1x16xf32>
      tpu.vector_store %arg5[%swap3A, %swap3A_63], %swap3A_66 {strides = array<i32>} : memref<400x16xf32, #tpu.memory_space<vmem>>, vector<1x16xf32>,
      %add3A_67 = arith.constant 80 : i32
      %add3A_68 = arith.addi %add3A_67, %scan3A_59 : i32
      %swap3A_69 = arith.index_cast %add3A_68 : i32 to index
      %swap3A_70 = arith.constant 0 : index
      %swap3A_71 = tpu.vector_load %arg5[%swap3A_69, %swap3A_70] {strides = array<i32>} : memref<400x16xf32, #tpu.memory_space<vmem>>, vector<1x16xf32>,
      %swap3A_72 = vector.shape_cast %swap3A_71 : vector<1x16xf32> to vector<16xf32>
      %swap3A_73 = vector.shape_cast %broadcast_in_dim3A_8 : vector<16xf32> to vector<1x16xf32>
      tpu.vector_store %arg5[%swap3A_69, %swap3A_70], %swap3A_73 {strides = array<i32>} : memref<400x16xf32, #tpu.memory_space<vmem>>, vector<1x16xf32>,
      %add3A_74 = arith.constant 160 : i32
      %add3A_75 = arith.addi %add3A_74, %scan3A_59 : i32
      %swap3A_76 = arith.index_cast %add3A_75 : i32 to index
      %swap3A_77 = arith.constant 0 : index
      %swap3A_78 = tpu.vector_load %arg5[%swap3A_76, %swap3A_77] {strides = array<i32>} : memref<400x16xf32, #tpu.memory_space<vmem>>, vector<1x16xf32>,
      %swap3A_79 = vector.shape_cast %swap3A_78 : vector<1x16xf32> to vector<16xf32>
      %swap3A_80 = vector.shape_cast %broadcast_in_dim3A_8 : vector<16xf32> to vector<1x16xf32>
      tpu.vector_store %arg5[%swap3A_76, %swap3A_77], %swap3A_80 {strides = array<i32>} : memref<400x16xf32, #tpu.memory_space<vmem>>, vector<1x16xf32>,
      %add3A_81 = arith.constant 240 : i32
      %add3A_82 = arith.addi %add3A_81, %scan3A_59 : i32
      %swap3A_83 = arith.index_cast %add3A_82 : i32 to index
      %swap3A_84 = arith.constant 0 : index
      %swap3A_85 = tpu.vector_load %arg5[%swap3A_83, %swap3A_84] {strides = array<i32>} : memref<400x16xf32, #tpu.memory_space<vmem>>, vector<1x16xf32>,
      %swap3A_86 = vector.shape_cast %swap3A_85 : vector<1x16xf32> to vector<16xf32>
      %swap3A_87 = vector.shape_cast %broadcast_in_dim3A_8 : vector<16xf32> to vector<1x16xf32>
      tpu.vector_store %arg5[%swap3A_83, %swap3A_84], %swap3A_87 {strides = array<i32>} : memref<400x16xf32, #tpu.memory_space<vmem>>, vector<1x16xf32>,
      %add3A_88 = arith.constant 320 : i32
      %add3A_89 = arith.addi %add3A_88, %scan3A_59 : i32
      %swap3A_90 = arith.index_cast %add3A_89 : i32 to index
      %swap3A_91 = arith.constant 0 : index
      %swap3A_92 = tpu.vector_load %arg5[%swap3A_90, %swap3A_91] {strides = array<i32>} : memref<400x16xf32, #tpu.memory_space<vmem>>, vector<1x16xf32>,
      %swap3A_93 = vector.shape_cast %swap3A_92 : vector<1x16xf32> to vector<16xf32>
      %swap3A_94 = vector.shape_cast %broadcast_in_dim3A_8 : vector<16xf32> to vector<1x16xf32>
      tpu.vector_store %arg5[%swap3A_90, %swap3A_91], %swap3A_94 {strides = array<i32>} : memref<400x16xf32, #tpu.memory_space<vmem>>, vector<1x16xf32>,
      %swap3A_95 = arith.index_cast %scan3A_59 : i32 to index
      %swap3A_96 = arith.constant 0 : index
      %swap3A_97 = tpu.vector_load %arg6[%swap3A_95, %swap3A_96] {strides = array<i32>} : memref<80x16xf32, #tpu.memory_space<vmem>>, vector<1x16xf32>,
      %swap3A_98 = vector.shape_cast %swap3A_97 : vector<1x16xf32> to vector<16xf32>
      %swap3A_99 = vector.shape_cast %broadcast_in_dim3A_10 : vector<16xf32> to vector<1x16xf32>
      tpu.vector_store %arg6[%swap3A_95, %swap3A_96], %swap3A_99 {strides = array<i32>} : memref<80x16xf32, #tpu.memory_space<vmem>>, vector<1x16xf32>,
      %scan3A_100 = arith.constant 0 : i32
      scf.yield %scan3A_100 : i32
    }
    %scan3A_16 = arith.constant 80 : i32
    %mul3A_17 = arith.constant 640 : i32
    %mul3A_18 = arith.muli %arg1, %mul3A_17 : i32
    %add3A_19 = arith.constant 0 : i32
    %add3A_20 = arith.addi %mul3A_18, %add3A_19 : i32
    "tpu.region"() ({
      %run_scoped3A = tpu.sem_alloc : memref<!tpu.dma_semaphore, #tpu.memory_space<semaphore_mem>>
      %dma_start3A_59 = arith.constant 0 : i32
      %dma_start3A_60 = tpu.memref_slice %arg7[%add3A_20, %dma_start3A_59] : memref<10240x16xf32, #tpu.memory_space<vmem_shared>> -> memref<80x16xf32, #tpu.memory_space<vmem_shared>>
      %dma_start3A_61 = arith.constant 0 : i32
      %dma_start3A_62 = tpu.memref_slice %arg7[%add3A_20, %dma_start3A_61] : memref<10240x16xf32, #tpu.memory_space<vmem_shared>> -> memref<80x16xf32, #tpu.memory_space<vmem_shared>>
      tpu.enqueue_dma source(%arg6 : memref<80x16xf32, #tpu.memory_space<vmem>>) target(%dma_start3A_62 : memref<80x16xf32, #tpu.memory_space<vmem_shared>>) target_semaphore(%run_scoped3A : memref<!tpu.dma_semaphore, #tpu.memory_space<semaphore_mem>>)
      %dma_wait3A_63 = arith.constant 0 : i32
      %dma_wait3A_64 = tpu.memref_slice %arg7[%add3A_20, %dma_wait3A_63] : memref<10240x16xf32, #tpu.memory_space<vmem_shared>> -> memref<80x16xf32, #tpu.memory_space<vmem_shared>>
      %dma_wait3A_65 = arith.constant 0 : i32
      %dma_wait3A_66 = tpu.memref_slice %arg7[%add3A_20, %dma_wait3A_65] : memref<10240x16xf32, #tpu.memory_space<vmem_shared>> -> memref<80x16xf32, #tpu.memory_space<vmem_shared>>
      tpu.wait_dma2 semaphore(%run_scoped3A : memref<!tpu.dma_semaphore, #tpu.memory_space<semaphore_mem>>) src(%arg6 : memref<80x16xf32, #tpu.memory_space<vmem>>) dst(%dma_wait3A_66 : memref<80x16xf32, #tpu.memory_space<vmem_shared>>)
      tpu.yield
    }) : () -> ()
    %add3A_21 = arith.constant 80 : i32
    %add3A_22 = arith.addi %mul3A_18, %add3A_21 : i32
    "tpu.region"() ({
      %run_scoped3A = tpu.sem_alloc : memref<!tpu.dma_semaphore, #tpu.memory_space<semaphore_mem>>
      %dma_start3A_59 = arith.constant 0 : i32
      %dma_start3A_60 = tpu.memref_slice %arg7[%add3A_22, %dma_start3A_59] : memref<10240x16xf32, #tpu.memory_space<vmem_shared>> -> memref<80x16xf32, #tpu.memory_space<vmem_shared>>
      %dma_start3A_61 = arith.constant 0 : i32
      %dma_start3A_62 = tpu.memref_slice %arg7[%add3A_22, %dma_start3A_61] : memref<10240x16xf32, #tpu.memory_space<vmem_shared>> -> memref<80x16xf32, #tpu.memory_space<vmem_shared>>
      tpu.enqueue_dma source(%arg6 : memref<80x16xf32, #tpu.memory_space<vmem>>) target(%dma_start3A_62 : memref<80x16xf32, #tpu.memory_space<vmem_shared>>) target_semaphore(%run_scoped3A : memref<!tpu.dma_semaphore, #tpu.memory_space<semaphore_mem>>)
      %dma_wait3A_63 = arith.constant 0 : i32
      %dma_wait3A_64 = tpu.memref_slice %arg7[%add3A_22, %dma_wait3A_63] : memref<10240x16xf32, #tpu.memory_space<vmem_shared>> -> memref<80x16xf32, #tpu.memory_space<vmem_shared>>
      %dma_wait3A_65 = arith.constant 0 : i32
      %dma_wait3A_66 = tpu.memref_slice %arg7[%add3A_22, %dma_wait3A_65] : memref<10240x16xf32, #tpu.memory_space<vmem_shared>> -> memref<80x16xf32, #tpu.memory_space<vmem_shared>>
      tpu.wait_dma2 semaphore(%run_scoped3A : memref<!tpu.dma_semaphore, #tpu.memory_space<semaphore_mem>>) src(%arg6 : memref<80x16xf32, #tpu.memory_space<vmem>>) dst(%dma_wait3A_66 : memref<80x16xf32, #tpu.memory_space<vmem_shared>>)
      tpu.yield
    }) : () -> ()
    %add3A_23 = arith.constant 160 : i32
    %add3A_24 = arith.addi %mul3A_18, %add3A_23 : i32
    "tpu.region"() ({
      %run_scoped3A = tpu.sem_alloc : memref<!tpu.dma_semaphore, #tpu.memory_space<semaphore_mem>>
      %dma_start3A_59 = arith.constant 0 : i32
      %dma_start3A_60 = tpu.memref_slice %arg7[%add3A_24, %dma_start3A_59] : memref<10240x16xf32, #tpu.memory_space<vmem_shared>> -> memref<80x16xf32, #tpu.memory_space<vmem_shared>>
      %dma_start3A_61 = arith.constant 0 : i32
      %dma_start3A_62 = tpu.memref_slice %arg7[%add3A_24, %dma_start3A_61] : memref<10240x16xf32, #tpu.memory_space<vmem_shared>> -> memref<80x16xf32, #tpu.memory_space<vmem_shared>>
      tpu.enqueue_dma source(%arg6 : memref<80x16xf32, #tpu.memory_space<vmem>>) target(%dma_start3A_62 : memref<80x16xf32, #tpu.memory_space<vmem_shared>>) target_semaphore(%run_scoped3A : memref<!tpu.dma_semaphore, #tpu.memory_space<semaphore_mem>>)
      %dma_wait3A_63 = arith.constant 0 : i32
      %dma_wait3A_64 = tpu.memref_slice %arg7[%add3A_24, %dma_wait3A_63] : memref<10240x16xf32, #tpu.memory_space<vmem_shared>> -> memref<80x16xf32, #tpu.memory_space<vmem_shared>>
      %dma_wait3A_65 = arith.constant 0 : i32
      %dma_wait3A_66 = tpu.memref_slice %arg7[%add3A_24, %dma_wait3A_65] : memref<10240x16xf32, #tpu.memory_space<vmem_shared>> -> memref<80x16xf32, #tpu.memory_space<vmem_shared>>
      tpu.wait_dma2 semaphore(%run_scoped3A : memref<!tpu.dma_semaphore, #tpu.memory_space<semaphore_mem>>) src(%arg6 : memref<80x16xf32, #tpu.memory_space<vmem>>) dst(%dma_wait3A_66 : memref<80x16xf32, #tpu.memory_space<vmem_shared>>)
      tpu.yield
    }) : () -> ()
    %add3A_25 = arith.constant 240 : i32
    %add3A_26 = arith.addi %mul3A_18, %add3A_25 : i32
    "tpu.region"() ({
      %run_scoped3A = tpu.sem_alloc : memref<!tpu.dma_semaphore, #tpu.memory_space<semaphore_mem>>
      %dma_start3A_59 = arith.constant 0 : i32
      %dma_start3A_60 = tpu.memref_slice %arg7[%add3A_26, %dma_start3A_59] : memref<10240x16xf32, #tpu.memory_space<vmem_shared>> -> memref<80x16xf32, #tpu.memory_space<vmem_shared>>
      %dma_start3A_61 = arith.constant 0 : i32
      %dma_start3A_62 = tpu.memref_slice %arg7[%add3A_26, %dma_start3A_61] : memref<10240x16xf32, #tpu.memory_space<vmem_shared>> -> memref<80x16xf32, #tpu.memory_space<vmem_shared>>
      tpu.enqueue_dma source(%arg6 : memref<80x16xf32, #tpu.memory_space<vmem>>) target(%dma_start3A_62 : memref<80x16xf32, #tpu.memory_space<vmem_shared>>) target_semaphore(%run_scoped3A : memref<!tpu.dma_semaphore, #tpu.memory_space<semaphore_mem>>)
      %dma_wait3A_63 = arith.constant 0 : i32
      %dma_wait3A_64 = tpu.memref_slice %arg7[%add3A_26, %dma_wait3A_63] : memref<10240x16xf32, #tpu.memory_space<vmem_shared>> -> memref<80x16xf32, #tpu.memory_space<vmem_shared>>
      %dma_wait3A_65 = arith.constant 0 : i32
      %dma_wait3A_66 = tpu.memref_slice %arg7[%add3A_26, %dma_wait3A_65] : memref<10240x16xf32, #tpu.memory_space<vmem_shared>> -> memref<80x16xf32, #tpu.memory_space<vmem_shared>>
      tpu.wait_dma2 semaphore(%run_scoped3A : memref<!tpu.dma_semaphore, #tpu.memory_space<semaphore_mem>>) src(%arg6 : memref<80x16xf32, #tpu.memory_space<vmem>>) dst(%dma_wait3A_66 : memref<80x16xf32, #tpu.memory_space<vmem_shared>>)
      tpu.yield
    }) : () -> ()
    %add3A_27 = arith.constant 320 : i32
    %add3A_28 = arith.addi %mul3A_18, %add3A_27 : i32
    "tpu.region"() ({
      %run_scoped3A = tpu.sem_alloc : memref<!tpu.dma_semaphore, #tpu.memory_space<semaphore_mem>>
      %dma_start3A_59 = arith.constant 0 : i32
      %dma_start3A_60 = tpu.memref_slice %arg7[%add3A_28, %dma_start3A_59] : memref<10240x16xf32, #tpu.memory_space<vmem_shared>> -> memref<80x16xf32, #tpu.memory_space<vmem_shared>>
      %dma_start3A_61 = arith.constant 0 : i32
      %dma_start3A_62 = tpu.memref_slice %arg7[%add3A_28, %dma_start3A_61] : memref<10240x16xf32, #tpu.memory_space<vmem_shared>> -> memref<80x16xf32, #tpu.memory_space<vmem_shared>>
      tpu.enqueue_dma source(%arg6 : memref<80x16xf32, #tpu.memory_space<vmem>>) target(%dma_start3A_62 : memref<80x16xf32, #tpu.memory_space<vmem_shared>>) target_semaphore(%run_scoped3A : memref<!tpu.dma_semaphore, #tpu.memory_space<semaphore_mem>>)
      %dma_wait3A_63 = arith.constant 0 : i32
      %dma_wait3A_64 = tpu.memref_slice %arg7[%add3A_28, %dma_wait3A_63] : memref<10240x16xf32, #tpu.memory_space<vmem_shared>> -> memref<80x16xf32, #tpu.memory_space<vmem_shared>>
      %dma_wait3A_65 = arith.constant 0 : i32
      %dma_wait3A_66 = tpu.memref_slice %arg7[%add3A_28, %dma_wait3A_65] : memref<10240x16xf32, #tpu.memory_space<vmem_shared>> -> memref<80x16xf32, #tpu.memory_space<vmem_shared>>
      tpu.wait_dma2 semaphore(%run_scoped3A : memref<!tpu.dma_semaphore, #tpu.memory_space<semaphore_mem>>) src(%arg6 : memref<80x16xf32, #tpu.memory_space<vmem>>) dst(%dma_wait3A_66 : memref<80x16xf32, #tpu.memory_space<vmem_shared>>)
      tpu.yield
    }) : () -> ()
    %add3A_29 = arith.constant 400 : i32
    %add3A_30 = arith.addi %mul3A_18, %add3A_29 : i32
    "tpu.region"() ({
      %run_scoped3A = tpu.sem_alloc : memref<!tpu.dma_semaphore, #tpu.memory_space<semaphore_mem>>
      %dma_start3A_59 = arith.constant 0 : i32
      %dma_start3A_60 = tpu.memref_slice %arg7[%add3A_30, %dma_start3A_59] : memref<10240x16xf32, #tpu.memory_space<vmem_shared>> -> memref<80x16xf32, #tpu.memory_space<vmem_shared>>
      %dma_start3A_61 = arith.constant 0 : i32
      %dma_start3A_62 = tpu.memref_slice %arg7[%add3A_30, %dma_start3A_61] : memref<10240x16xf32, #tpu.memory_space<vmem_shared>> -> memref<80x16xf32, #tpu.memory_space<vmem_shared>>
      tpu.enqueue_dma source(%arg6 : memref<80x16xf32, #tpu.memory_space<vmem>>) target(%dma_start3A_62 : memref<80x16xf32, #tpu.memory_space<vmem_shared>>) target_semaphore(%run_scoped3A : memref<!tpu.dma_semaphore, #tpu.memory_space<semaphore_mem>>)
      %dma_wait3A_63 = arith.constant 0 : i32
      %dma_wait3A_64 = tpu.memref_slice %arg7[%add3A_30, %dma_wait3A_63] : memref<10240x16xf32, #tpu.memory_space<vmem_shared>> -> memref<80x16xf32, #tpu.memory_space<vmem_shared>>
      %dma_wait3A_65 = arith.constant 0 : i32
      %dma_wait3A_66 = tpu.memref_slice %arg7[%add3A_30, %dma_wait3A_65] : memref<10240x16xf32, #tpu.memory_space<vmem_shared>> -> memref<80x16xf32, #tpu.memory_space<vmem_shared>>
      tpu.wait_dma2 semaphore(%run_scoped3A : memref<!tpu.dma_semaphore, #tpu.memory_space<semaphore_mem>>) src(%arg6 : memref<80x16xf32, #tpu.memory_space<vmem>>) dst(%dma_wait3A_66 : memref<80x16xf32, #tpu.memory_space<vmem_shared>>)
      tpu.yield
    }) : () -> ()
    %add3A_31 = arith.constant 480 : i32
    %add3A_32 = arith.addi %mul3A_18, %add3A_31 : i32
    "tpu.region"() ({
      %run_scoped3A = tpu.sem_alloc : memref<!tpu.dma_semaphore, #tpu.memory_space<semaphore_mem>>
      %dma_start3A_59 = arith.constant 0 : i32
      %dma_start3A_60 = tpu.memref_slice %arg7[%add3A_32, %dma_start3A_59] : memref<10240x16xf32, #tpu.memory_space<vmem_shared>> -> memref<80x16xf32, #tpu.memory_space<vmem_shared>>
      %dma_start3A_61 = arith.constant 0 : i32
      %dma_start3A_62 = tpu.memref_slice %arg7[%add3A_32, %dma_start3A_61] : memref<10240x16xf32, #tpu.memory_space<vmem_shared>> -> memref<80x16xf32, #tpu.memory_space<vmem_shared>>
      tpu.enqueue_dma source(%arg6 : memref<80x16xf32, #tpu.memory_space<vmem>>) target(%dma_start3A_62 : memref<80x16xf32, #tpu.memory_space<vmem_shared>>) target_semaphore(%run_scoped3A : memref<!tpu.dma_semaphore, #tpu.memory_space<semaphore_mem>>)
      %dma_wait3A_63 = arith.constant 0 : i32
      %dma_wait3A_64 = tpu.memref_slice %arg7[%add3A_32, %dma_wait3A_63] : memref<10240x16xf32, #tpu.memory_space<vmem_shared>> -> memref<80x16xf32, #tpu.memory_space<vmem_shared>>
      %dma_wait3A_65 = arith.constant 0 : i32
      %dma_wait3A_66 = tpu.memref_slice %arg7[%add3A_32, %dma_wait3A_65] : memref<10240x16xf32, #tpu.memory_space<vmem_shared>> -> memref<80x16xf32, #tpu.memory_space<vmem_shared>>
      tpu.wait_dma2 semaphore(%run_scoped3A : memref<!tpu.dma_semaphore, #tpu.memory_space<semaphore_mem>>) src(%arg6 : memref<80x16xf32, #tpu.memory_space<vmem>>) dst(%dma_wait3A_66 : memref<80x16xf32, #tpu.memory_space<vmem_shared>>)
      tpu.yield
    }) : () -> ()
    %add3A_33 = arith.constant 560 : i32
    %add3A_34 = arith.addi %mul3A_18, %add3A_33 : i32
    "tpu.region"() ({
      %run_scoped3A = tpu.sem_alloc : memref<!tpu.dma_semaphore, #tpu.memory_space<semaphore_mem>>
      %dma_start3A_59 = arith.constant 0 : i32
      %dma_start3A_60 = tpu.memref_slice %arg7[%add3A_34, %dma_start3A_59] : memref<10240x16xf32, #tpu.memory_space<vmem_shared>> -> memref<80x16xf32, #tpu.memory_space<vmem_shared>>
      %dma_start3A_61 = arith.constant 0 : i32
      %dma_start3A_62 = tpu.memref_slice %arg7[%add3A_34, %dma_start3A_61] : memref<10240x16xf32, #tpu.memory_space<vmem_shared>> -> memref<80x16xf32, #tpu.memory_space<vmem_shared>>
      tpu.enqueue_dma source(%arg6 : memref<80x16xf32, #tpu.memory_space<vmem>>) target(%dma_start3A_62 : memref<80x16xf32, #tpu.memory_space<vmem_shared>>) target_semaphore(%run_scoped3A : memref<!tpu.dma_semaphore, #tpu.memory_space<semaphore_mem>>)
      %dma_wait3A_63 = arith.constant 0 : i32
      %dma_wait3A_64 = tpu.memref_slice %arg7[%add3A_34, %dma_wait3A_63] : memref<10240x16xf32, #tpu.memory_space<vmem_shared>> -> memref<80x16xf32, #tpu.memory_space<vmem_shared>>
      %dma_wait3A_65 = arith.constant 0 : i32
      %dma_wait3A_66 = tpu.memref_slice %arg7[%add3A_34, %dma_wait3A_65] : memref<10240x16xf32, #tpu.memory_space<vmem_shared>> -> memref<80x16xf32, #tpu.memory_space<vmem_shared>>
      tpu.wait_dma2 semaphore(%run_scoped3A : memref<!tpu.dma_semaphore, #tpu.memory_space<semaphore_mem>>) src(%arg6 : memref<80x16xf32, #tpu.memory_space<vmem>>) dst(%dma_wait3A_66 : memref<80x16xf32, #tpu.memory_space<vmem_shared>>)
      tpu.yield
    }) : () -> ()
    %dma_wait3A = arith.constant 0 : i32
    %dma_wait3A_35 = arith.constant 0 : i32
    %dma_wait3A_36 = tpu.memref_slice %arg2[%add3A, %dma_wait3A, %dma_wait3A_35] : memref<32x25x400xi32, #tpu.memory_space<hbm>> -> memref<1x25x400xi32, #tpu.memory_space<hbm>>
    %dma_wait3A_37 = tpu.memref_squeeze %dma_wait3A_36 : memref<1x25x400xi32, #tpu.memory_space<hbm>> -> memref<25x400xi32, #tpu.memory_space<hbm>>
    %dma_wait3A_38 = arith.constant 0 : i32
    %dma_wait3A_39 = arith.constant 0 : i32
    %dma_wait3A_40 = tpu.memref_slice %arg2[%add3A, %dma_wait3A_38, %dma_wait3A_39] : memref<32x25x400xi32, #tpu.memory_space<hbm>> -> memref<1x25x400xi32, #tpu.memory_space<hbm>>
    %dma_wait3A_41 = tpu.memref_squeeze %dma_wait3A_40 : memref<1x25x400xi32, #tpu.memory_space<hbm>> -> memref<25x400xi32, #tpu.memory_space<hbm>>
    tpu.wait_dma2 semaphore(%arg8 : memref<!tpu.dma_semaphore, #tpu.memory_space<semaphore_mem>>) src(%dma_wait3A_41 : memref<25x400xi32, #tpu.memory_space<hbm>>) dst(%arg4 : memref<25x400xi32, #tpu.memory_space<vmem>>)
    %barrier3A = arith.constant 0 : index
    tpu.barrier barrier_id(%barrier3A)
    %scan3A_42 = arith.constant 0 : i32
    %scan3A_43 = arith.constant 0 : i32
    %scan3A_44 = arith.constant 25 : i32
    %scan3A_45 = arith.addi %scan3A_43, %scan3A_44 : i32
    %scan3A_46 = arith.constant 1 : i32
    %scan3A_47 = scf.for %scan3A_59 = %scan3A_43 to %scan3A_45 step %scan3A_46 iter_args(%scan3A_60 = %scan3A_42) -> (i32)  : i32 {
      %dma_start3A_61 = arith.constant 0 : i32
      %dma_start3A_62 = tpu.memref_slice %arg4[%scan3A_59, %dma_start3A_61] : memref<25x400xi32, #tpu.memory_space<vmem>> -> memref<1x400xi32, #tpu.memory_space<vmem>>
      %dma_start3A_63 = tpu.memref_squeeze %dma_start3A_62 : memref<1x400xi32, #tpu.memory_space<vmem>> -> memref<400xi32, #tpu.memory_space<vmem>>
      %dma_start3A_64 = arith.constant 0 : i32
      %dma_start3A_65 = arith.constant 0 : i32
      %dma_start3A_66 = tpu.memref_slice %arg7[%dma_start3A_64, %dma_start3A_65] : memref<10240x16xf32, #tpu.memory_space<vmem_shared>> -> memref<10240x16xf32, #tpu.memory_space<vmem_shared>>
      tpu.enqueue_indirect_dma source(%arg5 : memref<400x16xf32, #tpu.memory_space<vmem>>) target(%dma_start3A_66 : memref<10240x16xf32, #tpu.memory_space<vmem_shared>>) offsets(%dma_start3A_63 : memref<400xi32, #tpu.memory_space<vmem>>) semaphore(%arg9 : memref<!tpu.dma_semaphore, #tpu.memory_space<semaphore_mem>>) {add = true}
      %scan3A_67 = arith.constant 0 : i32
      scf.yield %scan3A_67 : i32
    }
    %scan3A_48 = arith.constant 25 : i32
    %scan3A_49 = arith.constant 0 : i32
    %scan3A_50 = arith.constant 0 : i32
    %scan3A_51 = arith.constant 25 : i32
    %scan3A_52 = arith.addi %scan3A_50, %scan3A_51 : i32
    %scan3A_53 = arith.constant 1 : i32
    %scan3A_54 = scf.for %scan3A_59 = %scan3A_50 to %scan3A_52 step %scan3A_53 iter_args(%scan3A_60 = %scan3A_49) -> (i32)  : i32 {
      %dma_wait3A_61 = arith.constant 0 : i32
      %dma_wait3A_62 = arith.constant 0 : i32
      %dma_wait3A_63 = tpu.memref_slice %arg4[%dma_wait3A_61, %dma_wait3A_62] : memref<25x400xi32, #tpu.memory_space<vmem>> -> memref<1x400xi32, #tpu.memory_space<vmem>>
      %dma_wait3A_64 = tpu.memref_squeeze %dma_wait3A_63 : memref<1x400xi32, #tpu.memory_space<vmem>> -> memref<400xi32, #tpu.memory_space<vmem>>
      %dma_wait3A_65 = arith.constant 0 : i32
      %dma_wait3A_66 = arith.constant 0 : i32
      %dma_wait3A_67 = tpu.memref_slice %arg7[%dma_wait3A_65, %dma_wait3A_66] : memref<10240x16xf32, #tpu.memory_space<vmem_shared>> -> memref<10240x16xf32, #tpu.memory_space<vmem_shared>>
      tpu.wait_indirect_dma semaphore(%arg9 : memref<!tpu.dma_semaphore, #tpu.memory_space<semaphore_mem>>) src(%arg5 : memref<400x16xf32, #tpu.memory_space<vmem>>) dst(%dma_wait3A_67 : memref<10240x16xf32, #tpu.memory_space<vmem_shared>>)
      %scan3A_68 = arith.constant 0 : i32
      scf.yield %scan3A_68 : i32
    }
    %scan3A_55 = arith.constant 25 : i32
    %barrier3A_56 = arith.constant 0 : index
    tpu.barrier barrier_id(%barrier3A_56)
    %mul3A_57 = arith.constant 640 : i32
    %mul3A_58 = arith.muli %arg1, %mul3A_57 : i32
    "tpu.region"() ({
      %run_scoped3A = tpu.sem_alloc : memref<!tpu.dma_semaphore, #tpu.memory_space<semaphore_mem>>
      %dma_start3A_59 = arith.constant 0 : i32
      %dma_start3A_60 = tpu.memref_slice %arg3[%arg0, %mul3A_58, %dma_start3A_59] : memref<2x10240x16xf32, #tpu.memory_space<hbm>> -> memref<1x640x16xf32, #tpu.memory_space<hbm>>
      %dma_start3A_61 = tpu.memref_squeeze %dma_start3A_60 : memref<1x640x16xf32, #tpu.memory_space<hbm>> -> memref<640x16xf32, #tpu.memory_space<hbm>>
      %dma_start3A_62 = arith.constant 0 : i32
      %dma_start3A_63 = tpu.memref_slice %arg7[%mul3A_58, %dma_start3A_62] : memref<10240x16xf32, #tpu.memory_space<vmem_shared>> -> memref<640x16xf32, #tpu.memory_space<vmem_shared>>
      tpu.enqueue_dma source(%dma_start3A_63 : memref<640x16xf32, #tpu.memory_space<vmem_shared>>) target(%dma_start3A_61 : memref<640x16xf32, #tpu.memory_space<hbm>>) target_semaphore(%run_scoped3A : memref<!tpu.dma_semaphore, #tpu.memory_space<semaphore_mem>>)
      %dma_wait3A_64 = arith.constant 0 : i32
      %dma_wait3A_65 = tpu.memref_slice %arg3[%arg0, %mul3A_58, %dma_wait3A_64] : memref<2x10240x16xf32, #tpu.memory_space<hbm>> -> memref<1x640x16xf32, #tpu.memory_space<hbm>>
      %dma_wait3A_66 = tpu.memref_squeeze %dma_wait3A_65 : memref<1x640x16xf32, #tpu.memory_space<hbm>> -> memref<640x16xf32, #tpu.memory_space<hbm>>
      %dma_wait3A_67 = arith.constant 0 : i32
      %dma_wait3A_68 = tpu.memref_slice %arg7[%mul3A_58, %dma_wait3A_67] : memref<10240x16xf32, #tpu.memory_space<vmem_shared>> -> memref<640x16xf32, #tpu.memory_space<vmem_shared>>
      tpu.wait_dma2 semaphore(%run_scoped3A : memref<!tpu.dma_semaphore, #tpu.memory_space<semaphore_mem>>) src(%dma_wait3A_68 : memref<640x16xf32, #tpu.memory_space<vmem_shared>>) dst(%dma_wait3A_66 : memref<640x16xf32, #tpu.memory_space<hbm>>)
      tpu.yield
    }) : () -> ()
    return
  }
}

#map = affine_map<(d0, d1) -> (0, 0)>
#map1 = affine_map<(d0, d1) -> (0, 0, 0)>
module attributes {stable_mosaic.version = 14 : i64} {
  func.func @seg_kernel(%arg0: i32, %arg1: i32, %arg2: memref<10000x32xf32, #tpu.memory_space<hbm>>, %arg3: memref<32x25x400xi32, #tpu.memory_space<hbm>>, %arg4: memref<32x25x400xi32, #tpu.memory_space<hbm>>, %arg5: memref<2x10240x32xf32, #tpu.memory_space<hbm>>, %arg6: memref<25x400xi32, #tpu.memory_space<vmem>>, %arg7: memref<25x400xi32, #tpu.memory_space<vmem>>, %arg8: memref<3x400x32xf32, #tpu.memory_space<vmem>>, %arg9: memref<80x32xf32, #tpu.memory_space<vmem>>, %arg10: memref<!tpu.dma_semaphore, #tpu.memory_space<semaphore_mem>>, %arg11: memref<3x!tpu.dma_semaphore, #tpu.memory_space<semaphore_mem>>, %arg12: memref<3x!tpu.dma_semaphore, #tpu.memory_space<semaphore_mem>>, %arg13: memref<10240x32xf32, #tpu.memory_space<vmem_shared>>) attributes {dimension_semantics = [#tpu.dimension_semantics<core_parallel>, #tpu.dimension_semantics<subcore_parallel>], iteration_bounds = array<i64: 2, 16>, scalar_prefetch = 0 : i64, scratch_operands = 8 : i64, tpu.core_type = #tpu.core_type<sc_vector_subcore>, window_params = [{transform_indices = #map}, {transform_indices = #map1}, {transform_indices = #map1}, {transform_indices = #map1}]} {
    %mul3A = arith.constant 16 : i32
    %mul3A_0 = arith.muli %arg0, %mul3A : i32
    %add3A = arith.addi %mul3A_0, %arg1 : i32
    %dma_start3A = arith.constant 0 : i32
    %dma_start3A_1 = arith.constant 0 : i32
    %dma_start3A_2 = tpu.memref_slice %arg3[%add3A, %dma_start3A, %dma_start3A_1] : memref<32x25x400xi32, #tpu.memory_space<hbm>> -> memref<1x25x400xi32, #tpu.memory_space<hbm>>
    %dma_start3A_3 = tpu.memref_squeeze %dma_start3A_2 : memref<1x25x400xi32, #tpu.memory_space<hbm>> -> memref<25x400xi32, #tpu.memory_space<hbm>>
    %dma_start3A_4 = arith.constant 0 : i32
    %dma_start3A_5 = arith.constant 0 : i32
    %dma_start3A_6 = tpu.memref_slice %arg3[%add3A, %dma_start3A_4, %dma_start3A_5] : memref<32x25x400xi32, #tpu.memory_space<hbm>> -> memref<1x25x400xi32, #tpu.memory_space<hbm>>
    %dma_start3A_7 = tpu.memref_squeeze %dma_start3A_6 : memref<1x25x400xi32, #tpu.memory_space<hbm>> -> memref<25x400xi32, #tpu.memory_space<hbm>>
    tpu.enqueue_dma source(%dma_start3A_7 : memref<25x400xi32, #tpu.memory_space<hbm>>) target(%arg6 : memref<25x400xi32, #tpu.memory_space<vmem>>) target_semaphore(%arg10 : memref<!tpu.dma_semaphore, #tpu.memory_space<semaphore_mem>>)
    %dma_start3A_8 = arith.constant 0 : i32
    %dma_start3A_9 = arith.constant 0 : i32
    %dma_start3A_10 = tpu.memref_slice %arg4[%add3A, %dma_start3A_8, %dma_start3A_9] : memref<32x25x400xi32, #tpu.memory_space<hbm>> -> memref<1x25x400xi32, #tpu.memory_space<hbm>>
    %dma_start3A_11 = tpu.memref_squeeze %dma_start3A_10 : memref<1x25x400xi32, #tpu.memory_space<hbm>> -> memref<25x400xi32, #tpu.memory_space<hbm>>
    %dma_start3A_12 = arith.constant 0 : i32
    %dma_start3A_13 = arith.constant 0 : i32
    %dma_start3A_14 = tpu.memref_slice %arg4[%add3A, %dma_start3A_12, %dma_start3A_13] : memref<32x25x400xi32, #tpu.memory_space<hbm>> -> memref<1x25x400xi32, #tpu.memory_space<hbm>>
    %dma_start3A_15 = tpu.memref_squeeze %dma_start3A_14 : memref<1x25x400xi32, #tpu.memory_space<hbm>> -> memref<25x400xi32, #tpu.memory_space<hbm>>
    tpu.enqueue_dma source(%dma_start3A_15 : memref<25x400xi32, #tpu.memory_space<hbm>>) target(%arg7 : memref<25x400xi32, #tpu.memory_space<vmem>>) target_semaphore(%arg10 : memref<!tpu.dma_semaphore, #tpu.memory_space<semaphore_mem>>)
    %broadcast_in_dim3A = arith.constant 0.000000e+00 : f32
    %broadcast_in_dim3A_16 = vector.broadcast %broadcast_in_dim3A : f32 to vector<16xf32>
    %scan3A = arith.constant 0 : i32
    %scan3A_17 = arith.constant 0 : i32
    %scan3A_18 = arith.constant 80 : i32
    %scan3A_19 = arith.addi %scan3A_17, %scan3A_18 : i32
    %scan3A_20 = arith.constant 1 : i32
    %scan3A_21 = scf.for %scan3A_306 = %scan3A_17 to %scan3A_19 step %scan3A_20 iter_args(%scan3A_307 = %scan3A) -> (i32)  : i32 {
      %swap3A = arith.index_cast %scan3A_306 : i32 to index
      %swap3A_308 = arith.constant 0 : index
      %swap3A_309 = tpu.vector_load %arg9[%swap3A, %swap3A_308] {strides = array<i32>} : memref<80x32xf32, #tpu.memory_space<vmem>>, vector<1x16xf32>,
      %swap3A_310 = vector.shape_cast %swap3A_309 : vector<1x16xf32> to vector<16xf32>
      %swap3A_311 = vector.shape_cast %broadcast_in_dim3A_16 : vector<16xf32> to vector<1x16xf32>
      tpu.vector_store %arg9[%swap3A, %swap3A_308], %swap3A_311 {strides = array<i32>} : memref<80x32xf32, #tpu.memory_space<vmem>>, vector<1x16xf32>,
      %swap3A_312 = arith.index_cast %scan3A_306 : i32 to index
      %swap3A_313 = arith.constant 16 : index
      %swap3A_314 = tpu.vector_load %arg9[%swap3A_312, %swap3A_313] {strides = array<i32>} : memref<80x32xf32, #tpu.memory_space<vmem>>, vector<1x16xf32>,
      %swap3A_315 = vector.shape_cast %swap3A_314 : vector<1x16xf32> to vector<16xf32>
      %swap3A_316 = vector.shape_cast %broadcast_in_dim3A_16 : vector<16xf32> to vector<1x16xf32>
      tpu.vector_store %arg9[%swap3A_312, %swap3A_313], %swap3A_316 {strides = array<i32>} : memref<80x32xf32, #tpu.memory_space<vmem>>, vector<1x16xf32>,
      %scan3A_317 = arith.constant 0 : i32
      scf.yield %scan3A_317 : i32
    }
    %scan3A_22 = arith.constant 80 : i32
    %mul3A_23 = arith.constant 640 : i32
    %mul3A_24 = arith.muli %arg1, %mul3A_23 : i32
    %add3A_25 = arith.constant 0 : i32
    %add3A_26 = arith.addi %mul3A_24, %add3A_25 : i32
    "tpu.region"() ({
      %run_scoped3A = tpu.sem_alloc : memref<!tpu.dma_semaphore, #tpu.memory_space<semaphore_mem>>
      %dma_start3A_306 = arith.constant 0 : i32
      %dma_start3A_307 = tpu.memref_slice %arg13[%add3A_26, %dma_start3A_306] : memref<10240x32xf32, #tpu.memory_space<vmem_shared>> -> memref<80x32xf32, #tpu.memory_space<vmem_shared>>
      %dma_start3A_308 = arith.constant 0 : i32
      %dma_start3A_309 = tpu.memref_slice %arg13[%add3A_26, %dma_start3A_308] : memref<10240x32xf32, #tpu.memory_space<vmem_shared>> -> memref<80x32xf32, #tpu.memory_space<vmem_shared>>
      tpu.enqueue_dma source(%arg9 : memref<80x32xf32, #tpu.memory_space<vmem>>) target(%dma_start3A_309 : memref<80x32xf32, #tpu.memory_space<vmem_shared>>) target_semaphore(%run_scoped3A : memref<!tpu.dma_semaphore, #tpu.memory_space<semaphore_mem>>)
      %dma_wait3A_310 = arith.constant 0 : i32
      %dma_wait3A_311 = tpu.memref_slice %arg13[%add3A_26, %dma_wait3A_310] : memref<10240x32xf32, #tpu.memory_space<vmem_shared>> -> memref<80x32xf32, #tpu.memory_space<vmem_shared>>
      %dma_wait3A_312 = arith.constant 0 : i32
      %dma_wait3A_313 = tpu.memref_slice %arg13[%add3A_26, %dma_wait3A_312] : memref<10240x32xf32, #tpu.memory_space<vmem_shared>> -> memref<80x32xf32, #tpu.memory_space<vmem_shared>>
      tpu.wait_dma2 semaphore(%run_scoped3A : memref<!tpu.dma_semaphore, #tpu.memory_space<semaphore_mem>>) src(%arg9 : memref<80x32xf32, #tpu.memory_space<vmem>>) dst(%dma_wait3A_313 : memref<80x32xf32, #tpu.memory_space<vmem_shared>>)
      tpu.yield
    }) : () -> ()
    %add3A_27 = arith.constant 80 : i32
    %add3A_28 = arith.addi %mul3A_24, %add3A_27 : i32
    "tpu.region"() ({
      %run_scoped3A = tpu.sem_alloc : memref<!tpu.dma_semaphore, #tpu.memory_space<semaphore_mem>>
      %dma_start3A_306 = arith.constant 0 : i32
      %dma_start3A_307 = tpu.memref_slice %arg13[%add3A_28, %dma_start3A_306] : memref<10240x32xf32, #tpu.memory_space<vmem_shared>> -> memref<80x32xf32, #tpu.memory_space<vmem_shared>>
      %dma_start3A_308 = arith.constant 0 : i32
      %dma_start3A_309 = tpu.memref_slice %arg13[%add3A_28, %dma_start3A_308] : memref<10240x32xf32, #tpu.memory_space<vmem_shared>> -> memref<80x32xf32, #tpu.memory_space<vmem_shared>>
      tpu.enqueue_dma source(%arg9 : memref<80x32xf32, #tpu.memory_space<vmem>>) target(%dma_start3A_309 : memref<80x32xf32, #tpu.memory_space<vmem_shared>>) target_semaphore(%run_scoped3A : memref<!tpu.dma_semaphore, #tpu.memory_space<semaphore_mem>>)
      %dma_wait3A_310 = arith.constant 0 : i32
      %dma_wait3A_311 = tpu.memref_slice %arg13[%add3A_28, %dma_wait3A_310] : memref<10240x32xf32, #tpu.memory_space<vmem_shared>> -> memref<80x32xf32, #tpu.memory_space<vmem_shared>>
      %dma_wait3A_312 = arith.constant 0 : i32
      %dma_wait3A_313 = tpu.memref_slice %arg13[%add3A_28, %dma_wait3A_312] : memref<10240x32xf32, #tpu.memory_space<vmem_shared>> -> memref<80x32xf32, #tpu.memory_space<vmem_shared>>
      tpu.wait_dma2 semaphore(%run_scoped3A : memref<!tpu.dma_semaphore, #tpu.memory_space<semaphore_mem>>) src(%arg9 : memref<80x32xf32, #tpu.memory_space<vmem>>) dst(%dma_wait3A_313 : memref<80x32xf32, #tpu.memory_space<vmem_shared>>)
      tpu.yield
    }) : () -> ()
    %add3A_29 = arith.constant 160 : i32
    %add3A_30 = arith.addi %mul3A_24, %add3A_29 : i32
    "tpu.region"() ({
      %run_scoped3A = tpu.sem_alloc : memref<!tpu.dma_semaphore, #tpu.memory_space<semaphore_mem>>
      %dma_start3A_306 = arith.constant 0 : i32
      %dma_start3A_307 = tpu.memref_slice %arg13[%add3A_30, %dma_start3A_306] : memref<10240x32xf32, #tpu.memory_space<vmem_shared>> -> memref<80x32xf32, #tpu.memory_space<vmem_shared>>
      %dma_start3A_308 = arith.constant 0 : i32
      %dma_start3A_309 = tpu.memref_slice %arg13[%add3A_30, %dma_start3A_308] : memref<10240x32xf32, #tpu.memory_space<vmem_shared>> -> memref<80x32xf32, #tpu.memory_space<vmem_shared>>
      tpu.enqueue_dma source(%arg9 : memref<80x32xf32, #tpu.memory_space<vmem>>) target(%dma_start3A_309 : memref<80x32xf32, #tpu.memory_space<vmem_shared>>) target_semaphore(%run_scoped3A : memref<!tpu.dma_semaphore, #tpu.memory_space<semaphore_mem>>)
      %dma_wait3A_310 = arith.constant 0 : i32
      %dma_wait3A_311 = tpu.memref_slice %arg13[%add3A_30, %dma_wait3A_310] : memref<10240x32xf32, #tpu.memory_space<vmem_shared>> -> memref<80x32xf32, #tpu.memory_space<vmem_shared>>
      %dma_wait3A_312 = arith.constant 0 : i32
      %dma_wait3A_313 = tpu.memref_slice %arg13[%add3A_30, %dma_wait3A_312] : memref<10240x32xf32, #tpu.memory_space<vmem_shared>> -> memref<80x32xf32, #tpu.memory_space<vmem_shared>>
      tpu.wait_dma2 semaphore(%run_scoped3A : memref<!tpu.dma_semaphore, #tpu.memory_space<semaphore_mem>>) src(%arg9 : memref<80x32xf32, #tpu.memory_space<vmem>>) dst(%dma_wait3A_313 : memref<80x32xf32, #tpu.memory_space<vmem_shared>>)
      tpu.yield
    }) : () -> ()
    %add3A_31 = arith.constant 240 : i32
    %add3A_32 = arith.addi %mul3A_24, %add3A_31 : i32
    "tpu.region"() ({
      %run_scoped3A = tpu.sem_alloc : memref<!tpu.dma_semaphore, #tpu.memory_space<semaphore_mem>>
      %dma_start3A_306 = arith.constant 0 : i32
      %dma_start3A_307 = tpu.memref_slice %arg13[%add3A_32, %dma_start3A_306] : memref<10240x32xf32, #tpu.memory_space<vmem_shared>> -> memref<80x32xf32, #tpu.memory_space<vmem_shared>>
      %dma_start3A_308 = arith.constant 0 : i32
      %dma_start3A_309 = tpu.memref_slice %arg13[%add3A_32, %dma_start3A_308] : memref<10240x32xf32, #tpu.memory_space<vmem_shared>> -> memref<80x32xf32, #tpu.memory_space<vmem_shared>>
      tpu.enqueue_dma source(%arg9 : memref<80x32xf32, #tpu.memory_space<vmem>>) target(%dma_start3A_309 : memref<80x32xf32, #tpu.memory_space<vmem_shared>>) target_semaphore(%run_scoped3A : memref<!tpu.dma_semaphore, #tpu.memory_space<semaphore_mem>>)
      %dma_wait3A_310 = arith.constant 0 : i32
      %dma_wait3A_311 = tpu.memref_slice %arg13[%add3A_32, %dma_wait3A_310] : memref<10240x32xf32, #tpu.memory_space<vmem_shared>> -> memref<80x32xf32, #tpu.memory_space<vmem_shared>>
      %dma_wait3A_312 = arith.constant 0 : i32
      %dma_wait3A_313 = tpu.memref_slice %arg13[%add3A_32, %dma_wait3A_312] : memref<10240x32xf32, #tpu.memory_space<vmem_shared>> -> memref<80x32xf32, #tpu.memory_space<vmem_shared>>
      tpu.wait_dma2 semaphore(%run_scoped3A : memref<!tpu.dma_semaphore, #tpu.memory_space<semaphore_mem>>) src(%arg9 : memref<80x32xf32, #tpu.memory_space<vmem>>) dst(%dma_wait3A_313 : memref<80x32xf32, #tpu.memory_space<vmem_shared>>)
      tpu.yield
    }) : () -> ()
    %add3A_33 = arith.constant 320 : i32
    %add3A_34 = arith.addi %mul3A_24, %add3A_33 : i32
    "tpu.region"() ({
      %run_scoped3A = tpu.sem_alloc : memref<!tpu.dma_semaphore, #tpu.memory_space<semaphore_mem>>
      %dma_start3A_306 = arith.constant 0 : i32
      %dma_start3A_307 = tpu.memref_slice %arg13[%add3A_34, %dma_start3A_306] : memref<10240x32xf32, #tpu.memory_space<vmem_shared>> -> memref<80x32xf32, #tpu.memory_space<vmem_shared>>
      %dma_start3A_308 = arith.constant 0 : i32
      %dma_start3A_309 = tpu.memref_slice %arg13[%add3A_34, %dma_start3A_308] : memref<10240x32xf32, #tpu.memory_space<vmem_shared>> -> memref<80x32xf32, #tpu.memory_space<vmem_shared>>
      tpu.enqueue_dma source(%arg9 : memref<80x32xf32, #tpu.memory_space<vmem>>) target(%dma_start3A_309 : memref<80x32xf32, #tpu.memory_space<vmem_shared>>) target_semaphore(%run_scoped3A : memref<!tpu.dma_semaphore, #tpu.memory_space<semaphore_mem>>)
      %dma_wait3A_310 = arith.constant 0 : i32
      %dma_wait3A_311 = tpu.memref_slice %arg13[%add3A_34, %dma_wait3A_310] : memref<10240x32xf32, #tpu.memory_space<vmem_shared>> -> memref<80x32xf32, #tpu.memory_space<vmem_shared>>
      %dma_wait3A_312 = arith.constant 0 : i32
      %dma_wait3A_313 = tpu.memref_slice %arg13[%add3A_34, %dma_wait3A_312] : memref<10240x32xf32, #tpu.memory_space<vmem_shared>> -> memref<80x32xf32, #tpu.memory_space<vmem_shared>>
      tpu.wait_dma2 semaphore(%run_scoped3A : memref<!tpu.dma_semaphore, #tpu.memory_space<semaphore_mem>>) src(%arg9 : memref<80x32xf32, #tpu.memory_space<vmem>>) dst(%dma_wait3A_313 : memref<80x32xf32, #tpu.memory_space<vmem_shared>>)
      tpu.yield
    }) : () -> ()
    %add3A_35 = arith.constant 400 : i32
    %add3A_36 = arith.addi %mul3A_24, %add3A_35 : i32
    "tpu.region"() ({
      %run_scoped3A = tpu.sem_alloc : memref<!tpu.dma_semaphore, #tpu.memory_space<semaphore_mem>>
      %dma_start3A_306 = arith.constant 0 : i32
      %dma_start3A_307 = tpu.memref_slice %arg13[%add3A_36, %dma_start3A_306] : memref<10240x32xf32, #tpu.memory_space<vmem_shared>> -> memref<80x32xf32, #tpu.memory_space<vmem_shared>>
      %dma_start3A_308 = arith.constant 0 : i32
      %dma_start3A_309 = tpu.memref_slice %arg13[%add3A_36, %dma_start3A_308] : memref<10240x32xf32, #tpu.memory_space<vmem_shared>> -> memref<80x32xf32, #tpu.memory_space<vmem_shared>>
      tpu.enqueue_dma source(%arg9 : memref<80x32xf32, #tpu.memory_space<vmem>>) target(%dma_start3A_309 : memref<80x32xf32, #tpu.memory_space<vmem_shared>>) target_semaphore(%run_scoped3A : memref<!tpu.dma_semaphore, #tpu.memory_space<semaphore_mem>>)
      %dma_wait3A_310 = arith.constant 0 : i32
      %dma_wait3A_311 = tpu.memref_slice %arg13[%add3A_36, %dma_wait3A_310] : memref<10240x32xf32, #tpu.memory_space<vmem_shared>> -> memref<80x32xf32, #tpu.memory_space<vmem_shared>>
      %dma_wait3A_312 = arith.constant 0 : i32
      %dma_wait3A_313 = tpu.memref_slice %arg13[%add3A_36, %dma_wait3A_312] : memref<10240x32xf32, #tpu.memory_space<vmem_shared>> -> memref<80x32xf32, #tpu.memory_space<vmem_shared>>
      tpu.wait_dma2 semaphore(%run_scoped3A : memref<!tpu.dma_semaphore, #tpu.memory_space<semaphore_mem>>) src(%arg9 : memref<80x32xf32, #tpu.memory_space<vmem>>) dst(%dma_wait3A_313 : memref<80x32xf32, #tpu.memory_space<vmem_shared>>)
      tpu.yield
    }) : () -> ()
    %add3A_37 = arith.constant 480 : i32
    %add3A_38 = arith.addi %mul3A_24, %add3A_37 : i32
    "tpu.region"() ({
      %run_scoped3A = tpu.sem_alloc : memref<!tpu.dma_semaphore, #tpu.memory_space<semaphore_mem>>
      %dma_start3A_306 = arith.constant 0 : i32
      %dma_start3A_307 = tpu.memref_slice %arg13[%add3A_38, %dma_start3A_306] : memref<10240x32xf32, #tpu.memory_space<vmem_shared>> -> memref<80x32xf32, #tpu.memory_space<vmem_shared>>
      %dma_start3A_308 = arith.constant 0 : i32
      %dma_start3A_309 = tpu.memref_slice %arg13[%add3A_38, %dma_start3A_308] : memref<10240x32xf32, #tpu.memory_space<vmem_shared>> -> memref<80x32xf32, #tpu.memory_space<vmem_shared>>
      tpu.enqueue_dma source(%arg9 : memref<80x32xf32, #tpu.memory_space<vmem>>) target(%dma_start3A_309 : memref<80x32xf32, #tpu.memory_space<vmem_shared>>) target_semaphore(%run_scoped3A : memref<!tpu.dma_semaphore, #tpu.memory_space<semaphore_mem>>)
      %dma_wait3A_310 = arith.constant 0 : i32
      %dma_wait3A_311 = tpu.memref_slice %arg13[%add3A_38, %dma_wait3A_310] : memref<10240x32xf32, #tpu.memory_space<vmem_shared>> -> memref<80x32xf32, #tpu.memory_space<vmem_shared>>
      %dma_wait3A_312 = arith.constant 0 : i32
      %dma_wait3A_313 = tpu.memref_slice %arg13[%add3A_38, %dma_wait3A_312] : memref<10240x32xf32, #tpu.memory_space<vmem_shared>> -> memref<80x32xf32, #tpu.memory_space<vmem_shared>>
      tpu.wait_dma2 semaphore(%run_scoped3A : memref<!tpu.dma_semaphore, #tpu.memory_space<semaphore_mem>>) src(%arg9 : memref<80x32xf32, #tpu.memory_space<vmem>>) dst(%dma_wait3A_313 : memref<80x32xf32, #tpu.memory_space<vmem_shared>>)
      tpu.yield
    }) : () -> ()
    %add3A_39 = arith.constant 560 : i32
    %add3A_40 = arith.addi %mul3A_24, %add3A_39 : i32
    "tpu.region"() ({
      %run_scoped3A = tpu.sem_alloc : memref<!tpu.dma_semaphore, #tpu.memory_space<semaphore_mem>>
      %dma_start3A_306 = arith.constant 0 : i32
      %dma_start3A_307 = tpu.memref_slice %arg13[%add3A_40, %dma_start3A_306] : memref<10240x32xf32, #tpu.memory_space<vmem_shared>> -> memref<80x32xf32, #tpu.memory_space<vmem_shared>>
      %dma_start3A_308 = arith.constant 0 : i32
      %dma_start3A_309 = tpu.memref_slice %arg13[%add3A_40, %dma_start3A_308] : memref<10240x32xf32, #tpu.memory_space<vmem_shared>> -> memref<80x32xf32, #tpu.memory_space<vmem_shared>>
      tpu.enqueue_dma source(%arg9 : memref<80x32xf32, #tpu.memory_space<vmem>>) target(%dma_start3A_309 : memref<80x32xf32, #tpu.memory_space<vmem_shared>>) target_semaphore(%run_scoped3A : memref<!tpu.dma_semaphore, #tpu.memory_space<semaphore_mem>>)
      %dma_wait3A_310 = arith.constant 0 : i32
      %dma_wait3A_311 = tpu.memref_slice %arg13[%add3A_40, %dma_wait3A_310] : memref<10240x32xf32, #tpu.memory_space<vmem_shared>> -> memref<80x32xf32, #tpu.memory_space<vmem_shared>>
      %dma_wait3A_312 = arith.constant 0 : i32
      %dma_wait3A_313 = tpu.memref_slice %arg13[%add3A_40, %dma_wait3A_312] : memref<10240x32xf32, #tpu.memory_space<vmem_shared>> -> memref<80x32xf32, #tpu.memory_space<vmem_shared>>
      tpu.wait_dma2 semaphore(%run_scoped3A : memref<!tpu.dma_semaphore, #tpu.memory_space<semaphore_mem>>) src(%arg9 : memref<80x32xf32, #tpu.memory_space<vmem>>) dst(%dma_wait3A_313 : memref<80x32xf32, #tpu.memory_space<vmem_shared>>)
      tpu.yield
    }) : () -> ()
    %dma_wait3A = arith.constant 0 : i32
    %dma_wait3A_41 = arith.constant 0 : i32
    %dma_wait3A_42 = tpu.memref_slice %arg3[%add3A, %dma_wait3A, %dma_wait3A_41] : memref<32x25x400xi32, #tpu.memory_space<hbm>> -> memref<1x25x400xi32, #tpu.memory_space<hbm>>
    %dma_wait3A_43 = tpu.memref_squeeze %dma_wait3A_42 : memref<1x25x400xi32, #tpu.memory_space<hbm>> -> memref<25x400xi32, #tpu.memory_space<hbm>>
    %dma_wait3A_44 = arith.constant 0 : i32
    %dma_wait3A_45 = arith.constant 0 : i32
    %dma_wait3A_46 = tpu.memref_slice %arg3[%add3A, %dma_wait3A_44, %dma_wait3A_45] : memref<32x25x400xi32, #tpu.memory_space<hbm>> -> memref<1x25x400xi32, #tpu.memory_space<hbm>>
    %dma_wait3A_47 = tpu.memref_squeeze %dma_wait3A_46 : memref<1x25x400xi32, #tpu.memory_space<hbm>> -> memref<25x400xi32, #tpu.memory_space<hbm>>
    tpu.wait_dma2 semaphore(%arg10 : memref<!tpu.dma_semaphore, #tpu.memory_space<semaphore_mem>>) src(%dma_wait3A_47 : memref<25x400xi32, #tpu.memory_space<hbm>>) dst(%arg6 : memref<25x400xi32, #tpu.memory_space<vmem>>)
    %dma_wait3A_48 = arith.constant 0 : i32
    %dma_wait3A_49 = arith.constant 0 : i32
    %dma_wait3A_50 = tpu.memref_slice %arg4[%add3A, %dma_wait3A_48, %dma_wait3A_49] : memref<32x25x400xi32, #tpu.memory_space<hbm>> -> memref<1x25x400xi32, #tpu.memory_space<hbm>>
    %dma_wait3A_51 = tpu.memref_squeeze %dma_wait3A_50 : memref<1x25x400xi32, #tpu.memory_space<hbm>> -> memref<25x400xi32, #tpu.memory_space<hbm>>
    %dma_wait3A_52 = arith.constant 0 : i32
    %dma_wait3A_53 = arith.constant 0 : i32
    %dma_wait3A_54 = tpu.memref_slice %arg4[%add3A, %dma_wait3A_52, %dma_wait3A_53] : memref<32x25x400xi32, #tpu.memory_space<hbm>> -> memref<1x25x400xi32, #tpu.memory_space<hbm>>
    %dma_wait3A_55 = tpu.memref_squeeze %dma_wait3A_54 : memref<1x25x400xi32, #tpu.memory_space<hbm>> -> memref<25x400xi32, #tpu.memory_space<hbm>>
    tpu.wait_dma2 semaphore(%arg10 : memref<!tpu.dma_semaphore, #tpu.memory_space<semaphore_mem>>) src(%dma_wait3A_55 : memref<25x400xi32, #tpu.memory_space<hbm>>) dst(%arg7 : memref<25x400xi32, #tpu.memory_space<vmem>>)
    %barrier3A = arith.constant 0 : index
    tpu.barrier barrier_id(%barrier3A)
    %dma_start3A_56 = arith.constant 0 : i32
    %dma_start3A_57 = arith.constant 0 : i32
    %dma_start3A_58 = arith.constant 0 : i32
    %dma_start3A_59 = arith.constant 0 : i32
    %dma_start3A_60 = arith.constant 0 : i32
    %dma_start3A_61 = tpu.memref_slice %arg8[%dma_start3A_57, %dma_start3A_59, %dma_start3A_60] : memref<3x400x32xf32, #tpu.memory_space<vmem>> -> memref<1x400x32xf32, #tpu.memory_space<vmem>>
    %dma_start3A_62 = tpu.memref_squeeze %dma_start3A_61 : memref<1x400x32xf32, #tpu.memory_space<vmem>> -> memref<400x32xf32, #tpu.memory_space<vmem>>
    %dma_start3A_63 = arith.constant 0 : i32
    %dma_start3A_64 = tpu.memref_slice %arg6[%dma_start3A_56, %dma_start3A_63] : memref<25x400xi32, #tpu.memory_space<vmem>> -> memref<1x400xi32, #tpu.memory_space<vmem>>
    %dma_start3A_65 = tpu.memref_squeeze %dma_start3A_64 : memref<1x400xi32, #tpu.memory_space<vmem>> -> memref<400xi32, #tpu.memory_space<vmem>>
    %dma_start3A_66 = arith.constant 0 : i32
    %dma_start3A_67 = arith.constant 0 : i32
    %dma_start3A_68 = tpu.memref_slice %arg2[%dma_start3A_66, %dma_start3A_67] : memref<10000x32xf32, #tpu.memory_space<hbm>> -> memref<10000x32xf32, #tpu.memory_space<hbm>>
    %dma_start3A_69 = tpu.memref_slice %arg11[%dma_start3A_58] : memref<3x!tpu.dma_semaphore, #tpu.memory_space<semaphore_mem>> -> memref<1x!tpu.dma_semaphore, #tpu.memory_space<semaphore_mem>>
    %dma_start3A_70 = tpu.memref_squeeze %dma_start3A_69 : memref<1x!tpu.dma_semaphore, #tpu.memory_space<semaphore_mem>> -> memref<!tpu.dma_semaphore, #tpu.memory_space<semaphore_mem>>
    tpu.enqueue_indirect_dma source(%dma_start3A_68 : memref<10000x32xf32, #tpu.memory_space<hbm>>) target(%dma_start3A_62 : memref<400x32xf32, #tpu.memory_space<vmem>>) offsets(%dma_start3A_65 : memref<400xi32, #tpu.memory_space<vmem>>) semaphore(%dma_start3A_70 : memref<!tpu.dma_semaphore, #tpu.memory_space<semaphore_mem>>)
    %dma_start3A_71 = arith.constant 1 : i32
    %dma_start3A_72 = arith.constant 1 : i32
    %dma_start3A_73 = arith.constant 1 : i32
    %dma_start3A_74 = arith.constant 0 : i32
    %dma_start3A_75 = arith.constant 0 : i32
    %dma_start3A_76 = tpu.memref_slice %arg8[%dma_start3A_72, %dma_start3A_74, %dma_start3A_75] : memref<3x400x32xf32, #tpu.memory_space<vmem>> -> memref<1x400x32xf32, #tpu.memory_space<vmem>>
    %dma_start3A_77 = tpu.memref_squeeze %dma_start3A_76 : memref<1x400x32xf32, #tpu.memory_space<vmem>> -> memref<400x32xf32, #tpu.memory_space<vmem>>
    %dma_start3A_78 = arith.constant 0 : i32
    %dma_start3A_79 = tpu.memref_slice %arg6[%dma_start3A_71, %dma_start3A_78] : memref<25x400xi32, #tpu.memory_space<vmem>> -> memref<1x400xi32, #tpu.memory_space<vmem>>
    %dma_start3A_80 = tpu.memref_squeeze %dma_start3A_79 : memref<1x400xi32, #tpu.memory_space<vmem>> -> memref<400xi32, #tpu.memory_space<vmem>>
    %dma_start3A_81 = arith.constant 0 : i32
    %dma_start3A_82 = arith.constant 0 : i32
    %dma_start3A_83 = tpu.memref_slice %arg2[%dma_start3A_81, %dma_start3A_82] : memref<10000x32xf32, #tpu.memory_space<hbm>> -> memref<10000x32xf32, #tpu.memory_space<hbm>>
    %dma_start3A_84 = tpu.memref_slice %arg11[%dma_start3A_73] : memref<3x!tpu.dma_semaphore, #tpu.memory_space<semaphore_mem>> -> memref<1x!tpu.dma_semaphore, #tpu.memory_space<semaphore_mem>>
    %dma_start3A_85 = tpu.memref_squeeze %dma_start3A_84 : memref<1x!tpu.dma_semaphore, #tpu.memory_space<semaphore_mem>> -> memref<!tpu.dma_semaphore, #tpu.memory_space<semaphore_mem>>
    tpu.enqueue_indirect_dma source(%dma_start3A_83 : memref<10000x32xf32, #tpu.memory_space<hbm>>) target(%dma_start3A_77 : memref<400x32xf32, #tpu.memory_space<vmem>>) offsets(%dma_start3A_80 : memref<400xi32, #tpu.memory_space<vmem>>) semaphore(%dma_start3A_85 : memref<!tpu.dma_semaphore, #tpu.memory_space<semaphore_mem>>)
    %dma_wait3A_86 = arith.constant 0 : i32
    %dma_wait3A_87 = arith.constant 0 : i32
    %dma_wait3A_88 = arith.constant 0 : i32
    %dma_wait3A_89 = arith.constant 0 : i32
    %dma_wait3A_90 = arith.constant 0 : i32
    %dma_wait3A_91 = tpu.memref_slice %arg8[%dma_wait3A_87, %dma_wait3A_89, %dma_wait3A_90] : memref<3x400x32xf32, #tpu.memory_space<vmem>> -> memref<1x400x32xf32, #tpu.memory_space<vmem>>
    %dma_wait3A_92 = tpu.memref_squeeze %dma_wait3A_91 : memref<1x400x32xf32, #tpu.memory_space<vmem>> -> memref<400x32xf32, #tpu.memory_space<vmem>>
    %dma_wait3A_93 = arith.constant 0 : i32
    %dma_wait3A_94 = tpu.memref_slice %arg6[%dma_wait3A_86, %dma_wait3A_93] : memref<25x400xi32, #tpu.memory_space<vmem>> -> memref<1x400xi32, #tpu.memory_space<vmem>>
    %dma_wait3A_95 = tpu.memref_squeeze %dma_wait3A_94 : memref<1x400xi32, #tpu.memory_space<vmem>> -> memref<400xi32, #tpu.memory_space<vmem>>
    %dma_wait3A_96 = arith.constant 0 : i32
    %dma_wait3A_97 = arith.constant 0 : i32
    %dma_wait3A_98 = tpu.memref_slice %arg2[%dma_wait3A_96, %dma_wait3A_97] : memref<10000x32xf32, #tpu.memory_space<hbm>> -> memref<10000x32xf32, #tpu.memory_space<hbm>>
    %dma_wait3A_99 = tpu.memref_slice %arg11[%dma_wait3A_88] : memref<3x!tpu.dma_semaphore, #tpu.memory_space<semaphore_mem>> -> memref<1x!tpu.dma_semaphore, #tpu.memory_space<semaphore_mem>>
    %dma_wait3A_100 = tpu.memref_squeeze %dma_wait3A_99 : memref<1x!tpu.dma_semaphore, #tpu.memory_space<semaphore_mem>> -> memref<!tpu.dma_semaphore, #tpu.memory_space<semaphore_mem>>
    tpu.wait_indirect_dma semaphore(%dma_wait3A_100 : memref<!tpu.dma_semaphore, #tpu.memory_space<semaphore_mem>>) src(%dma_wait3A_98 : memref<10000x32xf32, #tpu.memory_space<hbm>>) dst(%dma_wait3A_92 : memref<400x32xf32, #tpu.memory_space<vmem>>)
    %dma_start3A_101 = arith.constant 0 : i32
    %dma_start3A_102 = arith.constant 0 : i32
    %dma_start3A_103 = arith.constant 0 : i32
    %dma_start3A_104 = arith.constant 0 : i32
    %dma_start3A_105 = arith.constant 0 : i32
    %dma_start3A_106 = tpu.memref_slice %arg8[%dma_start3A_101, %dma_start3A_104, %dma_start3A_105] : memref<3x400x32xf32, #tpu.memory_space<vmem>> -> memref<1x400x32xf32, #tpu.memory_space<vmem>>
    %dma_start3A_107 = tpu.memref_squeeze %dma_start3A_106 : memref<1x400x32xf32, #tpu.memory_space<vmem>> -> memref<400x32xf32, #tpu.memory_space<vmem>>
    %dma_start3A_108 = arith.constant 0 : i32
    %dma_start3A_109 = tpu.memref_slice %arg7[%dma_start3A_102, %dma_start3A_108] : memref<25x400xi32, #tpu.memory_space<vmem>> -> memref<1x400xi32, #tpu.memory_space<vmem>>
    %dma_start3A_110 = tpu.memref_squeeze %dma_start3A_109 : memref<1x400xi32, #tpu.memory_space<vmem>> -> memref<400xi32, #tpu.memory_space<vmem>>
    %dma_start3A_111 = arith.constant 0 : i32
    %dma_start3A_112 = arith.constant 0 : i32
    %dma_start3A_113 = tpu.memref_slice %arg13[%dma_start3A_111, %dma_start3A_112] : memref<10240x32xf32, #tpu.memory_space<vmem_shared>> -> memref<10240x32xf32, #tpu.memory_space<vmem_shared>>
    %dma_start3A_114 = tpu.memref_slice %arg12[%dma_start3A_103] : memref<3x!tpu.dma_semaphore, #tpu.memory_space<semaphore_mem>> -> memref<1x!tpu.dma_semaphore, #tpu.memory_space<semaphore_mem>>
    %dma_start3A_115 = tpu.memref_squeeze %dma_start3A_114 : memref<1x!tpu.dma_semaphore, #tpu.memory_space<semaphore_mem>> -> memref<!tpu.dma_semaphore, #tpu.memory_space<semaphore_mem>>
    tpu.enqueue_indirect_dma source(%dma_start3A_107 : memref<400x32xf32, #tpu.memory_space<vmem>>) target(%dma_start3A_113 : memref<10240x32xf32, #tpu.memory_space<vmem_shared>>) offsets(%dma_start3A_110 : memref<400xi32, #tpu.memory_space<vmem>>) semaphore(%dma_start3A_115 : memref<!tpu.dma_semaphore, #tpu.memory_space<semaphore_mem>>) {add = true}
    %dma_start3A_116 = arith.constant 2 : i32
    %dma_start3A_117 = arith.constant 2 : i32
    %dma_start3A_118 = arith.constant 2 : i32
    %dma_start3A_119 = arith.constant 0 : i32
    %dma_start3A_120 = arith.constant 0 : i32
    %dma_start3A_121 = tpu.memref_slice %arg8[%dma_start3A_117, %dma_start3A_119, %dma_start3A_120] : memref<3x400x32xf32, #tpu.memory_space<vmem>> -> memref<1x400x32xf32, #tpu.memory_space<vmem>>
    %dma_start3A_122 = tpu.memref_squeeze %dma_start3A_121 : memref<1x400x32xf32, #tpu.memory_space<vmem>> -> memref<400x32xf32, #tpu.memory_space<vmem>>
    %dma_start3A_123 = arith.constant 0 : i32
    %dma_start3A_124 = tpu.memref_slice %arg6[%dma_start3A_116, %dma_start3A_123] : memref<25x400xi32, #tpu.memory_space<vmem>> -> memref<1x400xi32, #tpu.memory_space<vmem>>
    %dma_start3A_125 = tpu.memref_squeeze %dma_start3A_124 : memref<1x400xi32, #tpu.memory_space<vmem>> -> memref<400xi32, #tpu.memory_space<vmem>>
    %dma_start3A_126 = arith.constant 0 : i32
    %dma_start3A_127 = arith.constant 0 : i32
    %dma_start3A_128 = tpu.memref_slice %arg2[%dma_start3A_126, %dma_start3A_127] : memref<10000x32xf32, #tpu.memory_space<hbm>> -> memref<10000x32xf32, #tpu.memory_space<hbm>>
    %dma_start3A_129 = tpu.memref_slice %arg11[%dma_start3A_118] : memref<3x!tpu.dma_semaphore, #tpu.memory_space<semaphore_mem>> -> memref<1x!tpu.dma_semaphore, #tpu.memory_space<semaphore_mem>>
    %dma_start3A_130 = tpu.memref_squeeze %dma_start3A_129 : memref<1x!tpu.dma_semaphore, #tpu.memory_space<semaphore_mem>> -> memref<!tpu.dma_semaphore, #tpu.memory_space<semaphore_mem>>
    tpu.enqueue_indirect_dma source(%dma_start3A_128 : memref<10000x32xf32, #tpu.memory_space<hbm>>) target(%dma_start3A_122 : memref<400x32xf32, #tpu.memory_space<vmem>>) offsets(%dma_start3A_125 : memref<400xi32, #tpu.memory_space<vmem>>) semaphore(%dma_start3A_130 : memref<!tpu.dma_semaphore, #tpu.memory_space<semaphore_mem>>)
    %dma_wait3A_131 = arith.constant 0 : i32
    %dma_wait3A_132 = arith.constant 1 : i32
    %dma_wait3A_133 = arith.constant 1 : i32
    %dma_wait3A_134 = arith.constant 0 : i32
    %dma_wait3A_135 = arith.constant 0 : i32
    %dma_wait3A_136 = tpu.memref_slice %arg8[%dma_wait3A_132, %dma_wait3A_134, %dma_wait3A_135] : memref<3x400x32xf32, #tpu.memory_space<vmem>> -> memref<1x400x32xf32, #tpu.memory_space<vmem>>
    %dma_wait3A_137 = tpu.memref_squeeze %dma_wait3A_136 : memref<1x400x32xf32, #tpu.memory_space<vmem>> -> memref<400x32xf32, #tpu.memory_space<vmem>>
    %dma_wait3A_138 = arith.constant 0 : i32
    %dma_wait3A_139 = tpu.memref_slice %arg6[%dma_wait3A_131, %dma_wait3A_138] : memref<25x400xi32, #tpu.memory_space<vmem>> -> memref<1x400xi32, #tpu.memory_space<vmem>>
    %dma_wait3A_140 = tpu.memref_squeeze %dma_wait3A_139 : memref<1x400xi32, #tpu.memory_space<vmem>> -> memref<400xi32, #tpu.memory_space<vmem>>
    %dma_wait3A_141 = arith.constant 0 : i32
    %dma_wait3A_142 = arith.constant 0 : i32
    %dma_wait3A_143 = tpu.memref_slice %arg2[%dma_wait3A_141, %dma_wait3A_142] : memref<10000x32xf32, #tpu.memory_space<hbm>> -> memref<10000x32xf32, #tpu.memory_space<hbm>>
    %dma_wait3A_144 = tpu.memref_slice %arg11[%dma_wait3A_133] : memref<3x!tpu.dma_semaphore, #tpu.memory_space<semaphore_mem>> -> memref<1x!tpu.dma_semaphore, #tpu.memory_space<semaphore_mem>>
    %dma_wait3A_145 = tpu.memref_squeeze %dma_wait3A_144 : memref<1x!tpu.dma_semaphore, #tpu.memory_space<semaphore_mem>> -> memref<!tpu.dma_semaphore, #tpu.memory_space<semaphore_mem>>
    tpu.wait_indirect_dma semaphore(%dma_wait3A_145 : memref<!tpu.dma_semaphore, #tpu.memory_space<semaphore_mem>>) src(%dma_wait3A_143 : memref<10000x32xf32, #tpu.memory_space<hbm>>) dst(%dma_wait3A_137 : memref<400x32xf32, #tpu.memory_space<vmem>>)
    %dma_start3A_146 = arith.constant 1 : i32
    %dma_start3A_147 = arith.constant 1 : i32
    %dma_start3A_148 = arith.constant 1 : i32
    %dma_start3A_149 = arith.constant 0 : i32
    %dma_start3A_150 = arith.constant 0 : i32
    %dma_start3A_151 = tpu.memref_slice %arg8[%dma_start3A_146, %dma_start3A_149, %dma_start3A_150] : memref<3x400x32xf32, #tpu.memory_space<vmem>> -> memref<1x400x32xf32, #tpu.memory_space<vmem>>
    %dma_start3A_152 = tpu.memref_squeeze %dma_start3A_151 : memref<1x400x32xf32, #tpu.memory_space<vmem>> -> memref<400x32xf32, #tpu.memory_space<vmem>>
    %dma_start3A_153 = arith.constant 0 : i32
    %dma_start3A_154 = tpu.memref_slice %arg7[%dma_start3A_147, %dma_start3A_153] : memref<25x400xi32, #tpu.memory_space<vmem>> -> memref<1x400xi32, #tpu.memory_space<vmem>>
    %dma_start3A_155 = tpu.memref_squeeze %dma_start3A_154 : memref<1x400xi32, #tpu.memory_space<vmem>> -> memref<400xi32, #tpu.memory_space<vmem>>
    %dma_start3A_156 = arith.constant 0 : i32
    %dma_start3A_157 = arith.constant 0 : i32
    %dma_start3A_158 = tpu.memref_slice %arg13[%dma_start3A_156, %dma_start3A_157] : memref<10240x32xf32, #tpu.memory_space<vmem_shared>> -> memref<10240x32xf32, #tpu.memory_space<vmem_shared>>
    %dma_start3A_159 = tpu.memref_slice %arg12[%dma_start3A_148] : memref<3x!tpu.dma_semaphore, #tpu.memory_space<semaphore_mem>> -> memref<1x!tpu.dma_semaphore, #tpu.memory_space<semaphore_mem>>
    %dma_start3A_160 = tpu.memref_squeeze %dma_start3A_159 : memref<1x!tpu.dma_semaphore, #tpu.memory_space<semaphore_mem>> -> memref<!tpu.dma_semaphore, #tpu.memory_space<semaphore_mem>>
    tpu.enqueue_indirect_dma source(%dma_start3A_152 : memref<400x32xf32, #tpu.memory_space<vmem>>) target(%dma_start3A_158 : memref<10240x32xf32, #tpu.memory_space<vmem_shared>>) offsets(%dma_start3A_155 : memref<400xi32, #tpu.memory_space<vmem>>) semaphore(%dma_start3A_160 : memref<!tpu.dma_semaphore, #tpu.memory_space<semaphore_mem>>) {add = true}
    %dma_wait3A_161 = arith.constant 0 : i32
    %dma_wait3A_162 = arith.constant 0 : i32
    %dma_wait3A_163 = arith.constant 0 : i32
    %dma_wait3A_164 = arith.constant 0 : i32
    %dma_wait3A_165 = arith.constant 0 : i32
    %dma_wait3A_166 = tpu.memref_slice %arg8[%dma_wait3A_161, %dma_wait3A_164, %dma_wait3A_165] : memref<3x400x32xf32, #tpu.memory_space<vmem>> -> memref<1x400x32xf32, #tpu.memory_space<vmem>>
    %dma_wait3A_167 = tpu.memref_squeeze %dma_wait3A_166 : memref<1x400x32xf32, #tpu.memory_space<vmem>> -> memref<400x32xf32, #tpu.memory_space<vmem>>
    %dma_wait3A_168 = arith.constant 0 : i32
    %dma_wait3A_169 = tpu.memref_slice %arg7[%dma_wait3A_162, %dma_wait3A_168] : memref<25x400xi32, #tpu.memory_space<vmem>> -> memref<1x400xi32, #tpu.memory_space<vmem>>
    %dma_wait3A_170 = tpu.memref_squeeze %dma_wait3A_169 : memref<1x400xi32, #tpu.memory_space<vmem>> -> memref<400xi32, #tpu.memory_space<vmem>>
    %dma_wait3A_171 = arith.constant 0 : i32
    %dma_wait3A_172 = arith.constant 0 : i32
    %dma_wait3A_173 = tpu.memref_slice %arg13[%dma_wait3A_171, %dma_wait3A_172] : memref<10240x32xf32, #tpu.memory_space<vmem_shared>> -> memref<10240x32xf32, #tpu.memory_space<vmem_shared>>
    %dma_wait3A_174 = tpu.memref_slice %arg12[%dma_wait3A_163] : memref<3x!tpu.dma_semaphore, #tpu.memory_space<semaphore_mem>> -> memref<1x!tpu.dma_semaphore, #tpu.memory_space<semaphore_mem>>
    %dma_wait3A_175 = tpu.memref_squeeze %dma_wait3A_174 : memref<1x!tpu.dma_semaphore, #tpu.memory_space<semaphore_mem>> -> memref<!tpu.dma_semaphore, #tpu.memory_space<semaphore_mem>>
    tpu.wait_indirect_dma semaphore(%dma_wait3A_175 : memref<!tpu.dma_semaphore, #tpu.memory_space<semaphore_mem>>) src(%dma_wait3A_167 : memref<400x32xf32, #tpu.memory_space<vmem>>) dst(%dma_wait3A_173 : memref<10240x32xf32, #tpu.memory_space<vmem_shared>>)
    %dma_start3A_176 = arith.constant 3 : i32
    %dma_start3A_177 = arith.constant 0 : i32
    %dma_start3A_178 = arith.constant 0 : i32
    %dma_start3A_179 = arith.constant 0 : i32
    %dma_start3A_180 = arith.constant 0 : i32
    %dma_start3A_181 = tpu.memref_slice %arg8[%dma_start3A_177, %dma_start3A_179, %dma_start3A_180] : memref<3x400x32xf32, #tpu.memory_space<vmem>> -> memref<1x400x32xf32, #tpu.memory_space<vmem>>
    %dma_start3A_182 = tpu.memref_squeeze %dma_start3A_181 : memref<1x400x32xf32, #tpu.memory_space<vmem>> -> memref<400x32xf32, #tpu.memory_space<vmem>>
    %dma_start3A_183 = arith.constant 0 : i32
    %dma_start3A_184 = tpu.memref_slice %arg6[%dma_start3A_176, %dma_start3A_183] : memref<25x400xi32, #tpu.memory_space<vmem>> -> memref<1x400xi32, #tpu.memory_space<vmem>>
    %dma_start3A_185 = tpu.memref_squeeze %dma_start3A_184 : memref<1x400xi32, #tpu.memory_space<vmem>> -> memref<400xi32, #tpu.memory_space<vmem>>
    %dma_start3A_186 = arith.constant 0 : i32
    %dma_start3A_187 = arith.constant 0 : i32
    %dma_start3A_188 = tpu.memref_slice %arg2[%dma_start3A_186, %dma_start3A_187] : memref<10000x32xf32, #tpu.memory_space<hbm>> -> memref<10000x32xf32, #tpu.memory_space<hbm>>
    %dma_start3A_189 = tpu.memref_slice %arg11[%dma_start3A_178] : memref<3x!tpu.dma_semaphore, #tpu.memory_space<semaphore_mem>> -> memref<1x!tpu.dma_semaphore, #tpu.memory_space<semaphore_mem>>
    %dma_start3A_190 = tpu.memref_squeeze %dma_start3A_189 : memref<1x!tpu.dma_semaphore, #tpu.memory_space<semaphore_mem>> -> memref<!tpu.dma_semaphore, #tpu.memory_space<semaphore_mem>>
    tpu.enqueue_indirect_dma source(%dma_start3A_188 : memref<10000x32xf32, #tpu.memory_space<hbm>>) target(%dma_start3A_182 : memref<400x32xf32, #tpu.memory_space<vmem>>) offsets(%dma_start3A_185 : memref<400xi32, #tpu.memory_space<vmem>>) semaphore(%dma_start3A_190 : memref<!tpu.dma_semaphore, #tpu.memory_space<semaphore_mem>>)
    %scan3A_191 = arith.constant 0 : i32
    %scan3A_192 = arith.constant 2 : i32
    %scan3A_193 = arith.constant 21 : i32
    %scan3A_194 = arith.addi %scan3A_192, %scan3A_193 : i32
    %scan3A_195 = arith.constant 1 : i32
    %scan3A_196 = scf.for %scan3A_306 = %scan3A_192 to %scan3A_194 step %scan3A_195 iter_args(%scan3A_307 = %scan3A_191) -> (i32)  : i32 {
      %rem3A = arith.constant 3 : i32
      %rem3A_308 = arith.remsi %scan3A_306, %rem3A : i32
      %add3A_309 = arith.constant 2 : i32
      %add3A_310 = arith.addi %scan3A_306, %add3A_309 : i32
      %rem3A_311 = arith.constant 3 : i32
      %rem3A_312 = arith.remsi %add3A_310, %rem3A_311 : i32
      %dma_wait3A_313 = arith.constant 0 : i32
      %dma_wait3A_314 = arith.constant 0 : i32
      %dma_wait3A_315 = arith.constant 0 : i32
      %dma_wait3A_316 = tpu.memref_slice %arg8[%rem3A_308, %dma_wait3A_314, %dma_wait3A_315] : memref<3x400x32xf32, #tpu.memory_space<vmem>> -> memref<1x400x32xf32, #tpu.memory_space<vmem>>
      %dma_wait3A_317 = tpu.memref_squeeze %dma_wait3A_316 : memref<1x400x32xf32, #tpu.memory_space<vmem>> -> memref<400x32xf32, #tpu.memory_space<vmem>>
      %dma_wait3A_318 = arith.constant 0 : i32
      %dma_wait3A_319 = tpu.memref_slice %arg6[%dma_wait3A_313, %dma_wait3A_318] : memref<25x400xi32, #tpu.memory_space<vmem>> -> memref<1x400xi32, #tpu.memory_space<vmem>>
      %dma_wait3A_320 = tpu.memref_squeeze %dma_wait3A_319 : memref<1x400xi32, #tpu.memory_space<vmem>> -> memref<400xi32, #tpu.memory_space<vmem>>
      %dma_wait3A_321 = arith.constant 0 : i32
      %dma_wait3A_322 = arith.constant 0 : i32
      %dma_wait3A_323 = tpu.memref_slice %arg2[%dma_wait3A_321, %dma_wait3A_322] : memref<10000x32xf32, #tpu.memory_space<hbm>> -> memref<10000x32xf32, #tpu.memory_space<hbm>>
      %dma_wait3A_324 = tpu.memref_slice %arg11[%rem3A_308] : memref<3x!tpu.dma_semaphore, #tpu.memory_space<semaphore_mem>> -> memref<1x!tpu.dma_semaphore, #tpu.memory_space<semaphore_mem>>
      %dma_wait3A_325 = tpu.memref_squeeze %dma_wait3A_324 : memref<1x!tpu.dma_semaphore, #tpu.memory_space<semaphore_mem>> -> memref<!tpu.dma_semaphore, #tpu.memory_space<semaphore_mem>>
      tpu.wait_indirect_dma semaphore(%dma_wait3A_325 : memref<!tpu.dma_semaphore, #tpu.memory_space<semaphore_mem>>) src(%dma_wait3A_323 : memref<10000x32xf32, #tpu.memory_space<hbm>>) dst(%dma_wait3A_317 : memref<400x32xf32, #tpu.memory_space<vmem>>)
      %dma_start3A_326 = arith.constant 0 : i32
      %dma_start3A_327 = arith.constant 0 : i32
      %dma_start3A_328 = tpu.memref_slice %arg8[%rem3A_308, %dma_start3A_326, %dma_start3A_327] : memref<3x400x32xf32, #tpu.memory_space<vmem>> -> memref<1x400x32xf32, #tpu.memory_space<vmem>>
      %dma_start3A_329 = tpu.memref_squeeze %dma_start3A_328 : memref<1x400x32xf32, #tpu.memory_space<vmem>> -> memref<400x32xf32, #tpu.memory_space<vmem>>
      %dma_start3A_330 = arith.constant 0 : i32
      %dma_start3A_331 = tpu.memref_slice %arg7[%scan3A_306, %dma_start3A_330] : memref<25x400xi32, #tpu.memory_space<vmem>> -> memref<1x400xi32, #tpu.memory_space<vmem>>
      %dma_start3A_332 = tpu.memref_squeeze %dma_start3A_331 : memref<1x400xi32, #tpu.memory_space<vmem>> -> memref<400xi32, #tpu.memory_space<vmem>>
      %dma_start3A_333 = arith.constant 0 : i32
      %dma_start3A_334 = arith.constant 0 : i32
      %dma_start3A_335 = tpu.memref_slice %arg13[%dma_start3A_333, %dma_start3A_334] : memref<10240x32xf32, #tpu.memory_space<vmem_shared>> -> memref<10240x32xf32, #tpu.memory_space<vmem_shared>>
      %dma_start3A_336 = tpu.memref_slice %arg12[%rem3A_308] : memref<3x!tpu.dma_semaphore, #tpu.memory_space<semaphore_mem>> -> memref<1x!tpu.dma_semaphore, #tpu.memory_space<semaphore_mem>>
      %dma_start3A_337 = tpu.memref_squeeze %dma_start3A_336 : memref<1x!tpu.dma_semaphore, #tpu.memory_space<semaphore_mem>> -> memref<!tpu.dma_semaphore, #tpu.memory_space<semaphore_mem>>
      tpu.enqueue_indirect_dma source(%dma_start3A_329 : memref<400x32xf32, #tpu.memory_space<vmem>>) target(%dma_start3A_335 : memref<10240x32xf32, #tpu.memory_space<vmem_shared>>) offsets(%dma_start3A_332 : memref<400xi32, #tpu.memory_space<vmem>>) semaphore(%dma_start3A_337 : memref<!tpu.dma_semaphore, #tpu.memory_space<semaphore_mem>>) {add = true}
      %dma_wait3A_338 = arith.constant 0 : i32
      %dma_wait3A_339 = arith.constant 0 : i32
      %dma_wait3A_340 = arith.constant 0 : i32
      %dma_wait3A_341 = tpu.memref_slice %arg8[%rem3A_312, %dma_wait3A_339, %dma_wait3A_340] : memref<3x400x32xf32, #tpu.memory_space<vmem>> -> memref<1x400x32xf32, #tpu.memory_space<vmem>>
      %dma_wait3A_342 = tpu.memref_squeeze %dma_wait3A_341 : memref<1x400x32xf32, #tpu.memory_space<vmem>> -> memref<400x32xf32, #tpu.memory_space<vmem>>
      %dma_wait3A_343 = arith.constant 0 : i32
      %dma_wait3A_344 = tpu.memref_slice %arg7[%dma_wait3A_338, %dma_wait3A_343] : memref<25x400xi32, #tpu.memory_space<vmem>> -> memref<1x400xi32, #tpu.memory_space<vmem>>
      %dma_wait3A_345 = tpu.memref_squeeze %dma_wait3A_344 : memref<1x400xi32, #tpu.memory_space<vmem>> -> memref<400xi32, #tpu.memory_space<vmem>>
      %dma_wait3A_346 = arith.constant 0 : i32
      %dma_wait3A_347 = arith.constant 0 : i32
      %dma_wait3A_348 = tpu.memref_slice %arg13[%dma_wait3A_346, %dma_wait3A_347] : memref<10240x32xf32, #tpu.memory_space<vmem_shared>> -> memref<10240x32xf32, #tpu.memory_space<vmem_shared>>
      %dma_wait3A_349 = tpu.memref_slice %arg12[%rem3A_312] : memref<3x!tpu.dma_semaphore, #tpu.memory_space<semaphore_mem>> -> memref<1x!tpu.dma_semaphore, #tpu.memory_space<semaphore_mem>>
      %dma_wait3A_350 = tpu.memref_squeeze %dma_wait3A_349 : memref<1x!tpu.dma_semaphore, #tpu.memory_space<semaphore_mem>> -> memref<!tpu.dma_semaphore, #tpu.memory_space<semaphore_mem>>
      tpu.wait_indirect_dma semaphore(%dma_wait3A_350 : memref<!tpu.dma_semaphore, #tpu.memory_space<semaphore_mem>>) src(%dma_wait3A_342 : memref<400x32xf32, #tpu.memory_space<vmem>>) dst(%dma_wait3A_348 : memref<10240x32xf32, #tpu.memory_space<vmem_shared>>)
      %add3A_351 = arith.constant 2 : i32
      %add3A_352 = arith.addi %scan3A_306, %add3A_351 : i32
      %dma_start3A_353 = arith.constant 0 : i32
      %dma_start3A_354 = arith.constant 0 : i32
      %dma_start3A_355 = tpu.memref_slice %arg8[%rem3A_312, %dma_start3A_353, %dma_start3A_354] : memref<3x400x32xf32, #tpu.memory_space<vmem>> -> memref<1x400x32xf32, #tpu.memory_space<vmem>>
      %dma_start3A_356 = tpu.memref_squeeze %dma_start3A_355 : memref<1x400x32xf32, #tpu.memory_space<vmem>> -> memref<400x32xf32, #tpu.memory_space<vmem>>
      %dma_start3A_357 = arith.constant 0 : i32
      %dma_start3A_358 = tpu.memref_slice %arg6[%add3A_352, %dma_start3A_357] : memref<25x400xi32, #tpu.memory_space<vmem>> -> memref<1x400xi32, #tpu.memory_space<vmem>>
      %dma_start3A_359 = tpu.memref_squeeze %dma_start3A_358 : memref<1x400xi32, #tpu.memory_space<vmem>> -> memref<400xi32, #tpu.memory_space<vmem>>
      %dma_start3A_360 = arith.constant 0 : i32
      %dma_start3A_361 = arith.constant 0 : i32
      %dma_start3A_362 = tpu.memref_slice %arg2[%dma_start3A_360, %dma_start3A_361] : memref<10000x32xf32, #tpu.memory_space<hbm>> -> memref<10000x32xf32, #tpu.memory_space<hbm>>
      %dma_start3A_363 = tpu.memref_slice %arg11[%rem3A_312] : memref<3x!tpu.dma_semaphore, #tpu.memory_space<semaphore_mem>> -> memref<1x!tpu.dma_semaphore, #tpu.memory_space<semaphore_mem>>
      %dma_start3A_364 = tpu.memref_squeeze %dma_start3A_363 : memref<1x!tpu.dma_semaphore, #tpu.memory_space<semaphore_mem>> -> memref<!tpu.dma_semaphore, #tpu.memory_space<semaphore_mem>>
      tpu.enqueue_indirect_dma source(%dma_start3A_362 : memref<10000x32xf32, #tpu.memory_space<hbm>>) target(%dma_start3A_356 : memref<400x32xf32, #tpu.memory_space<vmem>>) offsets(%dma_start3A_359 : memref<400xi32, #tpu.memory_space<vmem>>) semaphore(%dma_start3A_364 : memref<!tpu.dma_semaphore, #tpu.memory_space<semaphore_mem>>)
      %scan3A_365 = arith.constant 0 : i32
      scf.yield %scan3A_365 : i32
    }
    %scan3A_197 = arith.constant 21 : i32
    %dma_wait3A_198 = arith.constant 0 : i32
    %dma_wait3A_199 = arith.constant 2 : i32
    %dma_wait3A_200 = arith.constant 2 : i32
    %dma_wait3A_201 = arith.constant 0 : i32
    %dma_wait3A_202 = arith.constant 0 : i32
    %dma_wait3A_203 = tpu.memref_slice %arg8[%dma_wait3A_199, %dma_wait3A_201, %dma_wait3A_202] : memref<3x400x32xf32, #tpu.memory_space<vmem>> -> memref<1x400x32xf32, #tpu.memory_space<vmem>>
    %dma_wait3A_204 = tpu.memref_squeeze %dma_wait3A_203 : memref<1x400x32xf32, #tpu.memory_space<vmem>> -> memref<400x32xf32, #tpu.memory_space<vmem>>
    %dma_wait3A_205 = arith.constant 0 : i32
    %dma_wait3A_206 = tpu.memref_slice %arg6[%dma_wait3A_198, %dma_wait3A_205] : memref<25x400xi32, #tpu.memory_space<vmem>> -> memref<1x400xi32, #tpu.memory_space<vmem>>
    %dma_wait3A_207 = tpu.memref_squeeze %dma_wait3A_206 : memref<1x400xi32, #tpu.memory_space<vmem>> -> memref<400xi32, #tpu.memory_space<vmem>>
    %dma_wait3A_208 = arith.constant 0 : i32
    %dma_wait3A_209 = arith.constant 0 : i32
    %dma_wait3A_210 = tpu.memref_slice %arg2[%dma_wait3A_208, %dma_wait3A_209] : memref<10000x32xf32, #tpu.memory_space<hbm>> -> memref<10000x32xf32, #tpu.memory_space<hbm>>
    %dma_wait3A_211 = tpu.memref_slice %arg11[%dma_wait3A_200] : memref<3x!tpu.dma_semaphore, #tpu.memory_space<semaphore_mem>> -> memref<1x!tpu.dma_semaphore, #tpu.memory_space<semaphore_mem>>
    %dma_wait3A_212 = tpu.memref_squeeze %dma_wait3A_211 : memref<1x!tpu.dma_semaphore, #tpu.memory_space<semaphore_mem>> -> memref<!tpu.dma_semaphore, #tpu.memory_space<semaphore_mem>>
    tpu.wait_indirect_dma semaphore(%dma_wait3A_212 : memref<!tpu.dma_semaphore, #tpu.memory_space<semaphore_mem>>) src(%dma_wait3A_210 : memref<10000x32xf32, #tpu.memory_space<hbm>>) dst(%dma_wait3A_204 : memref<400x32xf32, #tpu.memory_space<vmem>>)
    %dma_start3A_213 = arith.constant 2 : i32
    %dma_start3A_214 = arith.constant 23 : i32
    %dma_start3A_215 = arith.constant 2 : i32
    %dma_start3A_216 = arith.constant 0 : i32
    %dma_start3A_217 = arith.constant 0 : i32
    %dma_start3A_218 = tpu.memref_slice %arg8[%dma_start3A_213, %dma_start3A_216, %dma_start3A_217] : memref<3x400x32xf32, #tpu.memory_space<vmem>> -> memref<1x400x32xf32, #tpu.memory_space<vmem>>
    %dma_start3A_219 = tpu.memref_squeeze %dma_start3A_218 : memref<1x400x32xf32, #tpu.memory_space<vmem>> -> memref<400x32xf32, #tpu.memory_space<vmem>>
    %dma_start3A_220 = arith.constant 0 : i32
    %dma_start3A_221 = tpu.memref_slice %arg7[%dma_start3A_214, %dma_start3A_220] : memref<25x400xi32, #tpu.memory_space<vmem>> -> memref<1x400xi32, #tpu.memory_space<vmem>>
    %dma_start3A_222 = tpu.memref_squeeze %dma_start3A_221 : memref<1x400xi32, #tpu.memory_space<vmem>> -> memref<400xi32, #tpu.memory_space<vmem>>
    %dma_start3A_223 = arith.constant 0 : i32
    %dma_start3A_224 = arith.constant 0 : i32
    %dma_start3A_225 = tpu.memref_slice %arg13[%dma_start3A_223, %dma_start3A_224] : memref<10240x32xf32, #tpu.memory_space<vmem_shared>> -> memref<10240x32xf32, #tpu.memory_space<vmem_shared>>
    %dma_start3A_226 = tpu.memref_slice %arg12[%dma_start3A_215] : memref<3x!tpu.dma_semaphore, #tpu.memory_space<semaphore_mem>> -> memref<1x!tpu.dma_semaphore, #tpu.memory_space<semaphore_mem>>
    %dma_start3A_227 = tpu.memref_squeeze %dma_start3A_226 : memref<1x!tpu.dma_semaphore, #tpu.memory_space<semaphore_mem>> -> memref<!tpu.dma_semaphore, #tpu.memory_space<semaphore_mem>>
    tpu.enqueue_indirect_dma source(%dma_start3A_219 : memref<400x32xf32, #tpu.memory_space<vmem>>) target(%dma_start3A_225 : memref<10240x32xf32, #tpu.memory_space<vmem_shared>>) offsets(%dma_start3A_222 : memref<400xi32, #tpu.memory_space<vmem>>) semaphore(%dma_start3A_227 : memref<!tpu.dma_semaphore, #tpu.memory_space<semaphore_mem>>) {add = true}
    %dma_wait3A_228 = arith.constant 0 : i32
    %dma_wait3A_229 = arith.constant 0 : i32
    %dma_wait3A_230 = arith.constant 0 : i32
    %dma_wait3A_231 = arith.constant 0 : i32
    %dma_wait3A_232 = arith.constant 0 : i32
    %dma_wait3A_233 = tpu.memref_slice %arg8[%dma_wait3A_229, %dma_wait3A_231, %dma_wait3A_232] : memref<3x400x32xf32, #tpu.memory_space<vmem>> -> memref<1x400x32xf32, #tpu.memory_space<vmem>>
    %dma_wait3A_234 = tpu.memref_squeeze %dma_wait3A_233 : memref<1x400x32xf32, #tpu.memory_space<vmem>> -> memref<400x32xf32, #tpu.memory_space<vmem>>
    %dma_wait3A_235 = arith.constant 0 : i32
    %dma_wait3A_236 = tpu.memref_slice %arg6[%dma_wait3A_228, %dma_wait3A_235] : memref<25x400xi32, #tpu.memory_space<vmem>> -> memref<1x400xi32, #tpu.memory_space<vmem>>
    %dma_wait3A_237 = tpu.memref_squeeze %dma_wait3A_236 : memref<1x400xi32, #tpu.memory_space<vmem>> -> memref<400xi32, #tpu.memory_space<vmem>>
    %dma_wait3A_238 = arith.constant 0 : i32
    %dma_wait3A_239 = arith.constant 0 : i32
    %dma_wait3A_240 = tpu.memref_slice %arg2[%dma_wait3A_238, %dma_wait3A_239] : memref<10000x32xf32, #tpu.memory_space<hbm>> -> memref<10000x32xf32, #tpu.memory_space<hbm>>
    %dma_wait3A_241 = tpu.memref_slice %arg11[%dma_wait3A_230] : memref<3x!tpu.dma_semaphore, #tpu.memory_space<semaphore_mem>> -> memref<1x!tpu.dma_semaphore, #tpu.memory_space<semaphore_mem>>
    %dma_wait3A_242 = tpu.memref_squeeze %dma_wait3A_241 : memref<1x!tpu.dma_semaphore, #tpu.memory_space<semaphore_mem>> -> memref<!tpu.dma_semaphore, #tpu.memory_space<semaphore_mem>>
    tpu.wait_indirect_dma semaphore(%dma_wait3A_242 : memref<!tpu.dma_semaphore, #tpu.memory_space<semaphore_mem>>) src(%dma_wait3A_240 : memref<10000x32xf32, #tpu.memory_space<hbm>>) dst(%dma_wait3A_234 : memref<400x32xf32, #tpu.memory_space<vmem>>)
    %dma_start3A_243 = arith.constant 0 : i32
    %dma_start3A_244 = arith.constant 24 : i32
    %dma_start3A_245 = arith.constant 0 : i32
    %dma_start3A_246 = arith.constant 0 : i32
    %dma_start3A_247 = arith.constant 0 : i32
    %dma_start3A_248 = tpu.memref_slice %arg8[%dma_start3A_243, %dma_start3A_246, %dma_start3A_247] : memref<3x400x32xf32, #tpu.memory_space<vmem>> -> memref<1x400x32xf32, #tpu.memory_space<vmem>>
    %dma_start3A_249 = tpu.memref_squeeze %dma_start3A_248 : memref<1x400x32xf32, #tpu.memory_space<vmem>> -> memref<400x32xf32, #tpu.memory_space<vmem>>
    %dma_start3A_250 = arith.constant 0 : i32
    %dma_start3A_251 = tpu.memref_slice %arg7[%dma_start3A_244, %dma_start3A_250] : memref<25x400xi32, #tpu.memory_space<vmem>> -> memref<1x400xi32, #tpu.memory_space<vmem>>
    %dma_start3A_252 = tpu.memref_squeeze %dma_start3A_251 : memref<1x400xi32, #tpu.memory_space<vmem>> -> memref<400xi32, #tpu.memory_space<vmem>>
    %dma_start3A_253 = arith.constant 0 : i32
    %dma_start3A_254 = arith.constant 0 : i32
    %dma_start3A_255 = tpu.memref_slice %arg13[%dma_start3A_253, %dma_start3A_254] : memref<10240x32xf32, #tpu.memory_space<vmem_shared>> -> memref<10240x32xf32, #tpu.memory_space<vmem_shared>>
    %dma_start3A_256 = tpu.memref_slice %arg12[%dma_start3A_245] : memref<3x!tpu.dma_semaphore, #tpu.memory_space<semaphore_mem>> -> memref<1x!tpu.dma_semaphore, #tpu.memory_space<semaphore_mem>>
    %dma_start3A_257 = tpu.memref_squeeze %dma_start3A_256 : memref<1x!tpu.dma_semaphore, #tpu.memory_space<semaphore_mem>> -> memref<!tpu.dma_semaphore, #tpu.memory_space<semaphore_mem>>
    tpu.enqueue_indirect_dma source(%dma_start3A_249 : memref<400x32xf32, #tpu.memory_space<vmem>>) target(%dma_start3A_255 : memref<10240x32xf32, #tpu.memory_space<vmem_shared>>) offsets(%dma_start3A_252 : memref<400xi32, #tpu.memory_space<vmem>>) semaphore(%dma_start3A_257 : memref<!tpu.dma_semaphore, #tpu.memory_space<semaphore_mem>>) {add = true}
    %dma_wait3A_258 = arith.constant 0 : i32
    %dma_wait3A_259 = arith.constant 0 : i32
    %dma_wait3A_260 = arith.constant 0 : i32
    %dma_wait3A_261 = arith.constant 0 : i32
    %dma_wait3A_262 = arith.constant 0 : i32
    %dma_wait3A_263 = tpu.memref_slice %arg8[%dma_wait3A_258, %dma_wait3A_261, %dma_wait3A_262] : memref<3x400x32xf32, #tpu.memory_space<vmem>> -> memref<1x400x32xf32, #tpu.memory_space<vmem>>
    %dma_wait3A_264 = tpu.memref_squeeze %dma_wait3A_263 : memref<1x400x32xf32, #tpu.memory_space<vmem>> -> memref<400x32xf32, #tpu.memory_space<vmem>>
    %dma_wait3A_265 = arith.constant 0 : i32
    %dma_wait3A_266 = tpu.memref_slice %arg7[%dma_wait3A_259, %dma_wait3A_265] : memref<25x400xi32, #tpu.memory_space<vmem>> -> memref<1x400xi32, #tpu.memory_space<vmem>>
    %dma_wait3A_267 = tpu.memref_squeeze %dma_wait3A_266 : memref<1x400xi32, #tpu.memory_space<vmem>> -> memref<400xi32, #tpu.memory_space<vmem>>
    %dma_wait3A_268 = arith.constant 0 : i32
    %dma_wait3A_269 = arith.constant 0 : i32
    %dma_wait3A_270 = tpu.memref_slice %arg13[%dma_wait3A_268, %dma_wait3A_269] : memref<10240x32xf32, #tpu.memory_space<vmem_shared>> -> memref<10240x32xf32, #tpu.memory_space<vmem_shared>>
    %dma_wait3A_271 = tpu.memref_slice %arg12[%dma_wait3A_260] : memref<3x!tpu.dma_semaphore, #tpu.memory_space<semaphore_mem>> -> memref<1x!tpu.dma_semaphore, #tpu.memory_space<semaphore_mem>>
    %dma_wait3A_272 = tpu.memref_squeeze %dma_wait3A_271 : memref<1x!tpu.dma_semaphore, #tpu.memory_space<semaphore_mem>> -> memref<!tpu.dma_semaphore, #tpu.memory_space<semaphore_mem>>
    tpu.wait_indirect_dma semaphore(%dma_wait3A_272 : memref<!tpu.dma_semaphore, #tpu.memory_space<semaphore_mem>>) src(%dma_wait3A_264 : memref<400x32xf32, #tpu.memory_space<vmem>>) dst(%dma_wait3A_270 : memref<10240x32xf32, #tpu.memory_space<vmem_shared>>)
    %dma_wait3A_273 = arith.constant 1 : i32
    %dma_wait3A_274 = arith.constant 0 : i32
    %dma_wait3A_275 = arith.constant 1 : i32
    %dma_wait3A_276 = arith.constant 0 : i32
    %dma_wait3A_277 = arith.constant 0 : i32
    %dma_wait3A_278 = tpu.memref_slice %arg8[%dma_wait3A_273, %dma_wait3A_276, %dma_wait3A_277] : memref<3x400x32xf32, #tpu.memory_space<vmem>> -> memref<1x400x32xf32, #tpu.memory_space<vmem>>
    %dma_wait3A_279 = tpu.memref_squeeze %dma_wait3A_278 : memref<1x400x32xf32, #tpu.memory_space<vmem>> -> memref<400x32xf32, #tpu.memory_space<vmem>>
    %dma_wait3A_280 = arith.constant 0 : i32
    %dma_wait3A_281 = tpu.memref_slice %arg7[%dma_wait3A_274, %dma_wait3A_280] : memref<25x400xi32, #tpu.memory_space<vmem>> -> memref<1x400xi32, #tpu.memory_space<vmem>>
    %dma_wait3A_282 = tpu.memref_squeeze %dma_wait3A_281 : memref<1x400xi32, #tpu.memory_space<vmem>> -> memref<400xi32, #tpu.memory_space<vmem>>
    %dma_wait3A_283 = arith.constant 0 : i32
    %dma_wait3A_284 = arith.constant 0 : i32
    %dma_wait3A_285 = tpu.memref_slice %arg13[%dma_wait3A_283, %dma_wait3A_284] : memref<10240x32xf32, #tpu.memory_space<vmem_shared>> -> memref<10240x32xf32, #tpu.memory_space<vmem_shared>>
    %dma_wait3A_286 = tpu.memref_slice %arg12[%dma_wait3A_275] : memref<3x!tpu.dma_semaphore, #tpu.memory_space<semaphore_mem>> -> memref<1x!tpu.dma_semaphore, #tpu.memory_space<semaphore_mem>>
    %dma_wait3A_287 = tpu.memref_squeeze %dma_wait3A_286 : memref<1x!tpu.dma_semaphore, #tpu.memory_space<semaphore_mem>> -> memref<!tpu.dma_semaphore, #tpu.memory_space<semaphore_mem>>
    tpu.wait_indirect_dma semaphore(%dma_wait3A_287 : memref<!tpu.dma_semaphore, #tpu.memory_space<semaphore_mem>>) src(%dma_wait3A_279 : memref<400x32xf32, #tpu.memory_space<vmem>>) dst(%dma_wait3A_285 : memref<10240x32xf32, #tpu.memory_space<vmem_shared>>)
    %dma_wait3A_288 = arith.constant 2 : i32
    %dma_wait3A_289 = arith.constant 0 : i32
    %dma_wait3A_290 = arith.constant 2 : i32
    %dma_wait3A_291 = arith.constant 0 : i32
    %dma_wait3A_292 = arith.constant 0 : i32
    %dma_wait3A_293 = tpu.memref_slice %arg8[%dma_wait3A_288, %dma_wait3A_291, %dma_wait3A_292] : memref<3x400x32xf32, #tpu.memory_space<vmem>> -> memref<1x400x32xf32, #tpu.memory_space<vmem>>
    %dma_wait3A_294 = tpu.memref_squeeze %dma_wait3A_293 : memref<1x400x32xf32, #tpu.memory_space<vmem>> -> memref<400x32xf32, #tpu.memory_space<vmem>>
    %dma_wait3A_295 = arith.constant 0 : i32
    %dma_wait3A_296 = tpu.memref_slice %arg7[%dma_wait3A_289, %dma_wait3A_295] : memref<25x400xi32, #tpu.memory_space<vmem>> -> memref<1x400xi32, #tpu.memory_space<vmem>>
    %dma_wait3A_297 = tpu.memref_squeeze %dma_wait3A_296 : memref<1x400xi32, #tpu.memory_space<vmem>> -> memref<400xi32, #tpu.memory_space<vmem>>
    %dma_wait3A_298 = arith.constant 0 : i32
    %dma_wait3A_299 = arith.constant 0 : i32
    %dma_wait3A_300 = tpu.memref_slice %arg13[%dma_wait3A_298, %dma_wait3A_299] : memref<10240x32xf32, #tpu.memory_space<vmem_shared>> -> memref<10240x32xf32, #tpu.memory_space<vmem_shared>>
    %dma_wait3A_301 = tpu.memref_slice %arg12[%dma_wait3A_290] : memref<3x!tpu.dma_semaphore, #tpu.memory_space<semaphore_mem>> -> memref<1x!tpu.dma_semaphore, #tpu.memory_space<semaphore_mem>>
    %dma_wait3A_302 = tpu.memref_squeeze %dma_wait3A_301 : memref<1x!tpu.dma_semaphore, #tpu.memory_space<semaphore_mem>> -> memref<!tpu.dma_semaphore, #tpu.memory_space<semaphore_mem>>
    tpu.wait_indirect_dma semaphore(%dma_wait3A_302 : memref<!tpu.dma_semaphore, #tpu.memory_space<semaphore_mem>>) src(%dma_wait3A_294 : memref<400x32xf32, #tpu.memory_space<vmem>>) dst(%dma_wait3A_300 : memref<10240x32xf32, #tpu.memory_space<vmem_shared>>)
    %barrier3A_303 = arith.constant 0 : index
    tpu.barrier barrier_id(%barrier3A_303)
    %mul3A_304 = arith.constant 640 : i32
    %mul3A_305 = arith.muli %arg1, %mul3A_304 : i32
    "tpu.region"() ({
      %run_scoped3A = tpu.sem_alloc : memref<!tpu.dma_semaphore, #tpu.memory_space<semaphore_mem>>
      %dma_start3A_306 = arith.constant 0 : i32
      %dma_start3A_307 = tpu.memref_slice %arg5[%arg0, %mul3A_305, %dma_start3A_306] : memref<2x10240x32xf32, #tpu.memory_space<hbm>> -> memref<1x640x32xf32, #tpu.memory_space<hbm>>
      %dma_start3A_308 = tpu.memref_squeeze %dma_start3A_307 : memref<1x640x32xf32, #tpu.memory_space<hbm>> -> memref<640x32xf32, #tpu.memory_space<hbm>>
      %dma_start3A_309 = arith.constant 0 : i32
      %dma_start3A_310 = tpu.memref_slice %arg13[%mul3A_305, %dma_start3A_309] : memref<10240x32xf32, #tpu.memory_space<vmem_shared>> -> memref<640x32xf32, #tpu.memory_space<vmem_shared>>
      tpu.enqueue_dma source(%dma_start3A_310 : memref<640x32xf32, #tpu.memory_space<vmem_shared>>) target(%dma_start3A_308 : memref<640x32xf32, #tpu.memory_space<hbm>>) target_semaphore(%run_scoped3A : memref<!tpu.dma_semaphore, #tpu.memory_space<semaphore_mem>>)
      %dma_wait3A_311 = arith.constant 0 : i32
      %dma_wait3A_312 = tpu.memref_slice %arg5[%arg0, %mul3A_305, %dma_wait3A_311] : memref<2x10240x32xf32, #tpu.memory_space<hbm>> -> memref<1x640x32xf32, #tpu.memory_space<hbm>>
      %dma_wait3A_313 = tpu.memref_squeeze %dma_wait3A_312 : memref<1x640x32xf32, #tpu.memory_space<hbm>> -> memref<640x32xf32, #tpu.memory_space<hbm>>
      %dma_wait3A_314 = arith.constant 0 : i32
      %dma_wait3A_315 = tpu.memref_slice %arg13[%mul3A_305, %dma_wait3A_314] : memref<10240x32xf32, #tpu.memory_space<vmem_shared>> -> memref<640x32xf32, #tpu.memory_space<vmem_shared>>
      tpu.wait_dma2 semaphore(%run_scoped3A : memref<!tpu.dma_semaphore, #tpu.memory_space<semaphore_mem>>) src(%dma_wait3A_315 : memref<640x32xf32, #tpu.memory_space<vmem_shared>>) dst(%dma_wait3A_313 : memref<640x32xf32, #tpu.memory_space<hbm>>)
      tpu.yield
    }) : () -> ()
    return
  }
}

#map = affine_map<(d0, d1) -> (0, 0)>
#map1 = affine_map<(d0, d1) -> (0, 0, 0)>
module attributes {stable_mosaic.version = 14 : i64} {
  func.func @seg_kernel(%arg0: i32, %arg1: i32, %arg2: memref<10000x128xf32, #tpu.memory_space<hbm>>, %arg3: memref<32x125x80xi32, #tpu.memory_space<hbm>>, %arg4: memref<32x125x80xi32, #tpu.memory_space<hbm>>, %arg5: memref<2x10240x128xf32, #tpu.memory_space<hbm>>, %arg6: memref<125x80xi32, #tpu.memory_space<vmem>>, %arg7: memref<8x80xi32, #tpu.memory_space<vmem>>, %arg8: memref<3x80x128xf32, #tpu.memory_space<vmem>>, %arg9: memref<!tpu.dma_semaphore, #tpu.memory_space<semaphore_mem>>, %arg10: memref<8x!tpu.dma_semaphore, #tpu.memory_space<semaphore_mem>>, %arg11: memref<3x!tpu.dma_semaphore, #tpu.memory_space<semaphore_mem>>, %arg12: memref<3x!tpu.dma_semaphore, #tpu.memory_space<semaphore_mem>>, %arg13: memref<10240x128xf32, #tpu.memory_space<vmem_shared>>) attributes {dimension_semantics = [#tpu.dimension_semantics<core_parallel>, #tpu.dimension_semantics<subcore_parallel>], iteration_bounds = array<i64: 2, 16>, scalar_prefetch = 0 : i64, scratch_operands = 8 : i64, tpu.core_type = #tpu.core_type<sc_vector_subcore>, window_params = [{transform_indices = #map}, {transform_indices = #map1}, {transform_indices = #map1}, {transform_indices = #map1}]} {
    %mul3A = arith.constant 16 : i32
    %mul3A_0 = arith.muli %arg0, %mul3A : i32
    %add3A = arith.addi %mul3A_0, %arg1 : i32
    %dma_start3A = arith.constant 0 : i32
    %dma_start3A_1 = arith.constant 0 : i32
    %dma_start3A_2 = tpu.memref_slice %arg3[%add3A, %dma_start3A, %dma_start3A_1] : memref<32x125x80xi32, #tpu.memory_space<hbm>> -> memref<1x125x80xi32, #tpu.memory_space<hbm>>
    %dma_start3A_3 = tpu.memref_squeeze %dma_start3A_2 : memref<1x125x80xi32, #tpu.memory_space<hbm>> -> memref<125x80xi32, #tpu.memory_space<hbm>>
    %dma_start3A_4 = arith.constant 0 : i32
    %dma_start3A_5 = arith.constant 0 : i32
    %dma_start3A_6 = tpu.memref_slice %arg3[%add3A, %dma_start3A_4, %dma_start3A_5] : memref<32x125x80xi32, #tpu.memory_space<hbm>> -> memref<1x125x80xi32, #tpu.memory_space<hbm>>
    %dma_start3A_7 = tpu.memref_squeeze %dma_start3A_6 : memref<1x125x80xi32, #tpu.memory_space<hbm>> -> memref<125x80xi32, #tpu.memory_space<hbm>>
    tpu.enqueue_dma source(%dma_start3A_7 : memref<125x80xi32, #tpu.memory_space<hbm>>) target(%arg6 : memref<125x80xi32, #tpu.memory_space<vmem>>) target_semaphore(%arg9 : memref<!tpu.dma_semaphore, #tpu.memory_space<semaphore_mem>>)
    %dma_start3A_8 = arith.constant 0 : i32
    %dma_start3A_9 = arith.constant 0 : i32
    %dma_start3A_10 = arith.constant 0 : i32
    %dma_start3A_11 = arith.constant 0 : i32
    %dma_start3A_12 = tpu.memref_slice %arg7[%dma_start3A_9, %dma_start3A_11] : memref<8x80xi32, #tpu.memory_space<vmem>> -> memref<1x80xi32, #tpu.memory_space<vmem>>
    %dma_start3A_13 = tpu.memref_squeeze %dma_start3A_12 : memref<1x80xi32, #tpu.memory_space<vmem>> -> memref<80xi32, #tpu.memory_space<vmem>>
    %dma_start3A_14 = arith.constant 0 : i32
    %dma_start3A_15 = tpu.memref_slice %arg4[%add3A, %dma_start3A_8, %dma_start3A_14] : memref<32x125x80xi32, #tpu.memory_space<hbm>> -> memref<1x1x80xi32, #tpu.memory_space<hbm>>
    %dma_start3A_16 = tpu.memref_squeeze %dma_start3A_15 : memref<1x1x80xi32, #tpu.memory_space<hbm>> -> memref<80xi32, #tpu.memory_space<hbm>>
    %dma_start3A_17 = tpu.memref_slice %arg10[%dma_start3A_10] : memref<8x!tpu.dma_semaphore, #tpu.memory_space<semaphore_mem>> -> memref<1x!tpu.dma_semaphore, #tpu.memory_space<semaphore_mem>>
    %dma_start3A_18 = tpu.memref_squeeze %dma_start3A_17 : memref<1x!tpu.dma_semaphore, #tpu.memory_space<semaphore_mem>> -> memref<!tpu.dma_semaphore, #tpu.memory_space<semaphore_mem>>
    %dma_start3A_19 = arith.constant 0 : i32
    %dma_start3A_20 = tpu.memref_slice %arg7[%dma_start3A_9, %dma_start3A_19] : memref<8x80xi32, #tpu.memory_space<vmem>> -> memref<1x80xi32, #tpu.memory_space<vmem>>
    %dma_start3A_21 = tpu.memref_squeeze %dma_start3A_20 : memref<1x80xi32, #tpu.memory_space<vmem>> -> memref<80xi32, #tpu.memory_space<vmem>>
    %dma_start3A_22 = arith.constant 0 : i32
    %dma_start3A_23 = tpu.memref_slice %arg4[%add3A, %dma_start3A_8, %dma_start3A_22] : memref<32x125x80xi32, #tpu.memory_space<hbm>> -> memref<1x1x80xi32, #tpu.memory_space<hbm>>
    %dma_start3A_24 = tpu.memref_squeeze %dma_start3A_23 : memref<1x1x80xi32, #tpu.memory_space<hbm>> -> memref<80xi32, #tpu.memory_space<hbm>>
    tpu.enqueue_dma source(%dma_start3A_24 : memref<80xi32, #tpu.memory_space<hbm>>) target(%dma_start3A_21 : memref<80xi32, #tpu.memory_space<vmem>>) target_semaphore(%dma_start3A_18 : memref<!tpu.dma_semaphore, #tpu.memory_space<semaphore_mem>>)
    %dma_start3A_25 = arith.constant 1 : i32
    %dma_start3A_26 = arith.constant 1 : i32
    %dma_start3A_27 = arith.constant 1 : i32
    %dma_start3A_28 = arith.constant 0 : i32
    %dma_start3A_29 = tpu.memref_slice %arg7[%dma_start3A_26, %dma_start3A_28] : memref<8x80xi32, #tpu.memory_space<vmem>> -> memref<1x80xi32, #tpu.memory_space<vmem>>
    %dma_start3A_30 = tpu.memref_squeeze %dma_start3A_29 : memref<1x80xi32, #tpu.memory_space<vmem>> -> memref<80xi32, #tpu.memory_space<vmem>>
    %dma_start3A_31 = arith.constant 0 : i32
    %dma_start3A_32 = tpu.memref_slice %arg4[%add3A, %dma_start3A_25, %dma_start3A_31] : memref<32x125x80xi32, #tpu.memory_space<hbm>> -> memref<1x1x80xi32, #tpu.memory_space<hbm>>
    %dma_start3A_33 = tpu.memref_squeeze %dma_start3A_32 : memref<1x1x80xi32, #tpu.memory_space<hbm>> -> memref<80xi32, #tpu.memory_space<hbm>>
    %dma_start3A_34 = tpu.memref_slice %arg10[%dma_start3A_27] : memref<8x!tpu.dma_semaphore, #tpu.memory_space<semaphore_mem>> -> memref<1x!tpu.dma_semaphore, #tpu.memory_space<semaphore_mem>>
    %dma_start3A_35 = tpu.memref_squeeze %dma_start3A_34 : memref<1x!tpu.dma_semaphore, #tpu.memory_space<semaphore_mem>> -> memref<!tpu.dma_semaphore, #tpu.memory_space<semaphore_mem>>
    %dma_start3A_36 = arith.constant 0 : i32
    %dma_start3A_37 = tpu.memref_slice %arg7[%dma_start3A_26, %dma_start3A_36] : memref<8x80xi32, #tpu.memory_space<vmem>> -> memref<1x80xi32, #tpu.memory_space<vmem>>
    %dma_start3A_38 = tpu.memref_squeeze %dma_start3A_37 : memref<1x80xi32, #tpu.memory_space<vmem>> -> memref<80xi32, #tpu.memory_space<vmem>>
    %dma_start3A_39 = arith.constant 0 : i32
    %dma_start3A_40 = tpu.memref_slice %arg4[%add3A, %dma_start3A_25, %dma_start3A_39] : memref<32x125x80xi32, #tpu.memory_space<hbm>> -> memref<1x1x80xi32, #tpu.memory_space<hbm>>
    %dma_start3A_41 = tpu.memref_squeeze %dma_start3A_40 : memref<1x1x80xi32, #tpu.memory_space<hbm>> -> memref<80xi32, #tpu.memory_space<hbm>>
    tpu.enqueue_dma source(%dma_start3A_41 : memref<80xi32, #tpu.memory_space<hbm>>) target(%dma_start3A_38 : memref<80xi32, #tpu.memory_space<vmem>>) target_semaphore(%dma_start3A_35 : memref<!tpu.dma_semaphore, #tpu.memory_space<semaphore_mem>>)
    %dma_start3A_42 = arith.constant 2 : i32
    %dma_start3A_43 = arith.constant 2 : i32
    %dma_start3A_44 = arith.constant 2 : i32
    %dma_start3A_45 = arith.constant 0 : i32
    %dma_start3A_46 = tpu.memref_slice %arg7[%dma_start3A_43, %dma_start3A_45] : memref<8x80xi32, #tpu.memory_space<vmem>> -> memref<1x80xi32, #tpu.memory_space<vmem>>
    %dma_start3A_47 = tpu.memref_squeeze %dma_start3A_46 : memref<1x80xi32, #tpu.memory_space<vmem>> -> memref<80xi32, #tpu.memory_space<vmem>>
    %dma_start3A_48 = arith.constant 0 : i32
    %dma_start3A_49 = tpu.memref_slice %arg4[%add3A, %dma_start3A_42, %dma_start3A_48] : memref<32x125x80xi32, #tpu.memory_space<hbm>> -> memref<1x1x80xi32, #tpu.memory_space<hbm>>
    %dma_start3A_50 = tpu.memref_squeeze %dma_start3A_49 : memref<1x1x80xi32, #tpu.memory_space<hbm>> -> memref<80xi32, #tpu.memory_space<hbm>>
    %dma_start3A_51 = tpu.memref_slice %arg10[%dma_start3A_44] : memref<8x!tpu.dma_semaphore, #tpu.memory_space<semaphore_mem>> -> memref<1x!tpu.dma_semaphore, #tpu.memory_space<semaphore_mem>>
    %dma_start3A_52 = tpu.memref_squeeze %dma_start3A_51 : memref<1x!tpu.dma_semaphore, #tpu.memory_space<semaphore_mem>> -> memref<!tpu.dma_semaphore, #tpu.memory_space<semaphore_mem>>
    %dma_start3A_53 = arith.constant 0 : i32
    %dma_start3A_54 = tpu.memref_slice %arg7[%dma_start3A_43, %dma_start3A_53] : memref<8x80xi32, #tpu.memory_space<vmem>> -> memref<1x80xi32, #tpu.memory_space<vmem>>
    %dma_start3A_55 = tpu.memref_squeeze %dma_start3A_54 : memref<1x80xi32, #tpu.memory_space<vmem>> -> memref<80xi32, #tpu.memory_space<vmem>>
    %dma_start3A_56 = arith.constant 0 : i32
    %dma_start3A_57 = tpu.memref_slice %arg4[%add3A, %dma_start3A_42, %dma_start3A_56] : memref<32x125x80xi32, #tpu.memory_space<hbm>> -> memref<1x1x80xi32, #tpu.memory_space<hbm>>
    %dma_start3A_58 = tpu.memref_squeeze %dma_start3A_57 : memref<1x1x80xi32, #tpu.memory_space<hbm>> -> memref<80xi32, #tpu.memory_space<hbm>>
    tpu.enqueue_dma source(%dma_start3A_58 : memref<80xi32, #tpu.memory_space<hbm>>) target(%dma_start3A_55 : memref<80xi32, #tpu.memory_space<vmem>>) target_semaphore(%dma_start3A_52 : memref<!tpu.dma_semaphore, #tpu.memory_space<semaphore_mem>>)
    %dma_start3A_59 = arith.constant 3 : i32
    %dma_start3A_60 = arith.constant 3 : i32
    %dma_start3A_61 = arith.constant 3 : i32
    %dma_start3A_62 = arith.constant 0 : i32
    %dma_start3A_63 = tpu.memref_slice %arg7[%dma_start3A_60, %dma_start3A_62] : memref<8x80xi32, #tpu.memory_space<vmem>> -> memref<1x80xi32, #tpu.memory_space<vmem>>
    %dma_start3A_64 = tpu.memref_squeeze %dma_start3A_63 : memref<1x80xi32, #tpu.memory_space<vmem>> -> memref<80xi32, #tpu.memory_space<vmem>>
    %dma_start3A_65 = arith.constant 0 : i32
    %dma_start3A_66 = tpu.memref_slice %arg4[%add3A, %dma_start3A_59, %dma_start3A_65] : memref<32x125x80xi32, #tpu.memory_space<hbm>> -> memref<1x1x80xi32, #tpu.memory_space<hbm>>
    %dma_start3A_67 = tpu.memref_squeeze %dma_start3A_66 : memref<1x1x80xi32, #tpu.memory_space<hbm>> -> memref<80xi32, #tpu.memory_space<hbm>>
    %dma_start3A_68 = tpu.memref_slice %arg10[%dma_start3A_61] : memref<8x!tpu.dma_semaphore, #tpu.memory_space<semaphore_mem>> -> memref<1x!tpu.dma_semaphore, #tpu.memory_space<semaphore_mem>>
    %dma_start3A_69 = tpu.memref_squeeze %dma_start3A_68 : memref<1x!tpu.dma_semaphore, #tpu.memory_space<semaphore_mem>> -> memref<!tpu.dma_semaphore, #tpu.memory_space<semaphore_mem>>
    %dma_start3A_70 = arith.constant 0 : i32
    %dma_start3A_71 = tpu.memref_slice %arg7[%dma_start3A_60, %dma_start3A_70] : memref<8x80xi32, #tpu.memory_space<vmem>> -> memref<1x80xi32, #tpu.memory_space<vmem>>
    %dma_start3A_72 = tpu.memref_squeeze %dma_start3A_71 : memref<1x80xi32, #tpu.memory_space<vmem>> -> memref<80xi32, #tpu.memory_space<vmem>>
    %dma_start3A_73 = arith.constant 0 : i32
    %dma_start3A_74 = tpu.memref_slice %arg4[%add3A, %dma_start3A_59, %dma_start3A_73] : memref<32x125x80xi32, #tpu.memory_space<hbm>> -> memref<1x1x80xi32, #tpu.memory_space<hbm>>
    %dma_start3A_75 = tpu.memref_squeeze %dma_start3A_74 : memref<1x1x80xi32, #tpu.memory_space<hbm>> -> memref<80xi32, #tpu.memory_space<hbm>>
    tpu.enqueue_dma source(%dma_start3A_75 : memref<80xi32, #tpu.memory_space<hbm>>) target(%dma_start3A_72 : memref<80xi32, #tpu.memory_space<vmem>>) target_semaphore(%dma_start3A_69 : memref<!tpu.dma_semaphore, #tpu.memory_space<semaphore_mem>>)
    %dma_start3A_76 = arith.constant 4 : i32
    %dma_start3A_77 = arith.constant 4 : i32
    %dma_start3A_78 = arith.constant 4 : i32
    %dma_start3A_79 = arith.constant 0 : i32
    %dma_start3A_80 = tpu.memref_slice %arg7[%dma_start3A_77, %dma_start3A_79] : memref<8x80xi32, #tpu.memory_space<vmem>> -> memref<1x80xi32, #tpu.memory_space<vmem>>
    %dma_start3A_81 = tpu.memref_squeeze %dma_start3A_80 : memref<1x80xi32, #tpu.memory_space<vmem>> -> memref<80xi32, #tpu.memory_space<vmem>>
    %dma_start3A_82 = arith.constant 0 : i32
    %dma_start3A_83 = tpu.memref_slice %arg4[%add3A, %dma_start3A_76, %dma_start3A_82] : memref<32x125x80xi32, #tpu.memory_space<hbm>> -> memref<1x1x80xi32, #tpu.memory_space<hbm>>
    %dma_start3A_84 = tpu.memref_squeeze %dma_start3A_83 : memref<1x1x80xi32, #tpu.memory_space<hbm>> -> memref<80xi32, #tpu.memory_space<hbm>>
    %dma_start3A_85 = tpu.memref_slice %arg10[%dma_start3A_78] : memref<8x!tpu.dma_semaphore, #tpu.memory_space<semaphore_mem>> -> memref<1x!tpu.dma_semaphore, #tpu.memory_space<semaphore_mem>>
    %dma_start3A_86 = tpu.memref_squeeze %dma_start3A_85 : memref<1x!tpu.dma_semaphore, #tpu.memory_space<semaphore_mem>> -> memref<!tpu.dma_semaphore, #tpu.memory_space<semaphore_mem>>
    %dma_start3A_87 = arith.constant 0 : i32
    %dma_start3A_88 = tpu.memref_slice %arg7[%dma_start3A_77, %dma_start3A_87] : memref<8x80xi32, #tpu.memory_space<vmem>> -> memref<1x80xi32, #tpu.memory_space<vmem>>
    %dma_start3A_89 = tpu.memref_squeeze %dma_start3A_88 : memref<1x80xi32, #tpu.memory_space<vmem>> -> memref<80xi32, #tpu.memory_space<vmem>>
    %dma_start3A_90 = arith.constant 0 : i32
    %dma_start3A_91 = tpu.memref_slice %arg4[%add3A, %dma_start3A_76, %dma_start3A_90] : memref<32x125x80xi32, #tpu.memory_space<hbm>> -> memref<1x1x80xi32, #tpu.memory_space<hbm>>
    %dma_start3A_92 = tpu.memref_squeeze %dma_start3A_91 : memref<1x1x80xi32, #tpu.memory_space<hbm>> -> memref<80xi32, #tpu.memory_space<hbm>>
    tpu.enqueue_dma source(%dma_start3A_92 : memref<80xi32, #tpu.memory_space<hbm>>) target(%dma_start3A_89 : memref<80xi32, #tpu.memory_space<vmem>>) target_semaphore(%dma_start3A_86 : memref<!tpu.dma_semaphore, #tpu.memory_space<semaphore_mem>>)
    %dma_start3A_93 = arith.constant 5 : i32
    %dma_start3A_94 = arith.constant 5 : i32
    %dma_start3A_95 = arith.constant 5 : i32
    %dma_start3A_96 = arith.constant 0 : i32
    %dma_start3A_97 = tpu.memref_slice %arg7[%dma_start3A_94, %dma_start3A_96] : memref<8x80xi32, #tpu.memory_space<vmem>> -> memref<1x80xi32, #tpu.memory_space<vmem>>
    %dma_start3A_98 = tpu.memref_squeeze %dma_start3A_97 : memref<1x80xi32, #tpu.memory_space<vmem>> -> memref<80xi32, #tpu.memory_space<vmem>>
    %dma_start3A_99 = arith.constant 0 : i32
    %dma_start3A_100 = tpu.memref_slice %arg4[%add3A, %dma_start3A_93, %dma_start3A_99] : memref<32x125x80xi32, #tpu.memory_space<hbm>> -> memref<1x1x80xi32, #tpu.memory_space<hbm>>
    %dma_start3A_101 = tpu.memref_squeeze %dma_start3A_100 : memref<1x1x80xi32, #tpu.memory_space<hbm>> -> memref<80xi32, #tpu.memory_space<hbm>>
    %dma_start3A_102 = tpu.memref_slice %arg10[%dma_start3A_95] : memref<8x!tpu.dma_semaphore, #tpu.memory_space<semaphore_mem>> -> memref<1x!tpu.dma_semaphore, #tpu.memory_space<semaphore_mem>>
    %dma_start3A_103 = tpu.memref_squeeze %dma_start3A_102 : memref<1x!tpu.dma_semaphore, #tpu.memory_space<semaphore_mem>> -> memref<!tpu.dma_semaphore, #tpu.memory_space<semaphore_mem>>
    %dma_start3A_104 = arith.constant 0 : i32
    %dma_start3A_105 = tpu.memref_slice %arg7[%dma_start3A_94, %dma_start3A_104] : memref<8x80xi32, #tpu.memory_space<vmem>> -> memref<1x80xi32, #tpu.memory_space<vmem>>
    %dma_start3A_106 = tpu.memref_squeeze %dma_start3A_105 : memref<1x80xi32, #tpu.memory_space<vmem>> -> memref<80xi32, #tpu.memory_space<vmem>>
    %dma_start3A_107 = arith.constant 0 : i32
    %dma_start3A_108 = tpu.memref_slice %arg4[%add3A, %dma_start3A_93, %dma_start3A_107] : memref<32x125x80xi32, #tpu.memory_space<hbm>> -> memref<1x1x80xi32, #tpu.memory_space<hbm>>
    %dma_start3A_109 = tpu.memref_squeeze %dma_start3A_108 : memref<1x1x80xi32, #tpu.memory_space<hbm>> -> memref<80xi32, #tpu.memory_space<hbm>>
    tpu.enqueue_dma source(%dma_start3A_109 : memref<80xi32, #tpu.memory_space<hbm>>) target(%dma_start3A_106 : memref<80xi32, #tpu.memory_space<vmem>>) target_semaphore(%dma_start3A_103 : memref<!tpu.dma_semaphore, #tpu.memory_space<semaphore_mem>>)
    %broadcast_in_dim3A = arith.constant 0.000000e+00 : f32
    %broadcast_in_dim3A_110 = vector.broadcast %broadcast_in_dim3A : f32 to vector<16xf32>
    %scan3A = arith.constant 0 : i32
    %scan3A_111 = arith.constant 0 : i32
    %scan3A_112 = arith.constant 80 : i32
    %scan3A_113 = arith.addi %scan3A_111, %scan3A_112 : i32
    %scan3A_114 = arith.constant 1 : i32
    %scan3A_115 = scf.for %scan3A_513 = %scan3A_111 to %scan3A_113 step %scan3A_114 iter_args(%scan3A_514 = %scan3A) -> (i32)  : i32 {
      %swap3A = arith.constant 0 : i32
      %swap3A_515 = arith.index_cast %swap3A : i32 to index
      %swap3A_516 = arith.index_cast %scan3A_513 : i32 to index
      %swap3A_517 = arith.constant 0 : index
      %swap3A_518 = tpu.vector_load %arg8[%swap3A_515, %swap3A_516, %swap3A_517] {strides = array<i32>} : memref<3x80x128xf32, #tpu.memory_space<vmem>>, vector<1x1x16xf32>,
      %swap3A_519 = vector.shape_cast %swap3A_518 : vector<1x1x16xf32> to vector<16xf32>
      %swap3A_520 = vector.shape_cast %broadcast_in_dim3A_110 : vector<16xf32> to vector<1x1x16xf32>
      tpu.vector_store %arg8[%swap3A_515, %swap3A_516, %swap3A_517], %swap3A_520 {strides = array<i32>} : memref<3x80x128xf32, #tpu.memory_space<vmem>>, vector<1x1x16xf32>,
      %swap3A_521 = arith.constant 0 : i32
      %swap3A_522 = arith.index_cast %swap3A_521 : i32 to index
      %swap3A_523 = arith.index_cast %scan3A_513 : i32 to index
      %swap3A_524 = arith.constant 16 : index
      %swap3A_525 = tpu.vector_load %arg8[%swap3A_522, %swap3A_523, %swap3A_524] {strides = array<i32>} : memref<3x80x128xf32, #tpu.memory_space<vmem>>, vector<1x1x16xf32>,
      %swap3A_526 = vector.shape_cast %swap3A_525 : vector<1x1x16xf32> to vector<16xf32>
      %swap3A_527 = vector.shape_cast %broadcast_in_dim3A_110 : vector<16xf32> to vector<1x1x16xf32>
      tpu.vector_store %arg8[%swap3A_522, %swap3A_523, %swap3A_524], %swap3A_527 {strides = array<i32>} : memref<3x80x128xf32, #tpu.memory_space<vmem>>, vector<1x1x16xf32>,
      %swap3A_528 = arith.constant 0 : i32
      %swap3A_529 = arith.index_cast %swap3A_528 : i32 to index
      %swap3A_530 = arith.index_cast %scan3A_513 : i32 to index
      %swap3A_531 = arith.constant 32 : index
      %swap3A_532 = tpu.vector_load %arg8[%swap3A_529, %swap3A_530, %swap3A_531] {strides = array<i32>} : memref<3x80x128xf32, #tpu.memory_space<vmem>>, vector<1x1x16xf32>,
      %swap3A_533 = vector.shape_cast %swap3A_532 : vector<1x1x16xf32> to vector<16xf32>
      %swap3A_534 = vector.shape_cast %broadcast_in_dim3A_110 : vector<16xf32> to vector<1x1x16xf32>
      tpu.vector_store %arg8[%swap3A_529, %swap3A_530, %swap3A_531], %swap3A_534 {strides = array<i32>} : memref<3x80x128xf32, #tpu.memory_space<vmem>>, vector<1x1x16xf32>,
      %swap3A_535 = arith.constant 0 : i32
      %swap3A_536 = arith.index_cast %swap3A_535 : i32 to index
      %swap3A_537 = arith.index_cast %scan3A_513 : i32 to index
      %swap3A_538 = arith.constant 48 : index
      %swap3A_539 = tpu.vector_load %arg8[%swap3A_536, %swap3A_537, %swap3A_538] {strides = array<i32>} : memref<3x80x128xf32, #tpu.memory_space<vmem>>, vector<1x1x16xf32>,
      %swap3A_540 = vector.shape_cast %swap3A_539 : vector<1x1x16xf32> to vector<16xf32>
      %swap3A_541 = vector.shape_cast %broadcast_in_dim3A_110 : vector<16xf32> to vector<1x1x16xf32>
      tpu.vector_store %arg8[%swap3A_536, %swap3A_537, %swap3A_538], %swap3A_541 {strides = array<i32>} : memref<3x80x128xf32, #tpu.memory_space<vmem>>, vector<1x1x16xf32>,
      %swap3A_542 = arith.constant 0 : i32
      %swap3A_543 = arith.index_cast %swap3A_542 : i32 to index
      %swap3A_544 = arith.index_cast %scan3A_513 : i32 to index
      %swap3A_545 = arith.constant 64 : index
      %swap3A_546 = tpu.vector_load %arg8[%swap3A_543, %swap3A_544, %swap3A_545] {strides = array<i32>} : memref<3x80x128xf32, #tpu.memory_space<vmem>>, vector<1x1x16xf32>,
      %swap3A_547 = vector.shape_cast %swap3A_546 : vector<1x1x16xf32> to vector<16xf32>
      %swap3A_548 = vector.shape_cast %broadcast_in_dim3A_110 : vector<16xf32> to vector<1x1x16xf32>
      tpu.vector_store %arg8[%swap3A_543, %swap3A_544, %swap3A_545], %swap3A_548 {strides = array<i32>} : memref<3x80x128xf32, #tpu.memory_space<vmem>>, vector<1x1x16xf32>,
      %swap3A_549 = arith.constant 0 : i32
      %swap3A_550 = arith.index_cast %swap3A_549 : i32 to index
      %swap3A_551 = arith.index_cast %scan3A_513 : i32 to index
      %swap3A_552 = arith.constant 80 : index
      %swap3A_553 = tpu.vector_load %arg8[%swap3A_550, %swap3A_551, %swap3A_552] {strides = array<i32>} : memref<3x80x128xf32, #tpu.memory_space<vmem>>, vector<1x1x16xf32>,
      %swap3A_554 = vector.shape_cast %swap3A_553 : vector<1x1x16xf32> to vector<16xf32>
      %swap3A_555 = vector.shape_cast %broadcast_in_dim3A_110 : vector<16xf32> to vector<1x1x16xf32>
      tpu.vector_store %arg8[%swap3A_550, %swap3A_551, %swap3A_552], %swap3A_555 {strides = array<i32>} : memref<3x80x128xf32, #tpu.memory_space<vmem>>, vector<1x1x16xf32>,
      %swap3A_556 = arith.constant 0 : i32
      %swap3A_557 = arith.index_cast %swap3A_556 : i32 to index
      %swap3A_558 = arith.index_cast %scan3A_513 : i32 to index
      %swap3A_559 = arith.constant 96 : index
      %swap3A_560 = tpu.vector_load %arg8[%swap3A_557, %swap3A_558, %swap3A_559] {strides = array<i32>} : memref<3x80x128xf32, #tpu.memory_space<vmem>>, vector<1x1x16xf32>,
      %swap3A_561 = vector.shape_cast %swap3A_560 : vector<1x1x16xf32> to vector<16xf32>
      %swap3A_562 = vector.shape_cast %broadcast_in_dim3A_110 : vector<16xf32> to vector<1x1x16xf32>
      tpu.vector_store %arg8[%swap3A_557, %swap3A_558, %swap3A_559], %swap3A_562 {strides = array<i32>} : memref<3x80x128xf32, #tpu.memory_space<vmem>>, vector<1x1x16xf32>,
      %swap3A_563 = arith.constant 0 : i32
      %swap3A_564 = arith.index_cast %swap3A_563 : i32 to index
      %swap3A_565 = arith.index_cast %scan3A_513 : i32 to index
      %swap3A_566 = arith.constant 112 : index
      %swap3A_567 = tpu.vector_load %arg8[%swap3A_564, %swap3A_565, %swap3A_566] {strides = array<i32>} : memref<3x80x128xf32, #tpu.memory_space<vmem>>, vector<1x1x16xf32>,
      %swap3A_568 = vector.shape_cast %swap3A_567 : vector<1x1x16xf32> to vector<16xf32>
      %swap3A_569 = vector.shape_cast %broadcast_in_dim3A_110 : vector<16xf32> to vector<1x1x16xf32>
      tpu.vector_store %arg8[%swap3A_564, %swap3A_565, %swap3A_566], %swap3A_569 {strides = array<i32>} : memref<3x80x128xf32, #tpu.memory_space<vmem>>, vector<1x1x16xf32>,
      %scan3A_570 = arith.constant 0 : i32
      scf.yield %scan3A_570 : i32
    }
    %scan3A_116 = arith.constant 80 : i32
    %mul3A_117 = arith.constant 640 : i32
    %mul3A_118 = arith.muli %arg1, %mul3A_117 : i32
    %add3A_119 = arith.constant 0 : i32
    %add3A_120 = arith.addi %mul3A_118, %add3A_119 : i32
    %run_scoped3A = arith.constant 0 : i32
    "tpu.region"() ({
      %run_scoped3A_513 = tpu.sem_alloc : memref<!tpu.dma_semaphore, #tpu.memory_space<semaphore_mem>>
      %dma_start3A_514 = arith.constant 0 : i32
      %dma_start3A_515 = arith.constant 0 : i32
      %dma_start3A_516 = tpu.memref_slice %arg8[%run_scoped3A, %dma_start3A_514, %dma_start3A_515] : memref<3x80x128xf32, #tpu.memory_space<vmem>> -> memref<1x80x128xf32, #tpu.memory_space<vmem>>
      %dma_start3A_517 = tpu.memref_squeeze %dma_start3A_516 : memref<1x80x128xf32, #tpu.memory_space<vmem>> -> memref<80x128xf32, #tpu.memory_space<vmem>>
      %dma_start3A_518 = arith.constant 0 : i32
      %dma_start3A_519 = tpu.memref_slice %arg13[%add3A_120, %dma_start3A_518] : memref<10240x128xf32, #tpu.memory_space<vmem_shared>> -> memref<80x128xf32, #tpu.memory_space<vmem_shared>>
      %dma_start3A_520 = arith.constant 0 : i32
      %dma_start3A_521 = tpu.memref_slice %arg13[%add3A_120, %dma_start3A_520] : memref<10240x128xf32, #tpu.memory_space<vmem_shared>> -> memref<80x128xf32, #tpu.memory_space<vmem_shared>>
      %dma_start3A_522 = arith.constant 0 : i32
      %dma_start3A_523 = arith.constant 0 : i32
      %dma_start3A_524 = tpu.memref_slice %arg8[%run_scoped3A, %dma_start3A_522, %dma_start3A_523] : memref<3x80x128xf32, #tpu.memory_space<vmem>> -> memref<1x80x128xf32, #tpu.memory_space<vmem>>
      %dma_start3A_525 = tpu.memref_squeeze %dma_start3A_524 : memref<1x80x128xf32, #tpu.memory_space<vmem>> -> memref<80x128xf32, #tpu.memory_space<vmem>>
      tpu.enqueue_dma source(%dma_start3A_525 : memref<80x128xf32, #tpu.memory_space<vmem>>) target(%dma_start3A_521 : memref<80x128xf32, #tpu.memory_space<vmem_shared>>) target_semaphore(%run_scoped3A_513 : memref<!tpu.dma_semaphore, #tpu.memory_space<semaphore_mem>>)
      %dma_wait3A_526 = arith.constant 0 : i32
      %dma_wait3A_527 = arith.constant 0 : i32
      %dma_wait3A_528 = tpu.memref_slice %arg8[%run_scoped3A, %dma_wait3A_526, %dma_wait3A_527] : memref<3x80x128xf32, #tpu.memory_space<vmem>> -> memref<1x80x128xf32, #tpu.memory_space<vmem>>
      %dma_wait3A_529 = tpu.memref_squeeze %dma_wait3A_528 : memref<1x80x128xf32, #tpu.memory_space<vmem>> -> memref<80x128xf32, #tpu.memory_space<vmem>>
      %dma_wait3A_530 = arith.constant 0 : i32
      %dma_wait3A_531 = tpu.memref_slice %arg13[%add3A_120, %dma_wait3A_530] : memref<10240x128xf32, #tpu.memory_space<vmem_shared>> -> memref<80x128xf32, #tpu.memory_space<vmem_shared>>
      %dma_wait3A_532 = arith.constant 0 : i32
      %dma_wait3A_533 = tpu.memref_slice %arg13[%add3A_120, %dma_wait3A_532] : memref<10240x128xf32, #tpu.memory_space<vmem_shared>> -> memref<80x128xf32, #tpu.memory_space<vmem_shared>>
      %dma_wait3A_534 = arith.constant 0 : i32
      %dma_wait3A_535 = arith.constant 0 : i32
      %dma_wait3A_536 = tpu.memref_slice %arg8[%run_scoped3A, %dma_wait3A_534, %dma_wait3A_535] : memref<3x80x128xf32, #tpu.memory_space<vmem>> -> memref<1x80x128xf32, #tpu.memory_space<vmem>>
      %dma_wait3A_537 = tpu.memref_squeeze %dma_wait3A_536 : memref<1x80x128xf32, #tpu.memory_space<vmem>> -> memref<80x128xf32, #tpu.memory_space<vmem>>
      tpu.wait_dma2 semaphore(%run_scoped3A_513 : memref<!tpu.dma_semaphore, #tpu.memory_space<semaphore_mem>>) src(%dma_wait3A_537 : memref<80x128xf32, #tpu.memory_space<vmem>>) dst(%dma_wait3A_533 : memref<80x128xf32, #tpu.memory_space<vmem_shared>>)
      tpu.yield
    }) : () -> ()
    %add3A_121 = arith.constant 80 : i32
    %add3A_122 = arith.addi %mul3A_118, %add3A_121 : i32
    %run_scoped3A_123 = arith.constant 0 : i32
    "tpu.region"() ({
      %run_scoped3A_513 = tpu.sem_alloc : memref<!tpu.dma_semaphore, #tpu.memory_space<semaphore_mem>>
      %dma_start3A_514 = arith.constant 0 : i32
      %dma_start3A_515 = arith.constant 0 : i32
      %dma_start3A_516 = tpu.memref_slice %arg8[%run_scoped3A_123, %dma_start3A_514, %dma_start3A_515] : memref<3x80x128xf32, #tpu.memory_space<vmem>> -> memref<1x80x128xf32, #tpu.memory_space<vmem>>
      %dma_start3A_517 = tpu.memref_squeeze %dma_start3A_516 : memref<1x80x128xf32, #tpu.memory_space<vmem>> -> memref<80x128xf32, #tpu.memory_space<vmem>>
      %dma_start3A_518 = arith.constant 0 : i32
      %dma_start3A_519 = tpu.memref_slice %arg13[%add3A_122, %dma_start3A_518] : memref<10240x128xf32, #tpu.memory_space<vmem_shared>> -> memref<80x128xf32, #tpu.memory_space<vmem_shared>>
      %dma_start3A_520 = arith.constant 0 : i32
      %dma_start3A_521 = tpu.memref_slice %arg13[%add3A_122, %dma_start3A_520] : memref<10240x128xf32, #tpu.memory_space<vmem_shared>> -> memref<80x128xf32, #tpu.memory_space<vmem_shared>>
      %dma_start3A_522 = arith.constant 0 : i32
      %dma_start3A_523 = arith.constant 0 : i32
      %dma_start3A_524 = tpu.memref_slice %arg8[%run_scoped3A_123, %dma_start3A_522, %dma_start3A_523] : memref<3x80x128xf32, #tpu.memory_space<vmem>> -> memref<1x80x128xf32, #tpu.memory_space<vmem>>
      %dma_start3A_525 = tpu.memref_squeeze %dma_start3A_524 : memref<1x80x128xf32, #tpu.memory_space<vmem>> -> memref<80x128xf32, #tpu.memory_space<vmem>>
      tpu.enqueue_dma source(%dma_start3A_525 : memref<80x128xf32, #tpu.memory_space<vmem>>) target(%dma_start3A_521 : memref<80x128xf32, #tpu.memory_space<vmem_shared>>) target_semaphore(%run_scoped3A_513 : memref<!tpu.dma_semaphore, #tpu.memory_space<semaphore_mem>>)
      %dma_wait3A_526 = arith.constant 0 : i32
      %dma_wait3A_527 = arith.constant 0 : i32
      %dma_wait3A_528 = tpu.memref_slice %arg8[%run_scoped3A_123, %dma_wait3A_526, %dma_wait3A_527] : memref<3x80x128xf32, #tpu.memory_space<vmem>> -> memref<1x80x128xf32, #tpu.memory_space<vmem>>
      %dma_wait3A_529 = tpu.memref_squeeze %dma_wait3A_528 : memref<1x80x128xf32, #tpu.memory_space<vmem>> -> memref<80x128xf32, #tpu.memory_space<vmem>>
      %dma_wait3A_530 = arith.constant 0 : i32
      %dma_wait3A_531 = tpu.memref_slice %arg13[%add3A_122, %dma_wait3A_530] : memref<10240x128xf32, #tpu.memory_space<vmem_shared>> -> memref<80x128xf32, #tpu.memory_space<vmem_shared>>
      %dma_wait3A_532 = arith.constant 0 : i32
      %dma_wait3A_533 = tpu.memref_slice %arg13[%add3A_122, %dma_wait3A_532] : memref<10240x128xf32, #tpu.memory_space<vmem_shared>> -> memref<80x128xf32, #tpu.memory_space<vmem_shared>>
      %dma_wait3A_534 = arith.constant 0 : i32
      %dma_wait3A_535 = arith.constant 0 : i32
      %dma_wait3A_536 = tpu.memref_slice %arg8[%run_scoped3A_123, %dma_wait3A_534, %dma_wait3A_535] : memref<3x80x128xf32, #tpu.memory_space<vmem>> -> memref<1x80x128xf32, #tpu.memory_space<vmem>>
      %dma_wait3A_537 = tpu.memref_squeeze %dma_wait3A_536 : memref<1x80x128xf32, #tpu.memory_space<vmem>> -> memref<80x128xf32, #tpu.memory_space<vmem>>
      tpu.wait_dma2 semaphore(%run_scoped3A_513 : memref<!tpu.dma_semaphore, #tpu.memory_space<semaphore_mem>>) src(%dma_wait3A_537 : memref<80x128xf32, #tpu.memory_space<vmem>>) dst(%dma_wait3A_533 : memref<80x128xf32, #tpu.memory_space<vmem_shared>>)
      tpu.yield
    }) : () -> ()
    %add3A_124 = arith.constant 160 : i32
    %add3A_125 = arith.addi %mul3A_118, %add3A_124 : i32
    %run_scoped3A_126 = arith.constant 0 : i32
    "tpu.region"() ({
      %run_scoped3A_513 = tpu.sem_alloc : memref<!tpu.dma_semaphore, #tpu.memory_space<semaphore_mem>>
      %dma_start3A_514 = arith.constant 0 : i32
      %dma_start3A_515 = arith.constant 0 : i32
      %dma_start3A_516 = tpu.memref_slice %arg8[%run_scoped3A_126, %dma_start3A_514, %dma_start3A_515] : memref<3x80x128xf32, #tpu.memory_space<vmem>> -> memref<1x80x128xf32, #tpu.memory_space<vmem>>
      %dma_start3A_517 = tpu.memref_squeeze %dma_start3A_516 : memref<1x80x128xf32, #tpu.memory_space<vmem>> -> memref<80x128xf32, #tpu.memory_space<vmem>>
      %dma_start3A_518 = arith.constant 0 : i32
      %dma_start3A_519 = tpu.memref_slice %arg13[%add3A_125, %dma_start3A_518] : memref<10240x128xf32, #tpu.memory_space<vmem_shared>> -> memref<80x128xf32, #tpu.memory_space<vmem_shared>>
      %dma_start3A_520 = arith.constant 0 : i32
      %dma_start3A_521 = tpu.memref_slice %arg13[%add3A_125, %dma_start3A_520] : memref<10240x128xf32, #tpu.memory_space<vmem_shared>> -> memref<80x128xf32, #tpu.memory_space<vmem_shared>>
      %dma_start3A_522 = arith.constant 0 : i32
      %dma_start3A_523 = arith.constant 0 : i32
      %dma_start3A_524 = tpu.memref_slice %arg8[%run_scoped3A_126, %dma_start3A_522, %dma_start3A_523] : memref<3x80x128xf32, #tpu.memory_space<vmem>> -> memref<1x80x128xf32, #tpu.memory_space<vmem>>
      %dma_start3A_525 = tpu.memref_squeeze %dma_start3A_524 : memref<1x80x128xf32, #tpu.memory_space<vmem>> -> memref<80x128xf32, #tpu.memory_space<vmem>>
      tpu.enqueue_dma source(%dma_start3A_525 : memref<80x128xf32, #tpu.memory_space<vmem>>) target(%dma_start3A_521 : memref<80x128xf32, #tpu.memory_space<vmem_shared>>) target_semaphore(%run_scoped3A_513 : memref<!tpu.dma_semaphore, #tpu.memory_space<semaphore_mem>>)
      %dma_wait3A_526 = arith.constant 0 : i32
      %dma_wait3A_527 = arith.constant 0 : i32
      %dma_wait3A_528 = tpu.memref_slice %arg8[%run_scoped3A_126, %dma_wait3A_526, %dma_wait3A_527] : memref<3x80x128xf32, #tpu.memory_space<vmem>> -> memref<1x80x128xf32, #tpu.memory_space<vmem>>
      %dma_wait3A_529 = tpu.memref_squeeze %dma_wait3A_528 : memref<1x80x128xf32, #tpu.memory_space<vmem>> -> memref<80x128xf32, #tpu.memory_space<vmem>>
      %dma_wait3A_530 = arith.constant 0 : i32
      %dma_wait3A_531 = tpu.memref_slice %arg13[%add3A_125, %dma_wait3A_530] : memref<10240x128xf32, #tpu.memory_space<vmem_shared>> -> memref<80x128xf32, #tpu.memory_space<vmem_shared>>
      %dma_wait3A_532 = arith.constant 0 : i32
      %dma_wait3A_533 = tpu.memref_slice %arg13[%add3A_125, %dma_wait3A_532] : memref<10240x128xf32, #tpu.memory_space<vmem_shared>> -> memref<80x128xf32, #tpu.memory_space<vmem_shared>>
      %dma_wait3A_534 = arith.constant 0 : i32
      %dma_wait3A_535 = arith.constant 0 : i32
      %dma_wait3A_536 = tpu.memref_slice %arg8[%run_scoped3A_126, %dma_wait3A_534, %dma_wait3A_535] : memref<3x80x128xf32, #tpu.memory_space<vmem>> -> memref<1x80x128xf32, #tpu.memory_space<vmem>>
      %dma_wait3A_537 = tpu.memref_squeeze %dma_wait3A_536 : memref<1x80x128xf32, #tpu.memory_space<vmem>> -> memref<80x128xf32, #tpu.memory_space<vmem>>
      tpu.wait_dma2 semaphore(%run_scoped3A_513 : memref<!tpu.dma_semaphore, #tpu.memory_space<semaphore_mem>>) src(%dma_wait3A_537 : memref<80x128xf32, #tpu.memory_space<vmem>>) dst(%dma_wait3A_533 : memref<80x128xf32, #tpu.memory_space<vmem_shared>>)
      tpu.yield
    }) : () -> ()
    %add3A_127 = arith.constant 240 : i32
    %add3A_128 = arith.addi %mul3A_118, %add3A_127 : i32
    %run_scoped3A_129 = arith.constant 0 : i32
    "tpu.region"() ({
      %run_scoped3A_513 = tpu.sem_alloc : memref<!tpu.dma_semaphore, #tpu.memory_space<semaphore_mem>>
      %dma_start3A_514 = arith.constant 0 : i32
      %dma_start3A_515 = arith.constant 0 : i32
      %dma_start3A_516 = tpu.memref_slice %arg8[%run_scoped3A_129, %dma_start3A_514, %dma_start3A_515] : memref<3x80x128xf32, #tpu.memory_space<vmem>> -> memref<1x80x128xf32, #tpu.memory_space<vmem>>
      %dma_start3A_517 = tpu.memref_squeeze %dma_start3A_516 : memref<1x80x128xf32, #tpu.memory_space<vmem>> -> memref<80x128xf32, #tpu.memory_space<vmem>>
      %dma_start3A_518 = arith.constant 0 : i32
      %dma_start3A_519 = tpu.memref_slice %arg13[%add3A_128, %dma_start3A_518] : memref<10240x128xf32, #tpu.memory_space<vmem_shared>> -> memref<80x128xf32, #tpu.memory_space<vmem_shared>>
      %dma_start3A_520 = arith.constant 0 : i32
      %dma_start3A_521 = tpu.memref_slice %arg13[%add3A_128, %dma_start3A_520] : memref<10240x128xf32, #tpu.memory_space<vmem_shared>> -> memref<80x128xf32, #tpu.memory_space<vmem_shared>>
      %dma_start3A_522 = arith.constant 0 : i32
      %dma_start3A_523 = arith.constant 0 : i32
      %dma_start3A_524 = tpu.memref_slice %arg8[%run_scoped3A_129, %dma_start3A_522, %dma_start3A_523] : memref<3x80x128xf32, #tpu.memory_space<vmem>> -> memref<1x80x128xf32, #tpu.memory_space<vmem>>
      %dma_start3A_525 = tpu.memref_squeeze %dma_start3A_524 : memref<1x80x128xf32, #tpu.memory_space<vmem>> -> memref<80x128xf32, #tpu.memory_space<vmem>>
      tpu.enqueue_dma source(%dma_start3A_525 : memref<80x128xf32, #tpu.memory_space<vmem>>) target(%dma_start3A_521 : memref<80x128xf32, #tpu.memory_space<vmem_shared>>) target_semaphore(%run_scoped3A_513 : memref<!tpu.dma_semaphore, #tpu.memory_space<semaphore_mem>>)
      %dma_wait3A_526 = arith.constant 0 : i32
      %dma_wait3A_527 = arith.constant 0 : i32
      %dma_wait3A_528 = tpu.memref_slice %arg8[%run_scoped3A_129, %dma_wait3A_526, %dma_wait3A_527] : memref<3x80x128xf32, #tpu.memory_space<vmem>> -> memref<1x80x128xf32, #tpu.memory_space<vmem>>
      %dma_wait3A_529 = tpu.memref_squeeze %dma_wait3A_528 : memref<1x80x128xf32, #tpu.memory_space<vmem>> -> memref<80x128xf32, #tpu.memory_space<vmem>>
      %dma_wait3A_530 = arith.constant 0 : i32
      %dma_wait3A_531 = tpu.memref_slice %arg13[%add3A_128, %dma_wait3A_530] : memref<10240x128xf32, #tpu.memory_space<vmem_shared>> -> memref<80x128xf32, #tpu.memory_space<vmem_shared>>
      %dma_wait3A_532 = arith.constant 0 : i32
      %dma_wait3A_533 = tpu.memref_slice %arg13[%add3A_128, %dma_wait3A_532] : memref<10240x128xf32, #tpu.memory_space<vmem_shared>> -> memref<80x128xf32, #tpu.memory_space<vmem_shared>>
      %dma_wait3A_534 = arith.constant 0 : i32
      %dma_wait3A_535 = arith.constant 0 : i32
      %dma_wait3A_536 = tpu.memref_slice %arg8[%run_scoped3A_129, %dma_wait3A_534, %dma_wait3A_535] : memref<3x80x128xf32, #tpu.memory_space<vmem>> -> memref<1x80x128xf32, #tpu.memory_space<vmem>>
      %dma_wait3A_537 = tpu.memref_squeeze %dma_wait3A_536 : memref<1x80x128xf32, #tpu.memory_space<vmem>> -> memref<80x128xf32, #tpu.memory_space<vmem>>
      tpu.wait_dma2 semaphore(%run_scoped3A_513 : memref<!tpu.dma_semaphore, #tpu.memory_space<semaphore_mem>>) src(%dma_wait3A_537 : memref<80x128xf32, #tpu.memory_space<vmem>>) dst(%dma_wait3A_533 : memref<80x128xf32, #tpu.memory_space<vmem_shared>>)
      tpu.yield
    }) : () -> ()
    %add3A_130 = arith.constant 320 : i32
    %add3A_131 = arith.addi %mul3A_118, %add3A_130 : i32
    %run_scoped3A_132 = arith.constant 0 : i32
    "tpu.region"() ({
      %run_scoped3A_513 = tpu.sem_alloc : memref<!tpu.dma_semaphore, #tpu.memory_space<semaphore_mem>>
      %dma_start3A_514 = arith.constant 0 : i32
      %dma_start3A_515 = arith.constant 0 : i32
      %dma_start3A_516 = tpu.memref_slice %arg8[%run_scoped3A_132, %dma_start3A_514, %dma_start3A_515] : memref<3x80x128xf32, #tpu.memory_space<vmem>> -> memref<1x80x128xf32, #tpu.memory_space<vmem>>
      %dma_start3A_517 = tpu.memref_squeeze %dma_start3A_516 : memref<1x80x128xf32, #tpu.memory_space<vmem>> -> memref<80x128xf32, #tpu.memory_space<vmem>>
      %dma_start3A_518 = arith.constant 0 : i32
      %dma_start3A_519 = tpu.memref_slice %arg13[%add3A_131, %dma_start3A_518] : memref<10240x128xf32, #tpu.memory_space<vmem_shared>> -> memref<80x128xf32, #tpu.memory_space<vmem_shared>>
      %dma_start3A_520 = arith.constant 0 : i32
      %dma_start3A_521 = tpu.memref_slice %arg13[%add3A_131, %dma_start3A_520] : memref<10240x128xf32, #tpu.memory_space<vmem_shared>> -> memref<80x128xf32, #tpu.memory_space<vmem_shared>>
      %dma_start3A_522 = arith.constant 0 : i32
      %dma_start3A_523 = arith.constant 0 : i32
      %dma_start3A_524 = tpu.memref_slice %arg8[%run_scoped3A_132, %dma_start3A_522, %dma_start3A_523] : memref<3x80x128xf32, #tpu.memory_space<vmem>> -> memref<1x80x128xf32, #tpu.memory_space<vmem>>
      %dma_start3A_525 = tpu.memref_squeeze %dma_start3A_524 : memref<1x80x128xf32, #tpu.memory_space<vmem>> -> memref<80x128xf32, #tpu.memory_space<vmem>>
      tpu.enqueue_dma source(%dma_start3A_525 : memref<80x128xf32, #tpu.memory_space<vmem>>) target(%dma_start3A_521 : memref<80x128xf32, #tpu.memory_space<vmem_shared>>) target_semaphore(%run_scoped3A_513 : memref<!tpu.dma_semaphore, #tpu.memory_space<semaphore_mem>>)
      %dma_wait3A_526 = arith.constant 0 : i32
      %dma_wait3A_527 = arith.constant 0 : i32
      %dma_wait3A_528 = tpu.memref_slice %arg8[%run_scoped3A_132, %dma_wait3A_526, %dma_wait3A_527] : memref<3x80x128xf32, #tpu.memory_space<vmem>> -> memref<1x80x128xf32, #tpu.memory_space<vmem>>
      %dma_wait3A_529 = tpu.memref_squeeze %dma_wait3A_528 : memref<1x80x128xf32, #tpu.memory_space<vmem>> -> memref<80x128xf32, #tpu.memory_space<vmem>>
      %dma_wait3A_530 = arith.constant 0 : i32
      %dma_wait3A_531 = tpu.memref_slice %arg13[%add3A_131, %dma_wait3A_530] : memref<10240x128xf32, #tpu.memory_space<vmem_shared>> -> memref<80x128xf32, #tpu.memory_space<vmem_shared>>
      %dma_wait3A_532 = arith.constant 0 : i32
      %dma_wait3A_533 = tpu.memref_slice %arg13[%add3A_131, %dma_wait3A_532] : memref<10240x128xf32, #tpu.memory_space<vmem_shared>> -> memref<80x128xf32, #tpu.memory_space<vmem_shared>>
      %dma_wait3A_534 = arith.constant 0 : i32
      %dma_wait3A_535 = arith.constant 0 : i32
      %dma_wait3A_536 = tpu.memref_slice %arg8[%run_scoped3A_132, %dma_wait3A_534, %dma_wait3A_535] : memref<3x80x128xf32, #tpu.memory_space<vmem>> -> memref<1x80x128xf32, #tpu.memory_space<vmem>>
      %dma_wait3A_537 = tpu.memref_squeeze %dma_wait3A_536 : memref<1x80x128xf32, #tpu.memory_space<vmem>> -> memref<80x128xf32, #tpu.memory_space<vmem>>
      tpu.wait_dma2 semaphore(%run_scoped3A_513 : memref<!tpu.dma_semaphore, #tpu.memory_space<semaphore_mem>>) src(%dma_wait3A_537 : memref<80x128xf32, #tpu.memory_space<vmem>>) dst(%dma_wait3A_533 : memref<80x128xf32, #tpu.memory_space<vmem_shared>>)
      tpu.yield
    }) : () -> ()
    %add3A_133 = arith.constant 400 : i32
    %add3A_134 = arith.addi %mul3A_118, %add3A_133 : i32
    %run_scoped3A_135 = arith.constant 0 : i32
    "tpu.region"() ({
      %run_scoped3A_513 = tpu.sem_alloc : memref<!tpu.dma_semaphore, #tpu.memory_space<semaphore_mem>>
      %dma_start3A_514 = arith.constant 0 : i32
      %dma_start3A_515 = arith.constant 0 : i32
      %dma_start3A_516 = tpu.memref_slice %arg8[%run_scoped3A_135, %dma_start3A_514, %dma_start3A_515] : memref<3x80x128xf32, #tpu.memory_space<vmem>> -> memref<1x80x128xf32, #tpu.memory_space<vmem>>
      %dma_start3A_517 = tpu.memref_squeeze %dma_start3A_516 : memref<1x80x128xf32, #tpu.memory_space<vmem>> -> memref<80x128xf32, #tpu.memory_space<vmem>>
      %dma_start3A_518 = arith.constant 0 : i32
      %dma_start3A_519 = tpu.memref_slice %arg13[%add3A_134, %dma_start3A_518] : memref<10240x128xf32, #tpu.memory_space<vmem_shared>> -> memref<80x128xf32, #tpu.memory_space<vmem_shared>>
      %dma_start3A_520 = arith.constant 0 : i32
      %dma_start3A_521 = tpu.memref_slice %arg13[%add3A_134, %dma_start3A_520] : memref<10240x128xf32, #tpu.memory_space<vmem_shared>> -> memref<80x128xf32, #tpu.memory_space<vmem_shared>>
      %dma_start3A_522 = arith.constant 0 : i32
      %dma_start3A_523 = arith.constant 0 : i32
      %dma_start3A_524 = tpu.memref_slice %arg8[%run_scoped3A_135, %dma_start3A_522, %dma_start3A_523] : memref<3x80x128xf32, #tpu.memory_space<vmem>> -> memref<1x80x128xf32, #tpu.memory_space<vmem>>
      %dma_start3A_525 = tpu.memref_squeeze %dma_start3A_524 : memref<1x80x128xf32, #tpu.memory_space<vmem>> -> memref<80x128xf32, #tpu.memory_space<vmem>>
      tpu.enqueue_dma source(%dma_start3A_525 : memref<80x128xf32, #tpu.memory_space<vmem>>) target(%dma_start3A_521 : memref<80x128xf32, #tpu.memory_space<vmem_shared>>) target_semaphore(%run_scoped3A_513 : memref<!tpu.dma_semaphore, #tpu.memory_space<semaphore_mem>>)
      %dma_wait3A_526 = arith.constant 0 : i32
      %dma_wait3A_527 = arith.constant 0 : i32
      %dma_wait3A_528 = tpu.memref_slice %arg8[%run_scoped3A_135, %dma_wait3A_526, %dma_wait3A_527] : memref<3x80x128xf32, #tpu.memory_space<vmem>> -> memref<1x80x128xf32, #tpu.memory_space<vmem>>
      %dma_wait3A_529 = tpu.memref_squeeze %dma_wait3A_528 : memref<1x80x128xf32, #tpu.memory_space<vmem>> -> memref<80x128xf32, #tpu.memory_space<vmem>>
      %dma_wait3A_530 = arith.constant 0 : i32
      %dma_wait3A_531 = tpu.memref_slice %arg13[%add3A_134, %dma_wait3A_530] : memref<10240x128xf32, #tpu.memory_space<vmem_shared>> -> memref<80x128xf32, #tpu.memory_space<vmem_shared>>
      %dma_wait3A_532 = arith.constant 0 : i32
      %dma_wait3A_533 = tpu.memref_slice %arg13[%add3A_134, %dma_wait3A_532] : memref<10240x128xf32, #tpu.memory_space<vmem_shared>> -> memref<80x128xf32, #tpu.memory_space<vmem_shared>>
      %dma_wait3A_534 = arith.constant 0 : i32
      %dma_wait3A_535 = arith.constant 0 : i32
      %dma_wait3A_536 = tpu.memref_slice %arg8[%run_scoped3A_135, %dma_wait3A_534, %dma_wait3A_535] : memref<3x80x128xf32, #tpu.memory_space<vmem>> -> memref<1x80x128xf32, #tpu.memory_space<vmem>>
      %dma_wait3A_537 = tpu.memref_squeeze %dma_wait3A_536 : memref<1x80x128xf32, #tpu.memory_space<vmem>> -> memref<80x128xf32, #tpu.memory_space<vmem>>
      tpu.wait_dma2 semaphore(%run_scoped3A_513 : memref<!tpu.dma_semaphore, #tpu.memory_space<semaphore_mem>>) src(%dma_wait3A_537 : memref<80x128xf32, #tpu.memory_space<vmem>>) dst(%dma_wait3A_533 : memref<80x128xf32, #tpu.memory_space<vmem_shared>>)
      tpu.yield
    }) : () -> ()
    %add3A_136 = arith.constant 480 : i32
    %add3A_137 = arith.addi %mul3A_118, %add3A_136 : i32
    %run_scoped3A_138 = arith.constant 0 : i32
    "tpu.region"() ({
      %run_scoped3A_513 = tpu.sem_alloc : memref<!tpu.dma_semaphore, #tpu.memory_space<semaphore_mem>>
      %dma_start3A_514 = arith.constant 0 : i32
      %dma_start3A_515 = arith.constant 0 : i32
      %dma_start3A_516 = tpu.memref_slice %arg8[%run_scoped3A_138, %dma_start3A_514, %dma_start3A_515] : memref<3x80x128xf32, #tpu.memory_space<vmem>> -> memref<1x80x128xf32, #tpu.memory_space<vmem>>
      %dma_start3A_517 = tpu.memref_squeeze %dma_start3A_516 : memref<1x80x128xf32, #tpu.memory_space<vmem>> -> memref<80x128xf32, #tpu.memory_space<vmem>>
      %dma_start3A_518 = arith.constant 0 : i32
      %dma_start3A_519 = tpu.memref_slice %arg13[%add3A_137, %dma_start3A_518] : memref<10240x128xf32, #tpu.memory_space<vmem_shared>> -> memref<80x128xf32, #tpu.memory_space<vmem_shared>>
      %dma_start3A_520 = arith.constant 0 : i32
      %dma_start3A_521 = tpu.memref_slice %arg13[%add3A_137, %dma_start3A_520] : memref<10240x128xf32, #tpu.memory_space<vmem_shared>> -> memref<80x128xf32, #tpu.memory_space<vmem_shared>>
      %dma_start3A_522 = arith.constant 0 : i32
      %dma_start3A_523 = arith.constant 0 : i32
      %dma_start3A_524 = tpu.memref_slice %arg8[%run_scoped3A_138, %dma_start3A_522, %dma_start3A_523] : memref<3x80x128xf32, #tpu.memory_space<vmem>> -> memref<1x80x128xf32, #tpu.memory_space<vmem>>
      %dma_start3A_525 = tpu.memref_squeeze %dma_start3A_524 : memref<1x80x128xf32, #tpu.memory_space<vmem>> -> memref<80x128xf32, #tpu.memory_space<vmem>>
      tpu.enqueue_dma source(%dma_start3A_525 : memref<80x128xf32, #tpu.memory_space<vmem>>) target(%dma_start3A_521 : memref<80x128xf32, #tpu.memory_space<vmem_shared>>) target_semaphore(%run_scoped3A_513 : memref<!tpu.dma_semaphore, #tpu.memory_space<semaphore_mem>>)
      %dma_wait3A_526 = arith.constant 0 : i32
      %dma_wait3A_527 = arith.constant 0 : i32
      %dma_wait3A_528 = tpu.memref_slice %arg8[%run_scoped3A_138, %dma_wait3A_526, %dma_wait3A_527] : memref<3x80x128xf32, #tpu.memory_space<vmem>> -> memref<1x80x128xf32, #tpu.memory_space<vmem>>
      %dma_wait3A_529 = tpu.memref_squeeze %dma_wait3A_528 : memref<1x80x128xf32, #tpu.memory_space<vmem>> -> memref<80x128xf32, #tpu.memory_space<vmem>>
      %dma_wait3A_530 = arith.constant 0 : i32
      %dma_wait3A_531 = tpu.memref_slice %arg13[%add3A_137, %dma_wait3A_530] : memref<10240x128xf32, #tpu.memory_space<vmem_shared>> -> memref<80x128xf32, #tpu.memory_space<vmem_shared>>
      %dma_wait3A_532 = arith.constant 0 : i32
      %dma_wait3A_533 = tpu.memref_slice %arg13[%add3A_137, %dma_wait3A_532] : memref<10240x128xf32, #tpu.memory_space<vmem_shared>> -> memref<80x128xf32, #tpu.memory_space<vmem_shared>>
      %dma_wait3A_534 = arith.constant 0 : i32
      %dma_wait3A_535 = arith.constant 0 : i32
      %dma_wait3A_536 = tpu.memref_slice %arg8[%run_scoped3A_138, %dma_wait3A_534, %dma_wait3A_535] : memref<3x80x128xf32, #tpu.memory_space<vmem>> -> memref<1x80x128xf32, #tpu.memory_space<vmem>>
      %dma_wait3A_537 = tpu.memref_squeeze %dma_wait3A_536 : memref<1x80x128xf32, #tpu.memory_space<vmem>> -> memref<80x128xf32, #tpu.memory_space<vmem>>
      tpu.wait_dma2 semaphore(%run_scoped3A_513 : memref<!tpu.dma_semaphore, #tpu.memory_space<semaphore_mem>>) src(%dma_wait3A_537 : memref<80x128xf32, #tpu.memory_space<vmem>>) dst(%dma_wait3A_533 : memref<80x128xf32, #tpu.memory_space<vmem_shared>>)
      tpu.yield
    }) : () -> ()
    %add3A_139 = arith.constant 560 : i32
    %add3A_140 = arith.addi %mul3A_118, %add3A_139 : i32
    %run_scoped3A_141 = arith.constant 0 : i32
    "tpu.region"() ({
      %run_scoped3A_513 = tpu.sem_alloc : memref<!tpu.dma_semaphore, #tpu.memory_space<semaphore_mem>>
      %dma_start3A_514 = arith.constant 0 : i32
      %dma_start3A_515 = arith.constant 0 : i32
      %dma_start3A_516 = tpu.memref_slice %arg8[%run_scoped3A_141, %dma_start3A_514, %dma_start3A_515] : memref<3x80x128xf32, #tpu.memory_space<vmem>> -> memref<1x80x128xf32, #tpu.memory_space<vmem>>
      %dma_start3A_517 = tpu.memref_squeeze %dma_start3A_516 : memref<1x80x128xf32, #tpu.memory_space<vmem>> -> memref<80x128xf32, #tpu.memory_space<vmem>>
      %dma_start3A_518 = arith.constant 0 : i32
      %dma_start3A_519 = tpu.memref_slice %arg13[%add3A_140, %dma_start3A_518] : memref<10240x128xf32, #tpu.memory_space<vmem_shared>> -> memref<80x128xf32, #tpu.memory_space<vmem_shared>>
      %dma_start3A_520 = arith.constant 0 : i32
      %dma_start3A_521 = tpu.memref_slice %arg13[%add3A_140, %dma_start3A_520] : memref<10240x128xf32, #tpu.memory_space<vmem_shared>> -> memref<80x128xf32, #tpu.memory_space<vmem_shared>>
      %dma_start3A_522 = arith.constant 0 : i32
      %dma_start3A_523 = arith.constant 0 : i32
      %dma_start3A_524 = tpu.memref_slice %arg8[%run_scoped3A_141, %dma_start3A_522, %dma_start3A_523] : memref<3x80x128xf32, #tpu.memory_space<vmem>> -> memref<1x80x128xf32, #tpu.memory_space<vmem>>
      %dma_start3A_525 = tpu.memref_squeeze %dma_start3A_524 : memref<1x80x128xf32, #tpu.memory_space<vmem>> -> memref<80x128xf32, #tpu.memory_space<vmem>>
      tpu.enqueue_dma source(%dma_start3A_525 : memref<80x128xf32, #tpu.memory_space<vmem>>) target(%dma_start3A_521 : memref<80x128xf32, #tpu.memory_space<vmem_shared>>) target_semaphore(%run_scoped3A_513 : memref<!tpu.dma_semaphore, #tpu.memory_space<semaphore_mem>>)
      %dma_wait3A_526 = arith.constant 0 : i32
      %dma_wait3A_527 = arith.constant 0 : i32
      %dma_wait3A_528 = tpu.memref_slice %arg8[%run_scoped3A_141, %dma_wait3A_526, %dma_wait3A_527] : memref<3x80x128xf32, #tpu.memory_space<vmem>> -> memref<1x80x128xf32, #tpu.memory_space<vmem>>
      %dma_wait3A_529 = tpu.memref_squeeze %dma_wait3A_528 : memref<1x80x128xf32, #tpu.memory_space<vmem>> -> memref<80x128xf32, #tpu.memory_space<vmem>>
      %dma_wait3A_530 = arith.constant 0 : i32
      %dma_wait3A_531 = tpu.memref_slice %arg13[%add3A_140, %dma_wait3A_530] : memref<10240x128xf32, #tpu.memory_space<vmem_shared>> -> memref<80x128xf32, #tpu.memory_space<vmem_shared>>
      %dma_wait3A_532 = arith.constant 0 : i32
      %dma_wait3A_533 = tpu.memref_slice %arg13[%add3A_140, %dma_wait3A_532] : memref<10240x128xf32, #tpu.memory_space<vmem_shared>> -> memref<80x128xf32, #tpu.memory_space<vmem_shared>>
      %dma_wait3A_534 = arith.constant 0 : i32
      %dma_wait3A_535 = arith.constant 0 : i32
      %dma_wait3A_536 = tpu.memref_slice %arg8[%run_scoped3A_141, %dma_wait3A_534, %dma_wait3A_535] : memref<3x80x128xf32, #tpu.memory_space<vmem>> -> memref<1x80x128xf32, #tpu.memory_space<vmem>>
      %dma_wait3A_537 = tpu.memref_squeeze %dma_wait3A_536 : memref<1x80x128xf32, #tpu.memory_space<vmem>> -> memref<80x128xf32, #tpu.memory_space<vmem>>
      tpu.wait_dma2 semaphore(%run_scoped3A_513 : memref<!tpu.dma_semaphore, #tpu.memory_space<semaphore_mem>>) src(%dma_wait3A_537 : memref<80x128xf32, #tpu.memory_space<vmem>>) dst(%dma_wait3A_533 : memref<80x128xf32, #tpu.memory_space<vmem_shared>>)
      tpu.yield
    }) : () -> ()
    %dma_wait3A = arith.constant 0 : i32
    %dma_wait3A_142 = arith.constant 0 : i32
    %dma_wait3A_143 = tpu.memref_slice %arg3[%add3A, %dma_wait3A, %dma_wait3A_142] : memref<32x125x80xi32, #tpu.memory_space<hbm>> -> memref<1x125x80xi32, #tpu.memory_space<hbm>>
    %dma_wait3A_144 = tpu.memref_squeeze %dma_wait3A_143 : memref<1x125x80xi32, #tpu.memory_space<hbm>> -> memref<125x80xi32, #tpu.memory_space<hbm>>
    %dma_wait3A_145 = arith.constant 0 : i32
    %dma_wait3A_146 = arith.constant 0 : i32
    %dma_wait3A_147 = tpu.memref_slice %arg3[%add3A, %dma_wait3A_145, %dma_wait3A_146] : memref<32x125x80xi32, #tpu.memory_space<hbm>> -> memref<1x125x80xi32, #tpu.memory_space<hbm>>
    %dma_wait3A_148 = tpu.memref_squeeze %dma_wait3A_147 : memref<1x125x80xi32, #tpu.memory_space<hbm>> -> memref<125x80xi32, #tpu.memory_space<hbm>>
    tpu.wait_dma2 semaphore(%arg9 : memref<!tpu.dma_semaphore, #tpu.memory_space<semaphore_mem>>) src(%dma_wait3A_148 : memref<125x80xi32, #tpu.memory_space<hbm>>) dst(%arg6 : memref<125x80xi32, #tpu.memory_space<vmem>>)
    %barrier3A = arith.constant 0 : index
    tpu.barrier barrier_id(%barrier3A)
    %dma_start3A_149 = arith.constant 0 : i32
    %dma_start3A_150 = arith.constant 0 : i32
    %dma_start3A_151 = arith.constant 0 : i32
    %dma_start3A_152 = arith.constant 0 : i32
    %dma_start3A_153 = arith.constant 0 : i32
    %dma_start3A_154 = tpu.memref_slice %arg8[%dma_start3A_150, %dma_start3A_152, %dma_start3A_153] : memref<3x80x128xf32, #tpu.memory_space<vmem>> -> memref<1x80x128xf32, #tpu.memory_space<vmem>>
    %dma_start3A_155 = tpu.memref_squeeze %dma_start3A_154 : memref<1x80x128xf32, #tpu.memory_space<vmem>> -> memref<80x128xf32, #tpu.memory_space<vmem>>
    %dma_start3A_156 = arith.constant 0 : i32
    %dma_start3A_157 = tpu.memref_slice %arg6[%dma_start3A_149, %dma_start3A_156] : memref<125x80xi32, #tpu.memory_space<vmem>> -> memref<1x80xi32, #tpu.memory_space<vmem>>
    %dma_start3A_158 = tpu.memref_squeeze %dma_start3A_157 : memref<1x80xi32, #tpu.memory_space<vmem>> -> memref<80xi32, #tpu.memory_space<vmem>>
    %dma_start3A_159 = arith.constant 0 : i32
    %dma_start3A_160 = arith.constant 0 : i32
    %dma_start3A_161 = tpu.memref_slice %arg2[%dma_start3A_159, %dma_start3A_160] : memref<10000x128xf32, #tpu.memory_space<hbm>> -> memref<10000x128xf32, #tpu.memory_space<hbm>>
    %dma_start3A_162 = tpu.memref_slice %arg11[%dma_start3A_151] : memref<3x!tpu.dma_semaphore, #tpu.memory_space<semaphore_mem>> -> memref<1x!tpu.dma_semaphore, #tpu.memory_space<semaphore_mem>>
    %dma_start3A_163 = tpu.memref_squeeze %dma_start3A_162 : memref<1x!tpu.dma_semaphore, #tpu.memory_space<semaphore_mem>> -> memref<!tpu.dma_semaphore, #tpu.memory_space<semaphore_mem>>
    tpu.enqueue_indirect_dma source(%dma_start3A_161 : memref<10000x128xf32, #tpu.memory_space<hbm>>) target(%dma_start3A_155 : memref<80x128xf32, #tpu.memory_space<vmem>>) offsets(%dma_start3A_158 : memref<80xi32, #tpu.memory_space<vmem>>) semaphore(%dma_start3A_163 : memref<!tpu.dma_semaphore, #tpu.memory_space<semaphore_mem>>)
    %dma_start3A_164 = arith.constant 1 : i32
    %dma_start3A_165 = arith.constant 1 : i32
    %dma_start3A_166 = arith.constant 1 : i32
    %dma_start3A_167 = arith.constant 0 : i32
    %dma_start3A_168 = arith.constant 0 : i32
    %dma_start3A_169 = tpu.memref_slice %arg8[%dma_start3A_165, %dma_start3A_167, %dma_start3A_168] : memref<3x80x128xf32, #tpu.memory_space<vmem>> -> memref<1x80x128xf32, #tpu.memory_space<vmem>>
    %dma_start3A_170 = tpu.memref_squeeze %dma_start3A_169 : memref<1x80x128xf32, #tpu.memory_space<vmem>> -> memref<80x128xf32, #tpu.memory_space<vmem>>
    %dma_start3A_171 = arith.constant 0 : i32
    %dma_start3A_172 = tpu.memref_slice %arg6[%dma_start3A_164, %dma_start3A_171] : memref<125x80xi32, #tpu.memory_space<vmem>> -> memref<1x80xi32, #tpu.memory_space<vmem>>
    %dma_start3A_173 = tpu.memref_squeeze %dma_start3A_172 : memref<1x80xi32, #tpu.memory_space<vmem>> -> memref<80xi32, #tpu.memory_space<vmem>>
    %dma_start3A_174 = arith.constant 0 : i32
    %dma_start3A_175 = arith.constant 0 : i32
    %dma_start3A_176 = tpu.memref_slice %arg2[%dma_start3A_174, %dma_start3A_175] : memref<10000x128xf32, #tpu.memory_space<hbm>> -> memref<10000x128xf32, #tpu.memory_space<hbm>>
    %dma_start3A_177 = tpu.memref_slice %arg11[%dma_start3A_166] : memref<3x!tpu.dma_semaphore, #tpu.memory_space<semaphore_mem>> -> memref<1x!tpu.dma_semaphore, #tpu.memory_space<semaphore_mem>>
    %dma_start3A_178 = tpu.memref_squeeze %dma_start3A_177 : memref<1x!tpu.dma_semaphore, #tpu.memory_space<semaphore_mem>> -> memref<!tpu.dma_semaphore, #tpu.memory_space<semaphore_mem>>
    tpu.enqueue_indirect_dma source(%dma_start3A_176 : memref<10000x128xf32, #tpu.memory_space<hbm>>) target(%dma_start3A_170 : memref<80x128xf32, #tpu.memory_space<vmem>>) offsets(%dma_start3A_173 : memref<80xi32, #tpu.memory_space<vmem>>) semaphore(%dma_start3A_178 : memref<!tpu.dma_semaphore, #tpu.memory_space<semaphore_mem>>)
    %dma_wait3A_179 = arith.constant 0 : i32
    %dma_wait3A_180 = arith.constant 0 : i32
    %dma_wait3A_181 = arith.constant 0 : i32
    %dma_wait3A_182 = arith.constant 0 : i32
    %dma_wait3A_183 = arith.constant 0 : i32
    %dma_wait3A_184 = tpu.memref_slice %arg8[%dma_wait3A_180, %dma_wait3A_182, %dma_wait3A_183] : memref<3x80x128xf32, #tpu.memory_space<vmem>> -> memref<1x80x128xf32, #tpu.memory_space<vmem>>
    %dma_wait3A_185 = tpu.memref_squeeze %dma_wait3A_184 : memref<1x80x128xf32, #tpu.memory_space<vmem>> -> memref<80x128xf32, #tpu.memory_space<vmem>>
    %dma_wait3A_186 = arith.constant 0 : i32
    %dma_wait3A_187 = tpu.memref_slice %arg6[%dma_wait3A_179, %dma_wait3A_186] : memref<125x80xi32, #tpu.memory_space<vmem>> -> memref<1x80xi32, #tpu.memory_space<vmem>>
    %dma_wait3A_188 = tpu.memref_squeeze %dma_wait3A_187 : memref<1x80xi32, #tpu.memory_space<vmem>> -> memref<80xi32, #tpu.memory_space<vmem>>
    %dma_wait3A_189 = arith.constant 0 : i32
    %dma_wait3A_190 = arith.constant 0 : i32
    %dma_wait3A_191 = tpu.memref_slice %arg2[%dma_wait3A_189, %dma_wait3A_190] : memref<10000x128xf32, #tpu.memory_space<hbm>> -> memref<10000x128xf32, #tpu.memory_space<hbm>>
    %dma_wait3A_192 = tpu.memref_slice %arg11[%dma_wait3A_181] : memref<3x!tpu.dma_semaphore, #tpu.memory_space<semaphore_mem>> -> memref<1x!tpu.dma_semaphore, #tpu.memory_space<semaphore_mem>>
    %dma_wait3A_193 = tpu.memref_squeeze %dma_wait3A_192 : memref<1x!tpu.dma_semaphore, #tpu.memory_space<semaphore_mem>> -> memref<!tpu.dma_semaphore, #tpu.memory_space<semaphore_mem>>
    tpu.wait_indirect_dma semaphore(%dma_wait3A_193 : memref<!tpu.dma_semaphore, #tpu.memory_space<semaphore_mem>>) src(%dma_wait3A_191 : memref<10000x128xf32, #tpu.memory_space<hbm>>) dst(%dma_wait3A_185 : memref<80x128xf32, #tpu.memory_space<vmem>>)
    %dma_wait3A_194 = arith.constant 0 : i32
    %dma_wait3A_195 = arith.constant 0 : i32
    %dma_wait3A_196 = arith.constant 0 : i32
    %dma_wait3A_197 = arith.constant 0 : i32
    %dma_wait3A_198 = tpu.memref_slice %arg7[%dma_wait3A_195, %dma_wait3A_197] : memref<8x80xi32, #tpu.memory_space<vmem>> -> memref<1x80xi32, #tpu.memory_space<vmem>>
    %dma_wait3A_199 = tpu.memref_squeeze %dma_wait3A_198 : memref<1x80xi32, #tpu.memory_space<vmem>> -> memref<80xi32, #tpu.memory_space<vmem>>
    %dma_wait3A_200 = arith.constant 0 : i32
    %dma_wait3A_201 = tpu.memref_slice %arg4[%add3A, %dma_wait3A_194, %dma_wait3A_200] : memref<32x125x80xi32, #tpu.memory_space<hbm>> -> memref<1x1x80xi32, #tpu.memory_space<hbm>>
    %dma_wait3A_202 = tpu.memref_squeeze %dma_wait3A_201 : memref<1x1x80xi32, #tpu.memory_space<hbm>> -> memref<80xi32, #tpu.memory_space<hbm>>
    %dma_wait3A_203 = tpu.memref_slice %arg10[%dma_wait3A_196] : memref<8x!tpu.dma_semaphore, #tpu.memory_space<semaphore_mem>> -> memref<1x!tpu.dma_semaphore, #tpu.memory_space<semaphore_mem>>
    %dma_wait3A_204 = tpu.memref_squeeze %dma_wait3A_203 : memref<1x!tpu.dma_semaphore, #tpu.memory_space<semaphore_mem>> -> memref<!tpu.dma_semaphore, #tpu.memory_space<semaphore_mem>>
    %dma_wait3A_205 = arith.constant 0 : i32
    %dma_wait3A_206 = tpu.memref_slice %arg7[%dma_wait3A_195, %dma_wait3A_205] : memref<8x80xi32, #tpu.memory_space<vmem>> -> memref<1x80xi32, #tpu.memory_space<vmem>>
    %dma_wait3A_207 = tpu.memref_squeeze %dma_wait3A_206 : memref<1x80xi32, #tpu.memory_space<vmem>> -> memref<80xi32, #tpu.memory_space<vmem>>
    %dma_wait3A_208 = arith.constant 0 : i32
    %dma_wait3A_209 = tpu.memref_slice %arg4[%add3A, %dma_wait3A_194, %dma_wait3A_208] : memref<32x125x80xi32, #tpu.memory_space<hbm>> -> memref<1x1x80xi32, #tpu.memory_space<hbm>>
    %dma_wait3A_210 = tpu.memref_squeeze %dma_wait3A_209 : memref<1x1x80xi32, #tpu.memory_space<hbm>> -> memref<80xi32, #tpu.memory_space<hbm>>
    tpu.wait_dma2 semaphore(%dma_wait3A_204 : memref<!tpu.dma_semaphore, #tpu.memory_space<semaphore_mem>>) src(%dma_wait3A_210 : memref<80xi32, #tpu.memory_space<hbm>>) dst(%dma_wait3A_207 : memref<80xi32, #tpu.memory_space<vmem>>)
    %dma_start3A_211 = arith.constant 0 : i32
    %dma_start3A_212 = arith.constant 0 : i32
    %dma_start3A_213 = arith.constant 0 : i32
    %dma_start3A_214 = arith.constant 0 : i32
    %dma_start3A_215 = arith.constant 0 : i32
    %dma_start3A_216 = tpu.memref_slice %arg8[%dma_start3A_211, %dma_start3A_214, %dma_start3A_215] : memref<3x80x128xf32, #tpu.memory_space<vmem>> -> memref<1x80x128xf32, #tpu.memory_space<vmem>>
    %dma_start3A_217 = tpu.memref_squeeze %dma_start3A_216 : memref<1x80x128xf32, #tpu.memory_space<vmem>> -> memref<80x128xf32, #tpu.memory_space<vmem>>
    %dma_start3A_218 = arith.constant 0 : i32
    %dma_start3A_219 = tpu.memref_slice %arg7[%dma_start3A_212, %dma_start3A_218] : memref<8x80xi32, #tpu.memory_space<vmem>> -> memref<1x80xi32, #tpu.memory_space<vmem>>
    %dma_start3A_220 = tpu.memref_squeeze %dma_start3A_219 : memref<1x80xi32, #tpu.memory_space<vmem>> -> memref<80xi32, #tpu.memory_space<vmem>>
    %dma_start3A_221 = arith.constant 0 : i32
    %dma_start3A_222 = arith.constant 0 : i32
    %dma_start3A_223 = tpu.memref_slice %arg13[%dma_start3A_221, %dma_start3A_222] : memref<10240x128xf32, #tpu.memory_space<vmem_shared>> -> memref<10240x128xf32, #tpu.memory_space<vmem_shared>>
    %dma_start3A_224 = tpu.memref_slice %arg12[%dma_start3A_213] : memref<3x!tpu.dma_semaphore, #tpu.memory_space<semaphore_mem>> -> memref<1x!tpu.dma_semaphore, #tpu.memory_space<semaphore_mem>>
    %dma_start3A_225 = tpu.memref_squeeze %dma_start3A_224 : memref<1x!tpu.dma_semaphore, #tpu.memory_space<semaphore_mem>> -> memref<!tpu.dma_semaphore, #tpu.memory_space<semaphore_mem>>
    tpu.enqueue_indirect_dma source(%dma_start3A_217 : memref<80x128xf32, #tpu.memory_space<vmem>>) target(%dma_start3A_223 : memref<10240x128xf32, #tpu.memory_space<vmem_shared>>) offsets(%dma_start3A_220 : memref<80xi32, #tpu.memory_space<vmem>>) semaphore(%dma_start3A_225 : memref<!tpu.dma_semaphore, #tpu.memory_space<semaphore_mem>>) {add = true}
    %dma_start3A_226 = arith.constant 2 : i32
    %dma_start3A_227 = arith.constant 2 : i32
    %dma_start3A_228 = arith.constant 2 : i32
    %dma_start3A_229 = arith.constant 0 : i32
    %dma_start3A_230 = arith.constant 0 : i32
    %dma_start3A_231 = tpu.memref_slice %arg8[%dma_start3A_227, %dma_start3A_229, %dma_start3A_230] : memref<3x80x128xf32, #tpu.memory_space<vmem>> -> memref<1x80x128xf32, #tpu.memory_space<vmem>>
    %dma_start3A_232 = tpu.memref_squeeze %dma_start3A_231 : memref<1x80x128xf32, #tpu.memory_space<vmem>> -> memref<80x128xf32, #tpu.memory_space<vmem>>
    %dma_start3A_233 = arith.constant 0 : i32
    %dma_start3A_234 = tpu.memref_slice %arg6[%dma_start3A_226, %dma_start3A_233] : memref<125x80xi32, #tpu.memory_space<vmem>> -> memref<1x80xi32, #tpu.memory_space<vmem>>
    %dma_start3A_235 = tpu.memref_squeeze %dma_start3A_234 : memref<1x80xi32, #tpu.memory_space<vmem>> -> memref<80xi32, #tpu.memory_space<vmem>>
    %dma_start3A_236 = arith.constant 0 : i32
    %dma_start3A_237 = arith.constant 0 : i32
    %dma_start3A_238 = tpu.memref_slice %arg2[%dma_start3A_236, %dma_start3A_237] : memref<10000x128xf32, #tpu.memory_space<hbm>> -> memref<10000x128xf32, #tpu.memory_space<hbm>>
    %dma_start3A_239 = tpu.memref_slice %arg11[%dma_start3A_228] : memref<3x!tpu.dma_semaphore, #tpu.memory_space<semaphore_mem>> -> memref<1x!tpu.dma_semaphore, #tpu.memory_space<semaphore_mem>>
    %dma_start3A_240 = tpu.memref_squeeze %dma_start3A_239 : memref<1x!tpu.dma_semaphore, #tpu.memory_space<semaphore_mem>> -> memref<!tpu.dma_semaphore, #tpu.memory_space<semaphore_mem>>
    tpu.enqueue_indirect_dma source(%dma_start3A_238 : memref<10000x128xf32, #tpu.memory_space<hbm>>) target(%dma_start3A_232 : memref<80x128xf32, #tpu.memory_space<vmem>>) offsets(%dma_start3A_235 : memref<80xi32, #tpu.memory_space<vmem>>) semaphore(%dma_start3A_240 : memref<!tpu.dma_semaphore, #tpu.memory_space<semaphore_mem>>)
    %dma_start3A_241 = arith.constant 6 : i32
    %dma_start3A_242 = arith.constant 6 : i32
    %dma_start3A_243 = arith.constant 6 : i32
    %dma_start3A_244 = arith.constant 0 : i32
    %dma_start3A_245 = tpu.memref_slice %arg7[%dma_start3A_242, %dma_start3A_244] : memref<8x80xi32, #tpu.memory_space<vmem>> -> memref<1x80xi32, #tpu.memory_space<vmem>>
    %dma_start3A_246 = tpu.memref_squeeze %dma_start3A_245 : memref<1x80xi32, #tpu.memory_space<vmem>> -> memref<80xi32, #tpu.memory_space<vmem>>
    %dma_start3A_247 = arith.constant 0 : i32
    %dma_start3A_248 = tpu.memref_slice %arg4[%add3A, %dma_start3A_241, %dma_start3A_247] : memref<32x125x80xi32, #tpu.memory_space<hbm>> -> memref<1x1x80xi32, #tpu.memory_space<hbm>>
    %dma_start3A_249 = tpu.memref_squeeze %dma_start3A_248 : memref<1x1x80xi32, #tpu.memory_space<hbm>> -> memref<80xi32, #tpu.memory_space<hbm>>
    %dma_start3A_250 = tpu.memref_slice %arg10[%dma_start3A_243] : memref<8x!tpu.dma_semaphore, #tpu.memory_space<semaphore_mem>> -> memref<1x!tpu.dma_semaphore, #tpu.memory_space<semaphore_mem>>
    %dma_start3A_251 = tpu.memref_squeeze %dma_start3A_250 : memref<1x!tpu.dma_semaphore, #tpu.memory_space<semaphore_mem>> -> memref<!tpu.dma_semaphore, #tpu.memory_space<semaphore_mem>>
    %dma_start3A_252 = arith.constant 0 : i32
    %dma_start3A_253 = tpu.memref_slice %arg7[%dma_start3A_242, %dma_start3A_252] : memref<8x80xi32, #tpu.memory_space<vmem>> -> memref<1x80xi32, #tpu.memory_space<vmem>>
    %dma_start3A_254 = tpu.memref_squeeze %dma_start3A_253 : memref<1x80xi32, #tpu.memory_space<vmem>> -> memref<80xi32, #tpu.memory_space<vmem>>
    %dma_start3A_255 = arith.constant 0 : i32
    %dma_start3A_256 = tpu.memref_slice %arg4[%add3A, %dma_start3A_241, %dma_start3A_255] : memref<32x125x80xi32, #tpu.memory_space<hbm>> -> memref<1x1x80xi32, #tpu.memory_space<hbm>>
    %dma_start3A_257 = tpu.memref_squeeze %dma_start3A_256 : memref<1x1x80xi32, #tpu.memory_space<hbm>> -> memref<80xi32, #tpu.memory_space<hbm>>
    tpu.enqueue_dma source(%dma_start3A_257 : memref<80xi32, #tpu.memory_space<hbm>>) target(%dma_start3A_254 : memref<80xi32, #tpu.memory_space<vmem>>) target_semaphore(%dma_start3A_251 : memref<!tpu.dma_semaphore, #tpu.memory_space<semaphore_mem>>)
    %dma_wait3A_258 = arith.constant 0 : i32
    %dma_wait3A_259 = arith.constant 1 : i32
    %dma_wait3A_260 = arith.constant 1 : i32
    %dma_wait3A_261 = arith.constant 0 : i32
    %dma_wait3A_262 = arith.constant 0 : i32
    %dma_wait3A_263 = tpu.memref_slice %arg8[%dma_wait3A_259, %dma_wait3A_261, %dma_wait3A_262] : memref<3x80x128xf32, #tpu.memory_space<vmem>> -> memref<1x80x128xf32, #tpu.memory_space<vmem>>
    %dma_wait3A_264 = tpu.memref_squeeze %dma_wait3A_263 : memref<1x80x128xf32, #tpu.memory_space<vmem>> -> memref<80x128xf32, #tpu.memory_space<vmem>>
    %dma_wait3A_265 = arith.constant 0 : i32
    %dma_wait3A_266 = tpu.memref_slice %arg6[%dma_wait3A_258, %dma_wait3A_265] : memref<125x80xi32, #tpu.memory_space<vmem>> -> memref<1x80xi32, #tpu.memory_space<vmem>>
    %dma_wait3A_267 = tpu.memref_squeeze %dma_wait3A_266 : memref<1x80xi32, #tpu.memory_space<vmem>> -> memref<80xi32, #tpu.memory_space<vmem>>
    %dma_wait3A_268 = arith.constant 0 : i32
    %dma_wait3A_269 = arith.constant 0 : i32
    %dma_wait3A_270 = tpu.memref_slice %arg2[%dma_wait3A_268, %dma_wait3A_269] : memref<10000x128xf32, #tpu.memory_space<hbm>> -> memref<10000x128xf32, #tpu.memory_space<hbm>>
    %dma_wait3A_271 = tpu.memref_slice %arg11[%dma_wait3A_260] : memref<3x!tpu.dma_semaphore, #tpu.memory_space<semaphore_mem>> -> memref<1x!tpu.dma_semaphore, #tpu.memory_space<semaphore_mem>>
    %dma_wait3A_272 = tpu.memref_squeeze %dma_wait3A_271 : memref<1x!tpu.dma_semaphore, #tpu.memory_space<semaphore_mem>> -> memref<!tpu.dma_semaphore, #tpu.memory_space<semaphore_mem>>
    tpu.wait_indirect_dma semaphore(%dma_wait3A_272 : memref<!tpu.dma_semaphore, #tpu.memory_space<semaphore_mem>>) src(%dma_wait3A_270 : memref<10000x128xf32, #tpu.memory_space<hbm>>) dst(%dma_wait3A_264 : memref<80x128xf32, #tpu.memory_space<vmem>>)
    %dma_wait3A_273 = arith.constant 0 : i32
    %dma_wait3A_274 = arith.constant 1 : i32
    %dma_wait3A_275 = arith.constant 1 : i32
    %dma_wait3A_276 = arith.constant 0 : i32
    %dma_wait3A_277 = tpu.memref_slice %arg7[%dma_wait3A_274, %dma_wait3A_276] : memref<8x80xi32, #tpu.memory_space<vmem>> -> memref<1x80xi32, #tpu.memory_space<vmem>>
    %dma_wait3A_278 = tpu.memref_squeeze %dma_wait3A_277 : memref<1x80xi32, #tpu.memory_space<vmem>> -> memref<80xi32, #tpu.memory_space<vmem>>
    %dma_wait3A_279 = arith.constant 0 : i32
    %dma_wait3A_280 = tpu.memref_slice %arg4[%add3A, %dma_wait3A_273, %dma_wait3A_279] : memref<32x125x80xi32, #tpu.memory_space<hbm>> -> memref<1x1x80xi32, #tpu.memory_space<hbm>>
    %dma_wait3A_281 = tpu.memref_squeeze %dma_wait3A_280 : memref<1x1x80xi32, #tpu.memory_space<hbm>> -> memref<80xi32, #tpu.memory_space<hbm>>
    %dma_wait3A_282 = tpu.memref_slice %arg10[%dma_wait3A_275] : memref<8x!tpu.dma_semaphore, #tpu.memory_space<semaphore_mem>> -> memref<1x!tpu.dma_semaphore, #tpu.memory_space<semaphore_mem>>
    %dma_wait3A_283 = tpu.memref_squeeze %dma_wait3A_282 : memref<1x!tpu.dma_semaphore, #tpu.memory_space<semaphore_mem>> -> memref<!tpu.dma_semaphore, #tpu.memory_space<semaphore_mem>>
    %dma_wait3A_284 = arith.constant 0 : i32
    %dma_wait3A_285 = tpu.memref_slice %arg7[%dma_wait3A_274, %dma_wait3A_284] : memref<8x80xi32, #tpu.memory_space<vmem>> -> memref<1x80xi32, #tpu.memory_space<vmem>>
    %dma_wait3A_286 = tpu.memref_squeeze %dma_wait3A_285 : memref<1x80xi32, #tpu.memory_space<vmem>> -> memref<80xi32, #tpu.memory_space<vmem>>
    %dma_wait3A_287 = arith.constant 0 : i32
    %dma_wait3A_288 = tpu.memref_slice %arg4[%add3A, %dma_wait3A_273, %dma_wait3A_287] : memref<32x125x80xi32, #tpu.memory_space<hbm>> -> memref<1x1x80xi32, #tpu.memory_space<hbm>>
    %dma_wait3A_289 = tpu.memref_squeeze %dma_wait3A_288 : memref<1x1x80xi32, #tpu.memory_space<hbm>> -> memref<80xi32, #tpu.memory_space<hbm>>
    tpu.wait_dma2 semaphore(%dma_wait3A_283 : memref<!tpu.dma_semaphore, #tpu.memory_space<semaphore_mem>>) src(%dma_wait3A_289 : memref<80xi32, #tpu.memory_space<hbm>>) dst(%dma_wait3A_286 : memref<80xi32, #tpu.memory_space<vmem>>)
    %dma_start3A_290 = arith.constant 1 : i32
    %dma_start3A_291 = arith.constant 1 : i32
    %dma_start3A_292 = arith.constant 1 : i32
    %dma_start3A_293 = arith.constant 0 : i32
    %dma_start3A_294 = arith.constant 0 : i32
    %dma_start3A_295 = tpu.memref_slice %arg8[%dma_start3A_290, %dma_start3A_293, %dma_start3A_294] : memref<3x80x128xf32, #tpu.memory_space<vmem>> -> memref<1x80x128xf32, #tpu.memory_space<vmem>>
    %dma_start3A_296 = tpu.memref_squeeze %dma_start3A_295 : memref<1x80x128xf32, #tpu.memory_space<vmem>> -> memref<80x128xf32, #tpu.memory_space<vmem>>
    %dma_start3A_297 = arith.constant 0 : i32
    %dma_start3A_298 = tpu.memref_slice %arg7[%dma_start3A_291, %dma_start3A_297] : memref<8x80xi32, #tpu.memory_space<vmem>> -> memref<1x80xi32, #tpu.memory_space<vmem>>
    %dma_start3A_299 = tpu.memref_squeeze %dma_start3A_298 : memref<1x80xi32, #tpu.memory_space<vmem>> -> memref<80xi32, #tpu.memory_space<vmem>>
    %dma_start3A_300 = arith.constant 0 : i32
    %dma_start3A_301 = arith.constant 0 : i32
    %dma_start3A_302 = tpu.memref_slice %arg13[%dma_start3A_300, %dma_start3A_301] : memref<10240x128xf32, #tpu.memory_space<vmem_shared>> -> memref<10240x128xf32, #tpu.memory_space<vmem_shared>>
    %dma_start3A_303 = tpu.memref_slice %arg12[%dma_start3A_292] : memref<3x!tpu.dma_semaphore, #tpu.memory_space<semaphore_mem>> -> memref<1x!tpu.dma_semaphore, #tpu.memory_space<semaphore_mem>>
    %dma_start3A_304 = tpu.memref_squeeze %dma_start3A_303 : memref<1x!tpu.dma_semaphore, #tpu.memory_space<semaphore_mem>> -> memref<!tpu.dma_semaphore, #tpu.memory_space<semaphore_mem>>
    tpu.enqueue_indirect_dma source(%dma_start3A_296 : memref<80x128xf32, #tpu.memory_space<vmem>>) target(%dma_start3A_302 : memref<10240x128xf32, #tpu.memory_space<vmem_shared>>) offsets(%dma_start3A_299 : memref<80xi32, #tpu.memory_space<vmem>>) semaphore(%dma_start3A_304 : memref<!tpu.dma_semaphore, #tpu.memory_space<semaphore_mem>>) {add = true}
    %dma_wait3A_305 = arith.constant 0 : i32
    %dma_wait3A_306 = arith.constant 0 : i32
    %dma_wait3A_307 = arith.constant 0 : i32
    %dma_wait3A_308 = arith.constant 0 : i32
    %dma_wait3A_309 = tpu.memref_slice %arg8[%dma_wait3A_305, %dma_wait3A_307, %dma_wait3A_308] : memref<3x80x128xf32, #tpu.memory_space<vmem>> -> memref<1x80x128xf32, #tpu.memory_space<vmem>>
    %dma_wait3A_310 = tpu.memref_squeeze %dma_wait3A_309 : memref<1x80x128xf32, #tpu.memory_space<vmem>> -> memref<80x128xf32, #tpu.memory_space<vmem>>
    %dma_wait3A_311 = arith.constant 0 : i32
    %dma_wait3A_312 = arith.constant 0 : i32
    %dma_wait3A_313 = tpu.memref_slice %arg13[%dma_wait3A_311, %dma_wait3A_312] : memref<10240x128xf32, #tpu.memory_space<vmem_shared>> -> memref<80x128xf32, #tpu.memory_space<vmem_shared>>
    %dma_wait3A_314 = tpu.memref_slice %arg12[%dma_wait3A_306] : memref<3x!tpu.dma_semaphore, #tpu.memory_space<semaphore_mem>> -> memref<1x!tpu.dma_semaphore, #tpu.memory_space<semaphore_mem>>
    %dma_wait3A_315 = tpu.memref_squeeze %dma_wait3A_314 : memref<1x!tpu.dma_semaphore, #tpu.memory_space<semaphore_mem>> -> memref<!tpu.dma_semaphore, #tpu.memory_space<semaphore_mem>>
    %dma_wait3A_316 = arith.constant 0 : i32
    %dma_wait3A_317 = arith.constant 0 : i32
    %dma_wait3A_318 = tpu.memref_slice %arg13[%dma_wait3A_316, %dma_wait3A_317] : memref<10240x128xf32, #tpu.memory_space<vmem_shared>> -> memref<80x128xf32, #tpu.memory_space<vmem_shared>>
    %dma_wait3A_319 = arith.constant 0 : i32
    %dma_wait3A_320 = arith.constant 0 : i32
    %dma_wait3A_321 = tpu.memref_slice %arg8[%dma_wait3A_305, %dma_wait3A_319, %dma_wait3A_320] : memref<3x80x128xf32, #tpu.memory_space<vmem>> -> memref<1x80x128xf32, #tpu.memory_space<vmem>>
    %dma_wait3A_322 = tpu.memref_squeeze %dma_wait3A_321 : memref<1x80x128xf32, #tpu.memory_space<vmem>> -> memref<80x128xf32, #tpu.memory_space<vmem>>
    tpu.wait_dma2 semaphore(%dma_wait3A_315 : memref<!tpu.dma_semaphore, #tpu.memory_space<semaphore_mem>>) src(%dma_wait3A_322 : memref<80x128xf32, #tpu.memory_space<vmem>>) dst(%dma_wait3A_318 : memref<80x128xf32, #tpu.memory_space<vmem_shared>>)
    %dma_start3A_323 = arith.constant 3 : i32
    %dma_start3A_324 = arith.constant 0 : i32
    %dma_start3A_325 = arith.constant 0 : i32
    %dma_start3A_326 = arith.constant 0 : i32
    %dma_start3A_327 = arith.constant 0 : i32
    %dma_start3A_328 = tpu.memref_slice %arg8[%dma_start3A_324, %dma_start3A_326, %dma_start3A_327] : memref<3x80x128xf32, #tpu.memory_space<vmem>> -> memref<1x80x128xf32, #tpu.memory_space<vmem>>
    %dma_start3A_329 = tpu.memref_squeeze %dma_start3A_328 : memref<1x80x128xf32, #tpu.memory_space<vmem>> -> memref<80x128xf32, #tpu.memory_space<vmem>>
    %dma_start3A_330 = arith.constant 0 : i32
    %dma_start3A_331 = tpu.memref_slice %arg6[%dma_start3A_323, %dma_start3A_330] : memref<125x80xi32, #tpu.memory_space<vmem>> -> memref<1x80xi32, #tpu.memory_space<vmem>>
    %dma_start3A_332 = tpu.memref_squeeze %dma_start3A_331 : memref<1x80xi32, #tpu.memory_space<vmem>> -> memref<80xi32, #tpu.memory_space<vmem>>
    %dma_start3A_333 = arith.constant 0 : i32
    %dma_start3A_334 = arith.constant 0 : i32
    %dma_start3A_335 = tpu.memref_slice %arg2[%dma_start3A_333, %dma_start3A_334] : memref<10000x128xf32, #tpu.memory_space<hbm>> -> memref<10000x128xf32, #tpu.memory_space<hbm>>
    %dma_start3A_336 = tpu.memref_slice %arg11[%dma_start3A_325] : memref<3x!tpu.dma_semaphore, #tpu.memory_space<semaphore_mem>> -> memref<1x!tpu.dma_semaphore, #tpu.memory_space<semaphore_mem>>
    %dma_start3A_337 = tpu.memref_squeeze %dma_start3A_336 : memref<1x!tpu.dma_semaphore, #tpu.memory_space<semaphore_mem>> -> memref<!tpu.dma_semaphore, #tpu.memory_space<semaphore_mem>>
    tpu.enqueue_indirect_dma source(%dma_start3A_335 : memref<10000x128xf32, #tpu.memory_space<hbm>>) target(%dma_start3A_329 : memref<80x128xf32, #tpu.memory_space<vmem>>) offsets(%dma_start3A_332 : memref<80xi32, #tpu.memory_space<vmem>>) semaphore(%dma_start3A_337 : memref<!tpu.dma_semaphore, #tpu.memory_space<semaphore_mem>>)
    %dma_start3A_338 = arith.constant 7 : i32
    %dma_start3A_339 = arith.constant 7 : i32
    %dma_start3A_340 = arith.constant 7 : i32
    %dma_start3A_341 = arith.constant 0 : i32
    %dma_start3A_342 = tpu.memref_slice %arg7[%dma_start3A_339, %dma_start3A_341] : memref<8x80xi32, #tpu.memory_space<vmem>> -> memref<1x80xi32, #tpu.memory_space<vmem>>
    %dma_start3A_343 = tpu.memref_squeeze %dma_start3A_342 : memref<1x80xi32, #tpu.memory_space<vmem>> -> memref<80xi32, #tpu.memory_space<vmem>>
    %dma_start3A_344 = arith.constant 0 : i32
    %dma_start3A_345 = tpu.memref_slice %arg4[%add3A, %dma_start3A_338, %dma_start3A_344] : memref<32x125x80xi32, #tpu.memory_space<hbm>> -> memref<1x1x80xi32, #tpu.memory_space<hbm>>
    %dma_start3A_346 = tpu.memref_squeeze %dma_start3A_345 : memref<1x1x80xi32, #tpu.memory_space<hbm>> -> memref<80xi32, #tpu.memory_space<hbm>>
    %dma_start3A_347 = tpu.memref_slice %arg10[%dma_start3A_340] : memref<8x!tpu.dma_semaphore, #tpu.memory_space<semaphore_mem>> -> memref<1x!tpu.dma_semaphore, #tpu.memory_space<semaphore_mem>>
    %dma_start3A_348 = tpu.memref_squeeze %dma_start3A_347 : memref<1x!tpu.dma_semaphore, #tpu.memory_space<semaphore_mem>> -> memref<!tpu.dma_semaphore, #tpu.memory_space<semaphore_mem>>
    %dma_start3A_349 = arith.constant 0 : i32
    %dma_start3A_350 = tpu.memref_slice %arg7[%dma_start3A_339, %dma_start3A_349] : memref<8x80xi32, #tpu.memory_space<vmem>> -> memref<1x80xi32, #tpu.memory_space<vmem>>
    %dma_start3A_351 = tpu.memref_squeeze %dma_start3A_350 : memref<1x80xi32, #tpu.memory_space<vmem>> -> memref<80xi32, #tpu.memory_space<vmem>>
    %dma_start3A_352 = arith.constant 0 : i32
    %dma_start3A_353 = tpu.memref_slice %arg4[%add3A, %dma_start3A_338, %dma_start3A_352] : memref<32x125x80xi32, #tpu.memory_space<hbm>> -> memref<1x1x80xi32, #tpu.memory_space<hbm>>
    %dma_start3A_354 = tpu.memref_squeeze %dma_start3A_353 : memref<1x1x80xi32, #tpu.memory_space<hbm>> -> memref<80xi32, #tpu.memory_space<hbm>>
    tpu.enqueue_dma source(%dma_start3A_354 : memref<80xi32, #tpu.memory_space<hbm>>) target(%dma_start3A_351 : memref<80xi32, #tpu.memory_space<vmem>>) target_semaphore(%dma_start3A_348 : memref<!tpu.dma_semaphore, #tpu.memory_space<semaphore_mem>>)
    %scan3A_355 = arith.constant 0 : i32
    %scan3A_356 = arith.constant 2 : i32
    %scan3A_357 = arith.constant 121 : i32
    %scan3A_358 = arith.addi %scan3A_356, %scan3A_357 : i32
    %scan3A_359 = arith.constant 1 : i32
    %scan3A_360 = scf.for %scan3A_513 = %scan3A_356 to %scan3A_358 step %scan3A_359 iter_args(%scan3A_514 = %scan3A_355) -> (i32)  : i32 {
      %rem3A = arith.constant 3 : i32
      %rem3A_515 = arith.remsi %scan3A_513, %rem3A : i32
      %add3A_516 = arith.constant 2 : i32
      %add3A_517 = arith.addi %scan3A_513, %add3A_516 : i32
      %rem3A_518 = arith.constant 3 : i32
      %rem3A_519 = arith.remsi %add3A_517, %rem3A_518 : i32
      %dma_wait3A_520 = arith.constant 0 : i32
      %dma_wait3A_521 = arith.constant 0 : i32
      %dma_wait3A_522 = arith.constant 0 : i32
      %dma_wait3A_523 = tpu.memref_slice %arg8[%rem3A_515, %dma_wait3A_521, %dma_wait3A_522] : memref<3x80x128xf32, #tpu.memory_space<vmem>> -> memref<1x80x128xf32, #tpu.memory_space<vmem>>
      %dma_wait3A_524 = tpu.memref_squeeze %dma_wait3A_523 : memref<1x80x128xf32, #tpu.memory_space<vmem>> -> memref<80x128xf32, #tpu.memory_space<vmem>>
      %dma_wait3A_525 = arith.constant 0 : i32
      %dma_wait3A_526 = tpu.memref_slice %arg6[%dma_wait3A_520, %dma_wait3A_525] : memref<125x80xi32, #tpu.memory_space<vmem>> -> memref<1x80xi32, #tpu.memory_space<vmem>>
      %dma_wait3A_527 = tpu.memref_squeeze %dma_wait3A_526 : memref<1x80xi32, #tpu.memory_space<vmem>> -> memref<80xi32, #tpu.memory_space<vmem>>
      %dma_wait3A_528 = arith.constant 0 : i32
      %dma_wait3A_529 = arith.constant 0 : i32
      %dma_wait3A_530 = tpu.memref_slice %arg2[%dma_wait3A_528, %dma_wait3A_529] : memref<10000x128xf32, #tpu.memory_space<hbm>> -> memref<10000x128xf32, #tpu.memory_space<hbm>>
      %dma_wait3A_531 = tpu.memref_slice %arg11[%rem3A_515] : memref<3x!tpu.dma_semaphore, #tpu.memory_space<semaphore_mem>> -> memref<1x!tpu.dma_semaphore, #tpu.memory_space<semaphore_mem>>
      %dma_wait3A_532 = tpu.memref_squeeze %dma_wait3A_531 : memref<1x!tpu.dma_semaphore, #tpu.memory_space<semaphore_mem>> -> memref<!tpu.dma_semaphore, #tpu.memory_space<semaphore_mem>>
      tpu.wait_indirect_dma semaphore(%dma_wait3A_532 : memref<!tpu.dma_semaphore, #tpu.memory_space<semaphore_mem>>) src(%dma_wait3A_530 : memref<10000x128xf32, #tpu.memory_space<hbm>>) dst(%dma_wait3A_524 : memref<80x128xf32, #tpu.memory_space<vmem>>)
      %rem3A_533 = arith.constant 8 : i32
      %rem3A_534 = arith.remsi %scan3A_513, %rem3A_533 : i32
      %dma_wait3A_535 = arith.constant 0 : i32
      %dma_wait3A_536 = arith.constant 0 : i32
      %dma_wait3A_537 = tpu.memref_slice %arg7[%rem3A_534, %dma_wait3A_536] : memref<8x80xi32, #tpu.memory_space<vmem>> -> memref<1x80xi32, #tpu.memory_space<vmem>>
      %dma_wait3A_538 = tpu.memref_squeeze %dma_wait3A_537 : memref<1x80xi32, #tpu.memory_space<vmem>> -> memref<80xi32, #tpu.memory_space<vmem>>
      %dma_wait3A_539 = arith.constant 0 : i32
      %dma_wait3A_540 = tpu.memref_slice %arg4[%add3A, %dma_wait3A_535, %dma_wait3A_539] : memref<32x125x80xi32, #tpu.memory_space<hbm>> -> memref<1x1x80xi32, #tpu.memory_space<hbm>>
      %dma_wait3A_541 = tpu.memref_squeeze %dma_wait3A_540 : memref<1x1x80xi32, #tpu.memory_space<hbm>> -> memref<80xi32, #tpu.memory_space<hbm>>
      %dma_wait3A_542 = tpu.memref_slice %arg10[%rem3A_534] : memref<8x!tpu.dma_semaphore, #tpu.memory_space<semaphore_mem>> -> memref<1x!tpu.dma_semaphore, #tpu.memory_space<semaphore_mem>>
      %dma_wait3A_543 = tpu.memref_squeeze %dma_wait3A_542 : memref<1x!tpu.dma_semaphore, #tpu.memory_space<semaphore_mem>> -> memref<!tpu.dma_semaphore, #tpu.memory_space<semaphore_mem>>
      %dma_wait3A_544 = arith.constant 0 : i32
      %dma_wait3A_545 = tpu.memref_slice %arg7[%rem3A_534, %dma_wait3A_544] : memref<8x80xi32, #tpu.memory_space<vmem>> -> memref<1x80xi32, #tpu.memory_space<vmem>>
      %dma_wait3A_546 = tpu.memref_squeeze %dma_wait3A_545 : memref<1x80xi32, #tpu.memory_space<vmem>> -> memref<80xi32, #tpu.memory_space<vmem>>
      %dma_wait3A_547 = arith.constant 0 : i32
      %dma_wait3A_548 = tpu.memref_slice %arg4[%add3A, %dma_wait3A_535, %dma_wait3A_547] : memref<32x125x80xi32, #tpu.memory_space<hbm>> -> memref<1x1x80xi32, #tpu.memory_space<hbm>>
      %dma_wait3A_549 = tpu.memref_squeeze %dma_wait3A_548 : memref<1x1x80xi32, #tpu.memory_space<hbm>> -> memref<80xi32, #tpu.memory_space<hbm>>
      tpu.wait_dma2 semaphore(%dma_wait3A_543 : memref<!tpu.dma_semaphore, #tpu.memory_space<semaphore_mem>>) src(%dma_wait3A_549 : memref<80xi32, #tpu.memory_space<hbm>>) dst(%dma_wait3A_546 : memref<80xi32, #tpu.memory_space<vmem>>)
      %rem3A_550 = arith.constant 8 : i32
      %rem3A_551 = arith.remsi %scan3A_513, %rem3A_550 : i32
      %dma_start3A_552 = arith.constant 0 : i32
      %dma_start3A_553 = arith.constant 0 : i32
      %dma_start3A_554 = tpu.memref_slice %arg8[%rem3A_515, %dma_start3A_552, %dma_start3A_553] : memref<3x80x128xf32, #tpu.memory_space<vmem>> -> memref<1x80x128xf32, #tpu.memory_space<vmem>>
      %dma_start3A_555 = tpu.memref_squeeze %dma_start3A_554 : memref<1x80x128xf32, #tpu.memory_space<vmem>> -> memref<80x128xf32, #tpu.memory_space<vmem>>
      %dma_start3A_556 = arith.constant 0 : i32
      %dma_start3A_557 = tpu.memref_slice %arg7[%rem3A_551, %dma_start3A_556] : memref<8x80xi32, #tpu.memory_space<vmem>> -> memref<1x80xi32, #tpu.memory_space<vmem>>
      %dma_start3A_558 = tpu.memref_squeeze %dma_start3A_557 : memref<1x80xi32, #tpu.memory_space<vmem>> -> memref<80xi32, #tpu.memory_space<vmem>>
      %dma_start3A_559 = arith.constant 0 : i32
      %dma_start3A_560 = arith.constant 0 : i32
      %dma_start3A_561 = tpu.memref_slice %arg13[%dma_start3A_559, %dma_start3A_560] : memref<10240x128xf32, #tpu.memory_space<vmem_shared>> -> memref<10240x128xf32, #tpu.memory_space<vmem_shared>>
      %dma_start3A_562 = tpu.memref_slice %arg12[%rem3A_515] : memref<3x!tpu.dma_semaphore, #tpu.memory_space<semaphore_mem>> -> memref<1x!tpu.dma_semaphore, #tpu.memory_space<semaphore_mem>>
      %dma_start3A_563 = tpu.memref_squeeze %dma_start3A_562 : memref<1x!tpu.dma_semaphore, #tpu.memory_space<semaphore_mem>> -> memref<!tpu.dma_semaphore, #tpu.memory_space<semaphore_mem>>
      tpu.enqueue_indirect_dma source(%dma_start3A_555 : memref<80x128xf32, #tpu.memory_space<vmem>>) target(%dma_start3A_561 : memref<10240x128xf32, #tpu.memory_space<vmem_shared>>) offsets(%dma_start3A_558 : memref<80xi32, #tpu.memory_space<vmem>>) semaphore(%dma_start3A_563 : memref<!tpu.dma_semaphore, #tpu.memory_space<semaphore_mem>>) {add = true}
      %dma_wait3A_564 = arith.constant 0 : i32
      %dma_wait3A_565 = arith.constant 0 : i32
      %dma_wait3A_566 = tpu.memref_slice %arg8[%rem3A_519, %dma_wait3A_564, %dma_wait3A_565] : memref<3x80x128xf32, #tpu.memory_space<vmem>> -> memref<1x80x128xf32, #tpu.memory_space<vmem>>
      %dma_wait3A_567 = tpu.memref_squeeze %dma_wait3A_566 : memref<1x80x128xf32, #tpu.memory_space<vmem>> -> memref<80x128xf32, #tpu.memory_space<vmem>>
      %dma_wait3A_568 = arith.constant 0 : i32
      %dma_wait3A_569 = arith.constant 0 : i32
      %dma_wait3A_570 = tpu.memref_slice %arg13[%dma_wait3A_568, %dma_wait3A_569] : memref<10240x128xf32, #tpu.memory_space<vmem_shared>> -> memref<80x128xf32, #tpu.memory_space<vmem_shared>>
      %dma_wait3A_571 = tpu.memref_slice %arg12[%rem3A_519] : memref<3x!tpu.dma_semaphore, #tpu.memory_space<semaphore_mem>> -> memref<1x!tpu.dma_semaphore, #tpu.memory_space<semaphore_mem>>
      %dma_wait3A_572 = tpu.memref_squeeze %dma_wait3A_571 : memref<1x!tpu.dma_semaphore, #tpu.memory_space<semaphore_mem>> -> memref<!tpu.dma_semaphore, #tpu.memory_space<semaphore_mem>>
      %dma_wait3A_573 = arith.constant 0 : i32
      %dma_wait3A_574 = arith.constant 0 : i32
      %dma_wait3A_575 = tpu.memref_slice %arg13[%dma_wait3A_573, %dma_wait3A_574] : memref<10240x128xf32, #tpu.memory_space<vmem_shared>> -> memref<80x128xf32, #tpu.memory_space<vmem_shared>>
      %dma_wait3A_576 = arith.constant 0 : i32
      %dma_wait3A_577 = arith.constant 0 : i32
      %dma_wait3A_578 = tpu.memref_slice %arg8[%rem3A_519, %dma_wait3A_576, %dma_wait3A_577] : memref<3x80x128xf32, #tpu.memory_space<vmem>> -> memref<1x80x128xf32, #tpu.memory_space<vmem>>
      %dma_wait3A_579 = tpu.memref_squeeze %dma_wait3A_578 : memref<1x80x128xf32, #tpu.memory_space<vmem>> -> memref<80x128xf32, #tpu.memory_space<vmem>>
      tpu.wait_dma2 semaphore(%dma_wait3A_572 : memref<!tpu.dma_semaphore, #tpu.memory_space<semaphore_mem>>) src(%dma_wait3A_579 : memref<80x128xf32, #tpu.memory_space<vmem>>) dst(%dma_wait3A_575 : memref<80x128xf32, #tpu.memory_space<vmem_shared>>)
      %add3A_580 = arith.constant 2 : i32
      %add3A_581 = arith.addi %scan3A_513, %add3A_580 : i32
      %dma_start3A_582 = arith.constant 0 : i32
      %dma_start3A_583 = arith.constant 0 : i32
      %dma_start3A_584 = tpu.memref_slice %arg8[%rem3A_519, %dma_start3A_582, %dma_start3A_583] : memref<3x80x128xf32, #tpu.memory_space<vmem>> -> memref<1x80x128xf32, #tpu.memory_space<vmem>>
      %dma_start3A_585 = tpu.memref_squeeze %dma_start3A_584 : memref<1x80x128xf32, #tpu.memory_space<vmem>> -> memref<80x128xf32, #tpu.memory_space<vmem>>
      %dma_start3A_586 = arith.constant 0 : i32
      %dma_start3A_587 = tpu.memref_slice %arg6[%add3A_581, %dma_start3A_586] : memref<125x80xi32, #tpu.memory_space<vmem>> -> memref<1x80xi32, #tpu.memory_space<vmem>>
      %dma_start3A_588 = tpu.memref_squeeze %dma_start3A_587 : memref<1x80xi32, #tpu.memory_space<vmem>> -> memref<80xi32, #tpu.memory_space<vmem>>
      %dma_start3A_589 = arith.constant 0 : i32
      %dma_start3A_590 = arith.constant 0 : i32
      %dma_start3A_591 = tpu.memref_slice %arg2[%dma_start3A_589, %dma_start3A_590] : memref<10000x128xf32, #tpu.memory_space<hbm>> -> memref<10000x128xf32, #tpu.memory_space<hbm>>
      %dma_start3A_592 = tpu.memref_slice %arg11[%rem3A_519] : memref<3x!tpu.dma_semaphore, #tpu.memory_space<semaphore_mem>> -> memref<1x!tpu.dma_semaphore, #tpu.memory_space<semaphore_mem>>
      %dma_start3A_593 = tpu.memref_squeeze %dma_start3A_592 : memref<1x!tpu.dma_semaphore, #tpu.memory_space<semaphore_mem>> -> memref<!tpu.dma_semaphore, #tpu.memory_space<semaphore_mem>>
      tpu.enqueue_indirect_dma source(%dma_start3A_591 : memref<10000x128xf32, #tpu.memory_space<hbm>>) target(%dma_start3A_585 : memref<80x128xf32, #tpu.memory_space<vmem>>) offsets(%dma_start3A_588 : memref<80xi32, #tpu.memory_space<vmem>>) semaphore(%dma_start3A_593 : memref<!tpu.dma_semaphore, #tpu.memory_space<semaphore_mem>>)
      %add3A_594 = arith.constant 8 : i32
      %add3A_595 = arith.addi %scan3A_513, %add3A_594 : i32
      %sub3A = arith.constant 2 : i32
      %sub3A_596 = arith.subi %add3A_595, %sub3A : i32
      %lt3A = arith.constant 125 : i32
      %lt3A_597 = arith.cmpi slt, %sub3A_596, %lt3A : i32
      %convert_element_type3A = arith.extui %lt3A_597 : i1 to i32
      %cond3A = arith.constant 0 : i32
      %cond3A_598 = arith.cmpi ne, %convert_element_type3A, %cond3A : i32
      scf.if %cond3A_598 {
        %add3A_600 = arith.constant 8 : i32
        %add3A_601 = arith.addi %scan3A_513, %add3A_600 : i32
        %sub3A_602 = arith.constant 2 : i32
        %sub3A_603 = arith.subi %add3A_601, %sub3A_602 : i32
        %rem3A_604 = arith.constant 8 : i32
        %rem3A_605 = arith.remsi %sub3A_603, %rem3A_604 : i32
        %dma_start3A_606 = arith.constant 0 : i32
        %dma_start3A_607 = tpu.memref_slice %arg7[%rem3A_605, %dma_start3A_606] : memref<8x80xi32, #tpu.memory_space<vmem>> -> memref<1x80xi32, #tpu.memory_space<vmem>>
        %dma_start3A_608 = tpu.memref_squeeze %dma_start3A_607 : memref<1x80xi32, #tpu.memory_space<vmem>> -> memref<80xi32, #tpu.memory_space<vmem>>
        %dma_start3A_609 = arith.constant 0 : i32
        %dma_start3A_610 = tpu.memref_slice %arg4[%add3A, %sub3A_603, %dma_start3A_609] : memref<32x125x80xi32, #tpu.memory_space<hbm>> -> memref<1x1x80xi32, #tpu.memory_space<hbm>>
        %dma_start3A_611 = tpu.memref_squeeze %dma_start3A_610 : memref<1x1x80xi32, #tpu.memory_space<hbm>> -> memref<80xi32, #tpu.memory_space<hbm>>
        %dma_start3A_612 = tpu.memref_slice %arg10[%rem3A_605] : memref<8x!tpu.dma_semaphore, #tpu.memory_space<semaphore_mem>> -> memref<1x!tpu.dma_semaphore, #tpu.memory_space<semaphore_mem>>
        %dma_start3A_613 = tpu.memref_squeeze %dma_start3A_612 : memref<1x!tpu.dma_semaphore, #tpu.memory_space<semaphore_mem>> -> memref<!tpu.dma_semaphore, #tpu.memory_space<semaphore_mem>>
        %dma_start3A_614 = arith.constant 0 : i32
        %dma_start3A_615 = tpu.memref_slice %arg7[%rem3A_605, %dma_start3A_614] : memref<8x80xi32, #tpu.memory_space<vmem>> -> memref<1x80xi32, #tpu.memory_space<vmem>>
        %dma_start3A_616 = tpu.memref_squeeze %dma_start3A_615 : memref<1x80xi32, #tpu.memory_space<vmem>> -> memref<80xi32, #tpu.memory_space<vmem>>
        %dma_start3A_617 = arith.constant 0 : i32
        %dma_start3A_618 = tpu.memref_slice %arg4[%add3A, %sub3A_603, %dma_start3A_617] : memref<32x125x80xi32, #tpu.memory_space<hbm>> -> memref<1x1x80xi32, #tpu.memory_space<hbm>>
        %dma_start3A_619 = tpu.memref_squeeze %dma_start3A_618 : memref<1x1x80xi32, #tpu.memory_space<hbm>> -> memref<80xi32, #tpu.memory_space<hbm>>
        tpu.enqueue_dma source(%dma_start3A_619 : memref<80xi32, #tpu.memory_space<hbm>>) target(%dma_start3A_616 : memref<80xi32, #tpu.memory_space<vmem>>) target_semaphore(%dma_start3A_613 : memref<!tpu.dma_semaphore, #tpu.memory_space<semaphore_mem>>)
      } else {
      }
      %scan3A_599 = arith.constant 0 : i32
      scf.yield %scan3A_599 : i32
    }
    %scan3A_361 = arith.constant 121 : i32
    %dma_wait3A_362 = arith.constant 0 : i32
    %dma_wait3A_363 = arith.constant 0 : i32
    %dma_wait3A_364 = arith.constant 0 : i32
    %dma_wait3A_365 = arith.constant 0 : i32
    %dma_wait3A_366 = arith.constant 0 : i32
    %dma_wait3A_367 = tpu.memref_slice %arg8[%dma_wait3A_363, %dma_wait3A_365, %dma_wait3A_366] : memref<3x80x128xf32, #tpu.memory_space<vmem>> -> memref<1x80x128xf32, #tpu.memory_space<vmem>>
    %dma_wait3A_368 = tpu.memref_squeeze %dma_wait3A_367 : memref<1x80x128xf32, #tpu.memory_space<vmem>> -> memref<80x128xf32, #tpu.memory_space<vmem>>
    %dma_wait3A_369 = arith.constant 0 : i32
    %dma_wait3A_370 = tpu.memref_slice %arg6[%dma_wait3A_362, %dma_wait3A_369] : memref<125x80xi32, #tpu.memory_space<vmem>> -> memref<1x80xi32, #tpu.memory_space<vmem>>
    %dma_wait3A_371 = tpu.memref_squeeze %dma_wait3A_370 : memref<1x80xi32, #tpu.memory_space<vmem>> -> memref<80xi32, #tpu.memory_space<vmem>>
    %dma_wait3A_372 = arith.constant 0 : i32
    %dma_wait3A_373 = arith.constant 0 : i32
    %dma_wait3A_374 = tpu.memref_slice %arg2[%dma_wait3A_372, %dma_wait3A_373] : memref<10000x128xf32, #tpu.memory_space<hbm>> -> memref<10000x128xf32, #tpu.memory_space<hbm>>
    %dma_wait3A_375 = tpu.memref_slice %arg11[%dma_wait3A_364] : memref<3x!tpu.dma_semaphore, #tpu.memory_space<semaphore_mem>> -> memref<1x!tpu.dma_semaphore, #tpu.memory_space<semaphore_mem>>
    %dma_wait3A_376 = tpu.memref_squeeze %dma_wait3A_375 : memref<1x!tpu.dma_semaphore, #tpu.memory_space<semaphore_mem>> -> memref<!tpu.dma_semaphore, #tpu.memory_space<semaphore_mem>>
    tpu.wait_indirect_dma semaphore(%dma_wait3A_376 : memref<!tpu.dma_semaphore, #tpu.memory_space<semaphore_mem>>) src(%dma_wait3A_374 : memref<10000x128xf32, #tpu.memory_space<hbm>>) dst(%dma_wait3A_368 : memref<80x128xf32, #tpu.memory_space<vmem>>)
    %dma_wait3A_377 = arith.constant 0 : i32
    %dma_wait3A_378 = arith.constant 3 : i32
    %dma_wait3A_379 = arith.constant 3 : i32
    %dma_wait3A_380 = arith.constant 0 : i32
    %dma_wait3A_381 = tpu.memref_slice %arg7[%dma_wait3A_378, %dma_wait3A_380] : memref<8x80xi32, #tpu.memory_space<vmem>> -> memref<1x80xi32, #tpu.memory_space<vmem>>
    %dma_wait3A_382 = tpu.memref_squeeze %dma_wait3A_381 : memref<1x80xi32, #tpu.memory_space<vmem>> -> memref<80xi32, #tpu.memory_space<vmem>>
    %dma_wait3A_383 = arith.constant 0 : i32
    %dma_wait3A_384 = tpu.memref_slice %arg4[%add3A, %dma_wait3A_377, %dma_wait3A_383] : memref<32x125x80xi32, #tpu.memory_space<hbm>> -> memref<1x1x80xi32, #tpu.memory_space<hbm>>
    %dma_wait3A_385 = tpu.memref_squeeze %dma_wait3A_384 : memref<1x1x80xi32, #tpu.memory_space<hbm>> -> memref<80xi32, #tpu.memory_space<hbm>>
    %dma_wait3A_386 = tpu.memref_slice %arg10[%dma_wait3A_379] : memref<8x!tpu.dma_semaphore, #tpu.memory_space<semaphore_mem>> -> memref<1x!tpu.dma_semaphore, #tpu.memory_space<semaphore_mem>>
    %dma_wait3A_387 = tpu.memref_squeeze %dma_wait3A_386 : memref<1x!tpu.dma_semaphore, #tpu.memory_space<semaphore_mem>> -> memref<!tpu.dma_semaphore, #tpu.memory_space<semaphore_mem>>
    %dma_wait3A_388 = arith.constant 0 : i32
    %dma_wait3A_389 = tpu.memref_slice %arg7[%dma_wait3A_378, %dma_wait3A_388] : memref<8x80xi32, #tpu.memory_space<vmem>> -> memref<1x80xi32, #tpu.memory_space<vmem>>
    %dma_wait3A_390 = tpu.memref_squeeze %dma_wait3A_389 : memref<1x80xi32, #tpu.memory_space<vmem>> -> memref<80xi32, #tpu.memory_space<vmem>>
    %dma_wait3A_391 = arith.constant 0 : i32
    %dma_wait3A_392 = tpu.memref_slice %arg4[%add3A, %dma_wait3A_377, %dma_wait3A_391] : memref<32x125x80xi32, #tpu.memory_space<hbm>> -> memref<1x1x80xi32, #tpu.memory_space<hbm>>
    %dma_wait3A_393 = tpu.memref_squeeze %dma_wait3A_392 : memref<1x1x80xi32, #tpu.memory_space<hbm>> -> memref<80xi32, #tpu.memory_space<hbm>>
    tpu.wait_dma2 semaphore(%dma_wait3A_387 : memref<!tpu.dma_semaphore, #tpu.memory_space<semaphore_mem>>) src(%dma_wait3A_393 : memref<80xi32, #tpu.memory_space<hbm>>) dst(%dma_wait3A_390 : memref<80xi32, #tpu.memory_space<vmem>>)
    %dma_start3A_394 = arith.constant 0 : i32
    %dma_start3A_395 = arith.constant 3 : i32
    %dma_start3A_396 = arith.constant 0 : i32
    %dma_start3A_397 = arith.constant 0 : i32
    %dma_start3A_398 = arith.constant 0 : i32
    %dma_start3A_399 = tpu.memref_slice %arg8[%dma_start3A_394, %dma_start3A_397, %dma_start3A_398] : memref<3x80x128xf32, #tpu.memory_space<vmem>> -> memref<1x80x128xf32, #tpu.memory_space<vmem>>
    %dma_start3A_400 = tpu.memref_squeeze %dma_start3A_399 : memref<1x80x128xf32, #tpu.memory_space<vmem>> -> memref<80x128xf32, #tpu.memory_space<vmem>>
    %dma_start3A_401 = arith.constant 0 : i32
    %dma_start3A_402 = tpu.memref_slice %arg7[%dma_start3A_395, %dma_start3A_401] : memref<8x80xi32, #tpu.memory_space<vmem>> -> memref<1x80xi32, #tpu.memory_space<vmem>>
    %dma_start3A_403 = tpu.memref_squeeze %dma_start3A_402 : memref<1x80xi32, #tpu.memory_space<vmem>> -> memref<80xi32, #tpu.memory_space<vmem>>
    %dma_start3A_404 = arith.constant 0 : i32
    %dma_start3A_405 = arith.constant 0 : i32
    %dma_start3A_406 = tpu.memref_slice %arg13[%dma_start3A_404, %dma_start3A_405] : memref<10240x128xf32, #tpu.memory_space<vmem_shared>> -> memref<10240x128xf32, #tpu.memory_space<vmem_shared>>
    %dma_start3A_407 = tpu.memref_slice %arg12[%dma_start3A_396] : memref<3x!tpu.dma_semaphore, #tpu.memory_space<semaphore_mem>> -> memref<1x!tpu.dma_semaphore, #tpu.memory_space<semaphore_mem>>
    %dma_start3A_408 = tpu.memref_squeeze %dma_start3A_407 : memref<1x!tpu.dma_semaphore, #tpu.memory_space<semaphore_mem>> -> memref<!tpu.dma_semaphore, #tpu.memory_space<semaphore_mem>>
    tpu.enqueue_indirect_dma source(%dma_start3A_400 : memref<80x128xf32, #tpu.memory_space<vmem>>) target(%dma_start3A_406 : memref<10240x128xf32, #tpu.memory_space<vmem_shared>>) offsets(%dma_start3A_403 : memref<80xi32, #tpu.memory_space<vmem>>) semaphore(%dma_start3A_408 : memref<!tpu.dma_semaphore, #tpu.memory_space<semaphore_mem>>) {add = true}
    %dma_wait3A_409 = arith.constant 0 : i32
    %dma_wait3A_410 = arith.constant 1 : i32
    %dma_wait3A_411 = arith.constant 1 : i32
    %dma_wait3A_412 = arith.constant 0 : i32
    %dma_wait3A_413 = arith.constant 0 : i32
    %dma_wait3A_414 = tpu.memref_slice %arg8[%dma_wait3A_410, %dma_wait3A_412, %dma_wait3A_413] : memref<3x80x128xf32, #tpu.memory_space<vmem>> -> memref<1x80x128xf32, #tpu.memory_space<vmem>>
    %dma_wait3A_415 = tpu.memref_squeeze %dma_wait3A_414 : memref<1x80x128xf32, #tpu.memory_space<vmem>> -> memref<80x128xf32, #tpu.memory_space<vmem>>
    %dma_wait3A_416 = arith.constant 0 : i32
    %dma_wait3A_417 = tpu.memref_slice %arg6[%dma_wait3A_409, %dma_wait3A_416] : memref<125x80xi32, #tpu.memory_space<vmem>> -> memref<1x80xi32, #tpu.memory_space<vmem>>
    %dma_wait3A_418 = tpu.memref_squeeze %dma_wait3A_417 : memref<1x80xi32, #tpu.memory_space<vmem>> -> memref<80xi32, #tpu.memory_space<vmem>>
    %dma_wait3A_419 = arith.constant 0 : i32
    %dma_wait3A_420 = arith.constant 0 : i32
    %dma_wait3A_421 = tpu.memref_slice %arg2[%dma_wait3A_419, %dma_wait3A_420] : memref<10000x128xf32, #tpu.memory_space<hbm>> -> memref<10000x128xf32, #tpu.memory_space<hbm>>
    %dma_wait3A_422 = tpu.memref_slice %arg11[%dma_wait3A_411] : memref<3x!tpu.dma_semaphore, #tpu.memory_space<semaphore_mem>> -> memref<1x!tpu.dma_semaphore, #tpu.memory_space<semaphore_mem>>
    %dma_wait3A_423 = tpu.memref_squeeze %dma_wait3A_422 : memref<1x!tpu.dma_semaphore, #tpu.memory_space<semaphore_mem>> -> memref<!tpu.dma_semaphore, #tpu.memory_space<semaphore_mem>>
    tpu.wait_indirect_dma semaphore(%dma_wait3A_423 : memref<!tpu.dma_semaphore, #tpu.memory_space<semaphore_mem>>) src(%dma_wait3A_421 : memref<10000x128xf32, #tpu.memory_space<hbm>>) dst(%dma_wait3A_415 : memref<80x128xf32, #tpu.memory_space<vmem>>)
    %dma_wait3A_424 = arith.constant 0 : i32
    %dma_wait3A_425 = arith.constant 4 : i32
    %dma_wait3A_426 = arith.constant 4 : i32
    %dma_wait3A_427 = arith.constant 0 : i32
    %dma_wait3A_428 = tpu.memref_slice %arg7[%dma_wait3A_425, %dma_wait3A_427] : memref<8x80xi32, #tpu.memory_space<vmem>> -> memref<1x80xi32, #tpu.memory_space<vmem>>
    %dma_wait3A_429 = tpu.memref_squeeze %dma_wait3A_428 : memref<1x80xi32, #tpu.memory_space<vmem>> -> memref<80xi32, #tpu.memory_space<vmem>>
    %dma_wait3A_430 = arith.constant 0 : i32
    %dma_wait3A_431 = tpu.memref_slice %arg4[%add3A, %dma_wait3A_424, %dma_wait3A_430] : memref<32x125x80xi32, #tpu.memory_space<hbm>> -> memref<1x1x80xi32, #tpu.memory_space<hbm>>
    %dma_wait3A_432 = tpu.memref_squeeze %dma_wait3A_431 : memref<1x1x80xi32, #tpu.memory_space<hbm>> -> memref<80xi32, #tpu.memory_space<hbm>>
    %dma_wait3A_433 = tpu.memref_slice %arg10[%dma_wait3A_426] : memref<8x!tpu.dma_semaphore, #tpu.memory_space<semaphore_mem>> -> memref<1x!tpu.dma_semaphore, #tpu.memory_space<semaphore_mem>>
    %dma_wait3A_434 = tpu.memref_squeeze %dma_wait3A_433 : memref<1x!tpu.dma_semaphore, #tpu.memory_space<semaphore_mem>> -> memref<!tpu.dma_semaphore, #tpu.memory_space<semaphore_mem>>
    %dma_wait3A_435 = arith.constant 0 : i32
    %dma_wait3A_436 = tpu.memref_slice %arg7[%dma_wait3A_425, %dma_wait3A_435] : memref<8x80xi32, #tpu.memory_space<vmem>> -> memref<1x80xi32, #tpu.memory_space<vmem>>
    %dma_wait3A_437 = tpu.memref_squeeze %dma_wait3A_436 : memref<1x80xi32, #tpu.memory_space<vmem>> -> memref<80xi32, #tpu.memory_space<vmem>>
    %dma_wait3A_438 = arith.constant 0 : i32
    %dma_wait3A_439 = tpu.memref_slice %arg4[%add3A, %dma_wait3A_424, %dma_wait3A_438] : memref<32x125x80xi32, #tpu.memory_space<hbm>> -> memref<1x1x80xi32, #tpu.memory_space<hbm>>
    %dma_wait3A_440 = tpu.memref_squeeze %dma_wait3A_439 : memref<1x1x80xi32, #tpu.memory_space<hbm>> -> memref<80xi32, #tpu.memory_space<hbm>>
    tpu.wait_dma2 semaphore(%dma_wait3A_434 : memref<!tpu.dma_semaphore, #tpu.memory_space<semaphore_mem>>) src(%dma_wait3A_440 : memref<80xi32, #tpu.memory_space<hbm>>) dst(%dma_wait3A_437 : memref<80xi32, #tpu.memory_space<vmem>>)
    %dma_start3A_441 = arith.constant 1 : i32
    %dma_start3A_442 = arith.constant 4 : i32
    %dma_start3A_443 = arith.constant 1 : i32
    %dma_start3A_444 = arith.constant 0 : i32
    %dma_start3A_445 = arith.constant 0 : i32
    %dma_start3A_446 = tpu.memref_slice %arg8[%dma_start3A_441, %dma_start3A_444, %dma_start3A_445] : memref<3x80x128xf32, #tpu.memory_space<vmem>> -> memref<1x80x128xf32, #tpu.memory_space<vmem>>
    %dma_start3A_447 = tpu.memref_squeeze %dma_start3A_446 : memref<1x80x128xf32, #tpu.memory_space<vmem>> -> memref<80x128xf32, #tpu.memory_space<vmem>>
    %dma_start3A_448 = arith.constant 0 : i32
    %dma_start3A_449 = tpu.memref_slice %arg7[%dma_start3A_442, %dma_start3A_448] : memref<8x80xi32, #tpu.memory_space<vmem>> -> memref<1x80xi32, #tpu.memory_space<vmem>>
    %dma_start3A_450 = tpu.memref_squeeze %dma_start3A_449 : memref<1x80xi32, #tpu.memory_space<vmem>> -> memref<80xi32, #tpu.memory_space<vmem>>
    %dma_start3A_451 = arith.constant 0 : i32
    %dma_start3A_452 = arith.constant 0 : i32
    %dma_start3A_453 = tpu.memref_slice %arg13[%dma_start3A_451, %dma_start3A_452] : memref<10240x128xf32, #tpu.memory_space<vmem_shared>> -> memref<10240x128xf32, #tpu.memory_space<vmem_shared>>
    %dma_start3A_454 = tpu.memref_slice %arg12[%dma_start3A_443] : memref<3x!tpu.dma_semaphore, #tpu.memory_space<semaphore_mem>> -> memref<1x!tpu.dma_semaphore, #tpu.memory_space<semaphore_mem>>
    %dma_start3A_455 = tpu.memref_squeeze %dma_start3A_454 : memref<1x!tpu.dma_semaphore, #tpu.memory_space<semaphore_mem>> -> memref<!tpu.dma_semaphore, #tpu.memory_space<semaphore_mem>>
    tpu.enqueue_indirect_dma source(%dma_start3A_447 : memref<80x128xf32, #tpu.memory_space<vmem>>) target(%dma_start3A_453 : memref<10240x128xf32, #tpu.memory_space<vmem_shared>>) offsets(%dma_start3A_450 : memref<80xi32, #tpu.memory_space<vmem>>) semaphore(%dma_start3A_455 : memref<!tpu.dma_semaphore, #tpu.memory_space<semaphore_mem>>) {add = true}
    %dma_wait3A_456 = arith.constant 0 : i32
    %dma_wait3A_457 = arith.constant 0 : i32
    %dma_wait3A_458 = arith.constant 0 : i32
    %dma_wait3A_459 = arith.constant 0 : i32
    %dma_wait3A_460 = tpu.memref_slice %arg8[%dma_wait3A_456, %dma_wait3A_458, %dma_wait3A_459] : memref<3x80x128xf32, #tpu.memory_space<vmem>> -> memref<1x80x128xf32, #tpu.memory_space<vmem>>
    %dma_wait3A_461 = tpu.memref_squeeze %dma_wait3A_460 : memref<1x80x128xf32, #tpu.memory_space<vmem>> -> memref<80x128xf32, #tpu.memory_space<vmem>>
    %dma_wait3A_462 = arith.constant 0 : i32
    %dma_wait3A_463 = arith.constant 0 : i32
    %dma_wait3A_464 = tpu.memref_slice %arg13[%dma_wait3A_462, %dma_wait3A_463] : memref<10240x128xf32, #tpu.memory_space<vmem_shared>> -> memref<80x128xf32, #tpu.memory_space<vmem_shared>>
    %dma_wait3A_465 = tpu.memref_slice %arg12[%dma_wait3A_457] : memref<3x!tpu.dma_semaphore, #tpu.memory_space<semaphore_mem>> -> memref<1x!tpu.dma_semaphore, #tpu.memory_space<semaphore_mem>>
    %dma_wait3A_466 = tpu.memref_squeeze %dma_wait3A_465 : memref<1x!tpu.dma_semaphore, #tpu.memory_space<semaphore_mem>> -> memref<!tpu.dma_semaphore, #tpu.memory_space<semaphore_mem>>
    %dma_wait3A_467 = arith.constant 0 : i32
    %dma_wait3A_468 = arith.constant 0 : i32
    %dma_wait3A_469 = tpu.memref_slice %arg13[%dma_wait3A_467, %dma_wait3A_468] : memref<10240x128xf32, #tpu.memory_space<vmem_shared>> -> memref<80x128xf32, #tpu.memory_space<vmem_shared>>
    %dma_wait3A_470 = arith.constant 0 : i32
    %dma_wait3A_471 = arith.constant 0 : i32
    %dma_wait3A_472 = tpu.memref_slice %arg8[%dma_wait3A_456, %dma_wait3A_470, %dma_wait3A_471] : memref<3x80x128xf32, #tpu.memory_space<vmem>> -> memref<1x80x128xf32, #tpu.memory_space<vmem>>
    %dma_wait3A_473 = tpu.memref_squeeze %dma_wait3A_472 : memref<1x80x128xf32, #tpu.memory_space<vmem>> -> memref<80x128xf32, #tpu.memory_space<vmem>>
    tpu.wait_dma2 semaphore(%dma_wait3A_466 : memref<!tpu.dma_semaphore, #tpu.memory_space<semaphore_mem>>) src(%dma_wait3A_473 : memref<80x128xf32, #tpu.memory_space<vmem>>) dst(%dma_wait3A_469 : memref<80x128xf32, #tpu.memory_space<vmem_shared>>)
    %dma_wait3A_474 = arith.constant 1 : i32
    %dma_wait3A_475 = arith.constant 1 : i32
    %dma_wait3A_476 = arith.constant 0 : i32
    %dma_wait3A_477 = arith.constant 0 : i32
    %dma_wait3A_478 = tpu.memref_slice %arg8[%dma_wait3A_474, %dma_wait3A_476, %dma_wait3A_477] : memref<3x80x128xf32, #tpu.memory_space<vmem>> -> memref<1x80x128xf32, #tpu.memory_space<vmem>>
    %dma_wait3A_479 = tpu.memref_squeeze %dma_wait3A_478 : memref<1x80x128xf32, #tpu.memory_space<vmem>> -> memref<80x128xf32, #tpu.memory_space<vmem>>
    %dma_wait3A_480 = arith.constant 0 : i32
    %dma_wait3A_481 = arith.constant 0 : i32
    %dma_wait3A_482 = tpu.memref_slice %arg13[%dma_wait3A_480, %dma_wait3A_481] : memref<10240x128xf32, #tpu.memory_space<vmem_shared>> -> memref<80x128xf32, #tpu.memory_space<vmem_shared>>
    %dma_wait3A_483 = tpu.memref_slice %arg12[%dma_wait3A_475] : memref<3x!tpu.dma_semaphore, #tpu.memory_space<semaphore_mem>> -> memref<1x!tpu.dma_semaphore, #tpu.memory_space<semaphore_mem>>
    %dma_wait3A_484 = tpu.memref_squeeze %dma_wait3A_483 : memref<1x!tpu.dma_semaphore, #tpu.memory_space<semaphore_mem>> -> memref<!tpu.dma_semaphore, #tpu.memory_space<semaphore_mem>>
    %dma_wait3A_485 = arith.constant 0 : i32
    %dma_wait3A_486 = arith.constant 0 : i32
    %dma_wait3A_487 = tpu.memref_slice %arg13[%dma_wait3A_485, %dma_wait3A_486] : memref<10240x128xf32, #tpu.memory_space<vmem_shared>> -> memref<80x128xf32, #tpu.memory_space<vmem_shared>>
    %dma_wait3A_488 = arith.constant 0 : i32
    %dma_wait3A_489 = arith.constant 0 : i32
    %dma_wait3A_490 = tpu.memref_slice %arg8[%dma_wait3A_474, %dma_wait3A_488, %dma_wait3A_489] : memref<3x80x128xf32, #tpu.memory_space<vmem>> -> memref<1x80x128xf32, #tpu.memory_space<vmem>>
    %dma_wait3A_491 = tpu.memref_squeeze %dma_wait3A_490 : memref<1x80x128xf32, #tpu.memory_space<vmem>> -> memref<80x128xf32, #tpu.memory_space<vmem>>
    tpu.wait_dma2 semaphore(%dma_wait3A_484 : memref<!tpu.dma_semaphore, #tpu.memory_space<semaphore_mem>>) src(%dma_wait3A_491 : memref<80x128xf32, #tpu.memory_space<vmem>>) dst(%dma_wait3A_487 : memref<80x128xf32, #tpu.memory_space<vmem_shared>>)
    %dma_wait3A_492 = arith.constant 2 : i32
    %dma_wait3A_493 = arith.constant 2 : i32
    %dma_wait3A_494 = arith.constant 0 : i32
    %dma_wait3A_495 = arith.constant 0 : i32
    %dma_wait3A_496 = tpu.memref_slice %arg8[%dma_wait3A_492, %dma_wait3A_494, %dma_wait3A_495] : memref<3x80x128xf32, #tpu.memory_space<vmem>> -> memref<1x80x128xf32, #tpu.memory_space<vmem>>
    %dma_wait3A_497 = tpu.memref_squeeze %dma_wait3A_496 : memref<1x80x128xf32, #tpu.memory_space<vmem>> -> memref<80x128xf32, #tpu.memory_space<vmem>>
    %dma_wait3A_498 = arith.constant 0 : i32
    %dma_wait3A_499 = arith.constant 0 : i32
    %dma_wait3A_500 = tpu.memref_slice %arg13[%dma_wait3A_498, %dma_wait3A_499] : memref<10240x128xf32, #tpu.memory_space<vmem_shared>> -> memref<80x128xf32, #tpu.memory_space<vmem_shared>>
    %dma_wait3A_501 = tpu.memref_slice %arg12[%dma_wait3A_493] : memref<3x!tpu.dma_semaphore, #tpu.memory_space<semaphore_mem>> -> memref<1x!tpu.dma_semaphore, #tpu.memory_space<semaphore_mem>>
    %dma_wait3A_502 = tpu.memref_squeeze %dma_wait3A_501 : memref<1x!tpu.dma_semaphore, #tpu.memory_space<semaphore_mem>> -> memref<!tpu.dma_semaphore, #tpu.memory_space<semaphore_mem>>
    %dma_wait3A_503 = arith.constant 0 : i32
    %dma_wait3A_504 = arith.constant 0 : i32
    %dma_wait3A_505 = tpu.memref_slice %arg13[%dma_wait3A_503, %dma_wait3A_504] : memref<10240x128xf32, #tpu.memory_space<vmem_shared>> -> memref<80x128xf32, #tpu.memory_space<vmem_shared>>
    %dma_wait3A_506 = arith.constant 0 : i32
    %dma_wait3A_507 = arith.constant 0 : i32
    %dma_wait3A_508 = tpu.memref_slice %arg8[%dma_wait3A_492, %dma_wait3A_506, %dma_wait3A_507] : memref<3x80x128xf32, #tpu.memory_space<vmem>> -> memref<1x80x128xf32, #tpu.memory_space<vmem>>
    %dma_wait3A_509 = tpu.memref_squeeze %dma_wait3A_508 : memref<1x80x128xf32, #tpu.memory_space<vmem>> -> memref<80x128xf32, #tpu.memory_space<vmem>>
    tpu.wait_dma2 semaphore(%dma_wait3A_502 : memref<!tpu.dma_semaphore, #tpu.memory_space<semaphore_mem>>) src(%dma_wait3A_509 : memref<80x128xf32, #tpu.memory_space<vmem>>) dst(%dma_wait3A_505 : memref<80x128xf32, #tpu.memory_space<vmem_shared>>)
    %barrier3A_510 = arith.constant 0 : index
    tpu.barrier barrier_id(%barrier3A_510)
    %mul3A_511 = arith.constant 640 : i32
    %mul3A_512 = arith.muli %arg1, %mul3A_511 : i32
    "tpu.region"() ({
      %run_scoped3A_513 = tpu.sem_alloc : memref<!tpu.dma_semaphore, #tpu.memory_space<semaphore_mem>>
      %dma_start3A_514 = arith.constant 0 : i32
      %dma_start3A_515 = tpu.memref_slice %arg5[%arg0, %mul3A_512, %dma_start3A_514] : memref<2x10240x128xf32, #tpu.memory_space<hbm>> -> memref<1x640x128xf32, #tpu.memory_space<hbm>>
      %dma_start3A_516 = tpu.memref_squeeze %dma_start3A_515 : memref<1x640x128xf32, #tpu.memory_space<hbm>> -> memref<640x128xf32, #tpu.memory_space<hbm>>
      %dma_start3A_517 = arith.constant 0 : i32
      %dma_start3A_518 = tpu.memref_slice %arg13[%mul3A_512, %dma_start3A_517] : memref<10240x128xf32, #tpu.memory_space<vmem_shared>> -> memref<640x128xf32, #tpu.memory_space<vmem_shared>>
      tpu.enqueue_dma source(%dma_start3A_518 : memref<640x128xf32, #tpu.memory_space<vmem_shared>>) target(%dma_start3A_516 : memref<640x128xf32, #tpu.memory_space<hbm>>) target_semaphore(%run_scoped3A_513 : memref<!tpu.dma_semaphore, #tpu.memory_space<semaphore_mem>>)
      %dma_wait3A_519 = arith.constant 0 : i32
      %dma_wait3A_520 = tpu.memref_slice %arg5[%arg0, %mul3A_512, %dma_wait3A_519] : memref<2x10240x128xf32, #tpu.memory_space<hbm>> -> memref<1x640x128xf32, #tpu.memory_space<hbm>>
      %dma_wait3A_521 = tpu.memref_squeeze %dma_wait3A_520 : memref<1x640x128xf32, #tpu.memory_space<hbm>> -> memref<640x128xf32, #tpu.memory_space<hbm>>
      %dma_wait3A_522 = arith.constant 0 : i32
      %dma_wait3A_523 = tpu.memref_slice %arg13[%mul3A_512, %dma_wait3A_522] : memref<10240x128xf32, #tpu.memory_space<vmem_shared>> -> memref<640x128xf32, #tpu.memory_space<vmem_shared>>
      tpu.wait_dma2 semaphore(%run_scoped3A_513 : memref<!tpu.dma_semaphore, #tpu.memory_space<semaphore_mem>>) src(%dma_wait3A_523 : memref<640x128xf32, #tpu.memory_space<vmem_shared>>) dst(%dma_wait3A_521 : memref<640x128xf32, #tpu.memory_space<hbm>>)
      tpu.yield
    }) : () -> ()
    return
  }
}

module attributes {stable_mosaic.version = 14 : i64} {
  func.func @_dense1_body(%arg0: i32, %arg1: memref<400x128xf32, #tpu.memory_space<vmem>>, %arg2: memref<128x32xf32, #tpu.memory_space<vmem>>, %arg3: memref<1x32xf32, #tpu.memory_space<vmem>>, %arg4: memref<2x400x16xf32, #tpu.memory_space<vmem>>, %arg5: memref<400x32xf32, #tpu.memory_space<vmem>>) attributes {dimension_semantics = [#tpu.dimension_semantics<arbitrary>], iteration_bounds = array<i64: 25>, scalar_prefetch = 0 : i64, scratch_operands = 0 : i64, tpu.core_type = #tpu.core_type<tc>, window_params = [{transform_indices = @transform_0, window_bounds = array<i64: 400, 128>}, {pipeline_mode = #tpu.pipeline_mode<synchronous>, transform_indices = @transform_1, window_bounds = array<i64: 128, 32>}, {pipeline_mode = #tpu.pipeline_mode<synchronous>, transform_indices = @transform_2, window_bounds = array<i64: 1, 32>}, {transform_indices = @transform_3, window_bounds = array<i64: 2, 400, 16>}, {transform_indices = @transform_4, window_bounds = array<i64: 400, 32>}]} {
    %get3A = arith.constant 0 : index
    %get3A_0 = arith.constant 0 : index
    %get3A_1 = arith.constant 0 : index
    %get3A_2 = vector.load %arg4[%get3A, %get3A_0, %get3A_1] : memref<2x400x16xf32, #tpu.memory_space<vmem>>, vector<1x400x16xf32>
    %get3A_3 = vector.shape_cast %get3A_2 : vector<1x400x16xf32> to vector<400x16xf32>
    %slice3A = vector.extract_strided_slice %get3A_3 {offsets = [0, 0], sizes = [400, 1], strides = [1, 1]} : vector<400x16xf32> to vector<400x1xf32>
    %get3A_4 = arith.constant 1 : index
    %get3A_5 = arith.constant 0 : index
    %get3A_6 = arith.constant 0 : index
    %get3A_7 = vector.load %arg4[%get3A_4, %get3A_5, %get3A_6] : memref<2x400x16xf32, #tpu.memory_space<vmem>>, vector<1x400x16xf32>
    %get3A_8 = vector.shape_cast %get3A_7 : vector<1x400x16xf32> to vector<400x16xf32>
    %slice3A_9 = vector.extract_strided_slice %get3A_8 {offsets = [0, 0], sizes = [400, 1], strides = [1, 1]} : vector<400x16xf32> to vector<400x1xf32>
    %add3A = arith.addf %slice3A, %slice3A_9 : vector<400x1xf32>
    %max3A = arith.constant 1.000000e+00 : f32
    %max3A_10 = vector.broadcast %max3A : f32 to vector<400x1xf32>
    %max3A_11 = arith.maximumf %add3A, %max3A_10 : vector<400x1xf32>
    %rsqrt3A = math.rsqrt %max3A_11 : vector<400x1xf32>
    %div3A = arith.constant 1.000000e+00 : f32
    %div3A_12 = vector.broadcast %div3A : f32 to vector<400x1xf32>
    %div3A_13 = arith.divf %div3A_12, %max3A_11 : vector<400x1xf32>
    %get3A_14 = arith.constant 0 : index
    %get3A_15 = arith.constant 0 : index
    %get3A_16 = vector.load %arg1[%get3A_14, %get3A_15] : memref<400x128xf32, #tpu.memory_space<vmem>>, vector<400x128xf32>
    %get3A_17 = arith.constant 0 : index
    %get3A_18 = arith.constant 0 : index
    %get3A_19 = vector.load %arg2[%get3A_17, %get3A_18] : memref<128x32xf32, #tpu.memory_space<vmem>>, vector<128x32xf32>
    %dot_general3A = arith.constant dense<0.000000e+00> : vector<400x32xf32>
    %dot_general3A_20 = tpu.matmul %get3A_16, %get3A_19, %dot_general3A {dimension_numbers = #tpu.dot_dimension_numbers<[1], [0], [0], [1], [0, 0, 1, 1], [], []>, transpose_lhs_hint = false} : vector<400x128xf32>, vector<128x32xf32>, vector<400x32xf32> -> vector<400x32xf32>
    %get3A_21 = arith.constant 0 : index
    %get3A_22 = arith.constant 0 : index
    %get3A_23 = vector.load %arg3[%get3A_21, %get3A_22] : memref<1x32xf32, #tpu.memory_space<vmem>>, vector<1x32xf32>
    %add3A_24 = vector.broadcast %get3A_23 : vector<1x32xf32> to vector<400x32xf32>
    %add3A_25 = arith.addf %dot_general3A_20, %add3A_24 : vector<400x32xf32>
    %max3A_26 = arith.constant 0.000000e+00 : f32
    %max3A_27 = vector.broadcast %max3A_26 : f32 to vector<400x32xf32>
    %max3A_28 = arith.maximumf %add3A_25, %max3A_27 : vector<400x32xf32>
    %slice3A_29 = vector.extract_strided_slice %max3A_28 {offsets = [0, 0], sizes = [400, 16], strides = [1, 1]} : vector<400x32xf32> to vector<400x16xf32>
    %slice3A_30 = vector.extract_strided_slice %max3A_28 {offsets = [0, 16], sizes = [400, 16], strides = [1, 1]} : vector<400x32xf32> to vector<400x16xf32>
    %mul3A = arith.constant -1.000000e+00 : f32
    %mul3A_31 = vector.broadcast %mul3A : f32 to vector<400x16xf32>
    %mul3A_32 = arith.mulf %mul3A_31, %slice3A_30 : vector<400x16xf32>
    %exp3A = math.exp %mul3A_32 : vector<400x16xf32>
    %mul3A_33 = arith.mulf %slice3A_29, %exp3A : vector<400x16xf32>
    %mul3A_34 = vector.broadcast %rsqrt3A : vector<400x1xf32> to vector<400x16xf32>
    %mul3A_35 = arith.mulf %mul3A_33, %mul3A_34 : vector<400x16xf32>
    %mul3A_36 = arith.mulf %slice3A_30, %exp3A : vector<400x16xf32>
    %mul3A_37 = arith.mulf %mul3A_36, %exp3A : vector<400x16xf32>
    %mul3A_38 = vector.broadcast %div3A_13 : vector<400x1xf32> to vector<400x16xf32>
    %mul3A_39 = arith.mulf %mul3A_37, %mul3A_38 : vector<400x16xf32>
    %concatenate3A = tpu.concatenate %mul3A_35, %mul3A_39 in 1 : vector<400x16xf32>, vector<400x16xf32> -> vector<400x32xf32>
    %swap3A = arith.constant 0 : index
    %swap3A_40 = arith.constant 0 : index
    %swap3A_41 = vector.load %arg5[%swap3A, %swap3A_40] : memref<400x32xf32, #tpu.memory_space<vmem>>, vector<400x32xf32>
    tpu.vector_store %arg5[%swap3A, %swap3A_40], %concatenate3A {strides = array<i32>} : memref<400x32xf32, #tpu.memory_space<vmem>>, vector<400x32xf32>,
    return
  }
  func.func @transform_0(%arg0: i32) -> (i32, i32) {
    %c0_i32 = arith.constant 0 : i32
    %c0_i32_0 = arith.constant 0 : i32
    return %arg0, %c0_i32 : i32, i32
  }
  func.func @transform_1(%arg0: i32) -> (i32, i32) {
    %c0_i32 = arith.constant 0 : i32
    %c0_i32_0 = arith.constant 0 : i32
    %c0_i32_1 = arith.constant 0 : i32
    return %c0_i32, %c0_i32_0 : i32, i32
  }
  func.func @transform_2(%arg0: i32) -> (i32, i32) {
    %c0_i32 = arith.constant 0 : i32
    %c0_i32_0 = arith.constant 0 : i32
    %c0_i32_1 = arith.constant 0 : i32
    return %c0_i32, %c0_i32_0 : i32, i32
  }
  func.func @transform_3(%arg0: i32) -> (i32, i32, i32) {
    %c0_i32 = arith.constant 0 : i32
    %c0_i32_0 = arith.constant 0 : i32
    %c0_i32_1 = arith.constant 0 : i32
    return %c0_i32, %arg0, %c0_i32_0 : i32, i32, i32
  }
  func.func @transform_4(%arg0: i32) -> (i32, i32) {
    %c0_i32 = arith.constant 0 : i32
    %c0_i32_0 = arith.constant 0 : i32
    return %arg0, %c0_i32 : i32, i32
  }
}

module attributes {stable_mosaic.version = 14 : i64} {
  func.func @_dense2_body(%arg0: i32, %arg1: memref<2x400x32xf32, #tpu.memory_space<vmem>>, %arg2: memref<16x64xf32, #tpu.memory_space<vmem>>, %arg3: memref<16x64xf32, #tpu.memory_space<vmem>>, %arg4: memref<1x64xf32, #tpu.memory_space<vmem>>, %arg5: memref<1x64xf32, #tpu.memory_space<vmem>>, %arg6: memref<2x400x16xf32, #tpu.memory_space<vmem>>, %arg7: memref<400x128xf32, #tpu.memory_space<vmem>>) attributes {dimension_semantics = [#tpu.dimension_semantics<arbitrary>], iteration_bounds = array<i64: 25>, scalar_prefetch = 0 : i64, scratch_operands = 0 : i64, tpu.core_type = #tpu.core_type<tc>, window_params = [{transform_indices = @transform_0, window_bounds = array<i64: 2, 400, 32>}, {pipeline_mode = #tpu.pipeline_mode<synchronous>, transform_indices = @transform_1, window_bounds = array<i64: 16, 64>}, {pipeline_mode = #tpu.pipeline_mode<synchronous>, transform_indices = @transform_2, window_bounds = array<i64: 16, 64>}, {pipeline_mode = #tpu.pipeline_mode<synchronous>, transform_indices = @transform_3, window_bounds = array<i64: 1, 64>}, {pipeline_mode = #tpu.pipeline_mode<synchronous>, transform_indices = @transform_4, window_bounds = array<i64: 1, 64>}, {transform_indices = @transform_5, window_bounds = array<i64: 2, 400, 16>}, {transform_indices = @transform_6, window_bounds = array<i64: 400, 128>}]} {
    %get3A = arith.constant 0 : index
    %get3A_0 = arith.constant 0 : index
    %get3A_1 = arith.constant 0 : index
    %get3A_2 = vector.load %arg6[%get3A, %get3A_0, %get3A_1] : memref<2x400x16xf32, #tpu.memory_space<vmem>>, vector<1x400x16xf32>
    %get3A_3 = vector.shape_cast %get3A_2 : vector<1x400x16xf32> to vector<400x16xf32>
    %slice3A = vector.extract_strided_slice %get3A_3 {offsets = [0, 0], sizes = [400, 1], strides = [1, 1]} : vector<400x16xf32> to vector<400x1xf32>
    %get3A_4 = arith.constant 1 : index
    %get3A_5 = arith.constant 0 : index
    %get3A_6 = arith.constant 0 : index
    %get3A_7 = vector.load %arg6[%get3A_4, %get3A_5, %get3A_6] : memref<2x400x16xf32, #tpu.memory_space<vmem>>, vector<1x400x16xf32>
    %get3A_8 = vector.shape_cast %get3A_7 : vector<1x400x16xf32> to vector<400x16xf32>
    %slice3A_9 = vector.extract_strided_slice %get3A_8 {offsets = [0, 0], sizes = [400, 1], strides = [1, 1]} : vector<400x16xf32> to vector<400x1xf32>
    %add3A = arith.addf %slice3A, %slice3A_9 : vector<400x1xf32>
    %max3A = arith.constant 1.000000e+00 : f32
    %max3A_10 = vector.broadcast %max3A : f32 to vector<400x1xf32>
    %max3A_11 = arith.maximumf %add3A, %max3A_10 : vector<400x1xf32>
    %rsqrt3A = math.rsqrt %max3A_11 : vector<400x1xf32>
    %div3A = arith.constant 1.000000e+00 : f32
    %div3A_12 = vector.broadcast %div3A : f32 to vector<400x1xf32>
    %div3A_13 = arith.divf %div3A_12, %max3A_11 : vector<400x1xf32>
    %get3A_14 = arith.constant 0 : index
    %get3A_15 = arith.constant 0 : index
    %get3A_16 = arith.constant 0 : index
    %get3A_17 = vector.load %arg1[%get3A_14, %get3A_15, %get3A_16] : memref<2x400x32xf32, #tpu.memory_space<vmem>>, vector<1x400x32xf32>
    %get3A_18 = vector.shape_cast %get3A_17 : vector<1x400x32xf32> to vector<400x32xf32>
    %get3A_19 = arith.constant 1 : index
    %get3A_20 = arith.constant 0 : index
    %get3A_21 = arith.constant 0 : index
    %get3A_22 = vector.load %arg1[%get3A_19, %get3A_20, %get3A_21] : memref<2x400x32xf32, #tpu.memory_space<vmem>>, vector<1x400x32xf32>
    %get3A_23 = vector.shape_cast %get3A_22 : vector<1x400x32xf32> to vector<400x32xf32>
    %add3A_24 = arith.addf %get3A_18, %get3A_23 : vector<400x32xf32>
    %slice3A_25 = vector.extract_strided_slice %add3A_24 {offsets = [0, 0], sizes = [400, 16], strides = [1, 1]} : vector<400x32xf32> to vector<400x16xf32>
    %mul3A = vector.broadcast %rsqrt3A : vector<400x1xf32> to vector<400x16xf32>
    %mul3A_26 = arith.mulf %slice3A_25, %mul3A : vector<400x16xf32>
    %slice3A_27 = vector.extract_strided_slice %add3A_24 {offsets = [0, 16], sizes = [400, 16], strides = [1, 1]} : vector<400x32xf32> to vector<400x16xf32>
    %mul3A_28 = vector.broadcast %div3A_13 : vector<400x1xf32> to vector<400x16xf32>
    %mul3A_29 = arith.mulf %slice3A_27, %mul3A_28 : vector<400x16xf32>
    %get3A_30 = arith.constant 0 : index
    %get3A_31 = arith.constant 0 : index
    %get3A_32 = vector.load %arg2[%get3A_30, %get3A_31] : memref<16x64xf32, #tpu.memory_space<vmem>>, vector<16x64xf32>
    %dot_general3A = arith.constant dense<0.000000e+00> : vector<400x64xf32>
    %dot_general3A_33 = tpu.matmul %mul3A_26, %get3A_32, %dot_general3A {dimension_numbers = #tpu.dot_dimension_numbers<[1], [0], [0], [1], [0, 0, 1, 1], [], []>, transpose_lhs_hint = false} : vector<400x16xf32>, vector<16x64xf32>, vector<400x64xf32> -> vector<400x64xf32>
    %get3A_34 = arith.constant 0 : index
    %get3A_35 = arith.constant 0 : index
    %get3A_36 = vector.load %arg4[%get3A_34, %get3A_35] : memref<1x64xf32, #tpu.memory_space<vmem>>, vector<1x64xf32>
    %add3A_37 = vector.broadcast %get3A_36 : vector<1x64xf32> to vector<400x64xf32>
    %add3A_38 = arith.addf %dot_general3A_33, %add3A_37 : vector<400x64xf32>
    %get3A_39 = arith.constant 0 : index
    %get3A_40 = arith.constant 0 : index
    %get3A_41 = vector.load %arg3[%get3A_39, %get3A_40] : memref<16x64xf32, #tpu.memory_space<vmem>>, vector<16x64xf32>
    %dot_general3A_42 = arith.constant dense<0.000000e+00> : vector<400x64xf32>
    %dot_general3A_43 = tpu.matmul %mul3A_29, %get3A_41, %dot_general3A_42 {dimension_numbers = #tpu.dot_dimension_numbers<[1], [0], [0], [1], [0, 0, 1, 1], [], []>, transpose_lhs_hint = false} : vector<400x16xf32>, vector<16x64xf32>, vector<400x64xf32> -> vector<400x64xf32>
    %get3A_44 = arith.constant 0 : index
    %get3A_45 = arith.constant 0 : index
    %get3A_46 = vector.load %arg5[%get3A_44, %get3A_45] : memref<1x64xf32, #tpu.memory_space<vmem>>, vector<1x64xf32>
    %add3A_47 = vector.broadcast %get3A_46 : vector<1x64xf32> to vector<400x64xf32>
    %add3A_48 = arith.addf %dot_general3A_43, %add3A_47 : vector<400x64xf32>
    %max3A_49 = arith.constant 0.000000e+00 : f32
    %max3A_50 = vector.broadcast %max3A_49 : f32 to vector<400x64xf32>
    %max3A_51 = arith.maximumf %add3A_48, %max3A_50 : vector<400x64xf32>
    %mul3A_52 = arith.constant -1.000000e+00 : f32
    %mul3A_53 = vector.broadcast %mul3A_52 : f32 to vector<400x64xf32>
    %mul3A_54 = arith.mulf %mul3A_53, %max3A_51 : vector<400x64xf32>
    %exp3A = math.exp %mul3A_54 : vector<400x64xf32>
    %mul3A_55 = arith.mulf %add3A_38, %exp3A : vector<400x64xf32>
    %mul3A_56 = vector.broadcast %rsqrt3A : vector<400x1xf32> to vector<400x64xf32>
    %mul3A_57 = arith.mulf %mul3A_55, %mul3A_56 : vector<400x64xf32>
    %mul3A_58 = arith.mulf %max3A_51, %exp3A : vector<400x64xf32>
    %mul3A_59 = arith.mulf %mul3A_58, %exp3A : vector<400x64xf32>
    %mul3A_60 = vector.broadcast %div3A_13 : vector<400x1xf32> to vector<400x64xf32>
    %mul3A_61 = arith.mulf %mul3A_59, %mul3A_60 : vector<400x64xf32>
    %concatenate3A = tpu.concatenate %mul3A_57, %mul3A_61 in 1 : vector<400x64xf32>, vector<400x64xf32> -> vector<400x128xf32>
    %swap3A = arith.constant 0 : index
    %swap3A_62 = arith.constant 0 : index
    %swap3A_63 = vector.load %arg7[%swap3A, %swap3A_62] : memref<400x128xf32, #tpu.memory_space<vmem>>, vector<400x128xf32>
    tpu.vector_store %arg7[%swap3A, %swap3A_62], %concatenate3A {strides = array<i32>} : memref<400x128xf32, #tpu.memory_space<vmem>>, vector<400x128xf32>,
    return
  }
  func.func @transform_0(%arg0: i32) -> (i32, i32, i32) {
    %c0_i32 = arith.constant 0 : i32
    %c0_i32_0 = arith.constant 0 : i32
    %c0_i32_1 = arith.constant 0 : i32
    return %c0_i32, %arg0, %c0_i32_0 : i32, i32, i32
  }
  func.func @transform_1(%arg0: i32) -> (i32, i32) {
    %c0_i32 = arith.constant 0 : i32
    %c0_i32_0 = arith.constant 0 : i32
    %c0_i32_1 = arith.constant 0 : i32
    return %c0_i32, %c0_i32_0 : i32, i32
  }
  func.func @transform_2(%arg0: i32) -> (i32, i32) {
    %c0_i32 = arith.constant 0 : i32
    %c0_i32_0 = arith.constant 0 : i32
    %c0_i32_1 = arith.constant 0 : i32
    return %c0_i32, %c0_i32_0 : i32, i32
  }
  func.func @transform_3(%arg0: i32) -> (i32, i32) {
    %c0_i32 = arith.constant 0 : i32
    %c0_i32_0 = arith.constant 0 : i32
    %c0_i32_1 = arith.constant 0 : i32
    return %c0_i32, %c0_i32_0 : i32, i32
  }
  func.func @transform_4(%arg0: i32) -> (i32, i32) {
    %c0_i32 = arith.constant 0 : i32
    %c0_i32_0 = arith.constant 0 : i32
    %c0_i32_1 = arith.constant 0 : i32
    return %c0_i32, %c0_i32_0 : i32, i32
  }
  func.func @transform_5(%arg0: i32) -> (i32, i32, i32) {
    %c0_i32 = arith.constant 0 : i32
    %c0_i32_0 = arith.constant 0 : i32
    %c0_i32_1 = arith.constant 0 : i32
    return %c0_i32, %arg0, %c0_i32_0 : i32, i32, i32
  }
  func.func @transform_6(%arg0: i32) -> (i32, i32) {
    %c0_i32 = arith.constant 0 : i32
    %c0_i32_0 = arith.constant 0 : i32
    return %arg0, %c0_i32 : i32, i32
  }
}

module attributes {stable_mosaic.version = 14 : i64} {
  func.func @_final_body(%arg0: i32, %arg1: memref<2x400x128xf32, #tpu.memory_space<vmem>>, %arg2: memref<2x400x16xf32, #tpu.memory_space<vmem>>, %arg3: memref<400x64xf32, #tpu.memory_space<vmem>>, %arg4: memref<400x64xf32, #tpu.memory_space<vmem>>) attributes {dimension_semantics = [#tpu.dimension_semantics<arbitrary>], iteration_bounds = array<i64: 25>, scalar_prefetch = 0 : i64, scratch_operands = 0 : i64, tpu.core_type = #tpu.core_type<tc>, window_params = [{transform_indices = @transform_0, window_bounds = array<i64: 2, 400, 128>}, {transform_indices = @transform_1, window_bounds = array<i64: 2, 400, 16>}, {transform_indices = @transform_2, window_bounds = array<i64: 400, 64>}, {transform_indices = @transform_3, window_bounds = array<i64: 400, 64>}]} {
    %get3A = arith.constant 0 : index
    %get3A_0 = arith.constant 0 : index
    %get3A_1 = arith.constant 0 : index
    %get3A_2 = vector.load %arg2[%get3A, %get3A_0, %get3A_1] : memref<2x400x16xf32, #tpu.memory_space<vmem>>, vector<1x400x16xf32>
    %get3A_3 = vector.shape_cast %get3A_2 : vector<1x400x16xf32> to vector<400x16xf32>
    %slice3A = vector.extract_strided_slice %get3A_3 {offsets = [0, 0], sizes = [400, 1], strides = [1, 1]} : vector<400x16xf32> to vector<400x1xf32>
    %get3A_4 = arith.constant 1 : index
    %get3A_5 = arith.constant 0 : index
    %get3A_6 = arith.constant 0 : index
    %get3A_7 = vector.load %arg2[%get3A_4, %get3A_5, %get3A_6] : memref<2x400x16xf32, #tpu.memory_space<vmem>>, vector<1x400x16xf32>
    %get3A_8 = vector.shape_cast %get3A_7 : vector<1x400x16xf32> to vector<400x16xf32>
    %slice3A_9 = vector.extract_strided_slice %get3A_8 {offsets = [0, 0], sizes = [400, 1], strides = [1, 1]} : vector<400x16xf32> to vector<400x1xf32>
    %add3A = arith.addf %slice3A, %slice3A_9 : vector<400x1xf32>
    %max3A = arith.constant 1.000000e+00 : f32
    %max3A_10 = vector.broadcast %max3A : f32 to vector<400x1xf32>
    %max3A_11 = arith.maximumf %add3A, %max3A_10 : vector<400x1xf32>
    %rsqrt3A = math.rsqrt %max3A_11 : vector<400x1xf32>
    %div3A = arith.constant 1.000000e+00 : f32
    %div3A_12 = vector.broadcast %div3A : f32 to vector<400x1xf32>
    %div3A_13 = arith.divf %div3A_12, %max3A_11 : vector<400x1xf32>
    %get3A_14 = arith.constant 0 : index
    %get3A_15 = arith.constant 0 : index
    %get3A_16 = arith.constant 0 : index
    %get3A_17 = vector.load %arg1[%get3A_14, %get3A_15, %get3A_16] : memref<2x400x128xf32, #tpu.memory_space<vmem>>, vector<1x400x128xf32>
    %get3A_18 = vector.shape_cast %get3A_17 : vector<1x400x128xf32> to vector<400x128xf32>
    %get3A_19 = arith.constant 1 : index
    %get3A_20 = arith.constant 0 : index
    %get3A_21 = arith.constant 0 : index
    %get3A_22 = vector.load %arg1[%get3A_19, %get3A_20, %get3A_21] : memref<2x400x128xf32, #tpu.memory_space<vmem>>, vector<1x400x128xf32>
    %get3A_23 = vector.shape_cast %get3A_22 : vector<1x400x128xf32> to vector<400x128xf32>
    %add3A_24 = arith.addf %get3A_18, %get3A_23 : vector<400x128xf32>
    %slice3A_25 = vector.extract_strided_slice %add3A_24 {offsets = [0, 0], sizes = [400, 64], strides = [1, 1]} : vector<400x128xf32> to vector<400x64xf32>
    %mul3A = vector.broadcast %rsqrt3A : vector<400x1xf32> to vector<400x64xf32>
    %mul3A_26 = arith.mulf %slice3A_25, %mul3A : vector<400x64xf32>
    %slice3A_27 = vector.extract_strided_slice %add3A_24 {offsets = [0, 64], sizes = [400, 64], strides = [1, 1]} : vector<400x128xf32> to vector<400x64xf32>
    %mul3A_28 = vector.broadcast %div3A_13 : vector<400x1xf32> to vector<400x64xf32>
    %mul3A_29 = arith.mulf %slice3A_27, %mul3A_28 : vector<400x64xf32>
    %get3A_30 = arith.constant 0 : index
    %get3A_31 = arith.constant 0 : index
    %get3A_32 = vector.load %arg3[%get3A_30, %get3A_31] : memref<400x64xf32, #tpu.memory_space<vmem>>, vector<400x64xf32>
    %add3A_33 = arith.constant 9.99999993E-9 : f32
    %add3A_34 = vector.broadcast %add3A_33 : f32 to vector<400x64xf32>
    %add3A_35 = arith.addf %mul3A_29, %add3A_34 : vector<400x64xf32>
    %sqrt3A = math.sqrt %add3A_35 : vector<400x64xf32>
    %mul3A_36 = arith.mulf %get3A_32, %sqrt3A : vector<400x64xf32>
    %add3A_37 = arith.addf %mul3A_36, %mul3A_26 : vector<400x64xf32>
    %swap3A = arith.constant 0 : index
    %swap3A_38 = arith.constant 0 : index
    %swap3A_39 = vector.load %arg4[%swap3A, %swap3A_38] : memref<400x64xf32, #tpu.memory_space<vmem>>, vector<400x64xf32>
    tpu.vector_store %arg4[%swap3A, %swap3A_38], %add3A_37 {strides = array<i32>} : memref<400x64xf32, #tpu.memory_space<vmem>>, vector<400x64xf32>,
    return
  }
  func.func @transform_0(%arg0: i32) -> (i32, i32, i32) {
    %c0_i32 = arith.constant 0 : i32
    %c0_i32_0 = arith.constant 0 : i32
    %c0_i32_1 = arith.constant 0 : i32
    return %c0_i32, %arg0, %c0_i32_0 : i32, i32, i32
  }
  func.func @transform_1(%arg0: i32) -> (i32, i32, i32) {
    %c0_i32 = arith.constant 0 : i32
    %c0_i32_0 = arith.constant 0 : i32
    %c0_i32_1 = arith.constant 0 : i32
    return %c0_i32, %arg0, %c0_i32_0 : i32, i32, i32
  }
  func.func @transform_2(%arg0: i32) -> (i32, i32) {
    %c0_i32 = arith.constant 0 : i32
    %c0_i32_0 = arith.constant 0 : i32
    return %arg0, %c0_i32 : i32, i32
  }
  func.func @transform_3(%arg0: i32) -> (i32, i32) {
    %c0_i32 = arith.constant 0 : i32
    %c0_i32_0 = arith.constant 0 : i32
    return %arg0, %c0_i32 : i32, i32
  }
}

</mosaic_0001>

<sc_bundles>
// kernel: kernel.11.cloned.1.call-start
scs
__scs_entry_jumppad:
0x0: {  	(pc) =	sbr.rel $0x88, $3  }
0x1: {  	(tag) =	ssettag $0x0;
	lr =	simm.s32 $0x1  }
0x2: {  	[smem:$0x3F97] =	sst lr;
	_ =	strace $0xD0000000  }
0x3: {  	_ = 	snop  }
0x4: {  	_ = 	snop  }
0x5: {  	_ = 	snop  }
0x6: {  	_ = 	snop  }
0x7: {  	_ = 	snop  }
__scs_overlays_trampoline_lowered:
0x8: {  	[smem:$0x3FA6] =	sst s0  }
0x9: {  	[smem:$0x3FA7] =	sst s1  }
0xa: {  	[smem:$0x3FA8] =	sst s2  }
0xb: {  	[smem:$0x3FA9] =	sst s3  }
0xc: {  	[smem:$0x3FAA] =	sst s4  }
0xd: {  	[smem:$0x3FAB] =	sst s5  }
0xe: {  	[smem:$0x3FAC] =	sst s6  }
0xf: {  	[smem:$0x3FAD] =	sst s7  }
0x10: {  	[smem:$0x3FAE] =	sst s8  }
0x11: {  	[smem:$0x3FAF] =	sst s9;
	s0 =	simm.s32 @!p0 $0x0  }
0x12: {  	s1 =	sld [smem:$0x3F95];
	s0 =	simm.s32 @p0 $0x1  }
0x13: {  	[smem:$0x3FB0] =	sst s0;
	s0 =	simm.s32 @!p1 $0x0  }
0x14: {  	s2 =	sld [smem:$0x3F94];
	s0 =	simm.s32 @p1 $0x1  }
0x15: {  	[smem:$0x3FB1] =	sst s0;
	s0 =	simm.s32 @!p2 $0x0  }
0x16: {  	s3 =	sld [smem:$0x3FDB];
	s0 =	simm.s32 @p2 $0x1  }
0x17: {  	s4 =	simm.s32 $0x1BF5;
	[smem:$0x3FB3] =	sst s0  }
0x18: {  	s0 =	sld [smem:$0x3F96];
	_ =	swait.ge [sflag:s4], $0x0  }
0x19: {  	s7 =	sld [smem:$0x3F97]  }
0x1a: {  	s8 =	sadd.s32 $0xFFFFE003, lr  }
0x1b: {  	s9 =	sadd.s32 $0xFFFFFEF7, lr;
	s5 =	simm.s32 $0xFFFFFFFF;
	p2 =	slt.u32 s8, $0xFFFFF086  }
0x1c: {  	p1 =	slt.u32 s9, $0xF7A;
	s5 =	simm.s32 @!p2 $0x0  }
0x1d: {  	s5 =	simm.s32 @p1 $0x1;
	p0 =	seq.s32 s7, s2  }
0x1e: {  	s7 =	smul.u32 @!p0 $0xF7A, s2;
	p2 =	seq.s32 @!p0 s5, $0x0  }
0x1f: {  	s9 =	smul.u32 $0xF7A, s1;
	s8 =	simm.s32 @!p0 $0x1BF5;
	p2 =	por !p2, p0  }
0x20: {  	[sflag:s8] =	ssyncset.s32 @!p0 $0xFFFFF086;
	s6 =	sadd.s32 @!p0 s3, s7;
	s7 =	simm.s32 @!p0 $0x108  }
0x21: {  	s3 =	sadd.s32 s3, s9;
	s6 =	sadd.s32 @!p0 $0x88, s6;
	s7 =	simm.s32 @p2 $0x1082  }
0x22: {  	[simem:s7], [sflag:s8] =	dma.local @!p0 [hbm:s6], $0xF7A  }
0x23: {  	s9 =	sor.u32 $0xD0000000, s2;
	s6 =	simm.s32 $0x108;
	_ =	swait.ge @!p0 [sflag:s8], $0x0  }
0x24: {  	s3 =	sadd.s32 $0x88, s3;
	s6 =	simm.s32 @!p1 $0x1082;
	[sflag:s4] =	ssyncset.s32 $0xFFFFF086  }
0x25: {  	[simem:s6], [sflag:s4] =	dma.local [hbm:s3], $0xF7A  }
0x26: {  	[smem:$0x3F97] =	sst s1;
	(tag) =	ssettag s2;
	_ =	strace s9  }
0x27: {  	s1 =	sld [smem:$0x3FA7]  }
0x28: {  	s2 =	sld [smem:$0x3FA8]  }
0x29: {  	s4 =	sld [smem:$0x3FAA]  }
0x2a: {  	p0 =	seq.s32 s5, $0x0;
	s5 =	sld [smem:$0x3FAB]  }
0x2b: {  	s6 =	sld [smem:$0x3FAC]  }
0x2c: {  	s7 =	sld [smem:$0x3FAD]  }
0x2d: {  	s3 =	simm.s32 $0x108;
	s8 =	sld [smem:$0x3FAE]  }
0x2e: {  	s3 =	simm.s32 @!p0 $0x1082;
	s9 =	sld [smem:$0x3FAF]  }
0x2f: {  	lr =	sadd.s32 s0, s3;
	s0 =	sld [smem:$0x3FA6]  }
0x30: {  	s3 =	sld [smem:$0x3FA9]  }
0x31: {  	[smem:$0x3FB2] =	sst s10  }
0x32: {  	s10 =	sld [smem:$0x3FB0];
	_ =	sdelay $0x3  }
0x33: {  	p0 =	seq.s32 s10, $0x1;
	s10 =	sld [smem:$0x3FB2];
	_ =	sdelay $0x3  }
0x34: {  	[smem:$0x3FB2] =	sst s10  }
0x35: {  	s10 =	sld [smem:$0x3FB1];
	_ =	sdelay $0x3  }
0x36: {  	p1 =	seq.s32 s10, $0x1;
	s10 =	sld [smem:$0x3FB2];
	_ =	sdelay $0x3  }
0x37: {  	[smem:$0x3FB2] =	sst s10  }
0x38: {  	s10 =	sld [smem:$0x3FB3]  }
0x39: {  	_ = 	snop;
	(pc) =	sbr.ind lr, $3  }
0x3a: {  	_ = 	snop  }
0x3b: {  	_ = 	snop  }
0x3c: {  	p2 =	seq.s32 s10, $0x1;
	s10 =	sld [smem:$0x3FB2]  }
0x3d: {  	_ =	shalt  }
0x3e: {  	_ =	shalt  }
0x3f: {  	_ =	shalt  }
0x40: {  	_ =	shalt  }
0x41: {  	_ =	shalt  }
0x42: {  	_ =	shalt  }
0x43: {  	_ =	shalt  }
0x44: {  	_ =	shalt  }
0x45: {  	_ =	shalt  }
0x46: {  	_ =	shalt  }
0x47: {  	_ =	shalt  }
0x48: {  	_ =	shalt  }
0x49: {  	_ =	shalt  }
0x4a: {  	_ =	shalt  }
0x4b: {  	_ =	shalt  }
0x4c: {  	_ =	shalt  }
0x4d: {  	_ =	shalt  }
0x4e: {  	_ =	shalt  }
0x4f: {  	_ =	shalt  }
0x50: {  	_ =	shalt  }
0x51: {  	_ =	shalt  }
0x52: {  	_ =	shalt  }
0x53: {  	_ =	shalt  }
0x54: {  	_ =	shalt  }
0x55: {  	_ =	shalt  }
0x56: {  	_ =	shalt  }
0x57: {  	_ =	shalt  }
0x58: {  	_ =	shalt  }
0x59: {  	_ =	shalt  }
0x5a: {  	_ =	shalt  }
0x5b: {  	_ =	shalt  }
0x5c: {  	_ =	shalt  }
0x5d: {  	_ =	shalt  }
0x5e: {  	_ =	shalt  }
0x5f: {  	_ =	shalt  }
0x60: {  	_ =	shalt  }
0x61: {  	_ =	shalt  }
0x62: {  	_ =	shalt  }
0x63: {  	_ =	shalt  }
0x64: {  	_ =	shalt  }
0x65: {  	_ =	shalt  }
0x66: {  	_ =	shalt  }
0x67: {  	_ =	shalt  }
0x68: {  	_ =	shalt  }
0x69: {  	_ =	shalt  }
0x6a: {  	_ =	shalt  }
0x6b: {  	_ =	shalt  }
0x6c: {  	_ =	shalt  }
0x6d: {  	_ =	shalt  }
0x6e: {  	_ =	shalt  }
0x6f: {  	_ =	shalt  }
0x70: {  	_ =	shalt  }
0x71: {  	_ =	shalt  }
0x72: {  	_ =	shalt  }
0x73: {  	_ =	shalt  }
0x74: {  	_ =	shalt  }
0x75: {  	_ =	shalt  }
0x76: {  	_ =	shalt  }
0x77: {  	_ =	shalt  }
0x78: {  	_ =	shalt  }
0x79: {  	_ =	shalt  }
0x7a: {  	_ =	shalt  }
0x7b: {  	_ =	shalt  }
0x7c: {  	_ =	shalt  }
0x7d: {  	_ =	shalt  }
0x7e: {  	_ =	shalt  }
0x7f: {  	_ =	shalt  }
0x80: {  	_ =	shalt  }
0x81: {  	_ =	shalt  }
0x82: {  	_ =	shalt  }
0x83: {  	_ =	shalt  }
0x84: {  	_ =	shalt  }
0x85: {  	_ =	shalt  }
0x86: {  	_ =	shalt  }
0x87: {  	_ =	shalt  }
.Lfunc_end0:
.L_simem_size_0:
called_computation.1_lowered:
.L_overlay_start_0:
0x88: {  	s2 =	sld [smem:$0x3FD9]  }
0x89: {  	s3 =	sld [smem:$0x3FFE];
	_ =	sdelay $0x1  }
0x8a: {  	s1 =	srdreg.scid  }
0x8b: {  	s0 =	sand.u32 $0x1, s1  }
0x8c: {  	s17 =	sshll.u32 s0, $0xA;
	s2 =	sadd.s32 s3, s2  }
0x8d: {  	s2 =	sadd.s32 s2, s17  }
0x8e: {  	[smem:$0x3FBE] =	sst s2  }
0x8f: {  	_ = 	snop  }
0x90: {  	s2 =	sld [smem:$0x3FD0];
	(tm) =	ssettm $0x1  }
0x91: {  	s18 =	sld [smem:$0x3FFB];
	_ =	sdelay $0x3  }
0x92: {  	_ =	strace s18  }
0x93: {  	s3 =	sld [smem:$0x3FFC];
	_ =	sdelay $0x3  }
0x94: {  	_ =	strace s3  }
0x95: {  	s3 =	sld [smem:$0x3FFD];
	_ =	sdelay $0x3  }
0x96: {  	_ =	strace s3  }
0x97: {  	_ =	strace $0x8FFFFFFF  }
0x98: {  	s19 =	sld [smem:$0x3FDB];
	_ =	sdelay $0x1  }
0x99: {  	s4 =	simm.s32 $_scs_section_size  }
0x9a: {  	s5 =	simm.s32 $_size__tile_overlayer_lowered;
	s6 =	simm.s32 $_tile_overlayer_lowered  }
0x9b: {  	s22 =	simm.s32 $0x1BFF;
	s21 =	sshll.u32 s6, $0x1;
	s3 =	sadd.s32 s4, s19  }
0x9c: {  	s7 =	simm.s32 $0x0;
	s20 =	sshll.u32 s5, $0x1;
	s5 =	sadd.s32 s21, s3  }
0x9d: {  	[timem:s7], [sflag:s22] =	dma.local [hbm:s5], s20  }
0x9e: {  	_ =	swait.ge [sflag:s22], s20  }
0x9f: {  	s4 =	ssub.s32 $0x0, s20;
	[sflag:s22] =	ssyncset.done $0x0  }
0xa0: {  	[sflag:s22] =	ssyncadd.s32 s4;
	_ =	sdelay $0x1  }
0xa1: {  	s23 =	simm.s32 $0x1B8B  }
0xa2: {  	_ =	swait.ge [sflag:s23], $0x1  }
0xa3: {  	[sflag:s23] =	ssyncset.done $0x0  }
0xa4: {  	s25 =	simm.s32 $0x1B8E;
	s24 =	sld [smem:$0x3FFE];
	[sflag:s23] =	ssyncadd.s32 $0xFFFFFFFF  }
0xa5: {  	s26 =	simm.s32 $execute0_lowered;
	[smem:$0x3FD2] =	sst s25  }
0xa6: {  	s5 =	sshll.u32 s26, $0x1;
	_ =	strace $0x80000049;
	[dreg:$0x1] =	wrdreg $0xFFFFFFFF  }
0xa7: {  	s28 =	simm.s32 $_size_execute0_lowered;
	s3 =	sadd.s32 s3, s5;
	[dreg:$0x0] =	wrdreg $0x0  }
0xa8: {  	s5 =	sshll.u32 s28, $0x1;
	[dreg:$0x2] =	wrdreg s3  }
0xa9: {  	[dreg:$0x3] =	wrdreg s5  }
0xaa: {  	[dreg:$0x4] =	wrdreg $0xC0  }
0xab: {  	_ =	task [dreg:s7], $0x5FFFF  }
0xac: {  	[dreg:$0x1] =	wrdreg $0xFFFFFFFF  }
0xad: {  	[dreg:$0x0] =	wrdreg $0x60  }
0xae: {  	[dreg:$0x2] =	wrdreg s2  }
0xaf: {  	[dreg:$0x3] =	wrdreg s24  }
0xb0: {  	[dreg:$0x4] =	wrdreg $0xEE200  }
0xb1: {  	[dreg:$0x5] =	wrdreg $0x9  }
0xb2: {  	_ =	task.clear_ibuf [dreg:s7], $0x6FFFF;
	_ =	strace $0x90000049  }
0xb3: {  	s29 =	simm.s32 $0x9;
	_ =	strace $0x8000004B  }
0xb4: {  	_ =	swait.ge [sflag:s29], $0x1  }
0xb5: {  	[sflag:s29] =	ssyncadd.s32 $0xFFFFFFFF  }
0xb6: {  	_ =	strace $0x9000004B  }
0xb7: {  	_ =	sfence  }
0xb8: {  	s30 =	sld [smem:$0x0];
	_ =	sdelay $0x2  }
0xb9: {  	s31 =	sshll.u32 s1, $0xD;
	s1 =	sshrl.u32 s1, $0x2  }
0xba: {  	s3 =	sand.u32 $0x4000, s31;
	s1 =	sadd.s32 s1, s30  }
0xbb: {  	s0 =	sor.u32 s3, s0;
	s1 =	sshll.u32 s1, $0x11  }
0xbc: {  	s0 =	sor.u32 s1, s0  }
0xbd: {  	s0 =	sadd.s32 $0x8F2B, s0  }
0xbe: {  	[sflag:s0] =	ssyncadd.remote.s32 $0x1  }
0xbf: {  	_ =	sfence.sel $0xFFFF  }
0xc0: {  	[dreg:$0x0] =	wrdreg $0xFFFFFFFF;
	(pc) =	sbr.abs _section_cstart, $3  }
0xc1: {  	[dreg:$0x1] =	wrdreg $0xFFFFFFFF  }
0xc2: {  	_ =	task.clear_ibuf [dreg:s7], $0x2FFFF;
	_ =	strace $0x9FFFFFFF  }
0xc3: {  	(tm) =	ssettm $0x7FFFFFFF  }
tec
execute0_lowered:
.L_overlay_start_1:
0x0: {  	(tag) =	ssettag $0x1  }
0x1: {  	s1 =	rddreg [dreg:$0x0]  }
0x2: {  	s0 =	rddreg [dreg:$0x1]  }
0x3: {  	s3 =	rddreg [dreg:$0x2]  }
0x4: {  	s2 =	srdreg.scid;
	s8 =	stileid.u32  }
0x5: {  	s4 =	simm.s32 $0x0;
	s28 =	simm.s32 $0x3;
	s2 =	sand.u32 $0x1, s2  }
0x6: {  	s30 =	simm.s32 $0x5;
	s6 =	smul.u32 $0x5000, s8;
	s5 =	sshll.u32 s2, $0x4  }
0x7: {  	s7 =	smul.u32 $0x50000, s2;
	s2 =	ssub.s32 $0x2, s2;
	s5 =	sor.u32 s8, s5  }
0x8: {  	s29 =	simm.s32 $0x6;
	s9 =	sshrl.u32 s2, $0x1;
	s5 =	smul.u32 $0x4E2, s5  }
0x9: {  	[smem:$0x7FF] =	sst s4;
	s8 =	smul.u32 $0x14000, s8;
	s2 =	ssub.s32 s2, s9  }
0xa: {  	_ =	strace $0x8000004A;
	s26 =	smax.u32 s2, $0x1;
	s5 =	sadd.s32 s5, s0  }
0xb: {  	s17 =	sshrl.u32 s8, $0x2;
	[dreg:$0xe] =	wrdreg s26;
	s18 =	sadd.s32 $0x2400, s5  }
0xc: {  	s19 =	sadd.s32 s17, s3;
	s5 =	sadd.s32 $0xC200, s5;
	[dreg:$0x4] =	wrdreg s18  }
0xd: {  	s31 =	simm.s32 $0x7;
	s20 =	sadd.s32 $0xA00, s19;
	[dreg:$0x5] =	wrdreg s5  }
0xe: {  	s7 =	sadd.s32 s6, s7;
	s21 =	sadd.s32 $0x1400, s19;
	[dreg:$0x6] =	wrdreg s20  }
0xf: {  	s9 =	simm.s32 $0x2710;
	s22 =	sadd.s32 $0x1E00, s19;
	[dreg:$0x7] =	wrdreg s21  }
0x10: {  	s7 =	sshrl.u32 s7, $0x3;
	s23 =	sadd.s32 $0x2800, s19;
	[dreg:$0x8] =	wrdreg s22  }
0x11: {  	s2 =	simm.s32 $0x0;
	s24 =	sadd.s32 $0x3200, s19;
	[dreg:$0x9] =	wrdreg s23  }
0x12: {  	s0 =	sadd.s32 s7, s0;
	s25 =	sadd.s32 $0x3C00, s19;
	[dreg:$0xa] =	wrdreg s24  }
0x13: {  	s7 =	sadd.s32 s6, s3;
	s0 =	sadd.s32 $0x66000, s0;
	[dreg:$0xb] =	wrdreg s25  }
0x14: {  	s26 =	simm.s32 $0xB220;
	s5 =	sadd.s32 $0x4600, s19;
	[dreg:$0xd] =	wrdreg s0  }
0x15: {  	s18 =	simm.s32 $0xE420;
	s19 =	simm.s32 $0x8;
	s20 =	simm.s32 $0x1  }
0x16: {  	s21 =	simm.s32 $0x190;
	s22 =	simm.s32 $0x4E20;
	s23 =	simm.s32 $0x8020  }
0x17: {  	v0 =	vimm.f32 $0.0e+00;
	s24 =	simm.s32 $0x2;
	s0 =	simm.s32 $0x4;
	[dreg:$0xc] =	wrdreg s5  }
.LBB2_1:
0x18: {  	s5 =	rddreg [dreg:$0x4]  }
0x19: {  	[tilespmem:s4], [sflag:$0x1] =	stream.linear.gather [hbm4b:s5+s4], $0x2710, $0x38;
	[tilespmem:$0x13E20] =	vst v63  }
0x1a: {  	s25 =	rddreg [dreg:$0x5];
	s6 =	simm.s32 $0x0;
	s5 =	simm.s32 $0x80  }
0x1b: {  	[tilespmem:s9], [sflag:$0x1] =	stream.linear.gather [hbm4b:s25+s4], $0x2710, $0x38;
	[tilespmem:$0x13E20] =	vst v63  }
.LBB2_2:
0x1c: {  	p0 =	sne.s32 s5, $0x2780;
	[tilespmem:s6+$0xE420] =	vst v0;
	s8 =	smov.u32 s5;
	s5 =	sadd.s32 $0x80, s5  }
.Ltmp0:
0x1d: {  	[tilespmem:s6+$0xE430] =	vst v0;
	(pc) =	sbr.rel @p0 .LBB2_2-.Ltmp0, $2  }
0x1e: {  	_ =	sdelay $0x2  }
0x1f: {  	s6 =	sshra.s32 s8, $0x2  }
0x20: {  	[tilespmem:s6+$0xE420] =	vst v0  }
0x21: {  	[tilespmem:s6+$0xE430] =	vst v0  }
0x22: {  	[spmem:s7] =	stream.linear.scatter [tilespmem:s18], [sflag:$0x8], $0xA00, $0x38;
	[tilespmem:$0x13E20] =	vst v63  }
0x23: {  	_ =	swait.ge [sflag:s19], $0xA00  }
0x24: {  	[sflag:s19] =	ssyncset.done $0x0  }
0x25: {  	s5 =	rddreg [dreg:$0x6];
	[sflag:s19] =	ssyncadd.s32 $0xFFFFF600  }
0x26: {  	[spmem:s5] =	stream.linear.scatter [tilespmem:s18], [sflag:$0x8], $0xA00, $0x38;
	[tilespmem:$0x13E20] =	vst v63  }
0x27: {  	_ =	swait.ge [sflag:s19], $0xA00  }
0x28: {  	[sflag:s19] =	ssyncset.done $0x0  }
0x29: {  	s15 =	rddreg [dreg:$0x7];
	[sflag:s19] =	ssyncadd.s32 $0xFFFFF600  }
0x2a: {  	[spmem:s15] =	stream.linear.scatter [tilespmem:s18], [sflag:$0x8], $0xA00, $0x38;
	[tilespmem:$0x13E20] =	vst v63  }
0x2b: {  	_ =	swait.ge [sflag:s19], $0xA00  }
0x2c: {  	[sflag:s19] =	ssyncset.done $0x0  }
0x2d: {  	s16 =	rddreg [dreg:$0x8];
	[sflag:s19] =	ssyncadd.s32 $0xFFFFF600  }
0x2e: {  	[spmem:s16] =	stream.linear.scatter [tilespmem:s18], [sflag:$0x8], $0xA00, $0x38;
	[tilespmem:$0x13E20] =	vst v63  }
0x2f: {  	_ =	swait.ge [sflag:s19], $0xA00  }
0x30: {  	[sflag:s19] =	ssyncset.done $0x0  }
0x31: {  	s17 =	rddreg [dreg:$0x9];
	[sflag:s19] =	ssyncadd.s32 $0xFFFFF600  }
0x32: {  	[spmem:s17] =	stream.linear.scatter [tilespmem:s18], [sflag:$0x8], $0xA00, $0x38;
	[tilespmem:$0x13E20] =	vst v63  }
0x33: {  	_ =	swait.ge [sflag:s19], $0xA00  }
0x34: {  	[sflag:s19] =	ssyncset.done $0x0  }
0x35: {  	s25 =	rddreg [dreg:$0xa];
	[sflag:s19] =	ssyncadd.s32 $0xFFFFF600  }
0x36: {  	[spmem:s25] =	stream.linear.scatter [tilespmem:s18], [sflag:$0x8], $0xA00, $0x38;
	[tilespmem:$0x13E20] =	vst v63  }
0x37: {  	_ =	swait.ge [sflag:s19], $0xA00  }
0x38: {  	[sflag:s19] =	ssyncset.done $0x0  }
0x39: {  	s6 =	rddreg [dreg:$0xb];
	[sflag:s19] =	ssyncadd.s32 $0xFFFFF600  }
0x3a: {  	[spmem:s6] =	stream.linear.scatter [tilespmem:s18], [sflag:$0x8], $0xA00, $0x38;
	[tilespmem:$0x13E20] =	vst v63  }
0x3b: {  	_ =	swait.ge [sflag:s19], $0xA00  }
0x3c: {  	[sflag:s19] =	ssyncset.done $0x0  }
0x3d: {  	s8 =	rddreg [dreg:$0xc];
	[sflag:s19] =	ssyncadd.s32 $0xFFFFF600  }
0x3e: {  	[spmem:s8] =	stream.linear.scatter [tilespmem:s18], [sflag:$0x8], $0xA00, $0x38;
	[tilespmem:$0x13E20] =	vst v63  }
0x3f: {  	_ =	swait.ge [sflag:s19], $0xA00  }
0x40: {  	[sflag:s19] =	ssyncset.done $0x0  }
0x41: {  	[sflag:s19] =	ssyncadd.s32 $0xFFFFF600  }
0x42: {  	_ =	swait.ge [sflag:s20], $0x2710  }
0x43: {  	[sflag:s20] =	ssyncset.done $0x0  }
0x44: {  	s11 =	simm.s32 $0x4;
	[sflag:s20] =	ssyncadd.s32 $0xFFFFD8F0  }
0x45: {  	s5 =	smul.u32 $0xAB, s11;
	_ =	swait.ge [sflag:s20], $0x2710  }
0x46: {  	[sflag:s20] =	ssyncset.done $0x0  }
0x47: {  	s13 =	sadd.s32 $0xFFFFFEAA, s5;
	s5 =	sshrl.u32 s5, $0x9;
	[sflag:s20] =	ssyncadd.s32 $0xFFFFD8F0  }
0x48: {  	s5 =	sand.u32 $0x7F, s5;
	[bflag:$0x0] =	sbarrier.arrive $0xFFFF  }
0x49: {  	[tilespmem:s22], [sflag:$0x2] =	stream.indirect.gather [hbm4b:s1+s21], $0x20, s4, s21, $0xb8;
	[tilespmem:$0x13E20] =	vst v63  }
0x4a: {  	s5 =	smul.u32 $0x3, s5  }
0x4b: {  	[tilespmem:s23], [sflag:$0x3] =	stream.indirect.gather [hbm4b:s1+s21], $0x20, s21, s21, $0xb8;
	[tilespmem:$0x13E20] =	vst v63  }
0x4c: {  	_ =	swait.ge [sflag:s24], $0x3200  }
0x4d: {  	s5 =	ssub.s32 $0x4, s5;
	[sflag:s24] =	ssyncset.done $0x0  }
0x4e: {  	s5 =	sand.u32 $0xFF, s5;
	s6 =	sshrl.u32 s13, $0x9;
	[sflag:s24] =	ssyncadd.s32 $0xFFFFCE00  }
0x4f: {  	[spmem:s3] =	stream.indirect.scatter.add.f32 [tilespmem:s22], [sflag:$0x5], $0x20, s9, s21, $0xb8;
	[tilespmem:$0x13E20] =	vst v63  }
0x50: {  	s17 =	smul.u32 $0xC800, s5;
	s6 =	sand.u32 $0x7F, s6;
	s9 =	simm.s32 $0x320  }
0x51: {  	[tilespmem:s26], [sflag:$0x4] =	stream.indirect.gather [hbm4b:s1+s21], $0x20, s9, s21, $0xb8;
	[tilespmem:$0x13E20] =	vst v63  }
0x52: {  	s6 =	smul.u32 $0x3, s6;
	_ =	swait.ge [sflag:s28], $0x3200  }
0x53: {  	s10 =	simm.s32 $0x28A0;
	s12 =	simm.s32 $0x4B0;
	[sflag:s28] =	ssyncset.done $0x0  }
0x54: {  	s17 =	sshrl.u32 s17, $0x2;
	s6 =	ssub.s32 $0x4, s6;
	[sflag:s28] =	ssyncadd.s32 $0xFFFFCE00  }
0x55: {  	[spmem:s3] =	stream.indirect.scatter.add.f32 [tilespmem:s23], [sflag:$0x6], $0x20, s10, s21, $0xb8;
	[tilespmem:$0x13E20] =	vst v63  }
0x56: {  	s25 =	simm.s32 $0x2A30;
	s6 =	sadd.s32 $0xFFFFFFFE, s6;
	_ =	swait.ge [sflag:s30], $0x3200  }
0x57: {  	s14 =	sand.u32 $0xFF, s6;
	s6 =	simm.s32 $0x5;
	[sflag:s30] =	ssyncset.done $0x0  }
0x58: {  	s11 =	sadd.s32 $0x2, s14;
	s10 =	smul.u32 $0xC800, s14;
	[sflag:s30] =	ssyncadd.s32 $0xFFFFCE00  }
0x59: {  	[tilespmem:s22], [sflag:$0x2] =	stream.indirect.gather [hbm4b:s1+s21], $0x20, s12, s21, $0xb8;
	[tilespmem:$0x13E20] =	vst v63  }
0x5a: {  	s8 =	simm.s32 $0x640;
	s15 =	smul.u32 $0xAB, s6;
	_ =	swait.ge [sflag:s11], $0x3200  }
0x5b: {  	s9 =	sadd.s32 $0x5, s14;
	s10 =	sshrl.u32 s10, $0x2;
	[sflag:s11] =	ssyncset.done $0x0  }
0x5c: {  	s10 =	sadd.s32 $0x4E20, s10;
	s12 =	sadd.s32 $0x5, s5;
	[sflag:s11] =	ssyncadd.s32 $0xFFFFCE00  }
0x5d: {  	[spmem:s3] =	stream.indirect.scatter.add.f32 [tilespmem:s10], [sflag:s9], $0x20, s25, s21, $0xb8;
	[tilespmem:$0x13E20] =	vst v63  }
0x5e: {  	s16 =	sshrl.u32 s15, $0x9;
	s13 =	sadd.s32 $0xFFFFFEAA, s15;
	_ =	swait.ge [sflag:s12], $0x3200  }
0x5f: {  	s11 =	simm.s32 $0x6;
	s9 =	sadd.s32 $0x2, s5;
	[sflag:s12] =	ssyncset.done $0x0  }
0x60: {  	s5 =	simm.s32 $0x7D0;
	[sflag:s12] =	ssyncadd.s32 $0xFFFFCE00;
	s12 =	sand.u32 $0x7F, s16  }
0x61: {  	s10 =	sadd.s32 $0x4E20, s17;
	s17 =	sshrl.u32 s13, $0x9;
	s12 =	smul.u32 $0x3, s12  }
.LBB2_4:
0x62: {  	s13 =	sand.u32 $0x7F, s17  }
0x63: {  	s25 =	sadd.s32 $0x190, s25;
	s17 =	smov.u32 s11;
	s14 =	sadd.s32 $0x1, s11  }
0x64: {  	p0 =	sne.s32 s11, $0x18;
	s11 =	smul.u32 $0x3, s13;
	s12 =	ssub.s32 s6, s12  }
0x65: {  	[tilespmem:s10], [sflag:s9] =	stream.indirect.gather [hbm4b:s1+s21], $0x20, s8, s21, $0xb8;
	[tilespmem:$0x13E20] =	vst v63  }
0x66: {  	s10 =	sand.u32 $0xFF, s12;
	s8 =	ssub.s32 s6, s11;
	s6 =	smov.u32 s17  }
0x67: {  	s11 =	smul.u32 $0xC800, s10;
	s9 =	sadd.s32 $0x2, s10;
	s8 =	sadd.s32 $0xFFFFFFFE, s8  }
0x68: {  	s12 =	sand.u32 $0xFF, s8;
	s8 =	smov.u32 s5;
	s5 =	sadd.s32 $0x190, s5  }
0x69: {  	s11 =	sshrl.u32 s11, $0x2;
	s13 =	smul.u32 $0xC800, s12;
	s17 =	sadd.s32 $0x2, s12  }
0x6a: {  	s16 =	sadd.s32 $0x5, s10;
	s15 =	smul.u32 $0xAB, s6;
	_ =	swait.ge [sflag:s17], $0x3200  }
0x6b: {  	s12 =	sadd.s32 $0x5, s12;
	s10 =	sshrl.u32 s13, $0x2;
	[sflag:s17] =	ssyncset.done $0x0  }
0x6c: {  	s10 =	sadd.s32 $0x4E20, s10;
	[sflag:s17] =	ssyncadd.s32 $0xFFFFCE00  }
0x6d: {  	[spmem:s3] =	stream.indirect.scatter.add.f32 [tilespmem:s10], [sflag:s12], $0x20, s25, s21, $0xb8;
	[tilespmem:$0x13E20] =	vst v63  }
.Ltmp1:
0x6e: {  	_ = 	snop;
	(pc) =	sbr.rel @p0 .LBB2_4-.Ltmp1, $4  }
0x6f: {  	s12 =	sshrl.u32 s15, $0x9  }
0x70: {  	s10 =	sadd.s32 $0x4E20, s11;
	s11 =	sadd.s32 $0xFFFFFEAA, s15;
	_ =	swait.ge [sflag:s16], $0x3200  }
0x71: {  	s12 =	sand.u32 $0x7F, s12;
	s17 =	sshrl.u32 s11, $0x9;
	[sflag:s16] =	ssyncset.done $0x0  }
0x72: {  	s11 =	smov.u32 s14;
	s12 =	smul.u32 $0x3, s12;
	[sflag:s16] =	ssyncadd.s32 $0xFFFFCE00  }
0x73: {  	s11 =	sand.u32 $0x7F, s17  }
0x74: {  	s11 =	smul.u32 $0x3, s11  }
0x75: {  	[tilespmem:s10], [sflag:s9] =	stream.indirect.gather [hbm4b:s1+s21], $0x20, s8, s21, $0xb8;
	[tilespmem:$0x13E20] =	vst v63  }
0x76: {  	s13 =	ssub.s32 s6, s11  }
0x77: {  	s8 =	sadd.s32 $0xFFFFFFFE, s13  }
0x78: {  	s14 =	ssub.s32 s6, s12;
	s8 =	sand.u32 $0xFF, s8  }
0x79: {  	s6 =	sand.u32 $0xFF, s14;
	s15 =	smul.u32 $0xC800, s8;
	s16 =	sadd.s32 $0x2, s8  }
0x7a: {  	s17 =	sadd.s32 $0x190, s25;
	s25 =	smul.u32 $0xC800, s6;
	_ =	swait.ge [sflag:s16], $0x3200  }
0x7b: {  	s13 =	sadd.s32 $0x5, s6;
	s9 =	sshrl.u32 s15, $0x2;
	[sflag:s16] =	ssyncset.done $0x0  }
0x7c: {  	s8 =	sadd.s32 $0x5, s8;
	s9 =	sadd.s32 $0x4E20, s9;
	[sflag:s16] =	ssyncadd.s32 $0xFFFFCE00  }
0x7d: {  	[spmem:s3] =	stream.indirect.scatter.add.f32 [tilespmem:s9], [sflag:s8], $0x20, s17, s21, $0xb8;
	[tilespmem:$0x13E20] =	vst v63  }
0x7e: {  	_ =	swait.ge [sflag:s13], $0x3200  }
0x7f: {  	s12 =	sshrl.u32 s25, $0x2;
	[sflag:s13] =	ssyncset.done $0x0  }
0x80: {  	s6 =	sadd.s32 $0x2, s6;
	s8 =	sadd.s32 $0x4E20, s12;
	[sflag:s13] =	ssyncadd.s32 $0xFFFFCE00  }
0x81: {  	[tilespmem:s8], [sflag:s6] =	stream.indirect.gather [hbm4b:s1+s21], $0x20, s5, s21, $0xb8;
	[tilespmem:$0x13E20] =	vst v63  }
0x82: {  	_ =	swait.ge [sflag:s0], $0x3200  }
0x83: {  	[sflag:s0] =	ssyncset.done $0x0  }
0x84: {  	s13 =	simm.s32 $0x4B00;
	[sflag:s0] =	ssyncadd.s32 $0xFFFFCE00  }
0x85: {  	[spmem:s3] =	stream.indirect.scatter.add.f32 [tilespmem:s26], [sflag:$0x7], $0x20, s13, s21, $0xb8;
	[tilespmem:$0x13E20] =	vst v63  }
0x86: {  	_ =	swait.ge [sflag:s24], $0x3200  }
0x87: {  	[sflag:s24] =	ssyncset.done $0x0  }
0x88: {  	s14 =	simm.s32 $0x4C90;
	[sflag:s24] =	ssyncadd.s32 $0xFFFFCE00  }
0x89: {  	[spmem:s3] =	stream.indirect.scatter.add.f32 [tilespmem:s22], [sflag:$0x5], $0x20, s14, s21, $0xb8;
	[tilespmem:$0x13E20] =	vst v63  }
0x8a: {  	_ =	swait.ge [sflag:s30], $0x3200  }
0x8b: {  	[sflag:s30] =	ssyncset.done $0x0  }
0x8c: {  	[sflag:s30] =	ssyncadd.s32 $0xFFFFCE00  }
0x8d: {  	_ =	swait.ge [sflag:s29], $0x3200  }
0x8e: {  	[sflag:s29] =	ssyncset.done $0x0  }
0x8f: {  	[sflag:s29] =	ssyncadd.s32 $0xFFFFCE00  }
0x90: {  	_ =	swait.ge [sflag:s31], $0x3200  }
0x91: {  	[sflag:s31] =	ssyncset.done $0x0  }
0x92: {  	s15 =	stileid.u32;
	[sflag:s31] =	ssyncadd.s32 $0xFFFFCE00  }
0x93: {  	s5 =	sshll.u32 s15, $0x6;
	[bflag:$0x0] =	sbarrier.arrive $0xFFFF  }
0x94: {  	s16 =	sshrl.u32 s7, $0x3;
	s5 =	sor.u32 $0x1C08, s5;
	s17 =	rddreg [dreg:$0xd]  }
0x95: {  	[hbm:s17], [sflag:s5] =	dma.local [spmem:s16], $0xA00  }
0x96: {  	_ =	swait.ge [sflag:s19], $0xA00  }
0x97: {  	s2 =	sadd.s32 $0x1, s2;
	s25 =	rddreg [dreg:$0xe]  }
0x98: {  	p0 =	sne.s32 s2, s25  }
.Ltmp2:
0x99: {  	_ = 	snop;
	(pc) =	sbr.rel @p0 .LBB2_1-.Ltmp2, $3  }
0x9a: {  	_ =	sdelay $0x1  }
0x9b: {  	[sflag:s19] =	ssyncset.done $0x0  }
0x9c: {  	s9 =	simm.s32 $0x2710;
	[sflag:s19] =	ssyncadd.s32 $0xFFFFF600  }
0x9d: {  	_ =	sfence.sel $0x180000  }
0x9e: {  	[bflag:$0x0] =	sbarrier.arrive $0xFFFF  }
0x9f: {  	_ =	strace $0x9000004A  }
0xa0: {  	s0 =	stileid.u32;
	[bflag:$0x2] =	sbarrier.arrive $0xFFFF  }
0xa1: {  	p0 =	sne.s32 s0, $0x0;
	s0 =	rddreg [dreg:$0x3]  }
0xa2: {  	s0 =	sadd.s32 @!p0 $0x100000, s0  }
0xa3: {  	[sflag:s0] =	ssyncadd.tile.s32 @!p0 $0x1;
	_ =	shalt  }
.Lfunc_end2:
_tile_overlayer_lowered:
.L_overlay_start_2:
0xa4: {  	(tag) =	ssettag $0x2  }
0xa5: {  	s0 =	rddreg [dreg:$0x0];
	s2 =	stileid.u32  }
0xa6: {  	s1 =	rddreg [dreg:$0x1];
	p0 =	sne.s32 s2, $0x0  }
0xa7: {  	s3 =	rddreg [dreg:$0x2];
	[bflag:$0x3] =	sbarrier.arrive $0xFFFF;
	s2 =	simm.s32 @!p0 $0x1C08  }
0xa8: {  	[timem:s3], [sflag:s2] =	dma.local @!p0 [hbm:s0], s1  }
0xa9: {  	s0 =	simm.s32 @!p0 $0x8  }
0xaa: {  	_ =	swait.ge @!p0 [sflag:s0], s1  }
0xab: {  	s1 =	ssub.s32 @!p0 $0x0, s1;
	[sflag:s0] =	ssyncset.done @!p0 $0x0  }
0xac: {  	[sflag:s0] =	ssyncadd.s32 @!p0 s1  }
0xad: {  	[bflag:$0x3] =	sbarrier.arrive $0xFFFF  }
0xae: {  	_ =	shalt  }

// kernel: kernel.14.cloned.1.call-start
scs
__scs_entry_jumppad:
0x0: {  	(pc) =	sbr.rel $0x88, $3  }
0x1: {  	(tag) =	ssettag $0x0;
	lr =	simm.s32 $0x1  }
0x2: {  	[smem:$0x3F97] =	sst lr;
	_ =	strace $0xD0000000  }
0x3: {  	_ = 	snop  }
0x4: {  	_ = 	snop  }
0x5: {  	_ = 	snop  }
0x6: {  	_ = 	snop  }
0x7: {  	_ = 	snop  }
__scs_overlays_trampoline_lowered:
0x8: {  	[smem:$0x3FA6] =	sst s0  }
0x9: {  	[smem:$0x3FA7] =	sst s1  }
0xa: {  	[smem:$0x3FA8] =	sst s2  }
0xb: {  	[smem:$0x3FA9] =	sst s3  }
0xc: {  	[smem:$0x3FAA] =	sst s4  }
0xd: {  	[smem:$0x3FAB] =	sst s5  }
0xe: {  	[smem:$0x3FAC] =	sst s6  }
0xf: {  	[smem:$0x3FAD] =	sst s7  }
0x10: {  	[smem:$0x3FAE] =	sst s8  }
0x11: {  	[smem:$0x3FAF] =	sst s9;
	s0 =	simm.s32 @!p0 $0x0  }
0x12: {  	s1 =	sld [smem:$0x3F95];
	s0 =	simm.s32 @p0 $0x1  }
0x13: {  	[smem:$0x3FB0] =	sst s0;
	s0 =	simm.s32 @!p1 $0x0  }
0x14: {  	s2 =	sld [smem:$0x3F94];
	s0 =	simm.s32 @p1 $0x1  }
0x15: {  	[smem:$0x3FB1] =	sst s0;
	s0 =	simm.s32 @!p2 $0x0  }
0x16: {  	s3 =	sld [smem:$0x3FDB];
	s0 =	simm.s32 @p2 $0x1  }
0x17: {  	s4 =	simm.s32 $0x1BF5;
	[smem:$0x3FB3] =	sst s0  }
0x18: {  	s0 =	sld [smem:$0x3F96];
	_ =	swait.ge [sflag:s4], $0x0  }
0x19: {  	s7 =	sld [smem:$0x3F97]  }
0x1a: {  	s8 =	sadd.s32 $0xFFFFE003, lr  }
0x1b: {  	s9 =	sadd.s32 $0xFFFFFEF7, lr;
	s5 =	simm.s32 $0xFFFFFFFF;
	p2 =	slt.u32 s8, $0xFFFFF086  }
0x1c: {  	p1 =	slt.u32 s9, $0xF7A;
	s5 =	simm.s32 @!p2 $0x0  }
0x1d: {  	s5 =	simm.s32 @p1 $0x1;
	p0 =	seq.s32 s7, s2  }
0x1e: {  	s7 =	smul.u32 @!p0 $0xF7A, s2;
	p2 =	seq.s32 @!p0 s5, $0x0  }
0x1f: {  	s9 =	smul.u32 $0xF7A, s1;
	s8 =	simm.s32 @!p0 $0x1BF5;
	p2 =	por !p2, p0  }
0x20: {  	[sflag:s8] =	ssyncset.s32 @!p0 $0xFFFFF086;
	s6 =	sadd.s32 @!p0 s3, s7;
	s7 =	simm.s32 @!p0 $0x108  }
0x21: {  	s3 =	sadd.s32 s3, s9;
	s6 =	sadd.s32 @!p0 $0x88, s6;
	s7 =	simm.s32 @p2 $0x1082  }
0x22: {  	[simem:s7], [sflag:s8] =	dma.local @!p0 [hbm:s6], $0xF7A  }
0x23: {  	s9 =	sor.u32 $0xD0000000, s2;
	s6 =	simm.s32 $0x108;
	_ =	swait.ge @!p0 [sflag:s8], $0x0  }
0x24: {  	s3 =	sadd.s32 $0x88, s3;
	s6 =	simm.s32 @!p1 $0x1082;
	[sflag:s4] =	ssyncset.s32 $0xFFFFF086  }
0x25: {  	[simem:s6], [sflag:s4] =	dma.local [hbm:s3], $0xF7A  }
0x26: {  	[smem:$0x3F97] =	sst s1;
	(tag) =	ssettag s2;
	_ =	strace s9  }
0x27: {  	s1 =	sld [smem:$0x3FA7]  }
0x28: {  	s2 =	sld [smem:$0x3FA8]  }
0x29: {  	s4 =	sld [smem:$0x3FAA]  }
0x2a: {  	p0 =	seq.s32 s5, $0x0;
	s5 =	sld [smem:$0x3FAB]  }
0x2b: {  	s6 =	sld [smem:$0x3FAC]  }
0x2c: {  	s7 =	sld [smem:$0x3FAD]  }
0x2d: {  	s3 =	simm.s32 $0x108;
	s8 =	sld [smem:$0x3FAE]  }
0x2e: {  	s3 =	simm.s32 @!p0 $0x1082;
	s9 =	sld [smem:$0x3FAF]  }
0x2f: {  	lr =	sadd.s32 s0, s3;
	s0 =	sld [smem:$0x3FA6]  }
0x30: {  	s3 =	sld [smem:$0x3FA9]  }
0x31: {  	[smem:$0x3FB2] =	sst s10  }
0x32: {  	s10 =	sld [smem:$0x3FB0];
	_ =	sdelay $0x3  }
0x33: {  	p0 =	seq.s32 s10, $0x1;
	s10 =	sld [smem:$0x3FB2];
	_ =	sdelay $0x3  }
0x34: {  	[smem:$0x3FB2] =	sst s10  }
0x35: {  	s10 =	sld [smem:$0x3FB1];
	_ =	sdelay $0x3  }
0x36: {  	p1 =	seq.s32 s10, $0x1;
	s10 =	sld [smem:$0x3FB2];
	_ =	sdelay $0x3  }
0x37: {  	[smem:$0x3FB2] =	sst s10  }
0x38: {  	s10 =	sld [smem:$0x3FB3]  }
0x39: {  	_ = 	snop;
	(pc) =	sbr.ind lr, $3  }
0x3a: {  	_ = 	snop  }
0x3b: {  	_ = 	snop  }
0x3c: {  	p2 =	seq.s32 s10, $0x1;
	s10 =	sld [smem:$0x3FB2]  }
0x3d: {  	_ =	shalt  }
0x3e: {  	_ =	shalt  }
0x3f: {  	_ =	shalt  }
0x40: {  	_ =	shalt  }
0x41: {  	_ =	shalt  }
0x42: {  	_ =	shalt  }
0x43: {  	_ =	shalt  }
0x44: {  	_ =	shalt  }
0x45: {  	_ =	shalt  }
0x46: {  	_ =	shalt  }
0x47: {  	_ =	shalt  }
0x48: {  	_ =	shalt  }
0x49: {  	_ =	shalt  }
0x4a: {  	_ =	shalt  }
0x4b: {  	_ =	shalt  }
0x4c: {  	_ =	shalt  }
0x4d: {  	_ =	shalt  }
0x4e: {  	_ =	shalt  }
0x4f: {  	_ =	shalt  }
0x50: {  	_ =	shalt  }
0x51: {  	_ =	shalt  }
0x52: {  	_ =	shalt  }
0x53: {  	_ =	shalt  }
0x54: {  	_ =	shalt  }
0x55: {  	_ =	shalt  }
0x56: {  	_ =	shalt  }
0x57: {  	_ =	shalt  }
0x58: {  	_ =	shalt  }
0x59: {  	_ =	shalt  }
0x5a: {  	_ =	shalt  }
0x5b: {  	_ =	shalt  }
0x5c: {  	_ =	shalt  }
0x5d: {  	_ =	shalt  }
0x5e: {  	_ =	shalt  }
0x5f: {  	_ =	shalt  }
0x60: {  	_ =	shalt  }
0x61: {  	_ =	shalt  }
0x62: {  	_ =	shalt  }
0x63: {  	_ =	shalt  }
0x64: {  	_ =	shalt  }
0x65: {  	_ =	shalt  }
0x66: {  	_ =	shalt  }
0x67: {  	_ =	shalt  }
0x68: {  	_ =	shalt  }
0x69: {  	_ =	shalt  }
0x6a: {  	_ =	shalt  }
0x6b: {  	_ =	shalt  }
0x6c: {  	_ =	shalt  }
0x6d: {  	_ =	shalt  }
0x6e: {  	_ =	shalt  }
0x6f: {  	_ =	shalt  }
0x70: {  	_ =	shalt  }
0x71: {  	_ =	shalt  }
0x72: {  	_ =	shalt  }
0x73: {  	_ =	shalt  }
0x74: {  	_ =	shalt  }
0x75: {  	_ =	shalt  }
0x76: {  	_ =	shalt  }
0x77: {  	_ =	shalt  }
0x78: {  	_ =	shalt  }
0x79: {  	_ =	shalt  }
0x7a: {  	_ =	shalt  }
0x7b: {  	_ =	shalt  }
0x7c: {  	_ =	shalt  }
0x7d: {  	_ =	shalt  }
0x7e: {  	_ =	shalt  }
0x7f: {  	_ =	shalt  }
0x80: {  	_ =	shalt  }
0x81: {  	_ =	shalt  }
0x82: {  	_ =	shalt  }
0x83: {  	_ =	shalt  }
0x84: {  	_ =	shalt  }
0x85: {  	_ =	shalt  }
0x86: {  	_ =	shalt  }
0x87: {  	_ =	shalt  }
.Lfunc_end0:
.L_simem_size_0:
called_computation.2_lowered:
.L_overlay_start_0:
0x88: {  	s2 =	sld [smem:$0x3FD9]  }
0x89: {  	s3 =	sld [smem:$0x3FFE];
	_ =	sdelay $0x1  }
0x8a: {  	s1 =	srdreg.scid  }
0x8b: {  	s0 =	sand.u32 $0x1, s1  }
0x8c: {  	s16 =	sshll.u32 s0, $0xA;
	s2 =	sadd.s32 s3, s2  }
0x8d: {  	s2 =	sadd.s32 s2, s16  }
0x8e: {  	[smem:$0x3FBE] =	sst s2  }
0x8f: {  	_ = 	snop  }
0x90: {  	(tm) =	ssettm $0x1  }
0x91: {  	s17 =	sld [smem:$0x3FFB];
	_ =	sdelay $0x3  }
0x92: {  	_ =	strace s17  }
0x93: {  	s2 =	sld [smem:$0x3FFC];
	_ =	sdelay $0x3  }
0x94: {  	_ =	strace s2  }
0x95: {  	s2 =	sld [smem:$0x3FFD];
	_ =	sdelay $0x3  }
0x96: {  	_ =	strace s2  }
0x97: {  	_ =	strace $0x8FFFFFFF  }
0x98: {  	s18 =	sld [smem:$0x3FDB];
	_ =	sdelay $0x1  }
0x99: {  	s19 =	simm.s32 $_scs_section_size  }
0x9a: {  	s4 =	simm.s32 $_size__tile_overlayer_lowered;
	s5 =	simm.s32 $_tile_overlayer_lowered  }
0x9b: {  	s22 =	simm.s32 $0x1BFF;
	s21 =	sshll.u32 s5, $0x1;
	s2 =	sadd.s32 s19, s18  }
0x9c: {  	s6 =	simm.s32 $0x0;
	s20 =	sshll.u32 s4, $0x1;
	s4 =	sadd.s32 s21, s2  }
0x9d: {  	[timem:s6], [sflag:s22] =	dma.local [hbm:s4], s20  }
0x9e: {  	_ =	swait.ge [sflag:s22], s20  }
0x9f: {  	s3 =	ssub.s32 $0x0, s20;
	[sflag:s22] =	ssyncset.done $0x0  }
0xa0: {  	[sflag:s22] =	ssyncadd.s32 s3;
	_ =	sdelay $0x1  }
0xa1: {  	s23 =	simm.s32 $0x1B8B  }
0xa2: {  	_ =	swait.ge [sflag:s23], $0x1  }
0xa3: {  	[sflag:s23] =	ssyncset.done $0x0  }
0xa4: {  	s25 =	simm.s32 $0x1B8E;
	s24 =	sld [smem:$0x3FFE];
	[sflag:s23] =	ssyncadd.s32 $0xFFFFFFFF  }
0xa5: {  	s26 =	simm.s32 $execute0_lowered;
	[smem:$0x3FD2] =	sst s25  }
0xa6: {  	s4 =	sshll.u32 s26, $0x1;
	_ =	strace $0x8000004C;
	[dreg:$0x1] =	wrdreg $0xFFFFFFFF  }
0xa7: {  	s28 =	simm.s32 $_size_execute0_lowered;
	s2 =	sadd.s32 s2, s4;
	[dreg:$0x0] =	wrdreg $0x0  }
0xa8: {  	s4 =	sshll.u32 s28, $0x1;
	[dreg:$0x2] =	wrdreg s2  }
0xa9: {  	[dreg:$0x3] =	wrdreg s4  }
0xaa: {  	[dreg:$0x4] =	wrdreg $0xC0  }
0xab: {  	_ =	task [dreg:s6], $0x5FFFF  }
0xac: {  	[dreg:$0x1] =	wrdreg $0xFFFFFFFF  }
0xad: {  	[dreg:$0x0] =	wrdreg $0x60  }
0xae: {  	[dreg:$0x2] =	wrdreg s24  }
0xaf: {  	[dreg:$0x3] =	wrdreg $0xA1900  }
0xb0: {  	[dreg:$0x4] =	wrdreg $0x9  }
0xb1: {  	_ =	task.clear_ibuf [dreg:s6], $0x5FFFF;
	_ =	strace $0x9000004C  }
0xb2: {  	s29 =	simm.s32 $0x9;
	_ =	strace $0x8000004E  }
0xb3: {  	_ =	swait.ge [sflag:s29], $0x1  }
0xb4: {  	[sflag:s29] =	ssyncadd.s32 $0xFFFFFFFF  }
0xb5: {  	_ =	strace $0x9000004E  }
0xb6: {  	_ =	sfence  }
0xb7: {  	s30 =	sld [smem:$0x0];
	_ =	sdelay $0x2  }
0xb8: {  	s31 =	sshll.u32 s1, $0xD;
	s1 =	sshrl.u32 s1, $0x2  }
0xb9: {  	s3 =	sand.u32 $0x4000, s31;
	s1 =	sadd.s32 s1, s30  }
0xba: {  	s0 =	sor.u32 s3, s0;
	s1 =	sshll.u32 s1, $0x11  }
0xbb: {  	s0 =	sor.u32 s1, s0  }
0xbc: {  	s0 =	sadd.s32 $0x8F2B, s0  }
0xbd: {  	[sflag:s0] =	ssyncadd.remote.s32 $0x1  }
0xbe: {  	_ =	sfence.sel $0xFFFF  }
0xbf: {  	[dreg:$0x0] =	wrdreg $0xFFFFFFFF;
	(pc) =	sbr.abs _section_cstart, $3  }
0xc0: {  	[dreg:$0x1] =	wrdreg $0xFFFFFFFF  }
0xc1: {  	_ =	task.clear_ibuf [dreg:s6], $0x2FFFF;
	_ =	strace $0x9FFFFFFF  }
0xc2: {  	(tm) =	ssettm $0x7FFFFFFF  }
0xc3: {  	_ =	shalt  }
tec
execute0_lowered:
.L_overlay_start_1:
0x0: {  	(tag) =	ssettag $0x1  }
0x1: {  	s0 =	srdreg.scid;
	s13 =	stileid.u32  }
0x2: {  	s5 =	rddreg [dreg:$0x0];
	s7 =	smul.u32 $0x14000, s13  }
0x3: {  	s2 =	rddreg [dreg:$0x1];
	s0 =	sand.u32 $0x1, s0;
	s20 =	smul.u32 $0x2710, s13  }
0x4: {  	s3 =	simm.s32 $0x0;
	s1 =	sshll.u32 s0, $0x4;
	s6 =	smul.u32 $0x140000, s0  }
0x5: {  	s8 =	ssub.s32 $0x2, s0;
	s0 =	smul.u32 $0x27100, s0;
	s1 =	sor.u32 s13, s1  }
0x6: {  	s28 =	simm.s32 $0x10;
	s31 =	simm.s32 $0x50;
	s1 =	smul.u32 $0x2710, s1  }
0x7: {  	[smem:$0x7FF] =	sst s3;
	s4 =	sadd.s32 $0x66000, s5;
	s0 =	sadd.s32 s20, s0  }
0x8: {  	s11 =	sadd.s32 $0xC200, s5;
	s0 =	sadd.s32 $0x280, s0;
	s1 =	sshrl.u32 s1, $0x3  }
0x9: {  	_ =	strace $0x8000004D;
	s0 =	sshrl.u32 s0, $0x3;
	s30 =	sadd.s32 s11, s1  }
0xa: {  	s9 =	sadd.s32 s1, s5;
	s0 =	sadd.s32 s0, s11;
	[dreg:$0x4] =	wrdreg s30  }
0xb: {  	s10 =	sshrl.u32 s8, $0x1;
	s29 =	sadd.s32 $0x2400, s9;
	[dreg:$0x15] =	wrdreg s0  }
0xc: {  	s6 =	sadd.s32 s7, s6;
	s12 =	sadd.s32 $0xA, s30;
	[dreg:$0x3] =	wrdreg s29  }
0xd: {  	s8 =	ssub.s32 s8, s10;
	s14 =	sadd.s32 $0x14, s30;
	[dreg:$0x5] =	wrdreg s12  }
0xe: {  	s10 =	smul.u32 $0x50000, s13;
	s15 =	sadd.s32 $0x1E, s30;
	[dreg:$0x6] =	wrdreg s14  }
0xf: {  	s13 =	simm.s32 $0x2850;
	s16 =	sadd.s32 $0x28, s30;
	[dreg:$0x7] =	wrdreg s15  }
0x10: {  	s6 =	sshrl.u32 s6, $0x3;
	s17 =	sadd.s32 $0x32, s30;
	[dreg:$0x8] =	wrdreg s16  }
0x11: {  	s5 =	sadd.s32 s6, s5;
	s25 =	sadd.s32 $0x3C, s30;
	[dreg:$0x9] =	wrdreg s17  }
0x12: {  	s1 =	sshrl.u32 s10, $0x2;
	s26 =	sadd.s32 $0x46, s30;
	[dreg:$0x11] =	wrdreg s25  }
0x13: {  	s1 =	sadd.s32 s1, s2;
	s30 =	smax.u32 s8, $0x1;
	[dreg:$0x12] =	wrdreg s26  }
0x14: {  	s6 =	simm.s32 $0x2760;
	s18 =	sadd.s32 $0x2800, s1;
	[dreg:$0x14] =	wrdreg s30  }
0x15: {  	s10 =	simm.s32 $0x2800;
	s19 =	sadd.s32 $0x5000, s1;
	[dreg:$0xa] =	wrdreg s18  }
0x16: {  	s11 =	simm.s32 $0xD;
	s21 =	sadd.s32 $0x7800, s1;
	[dreg:$0xb] =	wrdreg s19  }
0x17: {  	s9 =	simm.s32 $0xB;
	s22 =	sadd.s32 $0xA000, s1;
	[dreg:$0xc] =	wrdreg s21  }
0x18: {  	s12 =	sadd.s32 s7, s2;
	s23 =	sadd.s32 $0xC800, s1;
	[dreg:$0xd] =	wrdreg s22  }
0x19: {  	s24 =	sadd.s32 $0xF000, s1;
	s1 =	sadd.s32 $0x11800, s1;
	[dreg:$0xe] =	wrdreg s23  }
0x1a: {  	s29 =	sadd.s32 $0x8D200, s5;
	s5 =	simm.s32 $0x2710;
	[dreg:$0xf] =	wrdreg s24  }
0x1b: {  	s14 =	simm.s32 $0x5190;
	s7 =	simm.s32 $0xA;
	[dreg:$0x10] =	wrdreg s1  }
0x1c: {  	v0 =	vimm.f32 $0.0e+00;
	s17 =	simm.s32 $0x0;
	[dreg:$0x13] =	wrdreg s29;
	s1 =	simm.s32 $0x2990  }
.LBB2_1:
0x1d: {  	s0 =	rddreg [dreg:$0x3]  }
0x1e: {  	s22 =	rddreg [dreg:$0x4]  }
0x1f: {  	[tilespmem:s3], [sflag:$0x1] =	stream.linear.gather [hbm4b:s0+s3], $0x2710, $0x38;
	[tilespmem:$0x1E190] =	vst v63  }
0x20: {  	s23 =	rddreg [dreg:$0x5]  }
0x21: {  	[tilespmem:s5], [sflag:$0x2] =	stream.linear.gather [hbm4b:s22+s3], $0x50, $0x38;
	[tilespmem:$0x1E190] =	vst v63  }
0x22: {  	s24 =	rddreg [dreg:$0x6]  }
0x23: {  	[tilespmem:s6], [sflag:$0x3] =	stream.linear.gather [hbm4b:s23+s3], $0x50, $0x38;
	[tilespmem:$0x1E190] =	vst v63  }
0x24: {  	s8 =	simm.s32 $0x27B0;
	s25 =	rddreg [dreg:$0x7]  }
0x25: {  	[tilespmem:s8], [sflag:$0x4] =	stream.linear.gather [hbm4b:s24+s3], $0x50, $0x38;
	[tilespmem:$0x1E190] =	vst v63  }
0x26: {  	s26 =	rddreg [dreg:$0x8]  }
0x27: {  	[tilespmem:s10], [sflag:$0x5] =	stream.linear.gather [hbm4b:s25+s3], $0x50, $0x38;
	[tilespmem:$0x1E190] =	vst v63  }
0x28: {  	s29 =	rddreg [dreg:$0x9]  }
0x29: {  	[tilespmem:s13], [sflag:$0x6] =	stream.linear.gather [hbm4b:s26+s3], $0x50, $0x38;
	[tilespmem:$0x1E190] =	vst v63  }
0x2a: {  	s30 =	simm.s32 $0x28A0;
	s18 =	simm.s32 $0x0;
	s19 =	simm.s32 $0x200  }
0x2b: {  	[tilespmem:s30], [sflag:$0x7] =	stream.linear.gather [hbm4b:s29+s3], $0x50, $0x38;
	[tilespmem:$0x1E190] =	vst v63  }
.LBB2_2:
0x2c: {  	p0 =	sne.s32 s19, $0x9E00;
	[tilespmem:s18+$0x2A00] =	vst v0  }
0x2d: {  	[tilespmem:s18+$0x2990] =	vst v0  }
0x2e: {  	[tilespmem:s18+$0x29A0] =	vst v0  }
.Ltmp0:
0x2f: {  	[tilespmem:s18+$0x29B0] =	vst v0;
	(pc) =	sbr.rel @p0 .LBB2_2-.Ltmp0, $4  }
0x30: {  	[tilespmem:s18+$0x29C0] =	vst v0  }
0x31: {  	[tilespmem:s18+$0x29D0] =	vst v0  }
0x32: {  	[tilespmem:s18+$0x29E0] =	vst v0  }
0x33: {  	[tilespmem:s18+$0x29F0] =	vst v0;
	s18 =	sshra.s32 s19, $0x2;
	s19 =	sadd.s32 $0x200, s19  }
0x34: {  	[tilespmem:s18+$0x2A00] =	vst v0  }
0x35: {  	[tilespmem:s18+$0x2990] =	vst v0  }
0x36: {  	[tilespmem:s18+$0x29A0] =	vst v0  }
0x37: {  	[tilespmem:s18+$0x29B0] =	vst v0  }
0x38: {  	[tilespmem:s18+$0x29C0] =	vst v0  }
0x39: {  	[tilespmem:s18+$0x29D0] =	vst v0  }
0x3a: {  	[tilespmem:s18+$0x29E0] =	vst v0  }
0x3b: {  	[tilespmem:s18+$0x29F0] =	vst v0  }
0x3c: {  	[spmem:s12] =	stream.linear.scatter [tilespmem:s1], [sflag:$0x10], $0x2800, $0x38;
	[tilespmem:$0x1E190] =	vst v63  }
0x3d: {  	_ =	swait.ge [sflag:s28], $0x2800  }
0x3e: {  	[sflag:s28] =	ssyncset.done $0x0  }
0x3f: {  	s0 =	rddreg [dreg:$0xa];
	[sflag:s28] =	ssyncadd.s32 $0xFFFFD800  }
0x40: {  	[spmem:s0] =	stream.linear.scatter [tilespmem:s1], [sflag:$0x10], $0x2800, $0x38;
	[tilespmem:$0x1E190] =	vst v63  }
0x41: {  	_ =	swait.ge [sflag:s28], $0x2800  }
0x42: {  	[sflag:s28] =	ssyncset.done $0x0  }
0x43: {  	s13 =	rddreg [dreg:$0xb];
	[sflag:s28] =	ssyncadd.s32 $0xFFFFD800  }
0x44: {  	[spmem:s13] =	stream.linear.scatter [tilespmem:s1], [sflag:$0x10], $0x2800, $0x38;
	[tilespmem:$0x1E190] =	vst v63  }
0x45: {  	_ =	swait.ge [sflag:s28], $0x2800  }
0x46: {  	[sflag:s28] =	ssyncset.done $0x0  }
0x47: {  	s15 =	rddreg [dreg:$0xc];
	[sflag:s28] =	ssyncadd.s32 $0xFFFFD800  }
0x48: {  	[spmem:s15] =	stream.linear.scatter [tilespmem:s1], [sflag:$0x10], $0x2800, $0x38;
	[tilespmem:$0x1E190] =	vst v63  }
0x49: {  	_ =	swait.ge [sflag:s28], $0x2800  }
0x4a: {  	[sflag:s28] =	ssyncset.done $0x0  }
0x4b: {  	s16 =	rddreg [dreg:$0xd];
	[sflag:s28] =	ssyncadd.s32 $0xFFFFD800  }
0x4c: {  	[spmem:s16] =	stream.linear.scatter [tilespmem:s1], [sflag:$0x10], $0x2800, $0x38;
	[tilespmem:$0x1E190] =	vst v63  }
0x4d: {  	_ =	swait.ge [sflag:s28], $0x2800  }
0x4e: {  	[sflag:s28] =	ssyncset.done $0x0  }
0x4f: {  	s18 =	rddreg [dreg:$0xe];
	[sflag:s28] =	ssyncadd.s32 $0xFFFFD800  }
0x50: {  	[spmem:s18] =	stream.linear.scatter [tilespmem:s1], [sflag:$0x10], $0x2800, $0x38;
	[tilespmem:$0x1E190] =	vst v63  }
0x51: {  	_ =	swait.ge [sflag:s28], $0x2800  }
0x52: {  	[sflag:s28] =	ssyncset.done $0x0  }
0x53: {  	s19 =	rddreg [dreg:$0xf];
	[sflag:s28] =	ssyncadd.s32 $0xFFFFD800  }
0x54: {  	[spmem:s19] =	stream.linear.scatter [tilespmem:s1], [sflag:$0x10], $0x2800, $0x38;
	[tilespmem:$0x1E190] =	vst v63  }
0x55: {  	_ =	swait.ge [sflag:s28], $0x2800  }
0x56: {  	[sflag:s28] =	ssyncset.done $0x0  }
0x57: {  	s20 =	rddreg [dreg:$0x10];
	[sflag:s28] =	ssyncadd.s32 $0xFFFFD800  }
0x58: {  	[spmem:s20] =	stream.linear.scatter [tilespmem:s1], [sflag:$0x10], $0x2800, $0x38;
	[tilespmem:$0x1E190] =	vst v63  }
0x59: {  	_ =	swait.ge [sflag:s28], $0x2800  }
0x5a: {  	[sflag:s28] =	ssyncset.done $0x0  }
0x5b: {  	s21 =	simm.s32 $0x1;
	[sflag:s28] =	ssyncadd.s32 $0xFFFFD800  }
0x5c: {  	_ =	swait.ge [sflag:s21], $0x2710  }
0x5d: {  	[sflag:s21] =	ssyncset.done $0x0  }
0x5e: {  	[sflag:s21] =	ssyncadd.s32 $0xFFFFD8F0  }
0x5f: {  	[bflag:$0x0] =	sbarrier.arrive $0xFFFF  }
0x60: {  	[tilespmem:s1], [sflag:$0xA] =	stream.indirect.gather [hbm4b:s4+s31], $0x80, s3, s31, $0xb8;
	[tilespmem:$0x1E190] =	vst v63  }
0x61: {  	_ = 	snop  }
0x62: {  	[tilespmem:s14], [sflag:$0xB] =	stream.indirect.gather [hbm4b:s4+s31], $0x80, s31, s31, $0xb8;
	[tilespmem:$0x1E190] =	vst v63  }
0x63: {  	_ =	swait.ge [sflag:s7], $0x2800  }
0x64: {  	s19 =	simm.s32 $0x8;
	[sflag:s7] =	ssyncset.done $0x0  }
0x65: {  	s22 =	simm.s32 $0x2;
	s8 =	smul.u32 $0xAB, s19;
	[sflag:s7] =	ssyncadd.s32 $0xFFFFD800  }
0x66: {  	_ =	swait.ge [sflag:s22], $0x50  }
0x67: {  	s23 =	simm.s32 $0xA0;
	s20 =	sadd.s32 $0xFFFFFBFE, s8;
	[sflag:s22] =	ssyncset.done $0x0  }
0x68: {  	s24 =	simm.s32 $0x7990;
	s20 =	sshrl.u32 s20, $0x9;
	[sflag:s22] =	ssyncadd.s32 $0xFFFFFFB0  }
0x69: {  	[spmem:s2] =	stream.indirect.scatter.add.f32 [tilespmem:s1], [sflag:$0xD], $0x80, s5, s31, $0xb8;
	[tilespmem:$0x1E190] =	vst v63  }
0x6a: {  	s26 =	simm.s32 $0x28F0;
	p0 =	por $0x0, $0x0;
	s20 =	sand.u32 $0x7F, s20  }
0x6b: {  	[tilespmem:s24], [sflag:$0xC] =	stream.indirect.gather [hbm4b:s4+s31], $0x80, s23, s31, $0xb8;
	[tilespmem:$0x1E190] =	vst v63  }
0x6c: {  	s18 =	sadd.s32 $0xFFFFFD54, s8;
	s20 =	smul.u32 $0x3, s20;
	s25 =	rddreg [dreg:$0x11]  }
0x6d: {  	[tilespmem:s26], [sflag:$0x8] =	stream.linear.gather [hbm4b:s25+s3], $0x50, $0x38;
	[tilespmem:$0x1E190] =	vst v63  }
0x6e: {  	s13 =	simm.s32 $0x2940;
	s18 =	sshrl.u32 s18, $0x9;
	_ =	swait.ge [sflag:s9], $0x2800  }
0x6f: {  	s20 =	ssub.s32 $0x2, s20;
	s21 =	simm.s32 $0x140;
	[sflag:s9] =	ssyncset.done $0x0  }
0x70: {  	s20 =	sand.u32 $0xFF, s20;
	s5 =	simm.s32 $0x3;
	[sflag:s9] =	ssyncadd.s32 $0xFFFFD800  }
0x71: {  	s29 =	sadd.s32 $0xA, s20;
	s30 =	smul.u32 $0xA000, s20;
	_ =	swait.ge [sflag:s5], $0x50  }
0x72: {  	s20 =	sadd.s32 $0xD, s20;
	s22 =	sand.u32 $0x7F, s18;
	[sflag:s5] =	ssyncset.done $0x0  }
0x73: {  	s16 =	sshrl.u32 s30, $0x2;
	s22 =	smul.u32 $0x3, s22;
	[sflag:s5] =	ssyncadd.s32 $0xFFFFFFB0  }
0x74: {  	[spmem:s2] =	stream.indirect.scatter.add.f32 [tilespmem:s14], [sflag:$0xE], $0x80, s6, s31, $0xb8;
	[tilespmem:$0x1E190] =	vst v63  }
0x75: {  	s18 =	simm.s32 $0x9;
	s23 =	simm.s32 $0x2;
	_ =	swait.ge [sflag:s11], $0x2800  }
0x76: {  	s22 =	ssub.s32 $0x8, s22;
	s23 =	sand.u32 $0x7, s23;
	[sflag:s11] =	ssyncset.done $0x0  }
0x77: {  	s22 =	sadd.s32 $0xFFFFFFFC, s22;
	s6 =	simm.s32 $0xF0;
	[sflag:s11] =	ssyncadd.s32 $0xFFFFD800  }
0x78: {  	[tilespmem:s1], [sflag:$0xA] =	stream.indirect.gather [hbm4b:s4+s31], $0x80, s6, s31, $0xb8;
	[tilespmem:$0x1E190] =	vst v63  }
0x79: {  	s25 =	simm.s32 $0xA;
	s24 =	smul.u32 $0x140, s23;
	s10 =	rddreg [dreg:$0x12]  }
0x7a: {  	[tilespmem:s13], [sflag:$0x9] =	stream.linear.gather [hbm4b:s10+s3], $0x50, $0x38;
	[tilespmem:$0x1E190] =	vst v63  }
0x7b: {  	s26 =	sand.u32 $0xFF, s22;
	s23 =	sadd.s32 $0x2, s23;
	_ =	swait.ge [sflag:s29], $0x2800  }
0x7c: {  	s15 =	smul.u32 $0xA000, s26;
	s14 =	sshrl.u32 s24, $0x2;
	[sflag:s29] =	ssyncset.done $0x0  }
0x7d: {  	s30 =	sadd.s32 $0xD, s26;
	s22 =	sadd.s32 $0x2710, s14;
	[sflag:s29] =	ssyncadd.s32 $0xFFFFD800  }
0x7e: {  	s6 =	sand.u32 @!p0 $0x7, s19;
	s19 =	sadd.s32 $0x2990, s16;
	_ =	swait.ge [sflag:s23], $0x50  }
0x7f: {  	s0 =	smul.u32 @!p0 $0x140, s6;
	s29 =	sshrl.u32 s15, $0x2;
	[sflag:s23] =	ssyncset.done $0x0  }
0x80: {  	s24 =	rddreg [dreg:$0x15];
	[sflag:s23] =	ssyncadd.s32 $0xFFFFFFB0;
	s23 =	smul.u32 $0xAB, s18  }
0x81: {  	[spmem:s2] =	stream.indirect.scatter.add.f32 [tilespmem:s19], [sflag:s20], $0x80, s22, s31, $0xb8;
	[tilespmem:$0x1E190] =	vst v63  }
0x82: {  	s19 =	simm.s32 $0x190;
	s22 =	sadd.s32 @!p0 $0x2, s6;
	s20 =	sshrl.u32 @!p0 s0, $0x2  }
.LBB2_4:
0x83: {  	s0 =	sadd.s32 @!p0 $0x2710, s20;
	s6 =	smov.u32 s18;
	s18 =	smov.u32 s25  }
0x84: {  	s25 =	sadd.s32 $0x1, s25;
	s20 =	smov.u32 s24;
	s24 =	sadd.s32 $0xA, s24  }
0x85: {  	s5 =	sadd.s32 $0xFFFFFBFE, s23;
	s23 =	sadd.s32 $0xFFFFFD54, s23;
	p1 =	sne.s32 s25, $0x81  }
0x86: {  	s8 =	smov.u32 s21;
	s5 =	sshrl.u32 s5, $0x9;
	s23 =	sshrl.u32 s23, $0x9  }
0x87: {  	s29 =	sadd.s32 $0x2990, s29;
	s21 =	smov.u32 s19;
	s5 =	sand.u32 $0x7F, s5  }
0x88: {  	s23 =	sand.u32 $0x7F, s23;
	s5 =	smul.u32 $0x3, s5;
	_ =	swait.ge [sflag:s30], $0x2800  }
0x89: {  	s26 =	sadd.s32 $0xA, s26;
	s10 =	sadd.s32 $0xFFFFFFFA, s6;
	s23 =	smul.u32 $0x3, s23  }
0x8a: {  	s13 =	sand.u32 $0x7, s10;
	s5 =	ssub.s32 s10, s5;
	[sflag:s30] =	ssyncset.done $0x0  }
0x8b: {  	s23 =	ssub.s32 s6, s23;
	s5 =	sand.u32 $0xFF, s5;
	[sflag:s30] =	ssyncadd.s32 $0xFFFFD800  }
0x8c: {  	s15 =	simm.s32 @!p0 $0x0;
	s30 =	sadd.s32 $0xFFFFFFFC, s23;
	s14 =	smul.u32 $0xA000, s5  }
0x8d: {  	s16 =	smul.u32 $0x140, s13  }
0x8e: {  	[tilespmem:s29], [sflag:s26] =	stream.indirect.gather [hbm4b:s4+s31], $0x80, s8, s31, $0xb8;
	[tilespmem:$0x1E190] =	vst v63  }
0x8f: {  	s23 =	smul.u32 $0xAB, s18;
	s26 =	sand.u32 $0xFF, s30;
	s8 =	sshrl.u32 s16, $0x2  }
0x90: {  	s19 =	sadd.s32 $0x50, s19;
	s16 =	sadd.s32 $0xA, s5;
	s29 =	smul.u32 $0xA000, s26  }
0x91: {  	[tilespmem:s0], [sflag:s22] =	stream.linear.gather @!p0 [hbm4b:s20+s15], $0x50, $0x38;
	[tilespmem:$0x1E190] =	vst v63  }
0x92: {  	s0 =	sadd.s32 $0xD, s5  }
0x93: {  	s29 =	sshrl.u32 s29, $0x2;
	s5 =	sadd.s32 $0x2, s13;
	_ =	swait.ge [sflag:s16], $0x2800  }
0x94: {  	p0 =	sgt.u32 s10, $0x76;
	s10 =	sshrl.u32 s14, $0x2;
	[sflag:s16] =	ssyncset.done $0x0  }
.Ltmp1:
0x95: {  	s6 =	sand.u32 @!p0 $0x7, s6;
	[sflag:s16] =	ssyncadd.s32 $0xFFFFD800;
	(pc) =	sbr.rel @p1 .LBB2_4-.Ltmp1, $4  }
0x96: {  	s13 =	smul.u32 @!p0 $0x140, s6;
	s22 =	sadd.s32 @!p0 $0x2, s6;
	_ =	swait.ge [sflag:s5], $0x50  }
0x97: {  	s30 =	sadd.s32 $0xD, s26;
	s6 =	sadd.s32 $0x2990, s10;
	[sflag:s5] =	ssyncset.done $0x0  }
0x98: {  	s8 =	sadd.s32 $0x2710, s8;
	s20 =	sshrl.u32 @!p0 s13, $0x2;
	[sflag:s5] =	ssyncadd.s32 $0xFFFFFFB0  }
0x99: {  	[spmem:s2] =	stream.indirect.scatter.add.f32 [tilespmem:s6], [sflag:s0], $0x80, s8, s31, $0xb8;
	[tilespmem:$0x1E190] =	vst v63  }
0x9a: {  	_ =	swait.ge [sflag:s30], $0x2800  }
0x9b: {  	[sflag:s30] =	ssyncset.done $0x0  }
0x9c: {  	s0 =	sadd.s32 $0x2990, s29;
	s5 =	sadd.s32 $0xA, s26;
	[sflag:s30] =	ssyncadd.s32 $0xFFFFD800  }
0x9d: {  	[tilespmem:s0], [sflag:s5] =	stream.indirect.gather [hbm4b:s4+s31], $0x80, s21, s31, $0xb8;
	[tilespmem:$0x1E190] =	vst v63  }
0x9e: {  	s21 =	sadd.s32 $0xFFFFFBFE, s23  }
0x9f: {  	s0 =	sshrl.u32 s21, $0x9  }
0xa0: {  	s25 =	sadd.s32 $0xFFFFFFFA, s18;
	s0 =	sand.u32 $0x7F, s0  }
0xa1: {  	s6 =	sadd.s32 @!p0 $0x2710, s20;
	s8 =	simm.s32 @!p0 $0x0;
	s0 =	smul.u32 $0x3, s0  }
0xa2: {  	[tilespmem:s6], [sflag:s22] =	stream.linear.gather @!p0 [hbm4b:s24+s8], $0x50, $0x38;
	[tilespmem:$0x1E190] =	vst v63  }
0xa3: {  	s0 =	ssub.s32 s25, s0  }
0xa4: {  	s30 =	sadd.s32 $0xFFFFFD54, s23;
	s0 =	sand.u32 $0xFF, s0  }
0xa5: {  	s29 =	sand.u32 $0x7, s25;
	s6 =	sshrl.u32 s30, $0x9;
	s26 =	sadd.s32 $0xA, s0  }
0xa6: {  	s8 =	smul.u32 $0x140, s29;
	s6 =	sand.u32 $0x7F, s6;
	_ =	swait.ge [sflag:s26], $0x2800  }
0xa7: {  	s10 =	sadd.s32 $0x2, s29;
	s6 =	smul.u32 $0x3, s6;
	[sflag:s26] =	ssyncset.done $0x0  }
0xa8: {  	s8 =	sshrl.u32 s8, $0x2;
	s13 =	smul.u32 $0xA000, s0;
	[sflag:s26] =	ssyncadd.s32 $0xFFFFD800  }
0xa9: {  	s8 =	sadd.s32 $0x2710, s8;
	_ =	swait.ge [sflag:s10], $0x50  }
0xaa: {  	s14 =	ssub.s32 s18, s6;
	s13 =	sshrl.u32 s13, $0x2;
	[sflag:s10] =	ssyncset.done $0x0  }
0xab: {  	s0 =	sadd.s32 $0xD, s0;
	[sflag:s10] =	ssyncadd.s32 $0xFFFFFFB0;
	s10 =	sadd.s32 $0x2990, s13  }
0xac: {  	[spmem:s2] =	stream.indirect.scatter.add.f32 [tilespmem:s10], [sflag:s0], $0x80, s8, s31, $0xb8;
	[tilespmem:$0x1E190] =	vst v63  }
0xad: {  	s0 =	sadd.s32 $0xFFFFFFFC, s14  }
0xae: {  	s0 =	sand.u32 $0xFF, s0  }
0xaf: {  	p0 =	sgt.u32 s25, $0x76;
	s15 =	sadd.s32 $0xD, s0;
	s16 =	smul.u32 $0xA000, s0  }
0xb0: {  	s8 =	sand.u32 @!p0 $0x7, s18;
	_ =	swait.ge [sflag:s15], $0x2800  }
0xb1: {  	s6 =	smul.u32 @!p0 $0x140, s8;
	[sflag:s15] =	ssyncset.done $0x0;
	s20 =	sshrl.u32 s16, $0x2  }
0xb2: {  	s0 =	sadd.s32 $0xA, s0;
	[sflag:s15] =	ssyncadd.s32 $0xFFFFD800;
	s5 =	sadd.s32 $0x2990, s20  }
0xb3: {  	[tilespmem:s5], [sflag:s0] =	stream.indirect.gather [hbm4b:s4+s31], $0x80, s19, s31, $0xb8;
	[tilespmem:$0x1E190] =	vst v63  }
0xb4: {  	s0 =	sadd.s32 $0xA, s24;
	s5 =	sshrl.u32 @!p0 s6, $0x2  }
0xb5: {  	s6 =	sadd.s32 @!p0 $0x2, s8;
	s8 =	simm.s32 @!p0 $0x0;
	s5 =	sadd.s32 @!p0 $0x2710, s5  }
0xb6: {  	[tilespmem:s5], [sflag:s6] =	stream.linear.gather @!p0 [hbm4b:s0+s8], $0x50, $0x38;
	[tilespmem:$0x1E190] =	vst v63  }
0xb7: {  	_ =	swait.ge [sflag:s7], $0x2800  }
0xb8: {  	[sflag:s7] =	ssyncset.done $0x0  }
0xb9: {  	s21 =	simm.s32 $0x5;
	[sflag:s7] =	ssyncadd.s32 $0xFFFFD800  }
0xba: {  	_ =	swait.ge [sflag:s21], $0x50  }
0xbb: {  	[sflag:s21] =	ssyncset.done $0x0  }
0xbc: {  	s10 =	simm.s32 $0x2800;
	[sflag:s21] =	ssyncadd.s32 $0xFFFFFFB0  }
0xbd: {  	[spmem:s2] =	stream.indirect.scatter.add.f32 [tilespmem:s1], [sflag:$0xD], $0x80, s10, s31, $0xb8;
	[tilespmem:$0x1E190] =	vst v63  }
0xbe: {  	_ =	swait.ge [sflag:s9], $0x2800  }
0xbf: {  	[sflag:s9] =	ssyncset.done $0x0  }
0xc0: {  	s22 =	simm.s32 $0x6;
	[sflag:s9] =	ssyncadd.s32 $0xFFFFD800  }
0xc1: {  	_ =	swait.ge [sflag:s22], $0x50  }
0xc2: {  	[sflag:s22] =	ssyncset.done $0x0  }
0xc3: {  	s13 =	simm.s32 $0x2850;
	s14 =	simm.s32 $0x5190;
	[sflag:s22] =	ssyncadd.s32 $0xFFFFFFB0  }
0xc4: {  	[spmem:s2] =	stream.indirect.scatter.add.f32 [tilespmem:s14], [sflag:$0xE], $0x80, s13, s31, $0xb8;
	[tilespmem:$0x1E190] =	vst v63  }
0xc5: {  	_ =	swait.ge [sflag:s11], $0x2800  }
0xc6: {  	[sflag:s11] =	ssyncset.done $0x0  }
0xc7: {  	s23 =	simm.s32 $0xE;
	[sflag:s11] =	ssyncadd.s32 $0xFFFFD800  }
0xc8: {  	_ =	swait.ge [sflag:s23], $0x2800  }
0xc9: {  	[sflag:s23] =	ssyncset.done $0x0  }
0xca: {  	s24 =	simm.s32 $0xF;
	[sflag:s23] =	ssyncadd.s32 $0xFFFFD800  }
0xcb: {  	_ =	swait.ge [sflag:s24], $0x2800  }
0xcc: {  	[sflag:s24] =	ssyncset.done $0x0  }
0xcd: {  	s25 =	stileid.u32;
	[sflag:s24] =	ssyncadd.s32 $0xFFFFD800  }
0xce: {  	s0 =	sshll.u32 s25, $0x6;
	[bflag:$0x0] =	sbarrier.arrive $0xFFFF  }
0xcf: {  	s26 =	sshrl.u32 s12, $0x3;
	s0 =	sor.u32 $0x1C10, s0;
	s29 =	rddreg [dreg:$0x13]  }
0xd0: {  	[hbm:s29], [sflag:s0] =	dma.local [spmem:s26], $0x2800  }
0xd1: {  	_ =	swait.ge [sflag:s28], $0x2800  }
0xd2: {  	s17 =	sadd.s32 $0x1, s17;
	s30 =	rddreg [dreg:$0x14]  }
0xd3: {  	p0 =	sne.s32 s17, s30  }
.Ltmp2:
0xd4: {  	_ = 	snop;
	(pc) =	sbr.rel @p0 .LBB2_1-.Ltmp2, $3  }
0xd5: {  	_ =	sdelay $0x1  }
0xd6: {  	[sflag:s28] =	ssyncset.done $0x0  }
0xd7: {  	s5 =	simm.s32 $0x2710;
	s6 =	simm.s32 $0x2760;
	[sflag:s28] =	ssyncadd.s32 $0xFFFFD800  }
0xd8: {  	_ =	sfence.sel $0x180000  }
0xd9: {  	[bflag:$0x0] =	sbarrier.arrive $0xFFFF  }
0xda: {  	_ =	strace $0x9000004D  }
0xdb: {  	s0 =	stileid.u32;
	[bflag:$0x2] =	sbarrier.arrive $0xFFFF  }
0xdc: {  	p0 =	sne.s32 s0, $0x0;
	s0 =	rddreg [dreg:$0x2]  }
0xdd: {  	s0 =	sadd.s32 @!p0 $0x100000, s0  }
0xde: {  	[sflag:s0] =	ssyncadd.tile.s32 @!p0 $0x1;
	_ =	shalt  }
.Lfunc_end2:
_tile_overlayer_lowered:
.L_overlay_start_2:
0xdf: {  	(tag) =	ssettag $0x2  }
0xe0: {  	s0 =	rddreg [dreg:$0x0];
	s2 =	stileid.u32  }
0xe1: {  	s1 =	rddreg [dreg:$0x1];
	p0 =	sne.s32 s2, $0x0  }
0xe2: {  	s3 =	rddreg [dreg:$0x2];
	[bflag:$0x3] =	sbarrier.arrive $0xFFFF;
	s2 =	simm.s32 @!p0 $0x1C10  }
0xe3: {  	[timem:s3], [sflag:s2] =	dma.local @!p0 [hbm:s0], s1  }
0xe4: {  	s0 =	simm.s32 @!p0 $0x10  }
0xe5: {  	_ =	swait.ge @!p0 [sflag:s0], s1  }
0xe6: {  	s1 =	ssub.s32 @!p0 $0x0, s1;
	[sflag:s0] =	ssyncset.done @!p0 $0x0  }
0xe7: {  	[sflag:s0] =	ssyncadd.s32 @!p0 s1  }
0xe8: {  	[bflag:$0x3] =	sbarrier.arrive $0xFFFF  }
0xe9: {  	_ =	shalt  }

// kernel: kernel.8.cloned.1.call-start
scs
__scs_entry_jumppad:
0x0: {  	(pc) =	sbr.rel $0x88, $3  }
0x1: {  	(tag) =	ssettag $0x0;
	lr =	simm.s32 $0x1  }
0x2: {  	[smem:$0x3F97] =	sst lr;
	_ =	strace $0xD0000000  }
0x3: {  	_ = 	snop  }
0x4: {  	_ = 	snop  }
0x5: {  	_ = 	snop  }
0x6: {  	_ = 	snop  }
0x7: {  	_ = 	snop  }
__scs_overlays_trampoline_lowered:
0x8: {  	[smem:$0x3FA6] =	sst s0  }
0x9: {  	[smem:$0x3FA7] =	sst s1  }
0xa: {  	[smem:$0x3FA8] =	sst s2  }
0xb: {  	[smem:$0x3FA9] =	sst s3  }
0xc: {  	[smem:$0x3FAA] =	sst s4  }
0xd: {  	[smem:$0x3FAB] =	sst s5  }
0xe: {  	[smem:$0x3FAC] =	sst s6  }
0xf: {  	[smem:$0x3FAD] =	sst s7  }
0x10: {  	[smem:$0x3FAE] =	sst s8  }
0x11: {  	[smem:$0x3FAF] =	sst s9;
	s0 =	simm.s32 @!p0 $0x0  }
0x12: {  	s1 =	sld [smem:$0x3F95];
	s0 =	simm.s32 @p0 $0x1  }
0x13: {  	[smem:$0x3FB0] =	sst s0;
	s0 =	simm.s32 @!p1 $0x0  }
0x14: {  	s2 =	sld [smem:$0x3F94];
	s0 =	simm.s32 @p1 $0x1  }
0x15: {  	[smem:$0x3FB1] =	sst s0;
	s0 =	simm.s32 @!p2 $0x0  }
0x16: {  	s3 =	sld [smem:$0x3FDB];
	s0 =	simm.s32 @p2 $0x1  }
0x17: {  	s4 =	simm.s32 $0x1BF5;
	[smem:$0x3FB3] =	sst s0  }
0x18: {  	s0 =	sld [smem:$0x3F96];
	_ =	swait.ge [sflag:s4], $0x0  }
0x19: {  	s7 =	sld [smem:$0x3F97]  }
0x1a: {  	s8 =	sadd.s32 $0xFFFFE003, lr  }
0x1b: {  	s9 =	sadd.s32 $0xFFFFFEF7, lr;
	s5 =	simm.s32 $0xFFFFFFFF;
	p2 =	slt.u32 s8, $0xFFFFF086  }
0x1c: {  	p1 =	slt.u32 s9, $0xF7A;
	s5 =	simm.s32 @!p2 $0x0  }
0x1d: {  	s5 =	simm.s32 @p1 $0x1;
	p0 =	seq.s32 s7, s2  }
0x1e: {  	s7 =	smul.u32 @!p0 $0xF7A, s2;
	p2 =	seq.s32 @!p0 s5, $0x0  }
0x1f: {  	s9 =	smul.u32 $0xF7A, s1;
	s8 =	simm.s32 @!p0 $0x1BF5;
	p2 =	por !p2, p0  }
0x20: {  	[sflag:s8] =	ssyncset.s32 @!p0 $0xFFFFF086;
	s6 =	sadd.s32 @!p0 s3, s7;
	s7 =	simm.s32 @!p0 $0x108  }
0x21: {  	s3 =	sadd.s32 s3, s9;
	s6 =	sadd.s32 @!p0 $0x88, s6;
	s7 =	simm.s32 @p2 $0x1082  }
0x22: {  	[simem:s7], [sflag:s8] =	dma.local @!p0 [hbm:s6], $0xF7A  }
0x23: {  	s9 =	sor.u32 $0xD0000000, s2;
	s6 =	simm.s32 $0x108;
	_ =	swait.ge @!p0 [sflag:s8], $0x0  }
0x24: {  	s3 =	sadd.s32 $0x88, s3;
	s6 =	simm.s32 @!p1 $0x1082;
	[sflag:s4] =	ssyncset.s32 $0xFFFFF086  }
0x25: {  	[simem:s6], [sflag:s4] =	dma.local [hbm:s3], $0xF7A  }
0x26: {  	[smem:$0x3F97] =	sst s1;
	(tag) =	ssettag s2;
	_ =	strace s9  }
0x27: {  	s1 =	sld [smem:$0x3FA7]  }
0x28: {  	s2 =	sld [smem:$0x3FA8]  }
0x29: {  	s4 =	sld [smem:$0x3FAA]  }
0x2a: {  	p0 =	seq.s32 s5, $0x0;
	s5 =	sld [smem:$0x3FAB]  }
0x2b: {  	s6 =	sld [smem:$0x3FAC]  }
0x2c: {  	s7 =	sld [smem:$0x3FAD]  }
0x2d: {  	s3 =	simm.s32 $0x108;
	s8 =	sld [smem:$0x3FAE]  }
0x2e: {  	s3 =	simm.s32 @!p0 $0x1082;
	s9 =	sld [smem:$0x3FAF]  }
0x2f: {  	lr =	sadd.s32 s0, s3;
	s0 =	sld [smem:$0x3FA6]  }
0x30: {  	s3 =	sld [smem:$0x3FA9]  }
0x31: {  	[smem:$0x3FB2] =	sst s10  }
0x32: {  	s10 =	sld [smem:$0x3FB0];
	_ =	sdelay $0x3  }
0x33: {  	p0 =	seq.s32 s10, $0x1;
	s10 =	sld [smem:$0x3FB2];
	_ =	sdelay $0x3  }
0x34: {  	[smem:$0x3FB2] =	sst s10  }
0x35: {  	s10 =	sld [smem:$0x3FB1];
	_ =	sdelay $0x3  }
0x36: {  	p1 =	seq.s32 s10, $0x1;
	s10 =	sld [smem:$0x3FB2];
	_ =	sdelay $0x3  }
0x37: {  	[smem:$0x3FB2] =	sst s10  }
0x38: {  	s10 =	sld [smem:$0x3FB3]  }
0x39: {  	_ = 	snop;
	(pc) =	sbr.ind lr, $3  }
0x3a: {  	_ = 	snop  }
0x3b: {  	_ = 	snop  }
0x3c: {  	p2 =	seq.s32 s10, $0x1;
	s10 =	sld [smem:$0x3FB2]  }
0x3d: {  	_ =	shalt  }
0x3e: {  	_ =	shalt  }
0x3f: {  	_ =	shalt  }
0x40: {  	_ =	shalt  }
0x41: {  	_ =	shalt  }
0x42: {  	_ =	shalt  }
0x43: {  	_ =	shalt  }
0x44: {  	_ =	shalt  }
0x45: {  	_ =	shalt  }
0x46: {  	_ =	shalt  }
0x47: {  	_ =	shalt  }
0x48: {  	_ =	shalt  }
0x49: {  	_ =	shalt  }
0x4a: {  	_ =	shalt  }
0x4b: {  	_ =	shalt  }
0x4c: {  	_ =	shalt  }
0x4d: {  	_ =	shalt  }
0x4e: {  	_ =	shalt  }
0x4f: {  	_ =	shalt  }
0x50: {  	_ =	shalt  }
0x51: {  	_ =	shalt  }
0x52: {  	_ =	shalt  }
0x53: {  	_ =	shalt  }
0x54: {  	_ =	shalt  }
0x55: {  	_ =	shalt  }
0x56: {  	_ =	shalt  }
0x57: {  	_ =	shalt  }
0x58: {  	_ =	shalt  }
0x59: {  	_ =	shalt  }
0x5a: {  	_ =	shalt  }
0x5b: {  	_ =	shalt  }
0x5c: {  	_ =	shalt  }
0x5d: {  	_ =	shalt  }
0x5e: {  	_ =	shalt  }
0x5f: {  	_ =	shalt  }
0x60: {  	_ =	shalt  }
0x61: {  	_ =	shalt  }
0x62: {  	_ =	shalt  }
0x63: {  	_ =	shalt  }
0x64: {  	_ =	shalt  }
0x65: {  	_ =	shalt  }
0x66: {  	_ =	shalt  }
0x67: {  	_ =	shalt  }
0x68: {  	_ =	shalt  }
0x69: {  	_ =	shalt  }
0x6a: {  	_ =	shalt  }
0x6b: {  	_ =	shalt  }
0x6c: {  	_ =	shalt  }
0x6d: {  	_ =	shalt  }
0x6e: {  	_ =	shalt  }
0x6f: {  	_ =	shalt  }
0x70: {  	_ =	shalt  }
0x71: {  	_ =	shalt  }
0x72: {  	_ =	shalt  }
0x73: {  	_ =	shalt  }
0x74: {  	_ =	shalt  }
0x75: {  	_ =	shalt  }
0x76: {  	_ =	shalt  }
0x77: {  	_ =	shalt  }
0x78: {  	_ =	shalt  }
0x79: {  	_ =	shalt  }
0x7a: {  	_ =	shalt  }
0x7b: {  	_ =	shalt  }
0x7c: {  	_ =	shalt  }
0x7d: {  	_ =	shalt  }
0x7e: {  	_ =	shalt  }
0x7f: {  	_ =	shalt  }
0x80: {  	_ =	shalt  }
0x81: {  	_ =	shalt  }
0x82: {  	_ =	shalt  }
0x83: {  	_ =	shalt  }
0x84: {  	_ =	shalt  }
0x85: {  	_ =	shalt  }
0x86: {  	_ =	shalt  }
0x87: {  	_ =	shalt  }
.Lfunc_end0:
.L_simem_size_0:
called_computation_lowered:
.L_overlay_start_0:
0x88: {  	s2 =	sld [smem:$0x3FD9]  }
0x89: {  	s3 =	sld [smem:$0x3FFE];
	_ =	sdelay $0x1  }
0x8a: {  	s1 =	srdreg.scid  }
0x8b: {  	s0 =	sand.u32 $0x1, s1  }
0x8c: {  	s17 =	sshll.u32 s0, $0xA;
	s2 =	sadd.s32 s3, s2  }
0x8d: {  	s2 =	sadd.s32 s2, s17  }
0x8e: {  	[smem:$0x3FBE] =	sst s2  }
0x8f: {  	_ = 	snop  }
0x90: {  	s2 =	sld [smem:$0x3FD0];
	(tm) =	ssettm $0x1  }
0x91: {  	s18 =	sld [smem:$0x3FFB];
	_ =	sdelay $0x3  }
0x92: {  	_ =	strace s18  }
0x93: {  	s3 =	sld [smem:$0x3FFC];
	_ =	sdelay $0x3  }
0x94: {  	_ =	strace s3  }
0x95: {  	s3 =	sld [smem:$0x3FFD];
	_ =	sdelay $0x3  }
0x96: {  	_ =	strace s3  }
0x97: {  	_ =	strace $0x8FFFFFFF  }
0x98: {  	s19 =	sld [smem:$0x3FDB];
	_ =	sdelay $0x1  }
0x99: {  	s4 =	simm.s32 $_scs_section_size  }
0x9a: {  	s5 =	simm.s32 $_size__tile_overlayer_lowered;
	s6 =	simm.s32 $_tile_overlayer_lowered  }
0x9b: {  	s22 =	simm.s32 $0x1BFF;
	s21 =	sshll.u32 s6, $0x1;
	s3 =	sadd.s32 s4, s19  }
0x9c: {  	s7 =	simm.s32 $0x0;
	s20 =	sshll.u32 s5, $0x1;
	s5 =	sadd.s32 s21, s3  }
0x9d: {  	[timem:s7], [sflag:s22] =	dma.local [hbm:s5], s20  }
0x9e: {  	_ =	swait.ge [sflag:s22], s20  }
0x9f: {  	s4 =	ssub.s32 $0x0, s20;
	[sflag:s22] =	ssyncset.done $0x0  }
0xa0: {  	[sflag:s22] =	ssyncadd.s32 s4;
	_ =	sdelay $0x1  }
0xa1: {  	s23 =	simm.s32 $0x1B8B  }
0xa2: {  	_ =	swait.ge [sflag:s23], $0x1  }
0xa3: {  	[sflag:s23] =	ssyncset.done $0x0  }
0xa4: {  	s25 =	simm.s32 $0x1B8E;
	s24 =	sld [smem:$0x3FFE];
	[sflag:s23] =	ssyncadd.s32 $0xFFFFFFFF  }
0xa5: {  	s26 =	simm.s32 $execute0_lowered;
	[smem:$0x3FD2] =	sst s25  }
0xa6: {  	s5 =	sshll.u32 s26, $0x1;
	_ =	strace $0x80000046;
	[dreg:$0x1] =	wrdreg $0xFFFFFFFF  }
0xa7: {  	s28 =	simm.s32 $_size_execute0_lowered;
	s3 =	sadd.s32 s3, s5;
	[dreg:$0x0] =	wrdreg $0x0  }
0xa8: {  	s5 =	sshll.u32 s28, $0x1;
	[dreg:$0x2] =	wrdreg s3  }
0xa9: {  	[dreg:$0x3] =	wrdreg s5  }
0xaa: {  	[dreg:$0x4] =	wrdreg $0xC0  }
0xab: {  	_ =	task [dreg:s7], $0x5FFFF  }
0xac: {  	[dreg:$0x1] =	wrdreg $0xFFFFFFFF  }
0xad: {  	[dreg:$0x0] =	wrdreg $0x60  }
0xae: {  	[dreg:$0x2] =	wrdreg s24  }
0xaf: {  	[dreg:$0x3] =	wrdreg s2  }
0xb0: {  	[dreg:$0x4] =	wrdreg $0x45100  }
0xb1: {  	[dreg:$0x5] =	wrdreg $0x9  }
0xb2: {  	_ =	task.clear_ibuf [dreg:s7], $0x6FFFF;
	_ =	strace $0x90000046  }
0xb3: {  	s29 =	simm.s32 $0x9;
	_ =	strace $0x80000048  }
0xb4: {  	_ =	swait.ge [sflag:s29], $0x1  }
0xb5: {  	[sflag:s29] =	ssyncadd.s32 $0xFFFFFFFF  }
0xb6: {  	_ =	strace $0x90000048  }
0xb7: {  	_ =	sfence  }
0xb8: {  	s30 =	sld [smem:$0x0];
	_ =	sdelay $0x2  }
0xb9: {  	s31 =	sshll.u32 s1, $0xD;
	s1 =	sshrl.u32 s1, $0x2  }
0xba: {  	s3 =	sand.u32 $0x4000, s31;
	s1 =	sadd.s32 s1, s30  }
0xbb: {  	s0 =	sor.u32 s3, s0;
	s1 =	sshll.u32 s1, $0x11  }
0xbc: {  	s0 =	sor.u32 s1, s0  }
0xbd: {  	s0 =	sadd.s32 $0x8F2B, s0  }
0xbe: {  	[sflag:s0] =	ssyncadd.remote.s32 $0x1  }
0xbf: {  	_ =	sfence.sel $0xFFFF  }
0xc0: {  	[dreg:$0x0] =	wrdreg $0xFFFFFFFF;
	(pc) =	sbr.abs _section_cstart, $3  }
0xc1: {  	[dreg:$0x1] =	wrdreg $0xFFFFFFFF  }
0xc2: {  	_ =	task.clear_ibuf [dreg:s7], $0x2FFFF;
	_ =	strace $0x9FFFFFFF  }
0xc3: {  	(tm) =	ssettm $0x7FFFFFFF  }
tec
execute0_lowered:
.L_overlay_start_1:
0x0: {  	(tag) =	ssettag $0x1  }
0x1: {  	s1 =	rddreg [dreg:$0x0]  }
0x2: {  	s0 =	srdreg.scid;
	s13 =	rddreg [dreg:$0x1]  }
0x3: {  	s7 =	stileid.u32;
	s2 =	rddreg [dreg:$0x2]  }
0x4: {  	s15 =	simm.s32 $0x4010;
	s16 =	simm.s32 $0x3;
	s17 =	simm.s32 $0x1  }
0x5: {  	s18 =	simm.s32 $0x190;
	s19 =	simm.s32 $0x2710;
	s21 =	simm.s32 $0x1900  }
0x6: {  	s22 =	simm.s32 $0x1A90;
	s23 =	simm.s32 $0x1C20;
	s28 =	simm.s32 $0x2260  }
0x7: {  	s29 =	simm.s32 $0x23F0;
	s30 =	simm.s32 $0x2580;
	s6 =	smul.u32 $0xA000, s7  }
0x8: {  	s31 =	simm.s32 $0x2;
	s0 =	sand.u32 $0x1, s0;
	s10 =	smul.u32 $0x2800, s7  }
0x9: {  	s3 =	sshll.u32 s0, $0x4;
	s5 =	ssub.s32 $0x2, s0;
	s0 =	smul.u32 $0x28000, s0  }
0xa: {  	s4 =	sor.u32 s7, s3;
	s3 =	simm.s32 $0x0;
	s24 =	sshrl.u32 s5, $0x1  }
0xb: {  	s25 =	sshrl.u32 s6, $0x2;
	s4 =	smul.u32 $0x4E2, s4;
	[smem:$0x7FF] =	sst s3  }
0xc: {  	s14 =	ssub.s32 s5, s24;
	s26 =	sadd.s32 s25, s2;
	s5 =	sadd.s32 s10, s2  }
0xd: {  	s0 =	sadd.s32 s10, s0;
	s24 =	simm.s32 $0x1DB0;
	s25 =	simm.s32 $0x1F40  }
0xe: {  	_ =	strace $0x80000047;
	s6 =	sadd.s32 $0x500, s26;
	s7 =	sadd.s32 $0xA00, s26  }
0xf: {  	s8 =	sadd.s32 $0xF00, s26;
	s9 =	sadd.s32 $0x1400, s26;
	s10 =	sadd.s32 $0x1900, s26  }
0x10: {  	s11 =	sadd.s32 $0x1E00, s26;
	s0 =	sshrl.u32 s0, $0x3;
	s12 =	sadd.s32 $0x2300, s26  }
0x11: {  	s14 =	smax.u32 s14, $0x1;
	s26 =	simm.s32 $0x20D0;
	s1 =	sadd.s32 s4, s1  }
0x12: {  	v0 =	vimm.f32 $1.000000000e+00;
	v1 =	vimm.f32 $0.0e+00;
	s13 =	sadd.s32 s13, s0;
	s4 =	sadd.s32 $0xC200, s1;
	s1 =	simm.s32 $0x0  }
.LBB2_1:
0x13: {  	[tilespmem:s3], [sflag:$0x1] =	stream.linear.gather [hbm4b:s4+s3], $0x2710, $0x38;
	[tilespmem:$0x6D10] =	vst v63  }
0x14: {  	s0 =	simm.s32 $0x0  }
0x15: {  	[tilespmem:s0+$0x4010] =	vst v1  }
0x16: {  	[tilespmem:s0+$0x2710] =	vst v0  }
0x17: {  	[tilespmem:s0+$0x2C10] =	vst v0  }
0x18: {  	[tilespmem:s0+$0x3110] =	vst v0  }
0x19: {  	s20 =	simm.s32 $0x40;
	[tilespmem:s0+$0x3610] =	vst v0  }
.LBB2_2:
0x1a: {  	p0 =	sne.s32 s20, $0x13C0;
	[tilespmem:s0+$0x3B10] =	vst v0;
	s0 =	sshra.s32 s20, $0x2;
	s20 =	sadd.s32 $0x40, s20  }
.Ltmp0:
0x1b: {  	[tilespmem:s0+$0x4010] =	vst v1;
	(pc) =	sbr.rel @p0 .LBB2_2-.Ltmp0, $4  }
0x1c: {  	[tilespmem:s0+$0x2710] =	vst v0  }
0x1d: {  	[tilespmem:s0+$0x2C10] =	vst v0  }
0x1e: {  	[tilespmem:s0+$0x3110] =	vst v0  }
0x1f: {  	[tilespmem:s0+$0x3610] =	vst v0  }
0x20: {  	[tilespmem:s0+$0x3B10] =	vst v0  }
0x21: {  	[spmem:s5] =	stream.linear.scatter [tilespmem:s15], [sflag:$0x3], $0x500, $0x38;
	[tilespmem:$0x6D10] =	vst v63  }
0x22: {  	_ =	swait.ge [sflag:s16], $0x500  }
0x23: {  	[sflag:s16] =	ssyncset.done $0x0  }
0x24: {  	[sflag:s16] =	ssyncadd.s32 $0xFFFFFB00  }
0x25: {  	[spmem:s6] =	stream.linear.scatter [tilespmem:s15], [sflag:$0x3], $0x500, $0x38;
	[tilespmem:$0x6D10] =	vst v63  }
0x26: {  	_ =	swait.ge [sflag:s16], $0x500  }
0x27: {  	[sflag:s16] =	ssyncset.done $0x0  }
0x28: {  	[sflag:s16] =	ssyncadd.s32 $0xFFFFFB00  }
0x29: {  	[spmem:s7] =	stream.linear.scatter [tilespmem:s15], [sflag:$0x3], $0x500, $0x38;
	[tilespmem:$0x6D10] =	vst v63  }
0x2a: {  	_ =	swait.ge [sflag:s16], $0x500  }
0x2b: {  	[sflag:s16] =	ssyncset.done $0x0  }
0x2c: {  	[sflag:s16] =	ssyncadd.s32 $0xFFFFFB00  }
0x2d: {  	[spmem:s8] =	stream.linear.scatter [tilespmem:s15], [sflag:$0x3], $0x500, $0x38;
	[tilespmem:$0x6D10] =	vst v63  }
0x2e: {  	_ =	swait.ge [sflag:s16], $0x500  }
0x2f: {  	[sflag:s16] =	ssyncset.done $0x0  }
0x30: {  	[sflag:s16] =	ssyncadd.s32 $0xFFFFFB00  }
0x31: {  	[spmem:s9] =	stream.linear.scatter [tilespmem:s15], [sflag:$0x3], $0x500, $0x38;
	[tilespmem:$0x6D10] =	vst v63  }
0x32: {  	_ =	swait.ge [sflag:s16], $0x500  }
0x33: {  	[sflag:s16] =	ssyncset.done $0x0  }
0x34: {  	[sflag:s16] =	ssyncadd.s32 $0xFFFFFB00  }
0x35: {  	[spmem:s10] =	stream.linear.scatter [tilespmem:s15], [sflag:$0x3], $0x500, $0x38;
	[tilespmem:$0x6D10] =	vst v63  }
0x36: {  	_ =	swait.ge [sflag:s16], $0x500  }
0x37: {  	[sflag:s16] =	ssyncset.done $0x0  }
0x38: {  	[sflag:s16] =	ssyncadd.s32 $0xFFFFFB00  }
0x39: {  	[spmem:s11] =	stream.linear.scatter [tilespmem:s15], [sflag:$0x3], $0x500, $0x38;
	[tilespmem:$0x6D10] =	vst v63  }
0x3a: {  	_ =	swait.ge [sflag:s16], $0x500  }
0x3b: {  	[sflag:s16] =	ssyncset.done $0x0  }
0x3c: {  	[sflag:s16] =	ssyncadd.s32 $0xFFFFFB00  }
0x3d: {  	[spmem:s12] =	stream.linear.scatter [tilespmem:s15], [sflag:$0x3], $0x500, $0x38;
	[tilespmem:$0x6D10] =	vst v63  }
0x3e: {  	_ =	swait.ge [sflag:s16], $0x500  }
0x3f: {  	[sflag:s16] =	ssyncset.done $0x0  }
0x40: {  	[sflag:s16] =	ssyncadd.s32 $0xFFFFFB00  }
0x41: {  	_ =	swait.ge [sflag:s17], $0x2710  }
0x42: {  	[sflag:s17] =	ssyncset.done $0x0  }
0x43: {  	[sflag:s17] =	ssyncadd.s32 $0xFFFFD8F0  }
0x44: {  	[bflag:$0x0] =	sbarrier.arrive $0xFFFF  }
0x45: {  	[spmem:s2] =	stream.indirect.scatter.add.f32 [tilespmem:s19], [sflag:$0x2], $0x10, s3, s18, $0xb8;
	[tilespmem:$0x6D10] =	vst v63  }
0x46: {  	_ = 	snop  }
0x47: {  	[spmem:s2] =	stream.indirect.scatter.add.f32 [tilespmem:s19], [sflag:$0x2], $0x10, s18, s18, $0xb8;
	[tilespmem:$0x6D10] =	vst v63  }
0x48: {  	s20 =	simm.s32 $0x320  }
0x49: {  	[spmem:s2] =	stream.indirect.scatter.add.f32 [tilespmem:s19], [sflag:$0x2], $0x10, s20, s18, $0xb8;
	[tilespmem:$0x6D10] =	vst v63  }
0x4a: {  	s20 =	simm.s32 $0x4B0  }
0x4b: {  	[spmem:s2] =	stream.indirect.scatter.add.f32 [tilespmem:s19], [sflag:$0x2], $0x10, s20, s18, $0xb8;
	[tilespmem:$0x6D10] =	vst v63  }
0x4c: {  	s20 =	simm.s32 $0x640  }
0x4d: {  	[spmem:s2] =	stream.indirect.scatter.add.f32 [tilespmem:s19], [sflag:$0x2], $0x10, s20, s18, $0xb8;
	[tilespmem:$0x6D10] =	vst v63  }
0x4e: {  	s20 =	simm.s32 $0x7D0  }
0x4f: {  	[spmem:s2] =	stream.indirect.scatter.add.f32 [tilespmem:s19], [sflag:$0x2], $0x10, s20, s18, $0xb8;
	[tilespmem:$0x6D10] =	vst v63  }
0x50: {  	s20 =	simm.s32 $0x960  }
0x51: {  	[spmem:s2] =	stream.indirect.scatter.add.f32 [tilespmem:s19], [sflag:$0x2], $0x10, s20, s18, $0xb8;
	[tilespmem:$0x6D10] =	vst v63  }
0x52: {  	s20 =	simm.s32 $0xAF0  }
0x53: {  	[spmem:s2] =	stream.indirect.scatter.add.f32 [tilespmem:s19], [sflag:$0x2], $0x10, s20, s18, $0xb8;
	[tilespmem:$0x6D10] =	vst v63  }
0x54: {  	s20 =	simm.s32 $0xC80  }
0x55: {  	[spmem:s2] =	stream.indirect.scatter.add.f32 [tilespmem:s19], [sflag:$0x2], $0x10, s20, s18, $0xb8;
	[tilespmem:$0x6D10] =	vst v63  }
0x56: {  	s20 =	simm.s32 $0xE10  }
0x57: {  	[spmem:s2] =	stream.indirect.scatter.add.f32 [tilespmem:s19], [sflag:$0x2], $0x10, s20, s18, $0xb8;
	[tilespmem:$0x6D10] =	vst v63  }
0x58: {  	s20 =	simm.s32 $0xFA0  }
0x59: {  	[spmem:s2] =	stream.indirect.scatter.add.f32 [tilespmem:s19], [sflag:$0x2], $0x10, s20, s18, $0xb8;
	[tilespmem:$0x6D10] =	vst v63  }
0x5a: {  	s20 =	simm.s32 $0x1130  }
0x5b: {  	[spmem:s2] =	stream.indirect.scatter.add.f32 [tilespmem:s19], [sflag:$0x2], $0x10, s20, s18, $0xb8;
	[tilespmem:$0x6D10] =	vst v63  }
0x5c: {  	s20 =	simm.s32 $0x12C0  }
0x5d: {  	[spmem:s2] =	stream.indirect.scatter.add.f32 [tilespmem:s19], [sflag:$0x2], $0x10, s20, s18, $0xb8;
	[tilespmem:$0x6D10] =	vst v63  }
0x5e: {  	s20 =	simm.s32 $0x1450  }
0x5f: {  	[spmem:s2] =	stream.indirect.scatter.add.f32 [tilespmem:s19], [sflag:$0x2], $0x10, s20, s18, $0xb8;
	[tilespmem:$0x6D10] =	vst v63  }
0x60: {  	s20 =	simm.s32 $0x15E0  }
0x61: {  	[spmem:s2] =	stream.indirect.scatter.add.f32 [tilespmem:s19], [sflag:$0x2], $0x10, s20, s18, $0xb8;
	[tilespmem:$0x6D10] =	vst v63  }
0x62: {  	s20 =	simm.s32 $0x1770  }
0x63: {  	[spmem:s2] =	stream.indirect.scatter.add.f32 [tilespmem:s19], [sflag:$0x2], $0x10, s20, s18, $0xb8;
	[tilespmem:$0x6D10] =	vst v63  }
0x64: {  	_ = 	snop  }
0x65: {  	[spmem:s2] =	stream.indirect.scatter.add.f32 [tilespmem:s19], [sflag:$0x2], $0x10, s21, s18, $0xb8;
	[tilespmem:$0x6D10] =	vst v63  }
0x66: {  	_ = 	snop  }
0x67: {  	[spmem:s2] =	stream.indirect.scatter.add.f32 [tilespmem:s19], [sflag:$0x2], $0x10, s22, s18, $0xb8;
	[tilespmem:$0x6D10] =	vst v63  }
0x68: {  	_ = 	snop  }
0x69: {  	[spmem:s2] =	stream.indirect.scatter.add.f32 [tilespmem:s19], [sflag:$0x2], $0x10, s23, s18, $0xb8;
	[tilespmem:$0x6D10] =	vst v63  }
0x6a: {  	_ = 	snop  }
0x6b: {  	[spmem:s2] =	stream.indirect.scatter.add.f32 [tilespmem:s19], [sflag:$0x2], $0x10, s24, s18, $0xb8;
	[tilespmem:$0x6D10] =	vst v63  }
0x6c: {  	_ = 	snop  }
0x6d: {  	[spmem:s2] =	stream.indirect.scatter.add.f32 [tilespmem:s19], [sflag:$0x2], $0x10, s25, s18, $0xb8;
	[tilespmem:$0x6D10] =	vst v63  }
0x6e: {  	_ = 	snop  }
0x6f: {  	[spmem:s2] =	stream.indirect.scatter.add.f32 [tilespmem:s19], [sflag:$0x2], $0x10, s26, s18, $0xb8;
	[tilespmem:$0x6D10] =	vst v63  }
0x70: {  	_ = 	snop  }
0x71: {  	[spmem:s2] =	stream.indirect.scatter.add.f32 [tilespmem:s19], [sflag:$0x2], $0x10, s28, s18, $0xb8;
	[tilespmem:$0x6D10] =	vst v63  }
0x72: {  	_ = 	snop  }
0x73: {  	[spmem:s2] =	stream.indirect.scatter.add.f32 [tilespmem:s19], [sflag:$0x2], $0x10, s29, s18, $0xb8;
	[tilespmem:$0x6D10] =	vst v63  }
0x74: {  	_ = 	snop  }
0x75: {  	[spmem:s2] =	stream.indirect.scatter.add.f32 [tilespmem:s19], [sflag:$0x2], $0x10, s30, s18, $0xb8;
	[tilespmem:$0x6D10] =	vst v63  }
0x76: {  	_ =	swait.ge [sflag:s31], $0x1900  }
0x77: {  	[sflag:s31] =	ssyncset.done $0x0  }
0x78: {  	[sflag:s31] =	ssyncadd.s32 $0xFFFFE700  }
0x79: {  	_ =	swait.ge [sflag:s31], $0x1900  }
0x7a: {  	[sflag:s31] =	ssyncset.done $0x0  }
0x7b: {  	[sflag:s31] =	ssyncadd.s32 $0xFFFFE700  }
0x7c: {  	_ =	swait.ge [sflag:s31], $0x1900  }
0x7d: {  	[sflag:s31] =	ssyncset.done $0x0  }
0x7e: {  	[sflag:s31] =	ssyncadd.s32 $0xFFFFE700  }
0x7f: {  	_ =	swait.ge [sflag:s31], $0x1900  }
0x80: {  	[sflag:s31] =	ssyncset.done $0x0  }
0x81: {  	[sflag:s31] =	ssyncadd.s32 $0xFFFFE700  }
0x82: {  	_ =	swait.ge [sflag:s31], $0x1900  }
0x83: {  	[sflag:s31] =	ssyncset.done $0x0  }
0x84: {  	[sflag:s31] =	ssyncadd.s32 $0xFFFFE700  }
0x85: {  	_ =	swait.ge [sflag:s31], $0x1900  }
0x86: {  	[sflag:s31] =	ssyncset.done $0x0  }
0x87: {  	[sflag:s31] =	ssyncadd.s32 $0xFFFFE700  }
0x88: {  	_ =	swait.ge [sflag:s31], $0x1900  }
0x89: {  	[sflag:s31] =	ssyncset.done $0x0  }
0x8a: {  	[sflag:s31] =	ssyncadd.s32 $0xFFFFE700  }
0x8b: {  	_ =	swait.ge [sflag:s31], $0x1900  }
0x8c: {  	[sflag:s31] =	ssyncset.done $0x0  }
0x8d: {  	[sflag:s31] =	ssyncadd.s32 $0xFFFFE700  }
0x8e: {  	_ =	swait.ge [sflag:s31], $0x1900  }
0x8f: {  	[sflag:s31] =	ssyncset.done $0x0  }
0x90: {  	[sflag:s31] =	ssyncadd.s32 $0xFFFFE700  }
0x91: {  	_ =	swait.ge [sflag:s31], $0x1900  }
0x92: {  	[sflag:s31] =	ssyncset.done $0x0  }
0x93: {  	[sflag:s31] =	ssyncadd.s32 $0xFFFFE700  }
0x94: {  	_ =	swait.ge [sflag:s31], $0x1900  }
0x95: {  	[sflag:s31] =	ssyncset.done $0x0  }
0x96: {  	[sflag:s31] =	ssyncadd.s32 $0xFFFFE700  }
0x97: {  	_ =	swait.ge [sflag:s31], $0x1900  }
0x98: {  	[sflag:s31] =	ssyncset.done $0x0  }
0x99: {  	[sflag:s31] =	ssyncadd.s32 $0xFFFFE700  }
0x9a: {  	_ =	swait.ge [sflag:s31], $0x1900  }
0x9b: {  	[sflag:s31] =	ssyncset.done $0x0  }
0x9c: {  	[sflag:s31] =	ssyncadd.s32 $0xFFFFE700  }
0x9d: {  	_ =	swait.ge [sflag:s31], $0x1900  }
0x9e: {  	[sflag:s31] =	ssyncset.done $0x0  }
0x9f: {  	[sflag:s31] =	ssyncadd.s32 $0xFFFFE700  }
0xa0: {  	_ =	swait.ge [sflag:s31], $0x1900  }
0xa1: {  	[sflag:s31] =	ssyncset.done $0x0  }
0xa2: {  	[sflag:s31] =	ssyncadd.s32 $0xFFFFE700  }
0xa3: {  	_ =	swait.ge [sflag:s31], $0x1900  }
0xa4: {  	[sflag:s31] =	ssyncset.done $0x0  }
0xa5: {  	[sflag:s31] =	ssyncadd.s32 $0xFFFFE700  }
0xa6: {  	_ =	swait.ge [sflag:s31], $0x1900  }
0xa7: {  	[sflag:s31] =	ssyncset.done $0x0  }
0xa8: {  	[sflag:s31] =	ssyncadd.s32 $0xFFFFE700  }
0xa9: {  	_ =	swait.ge [sflag:s31], $0x1900  }
0xaa: {  	[sflag:s31] =	ssyncset.done $0x0  }
0xab: {  	[sflag:s31] =	ssyncadd.s32 $0xFFFFE700  }
0xac: {  	_ =	swait.ge [sflag:s31], $0x1900  }
0xad: {  	[sflag:s31] =	ssyncset.done $0x0  }
0xae: {  	[sflag:s31] =	ssyncadd.s32 $0xFFFFE700  }
0xaf: {  	_ =	swait.ge [sflag:s31], $0x1900  }
0xb0: {  	[sflag:s31] =	ssyncset.done $0x0  }
0xb1: {  	[sflag:s31] =	ssyncadd.s32 $0xFFFFE700  }
0xb2: {  	_ =	swait.ge [sflag:s31], $0x1900  }
0xb3: {  	[sflag:s31] =	ssyncset.done $0x0  }
0xb4: {  	[sflag:s31] =	ssyncadd.s32 $0xFFFFE700  }
0xb5: {  	_ =	swait.ge [sflag:s31], $0x1900  }
0xb6: {  	[sflag:s31] =	ssyncset.done $0x0  }
0xb7: {  	[sflag:s31] =	ssyncadd.s32 $0xFFFFE700  }
0xb8: {  	_ =	swait.ge [sflag:s31], $0x1900  }
0xb9: {  	[sflag:s31] =	ssyncset.done $0x0  }
0xba: {  	[sflag:s31] =	ssyncadd.s32 $0xFFFFE700  }
0xbb: {  	_ =	swait.ge [sflag:s31], $0x1900  }
0xbc: {  	[sflag:s31] =	ssyncset.done $0x0  }
0xbd: {  	[sflag:s31] =	ssyncadd.s32 $0xFFFFE700  }
0xbe: {  	s1 =	sadd.s32 $0x1, s1;
	_ =	swait.ge [sflag:s31], $0x1900  }
0xbf: {  	p0 =	sne.s32 s1, s14;
	s20 =	stileid.u32;
	[sflag:s31] =	ssyncset.done $0x0  }
0xc0: {  	s0 =	sshll.u32 s20, $0x6;
	s20 =	sshrl.u32 s5, $0x3;
	[sflag:s31] =	ssyncadd.s32 $0xFFFFE700  }
.Ltmp1:
0xc1: {  	s0 =	sor.u32 $0x1C03, s0;
	[bflag:$0x0] =	sbarrier.arrive $0xFFFF;
	(pc) =	sbr.rel @p0 .LBB2_1-.Ltmp1, $4  }
0xc2: {  	[hbm:s13], [sflag:s0] =	dma.local [spmem:s20], $0x500  }
0xc3: {  	_ =	swait.ge [sflag:s16], $0x500  }
0xc4: {  	[sflag:s16] =	ssyncset.done $0x0  }
0xc5: {  	[sflag:s16] =	ssyncadd.s32 $0xFFFFFB00  }
0xc6: {  	_ =	sfence.sel $0x180000  }
0xc7: {  	[bflag:$0x0] =	sbarrier.arrive $0xFFFF  }
0xc8: {  	_ =	strace $0x90000047  }
0xc9: {  	s0 =	stileid.u32;
	[bflag:$0x2] =	sbarrier.arrive $0xFFFF  }
0xca: {  	p0 =	sne.s32 s0, $0x0;
	s0 =	rddreg [dreg:$0x3]  }
0xcb: {  	s0 =	sadd.s32 @!p0 $0x100000, s0  }
0xcc: {  	[sflag:s0] =	ssyncadd.tile.s32 @!p0 $0x1;
	_ =	shalt  }
.Lfunc_end2:
_tile_overlayer_lowered:
.L_overlay_start_2:
0xcd: {  	(tag) =	ssettag $0x2  }
0xce: {  	s0 =	rddreg [dreg:$0x0];
	s2 =	stileid.u32  }
0xcf: {  	s1 =	rddreg [dreg:$0x1];
	p0 =	sne.s32 s2, $0x0  }
0xd0: {  	s3 =	rddreg [dreg:$0x2];
	[bflag:$0x3] =	sbarrier.arrive $0xFFFF;
	s2 =	simm.s32 @!p0 $0x1C03  }
0xd1: {  	[timem:s3], [sflag:s2] =	dma.local @!p0 [hbm:s0], s1  }
0xd2: {  	s0 =	simm.s32 @!p0 $0x3  }
0xd3: {  	_ =	swait.ge @!p0 [sflag:s0], s1  }
0xd4: {  	s1 =	ssub.s32 @!p0 $0x0, s1;
	[sflag:s0] =	ssyncset.done @!p0 $0x0  }
0xd5: {  	[sflag:s0] =	ssyncadd.s32 @!p0 s1  }
0xd6: {  	[bflag:$0x3] =	sbarrier.arrive $0xFFFF  }
0xd7: {  	_ =	shalt  }

</sc_bundles>
